<compile_context>
chip_gen: v7x
topology: tpu7x:2x2x1
jax: 0.10.2.dev20260603
libtpu: 0.0.44.dev20260713+nightly
codegen_flags: <defaults>
</compile_context>

<pallas_src>
import functools

import jax
import jax.numpy as jnp
from jax import lax
from jax.experimental import pallas as pl
from jax.experimental.pallas import tpu as pltpu
from jax.experimental.pallas import tpu_sc as plsc

N = 10000
E = 320000
H = 128
K = 32

NC = 2
NS = 16
NW = NC * NS

C = 128
ITERS = 80
EPW = C * ITERS
EP = NW * EPW

RPS = 632
NPAD = NS * RPS

BLK = 2000

_ACC_CHUNKS = []
_o = 0
while _o < RPS:
    _ACC_CHUNKS.append((_o, min(C, RPS - _o)))
    _o += C

import numpy as np
_I32_MIN = np.int32(-2147483648)


def _maxk_block(y, k):
    n = y.shape[1]
    b = lax.bitcast_convert_type(y, jnp.int32)
    s = jnp.where(b >= 0, b, jnp.bitwise_xor(jnp.bitwise_not(b), _I32_MIN))
    ones = jnp.ones((n, n), jnp.float32)
    kf = jnp.float32(k)
    ut = jnp.zeros(y.shape, jnp.int32)
    for i in range(31, -1, -1):
        bit = _I32_MIN if i == 31 else np.int32(1 << i)
        cand = ut | bit
        scand = cand ^ _I32_MIN
        pred = jnp.where(s >= scand, 1.0, 0.0)
        cnt = jnp.dot(pred, ones, preferred_element_type=jnp.float32)
        ut = jnp.where(cnt >= kf, cand, ut)
    st = ut ^ _I32_MIN
    gt = s > st
    eq = s == st
    gtf = jnp.where(gt, 1.0, 0.0)
    eqf = jnp.where(eq, 1.0, 0.0)
    cgt = jnp.dot(gtf, ones, preferred_element_type=jnp.float32)
    row = lax.broadcasted_iota(jnp.int32, (n, n), 0)
    col = lax.broadcasted_iota(jnp.int32, (n, n), 1)
    tri = jnp.where(row <= col, 1.0, 0.0)
    pos = jnp.dot(eqf, tri, preferred_element_type=jnp.float32)
    keep = gt | (eq & (pos <= (kf - cgt)))
    return jnp.where(keep, y, 0.0)



def _tc0_body(x_ref, wi_ref, bi_ref, w0_ref, b0_ref, o_ref):
    h = jnp.dot(x_ref[...], wi_ref[...], preferred_element_type=jnp.float32)
    h = jnp.maximum(h + bi_ref[...], 0.0)
    y = jnp.dot(h, w0_ref[...], preferred_element_type=jnp.float32) + b0_ref[...]
    o_ref[...] = _maxk_block(y, K)


def _tc_layer_body(g_ref, p_ref, eps_ref, w_ref, b_ref, o_ref):
    hc = (1.0 + eps_ref[0, 0]) * g_ref[...] + p_ref[0] + p_ref[1]
    y = jnp.dot(hc, w_ref[...], preferred_element_type=jnp.float32) + b_ref[...]
    o_ref[...] = _maxk_block(y, K)


def _tc_out_body(g_ref, p_ref, eps_ref, w_ref, b_ref, o_ref):
    hc = (1.0 + eps_ref[0, 0]) * g_ref[...] + p_ref[0] + p_ref[1]
    o_ref[...] = jnp.dot(hc, w_ref[...], preferred_element_type=jnp.float32) + b_ref[...]


def _row_spec():
    return pl.BlockSpec((BLK, H), lambda i: (i, 0))


def _full_spec(shape):
    return pl.BlockSpec(shape, lambda i: tuple(0 for _ in shape))


def _p_spec():
    return pl.BlockSpec((2, BLK, H), lambda i: (0, i, 0))


_GRID = N // BLK


def _tc0(x, w_in, b_in, w0, b0):
    return pl.pallas_call(
        _tc0_body,
        grid=(_GRID,),
        in_specs=[_row_spec(), _full_spec((H, H)), _full_spec((1, H)),
                  _full_spec((H, H)), _full_spec((1, H))],
        out_specs=_row_spec(),
        out_shape=jax.ShapeDtypeStruct((N, H), jnp.float32),
    )(x, w_in, b_in, w0, b0)


def _tc_layer(g, p, eps, w, b):
    return pl.pallas_call(
        _tc_layer_body,
        grid=(_GRID,),
        in_specs=[_row_spec(), _p_spec(), _full_spec((1, 1)),
                  _full_spec((H, H)), _full_spec((1, H))],
        out_specs=_row_spec(),
        out_shape=jax.ShapeDtypeStruct((N, H), jnp.float32),
    )(g, p, eps, w, b)


def _tc_out(g, p, eps, w, b):
    return pl.pallas_call(
        _tc_out_body,
        grid=(_GRID,),
        in_specs=[_row_spec(), _p_spec(), _full_spec((1, 1)),
                  _full_spec((H, H)), _full_spec((1, H))],
        out_specs=_row_spec(),
        out_shape=jax.ShapeDtypeStruct((N, H), jnp.float32),
    )(g, p, eps, w, b)



@functools.lru_cache(maxsize=1)
def _make_sc_segsum():
    return functools.partial(
        pl.kernel,
        out_type=jax.ShapeDtypeStruct((NC, NPAD, H), jnp.float32),
        mesh=plsc.VectorSubcoreMesh(core_axis_name="c", subcore_axis_name="s",
                                    num_cores=NC, num_subcores=NS),
        scratch_types=[
            pltpu.VMEM((2, 2, C), jnp.int32),
            pltpu.VMEM((2, C, H), jnp.float32),
            pltpu.VMEM_SHARED((NPAD, H), jnp.float32),
            pltpu.SemaphoreType.DMA,
            pltpu.SemaphoreType.DMA,
            pltpu.SemaphoreType.DMA,
            pltpu.SemaphoreType.DMA,
            pltpu.SemaphoreType.DMA,
            pltpu.SemaphoreType.DMA,
        ],
    )(_sc_segsum_body)


def _sc_segsum(g, idx):
    return _make_sc_segsum()(g, idx)


def _sc_segsum_body(g_hbm, idx_hbm, out_hbm,
                    idx_v, rows_v, acc_sh, sg0, sg1, sh0, sh1, si0, si1):
    cid = lax.axis_index("c")
    sid = lax.axis_index("s")
    wid = sid * NC + cid
    sg = (sg0, sg1)
    sh = (sh0, sh1)
    si = (si0, si1)

    def _zero_row(i, carry):
        for j in range(H // 16):
            rows_v[0, i, pl.ds(j * 16, 16)] = jnp.zeros((16,), jnp.float32)
        return carry
    lax.fori_loop(0, C, _zero_row, 0)

    rbase = sid * RPS
    for off, sz in _ACC_CHUNKS:
        pltpu.sync_copy(rows_v.at[0, pl.ds(0, sz)],
                        acc_sh.at[pl.ds(rbase + off, sz)])

    pltpu.sync_copy(idx_hbm.at[wid, 0], idx_v.at[0])
    pltpu.async_copy(g_hbm.at[idx_v.at[0, 0, pl.ds(0, C // 2)]],
                     rows_v.at[0, pl.ds(0, C // 2)], sg0)
    pltpu.async_copy(g_hbm.at[idx_v.at[0, 0, pl.ds(C // 2, C // 2)]],
                     rows_v.at[0, pl.ds(C // 2, C // 2)], sh0)
    pltpu.async_copy(idx_hbm.at[wid, 1], idx_v.at[1], si1)
    plsc.subcore_barrier()

    def _pair(t, carry):
        for b in (0, 1):
            j = 2 * t + b
            bn = 1 - b
            hc2 = C // 2
            pltpu.make_async_copy(g_hbm.at[idx_v.at[b, 0, pl.ds(0, hc2)]],
                                  rows_v.at[b, pl.ds(0, hc2)], sg[b]).wait()
            pltpu.make_async_copy(g_hbm.at[idx_v.at[b, 0, pl.ds(hc2, hc2)]],
                                  rows_v.at[b, pl.ds(hc2, hc2)], sh[b]).wait()

            @pl.when(j + 1 < ITERS)
            def _():
                pltpu.make_async_copy(idx_hbm.at[wid, 0], idx_v.at[bn],
                                      si[bn]).wait()
                pltpu.async_copy(g_hbm.at[idx_v.at[bn, 0, pl.ds(0, hc2)]],
                                 rows_v.at[bn, pl.ds(0, hc2)], sg[bn])
                pltpu.async_copy(g_hbm.at[idx_v.at[bn, 0, pl.ds(hc2, hc2)]],
                                 rows_v.at[bn, pl.ds(hc2, hc2)], sh[bn])
            pltpu.sync_copy(rows_v.at[b], acc_sh.at[idx_v.at[b, 1]], add=True)

            @pl.when(j + 2 < ITERS)
            def _():
                pltpu.async_copy(idx_hbm.at[wid, j + 2], idx_v.at[b], si[b])
        return carry
    lax.fori_loop(0, ITERS // 2, _pair, 0)
    plsc.subcore_barrier()

    for off, sz in _ACC_CHUNKS:
        pltpu.sync_copy(acc_sh.at[pl.ds(rbase + off, sz)],
                        rows_v.at[0, pl.ds(0, sz)])
        pltpu.sync_copy(rows_v.at[0, pl.ds(0, sz)],
                        out_hbm.at[cid, pl.ds(rbase + off, sz)])



def kernel(x, edge_index, W_in, b_in, W_out, b_out,
           W0, b0, eps0, W1, b1, eps1, W2, b2, eps2):
    src = edge_index[0]
    dst = edge_index[1]
    pad = EP - E
    srcp = jnp.concatenate([src, jnp.zeros((pad,), jnp.int32)]).reshape(
        NW, ITERS, C)
    dstp = jnp.concatenate([dst, jnp.full((pad,), N, jnp.int32)]).reshape(
        NW, ITERS, C)
    idx = jnp.stack([srcp, dstp], axis=2)

    b_in2 = b_in.reshape(1, H)
    w_outp = jnp.zeros((H, H), jnp.float32).at[:, :W_out.shape[1]].set(W_out)
    b_outp = jnp.zeros((1, H), jnp.float32).at[0, :b_out.shape[0]].set(b_out)

    g = _tc0(x, W_in, b_in2, W0, b0.reshape(1, H))
    for (w_next, b_next, eps, last) in (
            (W1, b1, eps0, False), (W2, b2, eps1, False),
            (w_outp, b_outp, eps2, True)):
        p = _sc_segsum(g, idx)
        eps2d = jnp.asarray(eps, jnp.float32).reshape(1, 1)
        if last:
            out = _tc_out(g, p, eps2d, w_next, b_next)
        else:
            g = _tc_layer(g, p, eps2d, w_next,
                          b_next.reshape(1, H))
    return out[:, :W_out.shape[1]]

# --- scband reference (transcript-rebuilt; emitter-appended) ---
"""Pipeline reference for scband-max-kgin-51161650430041 (READ-ONLY COPY).

The authoritative reference and input builder live on the scoring server;
editing this copy changes nothing except your own understanding.
"""

import jax, jax.numpy as jnp
import numpy as np

N = 10000
E = 320000
D_IN = 128
H = 128
OUT = 40
L = 3
K = 32


def setup_inputs(seed: int = 0) -> dict:
    key = jax.random.key(seed)
    ks = jax.random.split(key, 16)
    x = jax.random.normal(ks[0], (N, D_IN), dtype=jnp.float32)
    rng = np.random.default_rng(0)
    edge_index = jnp.asarray(rng.integers(0, N, size=(2, E)), dtype=jnp.int32)
    s = 1.0 / np.sqrt(H)
    inp = {
        'x': x,
        'edge_index': edge_index,
        'W_in': jax.random.normal(ks[1], (D_IN, H), dtype=jnp.float32) * s,
        'b_in': jnp.zeros((H,), dtype=jnp.float32),
        'W_out': jax.random.normal(ks[2], (H, OUT), dtype=jnp.float32) * s,
        'b_out': jnp.zeros((OUT,), dtype=jnp.float32),
    }
    for i in range(L):
        inp[f'W{i}'] = jax.random.normal(ks[3 + i], (H, H), dtype=jnp.float32) * s
        inp[f'b{i}'] = jnp.zeros((H,), dtype=jnp.float32)
        inp[f'eps{i}'] = jnp.zeros((), dtype=jnp.float32)
    return inp


def _maxk(h, k):
    # MaxK nonlinearity: keep top-k entries per row, zero out the rest
    vals, idx = jax.lax.top_k(h, k)
    rows = jnp.arange(h.shape[0])[:, None]
    return jnp.zeros_like(h).at[rows, idx].set(vals)


def reference(x, edge_index, W_in, b_in, W_out, b_out,
              W0, b0, eps0, W1, b1, eps1, W2, b2, eps2):
    src = edge_index[0]
    dst = edge_index[1]
    layer_params = [(W0, b0, eps0), (W1, b1, eps1), (W2, b2, eps2)]
    h = jax.nn.relu(x @ W_in + b_in)
    for (W, b, eps) in layer_params:
        h = h @ W + b
        h = _maxk(h, K)
        # dropout with feat_drop=0.0 -> identity (eval mode)
        # GINConv, sum aggregator: neigh[dst] += h[src]
        neigh = jax.ops.segment_sum(h[src], dst, num_segments=N)
        h = (1.0 + eps) * h + neigh
    return h @ W_out + b_out

if __name__ == "__main__":
    import jax
    _d = setup_inputs()
    print(jax.jit(kernel)(*tuple(_d.values())))

</pallas_src>

<mosaic_0001>
#map = affine_map<(d0, d1) -> (0, 0)>
#map1 = affine_map<(d0, d1) -> (0, 0, 0, 0)>
#map2 = affine_map<(d0, d1) -> (0, 0, 0)>
module attributes {stable_mosaic.version = 14 : i64} {
  func.func @_sc_segsum_body(%arg0: i32, %arg1: i32, %arg2: memref<10000x128xf32, #tpu.memory_space<hbm>>, %arg3: memref<32x80x2x128xi32, #tpu.memory_space<hbm>>, %arg4: memref<2x10112x128xf32, #tpu.memory_space<hbm>>, %arg5: memref<2x2x128xi32, #tpu.memory_space<vmem>>, %arg6: memref<2x128x128xf32, #tpu.memory_space<vmem>>, %arg7: memref<10112x128xf32, #tpu.memory_space<vmem_shared>>, %arg8: memref<!tpu.dma_semaphore, #tpu.memory_space<semaphore_mem>>, %arg9: memref<!tpu.dma_semaphore, #tpu.memory_space<semaphore_mem>>, %arg10: memref<!tpu.dma_semaphore, #tpu.memory_space<semaphore_mem>>, %arg11: memref<!tpu.dma_semaphore, #tpu.memory_space<semaphore_mem>>, %arg12: memref<!tpu.dma_semaphore, #tpu.memory_space<semaphore_mem>>, %arg13: memref<!tpu.dma_semaphore, #tpu.memory_space<semaphore_mem>>) attributes {dimension_semantics = [#tpu.dimension_semantics<core_parallel>, #tpu.dimension_semantics<subcore_parallel>], iteration_bounds = array<i64: 2, 16>, scalar_prefetch = 0 : i64, scratch_operands = 9 : i64, tpu.core_type = #tpu.core_type<sc_vector_subcore>, window_params = [{transform_indices = #map}, {transform_indices = #map1}, {transform_indices = #map2}]} {
    %mul3A = arith.constant 2 : i32
    %mul3A_0 = arith.muli %arg1, %mul3A : i32
    %add3A = arith.addi %mul3A_0, %arg0 : i32
    %scan3A = arith.constant 0 : i32
    %scan3A_1 = arith.constant 0 : i32
    %scan3A_2 = arith.constant 128 : i32
    %scan3A_3 = arith.addi %scan3A_1, %scan3A_2 : i32
    %scan3A_4 = arith.constant 1 : i32
    scf.for %scan3A_104 = %scan3A_1 to %scan3A_3 step %scan3A_4  : i32 {
      %broadcast_in_dim3A = arith.constant 0.000000e+00 : f32
      %broadcast_in_dim3A_105 = vector.broadcast %broadcast_in_dim3A : f32 to vector<16xf32>
      %swap3A = arith.constant 0 : i32
      %swap3A_106 = arith.index_cast %swap3A : i32 to index
      %swap3A_107 = arith.index_cast %scan3A_104 : i32 to index
      %swap3A_108 = arith.constant 0 : index
      %swap3A_109 = tpu.vector_load %arg6[%swap3A_106, %swap3A_107, %swap3A_108] {strides = array<i32>} : memref<2x128x128xf32, #tpu.memory_space<vmem>>, vector<1x1x16xf32>,
      %swap3A_110 = vector.shape_cast %swap3A_109 : vector<1x1x16xf32> to vector<16xf32>
      %swap3A_111 = vector.shape_cast %broadcast_in_dim3A_105 : vector<16xf32> to vector<1x1x16xf32>
      tpu.vector_store %arg6[%swap3A_106, %swap3A_107, %swap3A_108], %swap3A_111 {strides = array<i32>} : memref<2x128x128xf32, #tpu.memory_space<vmem>>, vector<1x1x16xf32>,
      %broadcast_in_dim3A_112 = arith.constant 0.000000e+00 : f32
      %broadcast_in_dim3A_113 = vector.broadcast %broadcast_in_dim3A_112 : f32 to vector<16xf32>
      %swap3A_114 = arith.constant 0 : i32
      %swap3A_115 = arith.index_cast %swap3A_114 : i32 to index
      %swap3A_116 = arith.index_cast %scan3A_104 : i32 to index
      %swap3A_117 = arith.constant 16 : index
      %swap3A_118 = tpu.vector_load %arg6[%swap3A_115, %swap3A_116, %swap3A_117] {strides = array<i32>} : memref<2x128x128xf32, #tpu.memory_space<vmem>>, vector<1x1x16xf32>,
      %swap3A_119 = vector.shape_cast %swap3A_118 : vector<1x1x16xf32> to vector<16xf32>
      %swap3A_120 = vector.shape_cast %broadcast_in_dim3A_113 : vector<16xf32> to vector<1x1x16xf32>
      tpu.vector_store %arg6[%swap3A_115, %swap3A_116, %swap3A_117], %swap3A_120 {strides = array<i32>} : memref<2x128x128xf32, #tpu.memory_space<vmem>>, vector<1x1x16xf32>,
      %broadcast_in_dim3A_121 = arith.constant 0.000000e+00 : f32
      %broadcast_in_dim3A_122 = vector.broadcast %broadcast_in_dim3A_121 : f32 to vector<16xf32>
      %swap3A_123 = arith.constant 0 : i32
      %swap3A_124 = arith.index_cast %swap3A_123 : i32 to index
      %swap3A_125 = arith.index_cast %scan3A_104 : i32 to index
      %swap3A_126 = arith.constant 32 : index
      %swap3A_127 = tpu.vector_load %arg6[%swap3A_124, %swap3A_125, %swap3A_126] {strides = array<i32>} : memref<2x128x128xf32, #tpu.memory_space<vmem>>, vector<1x1x16xf32>,
      %swap3A_128 = vector.shape_cast %swap3A_127 : vector<1x1x16xf32> to vector<16xf32>
      %swap3A_129 = vector.shape_cast %broadcast_in_dim3A_122 : vector<16xf32> to vector<1x1x16xf32>
      tpu.vector_store %arg6[%swap3A_124, %swap3A_125, %swap3A_126], %swap3A_129 {strides = array<i32>} : memref<2x128x128xf32, #tpu.memory_space<vmem>>, vector<1x1x16xf32>,
      %broadcast_in_dim3A_130 = arith.constant 0.000000e+00 : f32
      %broadcast_in_dim3A_131 = vector.broadcast %broadcast_in_dim3A_130 : f32 to vector<16xf32>
      %swap3A_132 = arith.constant 0 : i32
      %swap3A_133 = arith.index_cast %swap3A_132 : i32 to index
      %swap3A_134 = arith.index_cast %scan3A_104 : i32 to index
      %swap3A_135 = arith.constant 48 : index
      %swap3A_136 = tpu.vector_load %arg6[%swap3A_133, %swap3A_134, %swap3A_135] {strides = array<i32>} : memref<2x128x128xf32, #tpu.memory_space<vmem>>, vector<1x1x16xf32>,
      %swap3A_137 = vector.shape_cast %swap3A_136 : vector<1x1x16xf32> to vector<16xf32>
      %swap3A_138 = vector.shape_cast %broadcast_in_dim3A_131 : vector<16xf32> to vector<1x1x16xf32>
      tpu.vector_store %arg6[%swap3A_133, %swap3A_134, %swap3A_135], %swap3A_138 {strides = array<i32>} : memref<2x128x128xf32, #tpu.memory_space<vmem>>, vector<1x1x16xf32>,
      %broadcast_in_dim3A_139 = arith.constant 0.000000e+00 : f32
      %broadcast_in_dim3A_140 = vector.broadcast %broadcast_in_dim3A_139 : f32 to vector<16xf32>
      %swap3A_141 = arith.constant 0 : i32
      %swap3A_142 = arith.index_cast %swap3A_141 : i32 to index
      %swap3A_143 = arith.index_cast %scan3A_104 : i32 to index
      %swap3A_144 = arith.constant 64 : index
      %swap3A_145 = tpu.vector_load %arg6[%swap3A_142, %swap3A_143, %swap3A_144] {strides = array<i32>} : memref<2x128x128xf32, #tpu.memory_space<vmem>>, vector<1x1x16xf32>,
      %swap3A_146 = vector.shape_cast %swap3A_145 : vector<1x1x16xf32> to vector<16xf32>
      %swap3A_147 = vector.shape_cast %broadcast_in_dim3A_140 : vector<16xf32> to vector<1x1x16xf32>
      tpu.vector_store %arg6[%swap3A_142, %swap3A_143, %swap3A_144], %swap3A_147 {strides = array<i32>} : memref<2x128x128xf32, #tpu.memory_space<vmem>>, vector<1x1x16xf32>,
      %broadcast_in_dim3A_148 = arith.constant 0.000000e+00 : f32
      %broadcast_in_dim3A_149 = vector.broadcast %broadcast_in_dim3A_148 : f32 to vector<16xf32>
      %swap3A_150 = arith.constant 0 : i32
      %swap3A_151 = arith.index_cast %swap3A_150 : i32 to index
      %swap3A_152 = arith.index_cast %scan3A_104 : i32 to index
      %swap3A_153 = arith.constant 80 : index
      %swap3A_154 = tpu.vector_load %arg6[%swap3A_151, %swap3A_152, %swap3A_153] {strides = array<i32>} : memref<2x128x128xf32, #tpu.memory_space<vmem>>, vector<1x1x16xf32>,
      %swap3A_155 = vector.shape_cast %swap3A_154 : vector<1x1x16xf32> to vector<16xf32>
      %swap3A_156 = vector.shape_cast %broadcast_in_dim3A_149 : vector<16xf32> to vector<1x1x16xf32>
      tpu.vector_store %arg6[%swap3A_151, %swap3A_152, %swap3A_153], %swap3A_156 {strides = array<i32>} : memref<2x128x128xf32, #tpu.memory_space<vmem>>, vector<1x1x16xf32>,
      %broadcast_in_dim3A_157 = arith.constant 0.000000e+00 : f32
      %broadcast_in_dim3A_158 = vector.broadcast %broadcast_in_dim3A_157 : f32 to vector<16xf32>
      %swap3A_159 = arith.constant 0 : i32
      %swap3A_160 = arith.index_cast %swap3A_159 : i32 to index
      %swap3A_161 = arith.index_cast %scan3A_104 : i32 to index
      %swap3A_162 = arith.constant 96 : index
      %swap3A_163 = tpu.vector_load %arg6[%swap3A_160, %swap3A_161, %swap3A_162] {strides = array<i32>} : memref<2x128x128xf32, #tpu.memory_space<vmem>>, vector<1x1x16xf32>,
      %swap3A_164 = vector.shape_cast %swap3A_163 : vector<1x1x16xf32> to vector<16xf32>
      %swap3A_165 = vector.shape_cast %broadcast_in_dim3A_158 : vector<16xf32> to vector<1x1x16xf32>
      tpu.vector_store %arg6[%swap3A_160, %swap3A_161, %swap3A_162], %swap3A_165 {strides = array<i32>} : memref<2x128x128xf32, #tpu.memory_space<vmem>>, vector<1x1x16xf32>,
      %broadcast_in_dim3A_166 = arith.constant 0.000000e+00 : f32
      %broadcast_in_dim3A_167 = vector.broadcast %broadcast_in_dim3A_166 : f32 to vector<16xf32>
      %swap3A_168 = arith.constant 0 : i32
      %swap3A_169 = arith.index_cast %swap3A_168 : i32 to index
      %swap3A_170 = arith.index_cast %scan3A_104 : i32 to index
      %swap3A_171 = arith.constant 112 : index
      %swap3A_172 = tpu.vector_load %arg6[%swap3A_169, %swap3A_170, %swap3A_171] {strides = array<i32>} : memref<2x128x128xf32, #tpu.memory_space<vmem>>, vector<1x1x16xf32>,
      %swap3A_173 = vector.shape_cast %swap3A_172 : vector<1x1x16xf32> to vector<16xf32>
      %swap3A_174 = vector.shape_cast %broadcast_in_dim3A_167 : vector<16xf32> to vector<1x1x16xf32>
      tpu.vector_store %arg6[%swap3A_169, %swap3A_170, %swap3A_171], %swap3A_174 {strides = array<i32>} : memref<2x128x128xf32, #tpu.memory_space<vmem>>, vector<1x1x16xf32>,
    }
    %scan3A_5 = arith.constant 128 : i32
    %mul3A_6 = arith.constant 632 : i32
    %mul3A_7 = arith.muli %arg1, %mul3A_6 : i32
    %add3A_8 = arith.constant 0 : i32
    %add3A_9 = arith.addi %mul3A_7, %add3A_8 : i32
    %run_scoped3A = arith.constant 0 : i32
    "tpu.region"() ({
      %run_scoped3A_104 = tpu.sem_alloc : memref<!tpu.dma_semaphore, #tpu.memory_space<semaphore_mem>>
      %dma_start3A_105 = arith.constant 0 : i32
      %dma_start3A_106 = arith.constant 0 : i32
      %dma_start3A_107 = tpu.memref_slice %arg6[%run_scoped3A, %dma_start3A_105, %dma_start3A_106] : memref<2x128x128xf32, #tpu.memory_space<vmem>> -> memref<1x128x128xf32, #tpu.memory_space<vmem>>
      %dma_start3A_108 = tpu.memref_squeeze %dma_start3A_107 : memref<1x128x128xf32, #tpu.memory_space<vmem>> -> memref<128x128xf32, #tpu.memory_space<vmem>>
      %dma_start3A_109 = arith.constant 0 : i32
      %dma_start3A_110 = tpu.memref_slice %arg7[%add3A_9, %dma_start3A_109] : memref<10112x128xf32, #tpu.memory_space<vmem_shared>> -> memref<128x128xf32, #tpu.memory_space<vmem_shared>>
      %dma_start3A_111 = arith.constant 0 : i32
      %dma_start3A_112 = tpu.memref_slice %arg7[%add3A_9, %dma_start3A_111] : memref<10112x128xf32, #tpu.memory_space<vmem_shared>> -> memref<128x128xf32, #tpu.memory_space<vmem_shared>>
      %dma_start3A_113 = arith.constant 0 : i32
      %dma_start3A_114 = arith.constant 0 : i32
      %dma_start3A_115 = tpu.memref_slice %arg6[%run_scoped3A, %dma_start3A_113, %dma_start3A_114] : memref<2x128x128xf32, #tpu.memory_space<vmem>> -> memref<1x128x128xf32, #tpu.memory_space<vmem>>
      %dma_start3A_116 = tpu.memref_squeeze %dma_start3A_115 : memref<1x128x128xf32, #tpu.memory_space<vmem>> -> memref<128x128xf32, #tpu.memory_space<vmem>>
      tpu.enqueue_dma source(%dma_start3A_116 : memref<128x128xf32, #tpu.memory_space<vmem>>) target(%dma_start3A_112 : memref<128x128xf32, #tpu.memory_space<vmem_shared>>) target_semaphore(%run_scoped3A_104 : memref<!tpu.dma_semaphore, #tpu.memory_space<semaphore_mem>>)
      %dma_wait3A = arith.constant 0 : i32
      %dma_wait3A_117 = arith.constant 0 : i32
      %dma_wait3A_118 = tpu.memref_slice %arg6[%run_scoped3A, %dma_wait3A, %dma_wait3A_117] : memref<2x128x128xf32, #tpu.memory_space<vmem>> -> memref<1x128x128xf32, #tpu.memory_space<vmem>>
      %dma_wait3A_119 = tpu.memref_squeeze %dma_wait3A_118 : memref<1x128x128xf32, #tpu.memory_space<vmem>> -> memref<128x128xf32, #tpu.memory_space<vmem>>
      %dma_wait3A_120 = arith.constant 0 : i32
      %dma_wait3A_121 = tpu.memref_slice %arg7[%add3A_9, %dma_wait3A_120] : memref<10112x128xf32, #tpu.memory_space<vmem_shared>> -> memref<128x128xf32, #tpu.memory_space<vmem_shared>>
      %dma_wait3A_122 = arith.constant 0 : i32
      %dma_wait3A_123 = tpu.memref_slice %arg7[%add3A_9, %dma_wait3A_122] : memref<10112x128xf32, #tpu.memory_space<vmem_shared>> -> memref<128x128xf32, #tpu.memory_space<vmem_shared>>
      %dma_wait3A_124 = arith.constant 0 : i32
      %dma_wait3A_125 = arith.constant 0 : i32
      %dma_wait3A_126 = tpu.memref_slice %arg6[%run_scoped3A, %dma_wait3A_124, %dma_wait3A_125] : memref<2x128x128xf32, #tpu.memory_space<vmem>> -> memref<1x128x128xf32, #tpu.memory_space<vmem>>
      %dma_wait3A_127 = tpu.memref_squeeze %dma_wait3A_126 : memref<1x128x128xf32, #tpu.memory_space<vmem>> -> memref<128x128xf32, #tpu.memory_space<vmem>>
      tpu.wait_dma2 semaphore(%run_scoped3A_104 : memref<!tpu.dma_semaphore, #tpu.memory_space<semaphore_mem>>) src(%dma_wait3A_127 : memref<128x128xf32, #tpu.memory_space<vmem>>) dst(%dma_wait3A_123 : memref<128x128xf32, #tpu.memory_space<vmem_shared>>)
      tpu.yield
    }) : () -> ()
    %add3A_10 = arith.constant 128 : i32
    %add3A_11 = arith.addi %mul3A_7, %add3A_10 : i32
    %run_scoped3A_12 = arith.constant 0 : i32
    "tpu.region"() ({
      %run_scoped3A_104 = tpu.sem_alloc : memref<!tpu.dma_semaphore, #tpu.memory_space<semaphore_mem>>
      %dma_start3A_105 = arith.constant 0 : i32
      %dma_start3A_106 = arith.constant 0 : i32
      %dma_start3A_107 = tpu.memref_slice %arg6[%run_scoped3A_12, %dma_start3A_105, %dma_start3A_106] : memref<2x128x128xf32, #tpu.memory_space<vmem>> -> memref<1x128x128xf32, #tpu.memory_space<vmem>>
      %dma_start3A_108 = tpu.memref_squeeze %dma_start3A_107 : memref<1x128x128xf32, #tpu.memory_space<vmem>> -> memref<128x128xf32, #tpu.memory_space<vmem>>
      %dma_start3A_109 = arith.constant 0 : i32
      %dma_start3A_110 = tpu.memref_slice %arg7[%add3A_11, %dma_start3A_109] : memref<10112x128xf32, #tpu.memory_space<vmem_shared>> -> memref<128x128xf32, #tpu.memory_space<vmem_shared>>
      %dma_start3A_111 = arith.constant 0 : i32
      %dma_start3A_112 = tpu.memref_slice %arg7[%add3A_11, %dma_start3A_111] : memref<10112x128xf32, #tpu.memory_space<vmem_shared>> -> memref<128x128xf32, #tpu.memory_space<vmem_shared>>
      %dma_start3A_113 = arith.constant 0 : i32
      %dma_start3A_114 = arith.constant 0 : i32
      %dma_start3A_115 = tpu.memref_slice %arg6[%run_scoped3A_12, %dma_start3A_113, %dma_start3A_114] : memref<2x128x128xf32, #tpu.memory_space<vmem>> -> memref<1x128x128xf32, #tpu.memory_space<vmem>>
      %dma_start3A_116 = tpu.memref_squeeze %dma_start3A_115 : memref<1x128x128xf32, #tpu.memory_space<vmem>> -> memref<128x128xf32, #tpu.memory_space<vmem>>
      tpu.enqueue_dma source(%dma_start3A_116 : memref<128x128xf32, #tpu.memory_space<vmem>>) target(%dma_start3A_112 : memref<128x128xf32, #tpu.memory_space<vmem_shared>>) target_semaphore(%run_scoped3A_104 : memref<!tpu.dma_semaphore, #tpu.memory_space<semaphore_mem>>)
      %dma_wait3A = arith.constant 0 : i32
      %dma_wait3A_117 = arith.constant 0 : i32
      %dma_wait3A_118 = tpu.memref_slice %arg6[%run_scoped3A_12, %dma_wait3A, %dma_wait3A_117] : memref<2x128x128xf32, #tpu.memory_space<vmem>> -> memref<1x128x128xf32, #tpu.memory_space<vmem>>
      %dma_wait3A_119 = tpu.memref_squeeze %dma_wait3A_118 : memref<1x128x128xf32, #tpu.memory_space<vmem>> -> memref<128x128xf32, #tpu.memory_space<vmem>>
      %dma_wait3A_120 = arith.constant 0 : i32
      %dma_wait3A_121 = tpu.memref_slice %arg7[%add3A_11, %dma_wait3A_120] : memref<10112x128xf32, #tpu.memory_space<vmem_shared>> -> memref<128x128xf32, #tpu.memory_space<vmem_shared>>
      %dma_wait3A_122 = arith.constant 0 : i32
      %dma_wait3A_123 = tpu.memref_slice %arg7[%add3A_11, %dma_wait3A_122] : memref<10112x128xf32, #tpu.memory_space<vmem_shared>> -> memref<128x128xf32, #tpu.memory_space<vmem_shared>>
      %dma_wait3A_124 = arith.constant 0 : i32
      %dma_wait3A_125 = arith.constant 0 : i32
      %dma_wait3A_126 = tpu.memref_slice %arg6[%run_scoped3A_12, %dma_wait3A_124, %dma_wait3A_125] : memref<2x128x128xf32, #tpu.memory_space<vmem>> -> memref<1x128x128xf32, #tpu.memory_space<vmem>>
      %dma_wait3A_127 = tpu.memref_squeeze %dma_wait3A_126 : memref<1x128x128xf32, #tpu.memory_space<vmem>> -> memref<128x128xf32, #tpu.memory_space<vmem>>
      tpu.wait_dma2 semaphore(%run_scoped3A_104 : memref<!tpu.dma_semaphore, #tpu.memory_space<semaphore_mem>>) src(%dma_wait3A_127 : memref<128x128xf32, #tpu.memory_space<vmem>>) dst(%dma_wait3A_123 : memref<128x128xf32, #tpu.memory_space<vmem_shared>>)
      tpu.yield
    }) : () -> ()
    %add3A_13 = arith.constant 256 : i32
    %add3A_14 = arith.addi %mul3A_7, %add3A_13 : i32
    %run_scoped3A_15 = arith.constant 0 : i32
    "tpu.region"() ({
      %run_scoped3A_104 = tpu.sem_alloc : memref<!tpu.dma_semaphore, #tpu.memory_space<semaphore_mem>>
      %dma_start3A_105 = arith.constant 0 : i32
      %dma_start3A_106 = arith.constant 0 : i32
      %dma_start3A_107 = tpu.memref_slice %arg6[%run_scoped3A_15, %dma_start3A_105, %dma_start3A_106] : memref<2x128x128xf32, #tpu.memory_space<vmem>> -> memref<1x128x128xf32, #tpu.memory_space<vmem>>
      %dma_start3A_108 = tpu.memref_squeeze %dma_start3A_107 : memref<1x128x128xf32, #tpu.memory_space<vmem>> -> memref<128x128xf32, #tpu.memory_space<vmem>>
      %dma_start3A_109 = arith.constant 0 : i32
      %dma_start3A_110 = tpu.memref_slice %arg7[%add3A_14, %dma_start3A_109] : memref<10112x128xf32, #tpu.memory_space<vmem_shared>> -> memref<128x128xf32, #tpu.memory_space<vmem_shared>>
      %dma_start3A_111 = arith.constant 0 : i32
      %dma_start3A_112 = tpu.memref_slice %arg7[%add3A_14, %dma_start3A_111] : memref<10112x128xf32, #tpu.memory_space<vmem_shared>> -> memref<128x128xf32, #tpu.memory_space<vmem_shared>>
      %dma_start3A_113 = arith.constant 0 : i32
      %dma_start3A_114 = arith.constant 0 : i32
      %dma_start3A_115 = tpu.memref_slice %arg6[%run_scoped3A_15, %dma_start3A_113, %dma_start3A_114] : memref<2x128x128xf32, #tpu.memory_space<vmem>> -> memref<1x128x128xf32, #tpu.memory_space<vmem>>
      %dma_start3A_116 = tpu.memref_squeeze %dma_start3A_115 : memref<1x128x128xf32, #tpu.memory_space<vmem>> -> memref<128x128xf32, #tpu.memory_space<vmem>>
      tpu.enqueue_dma source(%dma_start3A_116 : memref<128x128xf32, #tpu.memory_space<vmem>>) target(%dma_start3A_112 : memref<128x128xf32, #tpu.memory_space<vmem_shared>>) target_semaphore(%run_scoped3A_104 : memref<!tpu.dma_semaphore, #tpu.memory_space<semaphore_mem>>)
      %dma_wait3A = arith.constant 0 : i32
      %dma_wait3A_117 = arith.constant 0 : i32
      %dma_wait3A_118 = tpu.memref_slice %arg6[%run_scoped3A_15, %dma_wait3A, %dma_wait3A_117] : memref<2x128x128xf32, #tpu.memory_space<vmem>> -> memref<1x128x128xf32, #tpu.memory_space<vmem>>
      %dma_wait3A_119 = tpu.memref_squeeze %dma_wait3A_118 : memref<1x128x128xf32, #tpu.memory_space<vmem>> -> memref<128x128xf32, #tpu.memory_space<vmem>>
      %dma_wait3A_120 = arith.constant 0 : i32
      %dma_wait3A_121 = tpu.memref_slice %arg7[%add3A_14, %dma_wait3A_120] : memref<10112x128xf32, #tpu.memory_space<vmem_shared>> -> memref<128x128xf32, #tpu.memory_space<vmem_shared>>
      %dma_wait3A_122 = arith.constant 0 : i32
      %dma_wait3A_123 = tpu.memref_slice %arg7[%add3A_14, %dma_wait3A_122] : memref<10112x128xf32, #tpu.memory_space<vmem_shared>> -> memref<128x128xf32, #tpu.memory_space<vmem_shared>>
      %dma_wait3A_124 = arith.constant 0 : i32
      %dma_wait3A_125 = arith.constant 0 : i32
      %dma_wait3A_126 = tpu.memref_slice %arg6[%run_scoped3A_15, %dma_wait3A_124, %dma_wait3A_125] : memref<2x128x128xf32, #tpu.memory_space<vmem>> -> memref<1x128x128xf32, #tpu.memory_space<vmem>>
      %dma_wait3A_127 = tpu.memref_squeeze %dma_wait3A_126 : memref<1x128x128xf32, #tpu.memory_space<vmem>> -> memref<128x128xf32, #tpu.memory_space<vmem>>
      tpu.wait_dma2 semaphore(%run_scoped3A_104 : memref<!tpu.dma_semaphore, #tpu.memory_space<semaphore_mem>>) src(%dma_wait3A_127 : memref<128x128xf32, #tpu.memory_space<vmem>>) dst(%dma_wait3A_123 : memref<128x128xf32, #tpu.memory_space<vmem_shared>>)
      tpu.yield
    }) : () -> ()
    %add3A_16 = arith.constant 384 : i32
    %add3A_17 = arith.addi %mul3A_7, %add3A_16 : i32
    %run_scoped3A_18 = arith.constant 0 : i32
    "tpu.region"() ({
      %run_scoped3A_104 = tpu.sem_alloc : memref<!tpu.dma_semaphore, #tpu.memory_space<semaphore_mem>>
      %dma_start3A_105 = arith.constant 0 : i32
      %dma_start3A_106 = arith.constant 0 : i32
      %dma_start3A_107 = tpu.memref_slice %arg6[%run_scoped3A_18, %dma_start3A_105, %dma_start3A_106] : memref<2x128x128xf32, #tpu.memory_space<vmem>> -> memref<1x128x128xf32, #tpu.memory_space<vmem>>
      %dma_start3A_108 = tpu.memref_squeeze %dma_start3A_107 : memref<1x128x128xf32, #tpu.memory_space<vmem>> -> memref<128x128xf32, #tpu.memory_space<vmem>>
      %dma_start3A_109 = arith.constant 0 : i32
      %dma_start3A_110 = tpu.memref_slice %arg7[%add3A_17, %dma_start3A_109] : memref<10112x128xf32, #tpu.memory_space<vmem_shared>> -> memref<128x128xf32, #tpu.memory_space<vmem_shared>>
      %dma_start3A_111 = arith.constant 0 : i32
      %dma_start3A_112 = tpu.memref_slice %arg7[%add3A_17, %dma_start3A_111] : memref<10112x128xf32, #tpu.memory_space<vmem_shared>> -> memref<128x128xf32, #tpu.memory_space<vmem_shared>>
      %dma_start3A_113 = arith.constant 0 : i32
      %dma_start3A_114 = arith.constant 0 : i32
      %dma_start3A_115 = tpu.memref_slice %arg6[%run_scoped3A_18, %dma_start3A_113, %dma_start3A_114] : memref<2x128x128xf32, #tpu.memory_space<vmem>> -> memref<1x128x128xf32, #tpu.memory_space<vmem>>
      %dma_start3A_116 = tpu.memref_squeeze %dma_start3A_115 : memref<1x128x128xf32, #tpu.memory_space<vmem>> -> memref<128x128xf32, #tpu.memory_space<vmem>>
      tpu.enqueue_dma source(%dma_start3A_116 : memref<128x128xf32, #tpu.memory_space<vmem>>) target(%dma_start3A_112 : memref<128x128xf32, #tpu.memory_space<vmem_shared>>) target_semaphore(%run_scoped3A_104 : memref<!tpu.dma_semaphore, #tpu.memory_space<semaphore_mem>>)
      %dma_wait3A = arith.constant 0 : i32
      %dma_wait3A_117 = arith.constant 0 : i32
      %dma_wait3A_118 = tpu.memref_slice %arg6[%run_scoped3A_18, %dma_wait3A, %dma_wait3A_117] : memref<2x128x128xf32, #tpu.memory_space<vmem>> -> memref<1x128x128xf32, #tpu.memory_space<vmem>>
      %dma_wait3A_119 = tpu.memref_squeeze %dma_wait3A_118 : memref<1x128x128xf32, #tpu.memory_space<vmem>> -> memref<128x128xf32, #tpu.memory_space<vmem>>
      %dma_wait3A_120 = arith.constant 0 : i32
      %dma_wait3A_121 = tpu.memref_slice %arg7[%add3A_17, %dma_wait3A_120] : memref<10112x128xf32, #tpu.memory_space<vmem_shared>> -> memref<128x128xf32, #tpu.memory_space<vmem_shared>>
      %dma_wait3A_122 = arith.constant 0 : i32
      %dma_wait3A_123 = tpu.memref_slice %arg7[%add3A_17, %dma_wait3A_122] : memref<10112x128xf32, #tpu.memory_space<vmem_shared>> -> memref<128x128xf32, #tpu.memory_space<vmem_shared>>
      %dma_wait3A_124 = arith.constant 0 : i32
      %dma_wait3A_125 = arith.constant 0 : i32
      %dma_wait3A_126 = tpu.memref_slice %arg6[%run_scoped3A_18, %dma_wait3A_124, %dma_wait3A_125] : memref<2x128x128xf32, #tpu.memory_space<vmem>> -> memref<1x128x128xf32, #tpu.memory_space<vmem>>
      %dma_wait3A_127 = tpu.memref_squeeze %dma_wait3A_126 : memref<1x128x128xf32, #tpu.memory_space<vmem>> -> memref<128x128xf32, #tpu.memory_space<vmem>>
      tpu.wait_dma2 semaphore(%run_scoped3A_104 : memref<!tpu.dma_semaphore, #tpu.memory_space<semaphore_mem>>) src(%dma_wait3A_127 : memref<128x128xf32, #tpu.memory_space<vmem>>) dst(%dma_wait3A_123 : memref<128x128xf32, #tpu.memory_space<vmem_shared>>)
      tpu.yield
    }) : () -> ()
    %add3A_19 = arith.constant 512 : i32
    %add3A_20 = arith.addi %mul3A_7, %add3A_19 : i32
    %run_scoped3A_21 = arith.constant 0 : i32
    "tpu.region"() ({
      %run_scoped3A_104 = tpu.sem_alloc : memref<!tpu.dma_semaphore, #tpu.memory_space<semaphore_mem>>
      %dma_start3A_105 = arith.constant 0 : i32
      %dma_start3A_106 = arith.constant 0 : i32
      %dma_start3A_107 = tpu.memref_slice %arg6[%run_scoped3A_21, %dma_start3A_105, %dma_start3A_106] : memref<2x128x128xf32, #tpu.memory_space<vmem>> -> memref<1x120x128xf32, #tpu.memory_space<vmem>>
      %dma_start3A_108 = tpu.memref_squeeze %dma_start3A_107 : memref<1x120x128xf32, #tpu.memory_space<vmem>> -> memref<120x128xf32, #tpu.memory_space<vmem>>
      %dma_start3A_109 = arith.constant 0 : i32
      %dma_start3A_110 = tpu.memref_slice %arg7[%add3A_20, %dma_start3A_109] : memref<10112x128xf32, #tpu.memory_space<vmem_shared>> -> memref<120x128xf32, #tpu.memory_space<vmem_shared>>
      %dma_start3A_111 = arith.constant 0 : i32
      %dma_start3A_112 = tpu.memref_slice %arg7[%add3A_20, %dma_start3A_111] : memref<10112x128xf32, #tpu.memory_space<vmem_shared>> -> memref<120x128xf32, #tpu.memory_space<vmem_shared>>
      %dma_start3A_113 = arith.constant 0 : i32
      %dma_start3A_114 = arith.constant 0 : i32
      %dma_start3A_115 = tpu.memref_slice %arg6[%run_scoped3A_21, %dma_start3A_113, %dma_start3A_114] : memref<2x128x128xf32, #tpu.memory_space<vmem>> -> memref<1x120x128xf32, #tpu.memory_space<vmem>>
      %dma_start3A_116 = tpu.memref_squeeze %dma_start3A_115 : memref<1x120x128xf32, #tpu.memory_space<vmem>> -> memref<120x128xf32, #tpu.memory_space<vmem>>
      tpu.enqueue_dma source(%dma_start3A_116 : memref<120x128xf32, #tpu.memory_space<vmem>>) target(%dma_start3A_112 : memref<120x128xf32, #tpu.memory_space<vmem_shared>>) target_semaphore(%run_scoped3A_104 : memref<!tpu.dma_semaphore, #tpu.memory_space<semaphore_mem>>)
      %dma_wait3A = arith.constant 0 : i32
      %dma_wait3A_117 = arith.constant 0 : i32
      %dma_wait3A_118 = tpu.memref_slice %arg6[%run_scoped3A_21, %dma_wait3A, %dma_wait3A_117] : memref<2x128x128xf32, #tpu.memory_space<vmem>> -> memref<1x120x128xf32, #tpu.memory_space<vmem>>
      %dma_wait3A_119 = tpu.memref_squeeze %dma_wait3A_118 : memref<1x120x128xf32, #tpu.memory_space<vmem>> -> memref<120x128xf32, #tpu.memory_space<vmem>>
      %dma_wait3A_120 = arith.constant 0 : i32
      %dma_wait3A_121 = tpu.memref_slice %arg7[%add3A_20, %dma_wait3A_120] : memref<10112x128xf32, #tpu.memory_space<vmem_shared>> -> memref<120x128xf32, #tpu.memory_space<vmem_shared>>
      %dma_wait3A_122 = arith.constant 0 : i32
      %dma_wait3A_123 = tpu.memref_slice %arg7[%add3A_20, %dma_wait3A_122] : memref<10112x128xf32, #tpu.memory_space<vmem_shared>> -> memref<120x128xf32, #tpu.memory_space<vmem_shared>>
      %dma_wait3A_124 = arith.constant 0 : i32
      %dma_wait3A_125 = arith.constant 0 : i32
      %dma_wait3A_126 = tpu.memref_slice %arg6[%run_scoped3A_21, %dma_wait3A_124, %dma_wait3A_125] : memref<2x128x128xf32, #tpu.memory_space<vmem>> -> memref<1x120x128xf32, #tpu.memory_space<vmem>>
      %dma_wait3A_127 = tpu.memref_squeeze %dma_wait3A_126 : memref<1x120x128xf32, #tpu.memory_space<vmem>> -> memref<120x128xf32, #tpu.memory_space<vmem>>
      tpu.wait_dma2 semaphore(%run_scoped3A_104 : memref<!tpu.dma_semaphore, #tpu.memory_space<semaphore_mem>>) src(%dma_wait3A_127 : memref<120x128xf32, #tpu.memory_space<vmem>>) dst(%dma_wait3A_123 : memref<120x128xf32, #tpu.memory_space<vmem_shared>>)
      tpu.yield
    }) : () -> ()
    %run_scoped3A_22 = arith.constant 0 : i32
    %run_scoped3A_23 = arith.constant 0 : i32
    "tpu.region"() ({
      %run_scoped3A_104 = tpu.sem_alloc : memref<!tpu.dma_semaphore, #tpu.memory_space<semaphore_mem>>
      %dma_start3A_105 = arith.constant 0 : i32
      %dma_start3A_106 = arith.constant 0 : i32
      %dma_start3A_107 = tpu.memref_slice %arg5[%run_scoped3A_23, %dma_start3A_105, %dma_start3A_106] : memref<2x2x128xi32, #tpu.memory_space<vmem>> -> memref<1x2x128xi32, #tpu.memory_space<vmem>>
      %dma_start3A_108 = tpu.memref_squeeze %dma_start3A_107 : memref<1x2x128xi32, #tpu.memory_space<vmem>> -> memref<2x128xi32, #tpu.memory_space<vmem>>
      %dma_start3A_109 = arith.constant 0 : i32
      %dma_start3A_110 = arith.constant 0 : i32
      %dma_start3A_111 = tpu.memref_slice %arg3[%add3A, %run_scoped3A_22, %dma_start3A_109, %dma_start3A_110] : memref<32x80x2x128xi32, #tpu.memory_space<hbm>> -> memref<1x1x2x128xi32, #tpu.memory_space<hbm>>
      %dma_start3A_112 = tpu.memref_squeeze %dma_start3A_111 : memref<1x1x2x128xi32, #tpu.memory_space<hbm>> -> memref<2x128xi32, #tpu.memory_space<hbm>>
      %dma_start3A_113 = arith.constant 0 : i32
      %dma_start3A_114 = arith.constant 0 : i32
      %dma_start3A_115 = tpu.memref_slice %arg5[%run_scoped3A_23, %dma_start3A_113, %dma_start3A_114] : memref<2x2x128xi32, #tpu.memory_space<vmem>> -> memref<1x2x128xi32, #tpu.memory_space<vmem>>
      %dma_start3A_116 = tpu.memref_squeeze %dma_start3A_115 : memref<1x2x128xi32, #tpu.memory_space<vmem>> -> memref<2x128xi32, #tpu.memory_space<vmem>>
      %dma_start3A_117 = arith.constant 0 : i32
      %dma_start3A_118 = arith.constant 0 : i32
      %dma_start3A_119 = tpu.memref_slice %arg3[%add3A, %run_scoped3A_22, %dma_start3A_117, %dma_start3A_118] : memref<32x80x2x128xi32, #tpu.memory_space<hbm>> -> memref<1x1x2x128xi32, #tpu.memory_space<hbm>>
      %dma_start3A_120 = tpu.memref_squeeze %dma_start3A_119 : memref<1x1x2x128xi32, #tpu.memory_space<hbm>> -> memref<2x128xi32, #tpu.memory_space<hbm>>
      tpu.enqueue_dma source(%dma_start3A_120 : memref<2x128xi32, #tpu.memory_space<hbm>>) target(%dma_start3A_116 : memref<2x128xi32, #tpu.memory_space<vmem>>) target_semaphore(%run_scoped3A_104 : memref<!tpu.dma_semaphore, #tpu.memory_space<semaphore_mem>>)
      %dma_wait3A = arith.constant 0 : i32
      %dma_wait3A_121 = arith.constant 0 : i32
      %dma_wait3A_122 = tpu.memref_slice %arg5[%run_scoped3A_23, %dma_wait3A, %dma_wait3A_121] : memref<2x2x128xi32, #tpu.memory_space<vmem>> -> memref<1x2x128xi32, #tpu.memory_space<vmem>>
      %dma_wait3A_123 = tpu.memref_squeeze %dma_wait3A_122 : memref<1x2x128xi32, #tpu.memory_space<vmem>> -> memref<2x128xi32, #tpu.memory_space<vmem>>
      %dma_wait3A_124 = arith.constant 0 : i32
      %dma_wait3A_125 = arith.constant 0 : i32
      %dma_wait3A_126 = tpu.memref_slice %arg3[%add3A, %run_scoped3A_22, %dma_wait3A_124, %dma_wait3A_125] : memref<32x80x2x128xi32, #tpu.memory_space<hbm>> -> memref<1x1x2x128xi32, #tpu.memory_space<hbm>>
      %dma_wait3A_127 = tpu.memref_squeeze %dma_wait3A_126 : memref<1x1x2x128xi32, #tpu.memory_space<hbm>> -> memref<2x128xi32, #tpu.memory_space<hbm>>
      %dma_wait3A_128 = arith.constant 0 : i32
      %dma_wait3A_129 = arith.constant 0 : i32
      %dma_wait3A_130 = tpu.memref_slice %arg5[%run_scoped3A_23, %dma_wait3A_128, %dma_wait3A_129] : memref<2x2x128xi32, #tpu.memory_space<vmem>> -> memref<1x2x128xi32, #tpu.memory_space<vmem>>
      %dma_wait3A_131 = tpu.memref_squeeze %dma_wait3A_130 : memref<1x2x128xi32, #tpu.memory_space<vmem>> -> memref<2x128xi32, #tpu.memory_space<vmem>>
      %dma_wait3A_132 = arith.constant 0 : i32
      %dma_wait3A_133 = arith.constant 0 : i32
      %dma_wait3A_134 = tpu.memref_slice %arg3[%add3A, %run_scoped3A_22, %dma_wait3A_132, %dma_wait3A_133] : memref<32x80x2x128xi32, #tpu.memory_space<hbm>> -> memref<1x1x2x128xi32, #tpu.memory_space<hbm>>
      %dma_wait3A_135 = tpu.memref_squeeze %dma_wait3A_134 : memref<1x1x2x128xi32, #tpu.memory_space<hbm>> -> memref<2x128xi32, #tpu.memory_space<hbm>>
      tpu.wait_dma2 semaphore(%run_scoped3A_104 : memref<!tpu.dma_semaphore, #tpu.memory_space<semaphore_mem>>) src(%dma_wait3A_135 : memref<2x128xi32, #tpu.memory_space<hbm>>) dst(%dma_wait3A_131 : memref<2x128xi32, #tpu.memory_space<vmem>>)
      tpu.yield
    }) : () -> ()
    %dma_start3A = arith.constant 0 : i32
    %dma_start3A_24 = arith.constant 0 : i32
    %dma_start3A_25 = arith.constant 0 : i32
    %dma_start3A_26 = arith.constant 0 : i32
    %dma_start3A_27 = arith.constant 0 : i32
    %dma_start3A_28 = tpu.memref_slice %arg6[%dma_start3A_25, %dma_start3A_26, %dma_start3A_27] : memref<2x128x128xf32, #tpu.memory_space<vmem>> -> memref<1x64x128xf32, #tpu.memory_space<vmem>>
    %dma_start3A_29 = tpu.memref_squeeze %dma_start3A_28 : memref<1x64x128xf32, #tpu.memory_space<vmem>> -> memref<64x128xf32, #tpu.memory_space<vmem>>
    %dma_start3A_30 = arith.constant 0 : i32
    %dma_start3A_31 = tpu.memref_slice %arg5[%dma_start3A, %dma_start3A_24, %dma_start3A_30] : memref<2x2x128xi32, #tpu.memory_space<vmem>> -> memref<1x1x64xi32, #tpu.memory_space<vmem>>
    %dma_start3A_32 = tpu.memref_squeeze %dma_start3A_31 : memref<1x1x64xi32, #tpu.memory_space<vmem>> -> memref<64xi32, #tpu.memory_space<vmem>>
    %dma_start3A_33 = arith.constant 0 : i32
    %dma_start3A_34 = arith.constant 0 : i32
    %dma_start3A_35 = tpu.memref_slice %arg2[%dma_start3A_33, %dma_start3A_34] : memref<10000x128xf32, #tpu.memory_space<hbm>> -> memref<10000x128xf32, #tpu.memory_space<hbm>>
    tpu.enqueue_indirect_dma source(%dma_start3A_35 : memref<10000x128xf32, #tpu.memory_space<hbm>>) target(%dma_start3A_29 : memref<64x128xf32, #tpu.memory_space<vmem>>) offsets(%dma_start3A_32 : memref<64xi32, #tpu.memory_space<vmem>>) semaphore(%arg8 : memref<!tpu.dma_semaphore, #tpu.memory_space<semaphore_mem>>)
    %dma_start3A_36 = arith.constant 0 : i32
    %dma_start3A_37 = arith.constant 0 : i32
    %dma_start3A_38 = arith.constant 0 : i32
    %dma_start3A_39 = arith.constant 64 : i32
    %dma_start3A_40 = arith.constant 0 : i32
    %dma_start3A_41 = tpu.memref_slice %arg6[%dma_start3A_38, %dma_start3A_39, %dma_start3A_40] : memref<2x128x128xf32, #tpu.memory_space<vmem>> -> memref<1x64x128xf32, #tpu.memory_space<vmem>>
    %dma_start3A_42 = tpu.memref_squeeze %dma_start3A_41 : memref<1x64x128xf32, #tpu.memory_space<vmem>> -> memref<64x128xf32, #tpu.memory_space<vmem>>
    %dma_start3A_43 = arith.constant 64 : i32
    %dma_start3A_44 = tpu.memref_slice %arg5[%dma_start3A_36, %dma_start3A_37, %dma_start3A_43] : memref<2x2x128xi32, #tpu.memory_space<vmem>> -> memref<1x1x64xi32, #tpu.memory_space<vmem>>
    %dma_start3A_45 = tpu.memref_squeeze %dma_start3A_44 : memref<1x1x64xi32, #tpu.memory_space<vmem>> -> memref<64xi32, #tpu.memory_space<vmem>>
    %dma_start3A_46 = arith.constant 0 : i32
    %dma_start3A_47 = arith.constant 0 : i32
    %dma_start3A_48 = tpu.memref_slice %arg2[%dma_start3A_46, %dma_start3A_47] : memref<10000x128xf32, #tpu.memory_space<hbm>> -> memref<10000x128xf32, #tpu.memory_space<hbm>>
    tpu.enqueue_indirect_dma source(%dma_start3A_48 : memref<10000x128xf32, #tpu.memory_space<hbm>>) target(%dma_start3A_42 : memref<64x128xf32, #tpu.memory_space<vmem>>) offsets(%dma_start3A_45 : memref<64xi32, #tpu.memory_space<vmem>>) semaphore(%arg10 : memref<!tpu.dma_semaphore, #tpu.memory_space<semaphore_mem>>)
    %dma_start3A_49 = arith.constant 1 : i32
    %dma_start3A_50 = arith.constant 1 : i32
    %dma_start3A_51 = arith.constant 0 : i32
    %dma_start3A_52 = arith.constant 0 : i32
    %dma_start3A_53 = tpu.memref_slice %arg5[%dma_start3A_50, %dma_start3A_51, %dma_start3A_52] : memref<2x2x128xi32, #tpu.memory_space<vmem>> -> memref<1x2x128xi32, #tpu.memory_space<vmem>>
    %dma_start3A_54 = tpu.memref_squeeze %dma_start3A_53 : memref<1x2x128xi32, #tpu.memory_space<vmem>> -> memref<2x128xi32, #tpu.memory_space<vmem>>
    %dma_start3A_55 = arith.constant 0 : i32
    %dma_start3A_56 = arith.constant 0 : i32
    %dma_start3A_57 = tpu.memref_slice %arg3[%add3A, %dma_start3A_49, %dma_start3A_55, %dma_start3A_56] : memref<32x80x2x128xi32, #tpu.memory_space<hbm>> -> memref<1x1x2x128xi32, #tpu.memory_space<hbm>>
    %dma_start3A_58 = tpu.memref_squeeze %dma_start3A_57 : memref<1x1x2x128xi32, #tpu.memory_space<hbm>> -> memref<2x128xi32, #tpu.memory_space<hbm>>
    %dma_start3A_59 = arith.constant 0 : i32
    %dma_start3A_60 = arith.constant 0 : i32
    %dma_start3A_61 = tpu.memref_slice %arg5[%dma_start3A_50, %dma_start3A_59, %dma_start3A_60] : memref<2x2x128xi32, #tpu.memory_space<vmem>> -> memref<1x2x128xi32, #tpu.memory_space<vmem>>
    %dma_start3A_62 = tpu.memref_squeeze %dma_start3A_61 : memref<1x2x128xi32, #tpu.memory_space<vmem>> -> memref<2x128xi32, #tpu.memory_space<vmem>>
    %dma_start3A_63 = arith.constant 0 : i32
    %dma_start3A_64 = arith.constant 0 : i32
    %dma_start3A_65 = tpu.memref_slice %arg3[%add3A, %dma_start3A_49, %dma_start3A_63, %dma_start3A_64] : memref<32x80x2x128xi32, #tpu.memory_space<hbm>> -> memref<1x1x2x128xi32, #tpu.memory_space<hbm>>
    %dma_start3A_66 = tpu.memref_squeeze %dma_start3A_65 : memref<1x1x2x128xi32, #tpu.memory_space<hbm>> -> memref<2x128xi32, #tpu.memory_space<hbm>>
    tpu.enqueue_dma source(%dma_start3A_66 : memref<2x128xi32, #tpu.memory_space<hbm>>) target(%dma_start3A_62 : memref<2x128xi32, #tpu.memory_space<vmem>>) target_semaphore(%arg13 : memref<!tpu.dma_semaphore, #tpu.memory_space<semaphore_mem>>)
    %barrier3A = arith.constant 0 : index
    tpu.barrier barrier_id(%barrier3A)
    %scan3A_67 = arith.constant 0 : i32
    %scan3A_68 = arith.constant 0 : i32
    %scan3A_69 = arith.constant 40 : i32
    %scan3A_70 = arith.addi %scan3A_68, %scan3A_69 : i32
    %scan3A_71 = arith.constant 1 : i32
    scf.for %scan3A_104 = %scan3A_68 to %scan3A_70 step %scan3A_71  : i32 {
      %mul3A_105 = arith.constant 2 : i32
      %mul3A_106 = arith.muli %mul3A_105, %scan3A_104 : i32
      %add3A_107 = arith.constant 0 : i32
      %add3A_108 = arith.addi %mul3A_106, %add3A_107 : i32
      %dma_wait3A = arith.constant 0 : i32
      %dma_wait3A_109 = arith.constant 0 : i32
      %dma_wait3A_110 = arith.constant 0 : i32
      %dma_wait3A_111 = arith.constant 0 : i32
      %dma_wait3A_112 = arith.constant 0 : i32
      %dma_wait3A_113 = tpu.memref_slice %arg6[%dma_wait3A_110, %dma_wait3A_111, %dma_wait3A_112] : memref<2x128x128xf32, #tpu.memory_space<vmem>> -> memref<1x64x128xf32, #tpu.memory_space<vmem>>
      %dma_wait3A_114 = tpu.memref_squeeze %dma_wait3A_113 : memref<1x64x128xf32, #tpu.memory_space<vmem>> -> memref<64x128xf32, #tpu.memory_space<vmem>>
      %dma_wait3A_115 = arith.constant 0 : i32
      %dma_wait3A_116 = tpu.memref_slice %arg5[%dma_wait3A, %dma_wait3A_109, %dma_wait3A_115] : memref<2x2x128xi32, #tpu.memory_space<vmem>> -> memref<1x1x64xi32, #tpu.memory_space<vmem>>
      %dma_wait3A_117 = tpu.memref_squeeze %dma_wait3A_116 : memref<1x1x64xi32, #tpu.memory_space<vmem>> -> memref<64xi32, #tpu.memory_space<vmem>>
      %dma_wait3A_118 = arith.constant 0 : i32
      %dma_wait3A_119 = arith.constant 0 : i32
      %dma_wait3A_120 = tpu.memref_slice %arg2[%dma_wait3A_118, %dma_wait3A_119] : memref<10000x128xf32, #tpu.memory_space<hbm>> -> memref<10000x128xf32, #tpu.memory_space<hbm>>
      tpu.wait_indirect_dma semaphore(%arg8 : memref<!tpu.dma_semaphore, #tpu.memory_space<semaphore_mem>>) src(%dma_wait3A_120 : memref<10000x128xf32, #tpu.memory_space<hbm>>) dst(%dma_wait3A_114 : memref<64x128xf32, #tpu.memory_space<vmem>>)
      %dma_wait3A_121 = arith.constant 0 : i32
      %dma_wait3A_122 = arith.constant 0 : i32
      %dma_wait3A_123 = arith.constant 0 : i32
      %dma_wait3A_124 = arith.constant 64 : i32
      %dma_wait3A_125 = arith.constant 0 : i32
      %dma_wait3A_126 = tpu.memref_slice %arg6[%dma_wait3A_123, %dma_wait3A_124, %dma_wait3A_125] : memref<2x128x128xf32, #tpu.memory_space<vmem>> -> memref<1x64x128xf32, #tpu.memory_space<vmem>>
      %dma_wait3A_127 = tpu.memref_squeeze %dma_wait3A_126 : memref<1x64x128xf32, #tpu.memory_space<vmem>> -> memref<64x128xf32, #tpu.memory_space<vmem>>
      %dma_wait3A_128 = arith.constant 64 : i32
      %dma_wait3A_129 = tpu.memref_slice %arg5[%dma_wait3A_121, %dma_wait3A_122, %dma_wait3A_128] : memref<2x2x128xi32, #tpu.memory_space<vmem>> -> memref<1x1x64xi32, #tpu.memory_space<vmem>>
      %dma_wait3A_130 = tpu.memref_squeeze %dma_wait3A_129 : memref<1x1x64xi32, #tpu.memory_space<vmem>> -> memref<64xi32, #tpu.memory_space<vmem>>
      %dma_wait3A_131 = arith.constant 0 : i32
      %dma_wait3A_132 = arith.constant 0 : i32
      %dma_wait3A_133 = tpu.memref_slice %arg2[%dma_wait3A_131, %dma_wait3A_132] : memref<10000x128xf32, #tpu.memory_space<hbm>> -> memref<10000x128xf32, #tpu.memory_space<hbm>>
      tpu.wait_indirect_dma semaphore(%arg10 : memref<!tpu.dma_semaphore, #tpu.memory_space<semaphore_mem>>) src(%dma_wait3A_133 : memref<10000x128xf32, #tpu.memory_space<hbm>>) dst(%dma_wait3A_127 : memref<64x128xf32, #tpu.memory_space<vmem>>)
      %add3A_134 = arith.constant 1 : i32
      %add3A_135 = arith.addi %add3A_108, %add3A_134 : i32
      %lt3A = arith.constant 80 : i32
      %lt3A_136 = arith.cmpi slt, %add3A_135, %lt3A : i32
      %convert_element_type3A = arith.extui %lt3A_136 : i1 to i32
      %cond3A = arith.constant 0 : i32
      %cond3A_137 = arith.cmpi ne, %convert_element_type3A, %cond3A : i32
      scf.if %cond3A_137 {
        %dma_wait3A_195 = arith.constant 0 : i32
        %dma_wait3A_196 = arith.constant 1 : i32
        %dma_wait3A_197 = arith.constant 0 : i32
        %dma_wait3A_198 = arith.constant 0 : i32
        %dma_wait3A_199 = tpu.memref_slice %arg5[%dma_wait3A_196, %dma_wait3A_197, %dma_wait3A_198] : memref<2x2x128xi32, #tpu.memory_space<vmem>> -> memref<1x2x128xi32, #tpu.memory_space<vmem>>
        %dma_wait3A_200 = tpu.memref_squeeze %dma_wait3A_199 : memref<1x2x128xi32, #tpu.memory_space<vmem>> -> memref<2x128xi32, #tpu.memory_space<vmem>>
        %dma_wait3A_201 = arith.constant 0 : i32
        %dma_wait3A_202 = arith.constant 0 : i32
        %dma_wait3A_203 = tpu.memref_slice %arg3[%add3A, %dma_wait3A_195, %dma_wait3A_201, %dma_wait3A_202] : memref<32x80x2x128xi32, #tpu.memory_space<hbm>> -> memref<1x1x2x128xi32, #tpu.memory_space<hbm>>
        %dma_wait3A_204 = tpu.memref_squeeze %dma_wait3A_203 : memref<1x1x2x128xi32, #tpu.memory_space<hbm>> -> memref<2x128xi32, #tpu.memory_space<hbm>>
        %dma_wait3A_205 = arith.constant 0 : i32
        %dma_wait3A_206 = arith.constant 0 : i32
        %dma_wait3A_207 = tpu.memref_slice %arg5[%dma_wait3A_196, %dma_wait3A_205, %dma_wait3A_206] : memref<2x2x128xi32, #tpu.memory_space<vmem>> -> memref<1x2x128xi32, #tpu.memory_space<vmem>>
        %dma_wait3A_208 = tpu.memref_squeeze %dma_wait3A_207 : memref<1x2x128xi32, #tpu.memory_space<vmem>> -> memref<2x128xi32, #tpu.memory_space<vmem>>
        %dma_wait3A_209 = arith.constant 0 : i32
        %dma_wait3A_210 = arith.constant 0 : i32
        %dma_wait3A_211 = tpu.memref_slice %arg3[%add3A, %dma_wait3A_195, %dma_wait3A_209, %dma_wait3A_210] : memref<32x80x2x128xi32, #tpu.memory_space<hbm>> -> memref<1x1x2x128xi32, #tpu.memory_space<hbm>>
        %dma_wait3A_212 = tpu.memref_squeeze %dma_wait3A_211 : memref<1x1x2x128xi32, #tpu.memory_space<hbm>> -> memref<2x128xi32, #tpu.memory_space<hbm>>
        tpu.wait_dma2 semaphore(%arg13 : memref<!tpu.dma_semaphore, #tpu.memory_space<semaphore_mem>>) src(%dma_wait3A_212 : memref<2x128xi32, #tpu.memory_space<hbm>>) dst(%dma_wait3A_208 : memref<2x128xi32, #tpu.memory_space<vmem>>)
        %dma_start3A_213 = arith.constant 1 : i32
        %dma_start3A_214 = arith.constant 0 : i32
        %dma_start3A_215 = arith.constant 1 : i32
        %dma_start3A_216 = arith.constant 0 : i32
        %dma_start3A_217 = arith.constant 0 : i32
        %dma_start3A_218 = tpu.memref_slice %arg6[%dma_start3A_215, %dma_start3A_216, %dma_start3A_217] : memref<2x128x128xf32, #tpu.memory_space<vmem>> -> memref<1x64x128xf32, #tpu.memory_space<vmem>>
        %dma_start3A_219 = tpu.memref_squeeze %dma_start3A_218 : memref<1x64x128xf32, #tpu.memory_space<vmem>> -> memref<64x128xf32, #tpu.memory_space<vmem>>
        %dma_start3A_220 = arith.constant 0 : i32
        %dma_start3A_221 = tpu.memref_slice %arg5[%dma_start3A_213, %dma_start3A_214, %dma_start3A_220] : memref<2x2x128xi32, #tpu.memory_space<vmem>> -> memref<1x1x64xi32, #tpu.memory_space<vmem>>
        %dma_start3A_222 = tpu.memref_squeeze %dma_start3A_221 : memref<1x1x64xi32, #tpu.memory_space<vmem>> -> memref<64xi32, #tpu.memory_space<vmem>>
        %dma_start3A_223 = arith.constant 0 : i32
        %dma_start3A_224 = arith.constant 0 : i32
        %dma_start3A_225 = tpu.memref_slice %arg2[%dma_start3A_223, %dma_start3A_224] : memref<10000x128xf32, #tpu.memory_space<hbm>> -> memref<10000x128xf32, #tpu.memory_space<hbm>>
        tpu.enqueue_indirect_dma source(%dma_start3A_225 : memref<10000x128xf32, #tpu.memory_space<hbm>>) target(%dma_start3A_219 : memref<64x128xf32, #tpu.memory_space<vmem>>) offsets(%dma_start3A_222 : memref<64xi32, #tpu.memory_space<vmem>>) semaphore(%arg9 : memref<!tpu.dma_semaphore, #tpu.memory_space<semaphore_mem>>)
        %dma_start3A_226 = arith.constant 1 : i32
        %dma_start3A_227 = arith.constant 0 : i32
        %dma_start3A_228 = arith.constant 1 : i32
        %dma_start3A_229 = arith.constant 64 : i32
        %dma_start3A_230 = arith.constant 0 : i32
        %dma_start3A_231 = tpu.memref_slice %arg6[%dma_start3A_228, %dma_start3A_229, %dma_start3A_230] : memref<2x128x128xf32, #tpu.memory_space<vmem>> -> memref<1x64x128xf32, #tpu.memory_space<vmem>>
        %dma_start3A_232 = tpu.memref_squeeze %dma_start3A_231 : memref<1x64x128xf32, #tpu.memory_space<vmem>> -> memref<64x128xf32, #tpu.memory_space<vmem>>
        %dma_start3A_233 = arith.constant 64 : i32
        %dma_start3A_234 = tpu.memref_slice %arg5[%dma_start3A_226, %dma_start3A_227, %dma_start3A_233] : memref<2x2x128xi32, #tpu.memory_space<vmem>> -> memref<1x1x64xi32, #tpu.memory_space<vmem>>
        %dma_start3A_235 = tpu.memref_squeeze %dma_start3A_234 : memref<1x1x64xi32, #tpu.memory_space<vmem>> -> memref<64xi32, #tpu.memory_space<vmem>>
        %dma_start3A_236 = arith.constant 0 : i32
        %dma_start3A_237 = arith.constant 0 : i32
        %dma_start3A_238 = tpu.memref_slice %arg2[%dma_start3A_236, %dma_start3A_237] : memref<10000x128xf32, #tpu.memory_space<hbm>> -> memref<10000x128xf32, #tpu.memory_space<hbm>>
        tpu.enqueue_indirect_dma source(%dma_start3A_238 : memref<10000x128xf32, #tpu.memory_space<hbm>>) target(%dma_start3A_232 : memref<64x128xf32, #tpu.memory_space<vmem>>) offsets(%dma_start3A_235 : memref<64xi32, #tpu.memory_space<vmem>>) semaphore(%arg11 : memref<!tpu.dma_semaphore, #tpu.memory_space<semaphore_mem>>)
      } else {
      }
      %run_scoped3A_138 = arith.constant 0 : i32
      %run_scoped3A_139 = arith.constant 0 : i32
      %run_scoped3A_140 = arith.constant 1 : i32
      "tpu.region"() ({
        %run_scoped3A_195 = tpu.sem_alloc : memref<!tpu.dma_semaphore, #tpu.memory_space<semaphore_mem>>
        %dma_start3A_196 = arith.constant 0 : i32
        %dma_start3A_197 = arith.constant 0 : i32
        %dma_start3A_198 = tpu.memref_slice %arg6[%run_scoped3A_138, %dma_start3A_196, %dma_start3A_197] : memref<2x128x128xf32, #tpu.memory_space<vmem>> -> memref<1x128x128xf32, #tpu.memory_space<vmem>>
        %dma_start3A_199 = tpu.memref_squeeze %dma_start3A_198 : memref<1x128x128xf32, #tpu.memory_space<vmem>> -> memref<128x128xf32, #tpu.memory_space<vmem>>
        %dma_start3A_200 = arith.constant 0 : i32
        %dma_start3A_201 = tpu.memref_slice %arg5[%run_scoped3A_139, %run_scoped3A_140, %dma_start3A_200] : memref<2x2x128xi32, #tpu.memory_space<vmem>> -> memref<1x1x128xi32, #tpu.memory_space<vmem>>
        %dma_start3A_202 = tpu.memref_squeeze %dma_start3A_201 : memref<1x1x128xi32, #tpu.memory_space<vmem>> -> memref<128xi32, #tpu.memory_space<vmem>>
        %dma_start3A_203 = arith.constant 0 : i32
        %dma_start3A_204 = arith.constant 0 : i32
        %dma_start3A_205 = tpu.memref_slice %arg7[%dma_start3A_203, %dma_start3A_204] : memref<10112x128xf32, #tpu.memory_space<vmem_shared>> -> memref<10112x128xf32, #tpu.memory_space<vmem_shared>>
        tpu.enqueue_indirect_dma source(%dma_start3A_199 : memref<128x128xf32, #tpu.memory_space<vmem>>) target(%dma_start3A_205 : memref<10112x128xf32, #tpu.memory_space<vmem_shared>>) offsets(%dma_start3A_202 : memref<128xi32, #tpu.memory_space<vmem>>) semaphore(%run_scoped3A_195 : memref<!tpu.dma_semaphore, #tpu.memory_space<semaphore_mem>>) {add = true}
        %dma_wait3A_206 = arith.constant 0 : i32
        %dma_wait3A_207 = arith.constant 0 : i32
        %dma_wait3A_208 = tpu.memref_slice %arg6[%run_scoped3A_138, %dma_wait3A_206, %dma_wait3A_207] : memref<2x128x128xf32, #tpu.memory_space<vmem>> -> memref<1x128x128xf32, #tpu.memory_space<vmem>>
        %dma_wait3A_209 = tpu.memref_squeeze %dma_wait3A_208 : memref<1x128x128xf32, #tpu.memory_space<vmem>> -> memref<128x128xf32, #tpu.memory_space<vmem>>
        %dma_wait3A_210 = arith.constant 0 : i32
        %dma_wait3A_211 = tpu.memref_slice %arg5[%run_scoped3A_139, %run_scoped3A_140, %dma_wait3A_210] : memref<2x2x128xi32, #tpu.memory_space<vmem>> -> memref<1x1x128xi32, #tpu.memory_space<vmem>>
        %dma_wait3A_212 = tpu.memref_squeeze %dma_wait3A_211 : memref<1x1x128xi32, #tpu.memory_space<vmem>> -> memref<128xi32, #tpu.memory_space<vmem>>
        %dma_wait3A_213 = arith.constant 0 : i32
        %dma_wait3A_214 = arith.constant 0 : i32
        %dma_wait3A_215 = tpu.memref_slice %arg7[%dma_wait3A_213, %dma_wait3A_214] : memref<10112x128xf32, #tpu.memory_space<vmem_shared>> -> memref<10112x128xf32, #tpu.memory_space<vmem_shared>>
        tpu.wait_indirect_dma semaphore(%run_scoped3A_195 : memref<!tpu.dma_semaphore, #tpu.memory_space<semaphore_mem>>) src(%dma_wait3A_209 : memref<128x128xf32, #tpu.memory_space<vmem>>) dst(%dma_wait3A_215 : memref<10112x128xf32, #tpu.memory_space<vmem_shared>>)
        tpu.yield
      }) : () -> ()
      %add3A_141 = arith.constant 2 : i32
      %add3A_142 = arith.addi %add3A_108, %add3A_141 : i32
      %lt3A_143 = arith.constant 80 : i32
      %lt3A_144 = arith.cmpi slt, %add3A_142, %lt3A_143 : i32
      %convert_element_type3A_145 = arith.extui %lt3A_144 : i1 to i32
      %cond3A_146 = arith.constant 0 : i32
      %cond3A_147 = arith.cmpi ne, %convert_element_type3A_145, %cond3A_146 : i32
      scf.if %cond3A_147 {
        %add3A_195 = arith.constant 2 : i32
        %add3A_196 = arith.addi %add3A_108, %add3A_195 : i32
        %dma_start3A_197 = arith.constant 0 : i32
        %dma_start3A_198 = arith.constant 0 : i32
        %dma_start3A_199 = arith.constant 0 : i32
        %dma_start3A_200 = tpu.memref_slice %arg5[%dma_start3A_197, %dma_start3A_198, %dma_start3A_199] : memref<2x2x128xi32, #tpu.memory_space<vmem>> -> memref<1x2x128xi32, #tpu.memory_space<vmem>>
        %dma_start3A_201 = tpu.memref_squeeze %dma_start3A_200 : memref<1x2x128xi32, #tpu.memory_space<vmem>> -> memref<2x128xi32, #tpu.memory_space<vmem>>
        %dma_start3A_202 = arith.constant 0 : i32
        %dma_start3A_203 = arith.constant 0 : i32
        %dma_start3A_204 = tpu.memref_slice %arg3[%add3A, %add3A_196, %dma_start3A_202, %dma_start3A_203] : memref<32x80x2x128xi32, #tpu.memory_space<hbm>> -> memref<1x1x2x128xi32, #tpu.memory_space<hbm>>
        %dma_start3A_205 = tpu.memref_squeeze %dma_start3A_204 : memref<1x1x2x128xi32, #tpu.memory_space<hbm>> -> memref<2x128xi32, #tpu.memory_space<hbm>>
        %dma_start3A_206 = arith.constant 0 : i32
        %dma_start3A_207 = arith.constant 0 : i32
        %dma_start3A_208 = tpu.memref_slice %arg5[%dma_start3A_197, %dma_start3A_206, %dma_start3A_207] : memref<2x2x128xi32, #tpu.memory_space<vmem>> -> memref<1x2x128xi32, #tpu.memory_space<vmem>>
        %dma_start3A_209 = tpu.memref_squeeze %dma_start3A_208 : memref<1x2x128xi32, #tpu.memory_space<vmem>> -> memref<2x128xi32, #tpu.memory_space<vmem>>
        %dma_start3A_210 = arith.constant 0 : i32
        %dma_start3A_211 = arith.constant 0 : i32
        %dma_start3A_212 = tpu.memref_slice %arg3[%add3A, %add3A_196, %dma_start3A_210, %dma_start3A_211] : memref<32x80x2x128xi32, #tpu.memory_space<hbm>> -> memref<1x1x2x128xi32, #tpu.memory_space<hbm>>
        %dma_start3A_213 = tpu.memref_squeeze %dma_start3A_212 : memref<1x1x2x128xi32, #tpu.memory_space<hbm>> -> memref<2x128xi32, #tpu.memory_space<hbm>>
        tpu.enqueue_dma source(%dma_start3A_213 : memref<2x128xi32, #tpu.memory_space<hbm>>) target(%dma_start3A_209 : memref<2x128xi32, #tpu.memory_space<vmem>>) target_semaphore(%arg12 : memref<!tpu.dma_semaphore, #tpu.memory_space<semaphore_mem>>)
      } else {
      }
      %mul3A_148 = arith.constant 2 : i32
      %mul3A_149 = arith.muli %mul3A_148, %scan3A_104 : i32
      %add3A_150 = arith.constant 1 : i32
      %add3A_151 = arith.addi %mul3A_149, %add3A_150 : i32
      %dma_wait3A_152 = arith.constant 1 : i32
      %dma_wait3A_153 = arith.constant 0 : i32
      %dma_wait3A_154 = arith.constant 1 : i32
      %dma_wait3A_155 = arith.constant 0 : i32
      %dma_wait3A_156 = arith.constant 0 : i32
      %dma_wait3A_157 = tpu.memref_slice %arg6[%dma_wait3A_154, %dma_wait3A_155, %dma_wait3A_156] : memref<2x128x128xf32, #tpu.memory_space<vmem>> -> memref<1x64x128xf32, #tpu.memory_space<vmem>>
      %dma_wait3A_158 = tpu.memref_squeeze %dma_wait3A_157 : memref<1x64x128xf32, #tpu.memory_space<vmem>> -> memref<64x128xf32, #tpu.memory_space<vmem>>
      %dma_wait3A_159 = arith.constant 0 : i32
      %dma_wait3A_160 = tpu.memref_slice %arg5[%dma_wait3A_152, %dma_wait3A_153, %dma_wait3A_159] : memref<2x2x128xi32, #tpu.memory_space<vmem>> -> memref<1x1x64xi32, #tpu.memory_space<vmem>>
      %dma_wait3A_161 = tpu.memref_squeeze %dma_wait3A_160 : memref<1x1x64xi32, #tpu.memory_space<vmem>> -> memref<64xi32, #tpu.memory_space<vmem>>
      %dma_wait3A_162 = arith.constant 0 : i32
      %dma_wait3A_163 = arith.constant 0 : i32
      %dma_wait3A_164 = tpu.memref_slice %arg2[%dma_wait3A_162, %dma_wait3A_163] : memref<10000x128xf32, #tpu.memory_space<hbm>> -> memref<10000x128xf32, #tpu.memory_space<hbm>>
      tpu.wait_indirect_dma semaphore(%arg9 : memref<!tpu.dma_semaphore, #tpu.memory_space<semaphore_mem>>) src(%dma_wait3A_164 : memref<10000x128xf32, #tpu.memory_space<hbm>>) dst(%dma_wait3A_158 : memref<64x128xf32, #tpu.memory_space<vmem>>)
      %dma_wait3A_165 = arith.constant 1 : i32
      %dma_wait3A_166 = arith.constant 0 : i32
      %dma_wait3A_167 = arith.constant 1 : i32
      %dma_wait3A_168 = arith.constant 64 : i32
      %dma_wait3A_169 = arith.constant 0 : i32
      %dma_wait3A_170 = tpu.memref_slice %arg6[%dma_wait3A_167, %dma_wait3A_168, %dma_wait3A_169] : memref<2x128x128xf32, #tpu.memory_space<vmem>> -> memref<1x64x128xf32, #tpu.memory_space<vmem>>
      %dma_wait3A_171 = tpu.memref_squeeze %dma_wait3A_170 : memref<1x64x128xf32, #tpu.memory_space<vmem>> -> memref<64x128xf32, #tpu.memory_space<vmem>>
      %dma_wait3A_172 = arith.constant 64 : i32
      %dma_wait3A_173 = tpu.memref_slice %arg5[%dma_wait3A_165, %dma_wait3A_166, %dma_wait3A_172] : memref<2x2x128xi32, #tpu.memory_space<vmem>> -> memref<1x1x64xi32, #tpu.memory_space<vmem>>
      %dma_wait3A_174 = tpu.memref_squeeze %dma_wait3A_173 : memref<1x1x64xi32, #tpu.memory_space<vmem>> -> memref<64xi32, #tpu.memory_space<vmem>>
      %dma_wait3A_175 = arith.constant 0 : i32
      %dma_wait3A_176 = arith.constant 0 : i32
      %dma_wait3A_177 = tpu.memref_slice %arg2[%dma_wait3A_175, %dma_wait3A_176] : memref<10000x128xf32, #tpu.memory_space<hbm>> -> memref<10000x128xf32, #tpu.memory_space<hbm>>
      tpu.wait_indirect_dma semaphore(%arg11 : memref<!tpu.dma_semaphore, #tpu.memory_space<semaphore_mem>>) src(%dma_wait3A_177 : memref<10000x128xf32, #tpu.memory_space<hbm>>) dst(%dma_wait3A_171 : memref<64x128xf32, #tpu.memory_space<vmem>>)
      %add3A_178 = arith.constant 1 : i32
      %add3A_179 = arith.addi %add3A_151, %add3A_178 : i32
      %lt3A_180 = arith.constant 80 : i32
      %lt3A_181 = arith.cmpi slt, %add3A_179, %lt3A_180 : i32
      %convert_element_type3A_182 = arith.extui %lt3A_181 : i1 to i32
      %cond3A_183 = arith.constant 0 : i32
      %cond3A_184 = arith.cmpi ne, %convert_element_type3A_182, %cond3A_183 : i32
      scf.if %cond3A_184 {
        %dma_wait3A_195 = arith.constant 0 : i32
        %dma_wait3A_196 = arith.constant 0 : i32
        %dma_wait3A_197 = arith.constant 0 : i32
        %dma_wait3A_198 = arith.constant 0 : i32
        %dma_wait3A_199 = tpu.memref_slice %arg5[%dma_wait3A_196, %dma_wait3A_197, %dma_wait3A_198] : memref<2x2x128xi32, #tpu.memory_space<vmem>> -> memref<1x2x128xi32, #tpu.memory_space<vmem>>
        %dma_wait3A_200 = tpu.memref_squeeze %dma_wait3A_199 : memref<1x2x128xi32, #tpu.memory_space<vmem>> -> memref<2x128xi32, #tpu.memory_space<vmem>>
        %dma_wait3A_201 = arith.constant 0 : i32
        %dma_wait3A_202 = arith.constant 0 : i32
        %dma_wait3A_203 = tpu.memref_slice %arg3[%add3A, %dma_wait3A_195, %dma_wait3A_201, %dma_wait3A_202] : memref<32x80x2x128xi32, #tpu.memory_space<hbm>> -> memref<1x1x2x128xi32, #tpu.memory_space<hbm>>
        %dma_wait3A_204 = tpu.memref_squeeze %dma_wait3A_203 : memref<1x1x2x128xi32, #tpu.memory_space<hbm>> -> memref<2x128xi32, #tpu.memory_space<hbm>>
        %dma_wait3A_205 = arith.constant 0 : i32
        %dma_wait3A_206 = arith.constant 0 : i32
        %dma_wait3A_207 = tpu.memref_slice %arg5[%dma_wait3A_196, %dma_wait3A_205, %dma_wait3A_206] : memref<2x2x128xi32, #tpu.memory_space<vmem>> -> memref<1x2x128xi32, #tpu.memory_space<vmem>>
        %dma_wait3A_208 = tpu.memref_squeeze %dma_wait3A_207 : memref<1x2x128xi32, #tpu.memory_space<vmem>> -> memref<2x128xi32, #tpu.memory_space<vmem>>
        %dma_wait3A_209 = arith.constant 0 : i32
        %dma_wait3A_210 = arith.constant 0 : i32
        %dma_wait3A_211 = tpu.memref_slice %arg3[%add3A, %dma_wait3A_195, %dma_wait3A_209, %dma_wait3A_210] : memref<32x80x2x128xi32, #tpu.memory_space<hbm>> -> memref<1x1x2x128xi32, #tpu.memory_space<hbm>>
        %dma_wait3A_212 = tpu.memref_squeeze %dma_wait3A_211 : memref<1x1x2x128xi32, #tpu.memory_space<hbm>> -> memref<2x128xi32, #tpu.memory_space<hbm>>
        tpu.wait_dma2 semaphore(%arg12 : memref<!tpu.dma_semaphore, #tpu.memory_space<semaphore_mem>>) src(%dma_wait3A_212 : memref<2x128xi32, #tpu.memory_space<hbm>>) dst(%dma_wait3A_208 : memref<2x128xi32, #tpu.memory_space<vmem>>)
        %dma_start3A_213 = arith.constant 0 : i32
        %dma_start3A_214 = arith.constant 0 : i32
        %dma_start3A_215 = arith.constant 0 : i32
        %dma_start3A_216 = arith.constant 0 : i32
        %dma_start3A_217 = arith.constant 0 : i32
        %dma_start3A_218 = tpu.memref_slice %arg6[%dma_start3A_215, %dma_start3A_216, %dma_start3A_217] : memref<2x128x128xf32, #tpu.memory_space<vmem>> -> memref<1x64x128xf32, #tpu.memory_space<vmem>>
        %dma_start3A_219 = tpu.memref_squeeze %dma_start3A_218 : memref<1x64x128xf32, #tpu.memory_space<vmem>> -> memref<64x128xf32, #tpu.memory_space<vmem>>
        %dma_start3A_220 = arith.constant 0 : i32
        %dma_start3A_221 = tpu.memref_slice %arg5[%dma_start3A_213, %dma_start3A_214, %dma_start3A_220] : memref<2x2x128xi32, #tpu.memory_space<vmem>> -> memref<1x1x64xi32, #tpu.memory_space<vmem>>
        %dma_start3A_222 = tpu.memref_squeeze %dma_start3A_221 : memref<1x1x64xi32, #tpu.memory_space<vmem>> -> memref<64xi32, #tpu.memory_space<vmem>>
        %dma_start3A_223 = arith.constant 0 : i32
        %dma_start3A_224 = arith.constant 0 : i32
        %dma_start3A_225 = tpu.memref_slice %arg2[%dma_start3A_223, %dma_start3A_224] : memref<10000x128xf32, #tpu.memory_space<hbm>> -> memref<10000x128xf32, #tpu.memory_space<hbm>>
        tpu.enqueue_indirect_dma source(%dma_start3A_225 : memref<10000x128xf32, #tpu.memory_space<hbm>>) target(%dma_start3A_219 : memref<64x128xf32, #tpu.memory_space<vmem>>) offsets(%dma_start3A_222 : memref<64xi32, #tpu.memory_space<vmem>>) semaphore(%arg8 : memref<!tpu.dma_semaphore, #tpu.memory_space<semaphore_mem>>)
        %dma_start3A_226 = arith.constant 0 : i32
        %dma_start3A_227 = arith.constant 0 : i32
        %dma_start3A_228 = arith.constant 0 : i32
        %dma_start3A_229 = arith.constant 64 : i32
        %dma_start3A_230 = arith.constant 0 : i32
        %dma_start3A_231 = tpu.memref_slice %arg6[%dma_start3A_228, %dma_start3A_229, %dma_start3A_230] : memref<2x128x128xf32, #tpu.memory_space<vmem>> -> memref<1x64x128xf32, #tpu.memory_space<vmem>>
        %dma_start3A_232 = tpu.memref_squeeze %dma_start3A_231 : memref<1x64x128xf32, #tpu.memory_space<vmem>> -> memref<64x128xf32, #tpu.memory_space<vmem>>
        %dma_start3A_233 = arith.constant 64 : i32
        %dma_start3A_234 = tpu.memref_slice %arg5[%dma_start3A_226, %dma_start3A_227, %dma_start3A_233] : memref<2x2x128xi32, #tpu.memory_space<vmem>> -> memref<1x1x64xi32, #tpu.memory_space<vmem>>
        %dma_start3A_235 = tpu.memref_squeeze %dma_start3A_234 : memref<1x1x64xi32, #tpu.memory_space<vmem>> -> memref<64xi32, #tpu.memory_space<vmem>>
        %dma_start3A_236 = arith.constant 0 : i32
        %dma_start3A_237 = arith.constant 0 : i32
        %dma_start3A_238 = tpu.memref_slice %arg2[%dma_start3A_236, %dma_start3A_237] : memref<10000x128xf32, #tpu.memory_space<hbm>> -> memref<10000x128xf32, #tpu.memory_space<hbm>>
        tpu.enqueue_indirect_dma source(%dma_start3A_238 : memref<10000x128xf32, #tpu.memory_space<hbm>>) target(%dma_start3A_232 : memref<64x128xf32, #tpu.memory_space<vmem>>) offsets(%dma_start3A_235 : memref<64xi32, #tpu.memory_space<vmem>>) semaphore(%arg10 : memref<!tpu.dma_semaphore, #tpu.memory_space<semaphore_mem>>)
      } else {
      }
      %run_scoped3A_185 = arith.constant 1 : i32
      %run_scoped3A_186 = arith.constant 1 : i32
      %run_scoped3A_187 = arith.constant 1 : i32
      "tpu.region"() ({
        %run_scoped3A_195 = tpu.sem_alloc : memref<!tpu.dma_semaphore, #tpu.memory_space<semaphore_mem>>
        %dma_start3A_196 = arith.constant 0 : i32
        %dma_start3A_197 = arith.constant 0 : i32
        %dma_start3A_198 = tpu.memref_slice %arg6[%run_scoped3A_185, %dma_start3A_196, %dma_start3A_197] : memref<2x128x128xf32, #tpu.memory_space<vmem>> -> memref<1x128x128xf32, #tpu.memory_space<vmem>>
        %dma_start3A_199 = tpu.memref_squeeze %dma_start3A_198 : memref<1x128x128xf32, #tpu.memory_space<vmem>> -> memref<128x128xf32, #tpu.memory_space<vmem>>
        %dma_start3A_200 = arith.constant 0 : i32
        %dma_start3A_201 = tpu.memref_slice %arg5[%run_scoped3A_186, %run_scoped3A_187, %dma_start3A_200] : memref<2x2x128xi32, #tpu.memory_space<vmem>> -> memref<1x1x128xi32, #tpu.memory_space<vmem>>
        %dma_start3A_202 = tpu.memref_squeeze %dma_start3A_201 : memref<1x1x128xi32, #tpu.memory_space<vmem>> -> memref<128xi32, #tpu.memory_space<vmem>>
        %dma_start3A_203 = arith.constant 0 : i32
        %dma_start3A_204 = arith.constant 0 : i32
        %dma_start3A_205 = tpu.memref_slice %arg7[%dma_start3A_203, %dma_start3A_204] : memref<10112x128xf32, #tpu.memory_space<vmem_shared>> -> memref<10112x128xf32, #tpu.memory_space<vmem_shared>>
        tpu.enqueue_indirect_dma source(%dma_start3A_199 : memref<128x128xf32, #tpu.memory_space<vmem>>) target(%dma_start3A_205 : memref<10112x128xf32, #tpu.memory_space<vmem_shared>>) offsets(%dma_start3A_202 : memref<128xi32, #tpu.memory_space<vmem>>) semaphore(%run_scoped3A_195 : memref<!tpu.dma_semaphore, #tpu.memory_space<semaphore_mem>>) {add = true}
        %dma_wait3A_206 = arith.constant 0 : i32
        %dma_wait3A_207 = arith.constant 0 : i32
        %dma_wait3A_208 = tpu.memref_slice %arg6[%run_scoped3A_185, %dma_wait3A_206, %dma_wait3A_207] : memref<2x128x128xf32, #tpu.memory_space<vmem>> -> memref<1x128x128xf32, #tpu.memory_space<vmem>>
        %dma_wait3A_209 = tpu.memref_squeeze %dma_wait3A_208 : memref<1x128x128xf32, #tpu.memory_space<vmem>> -> memref<128x128xf32, #tpu.memory_space<vmem>>
        %dma_wait3A_210 = arith.constant 0 : i32
        %dma_wait3A_211 = tpu.memref_slice %arg5[%run_scoped3A_186, %run_scoped3A_187, %dma_wait3A_210] : memref<2x2x128xi32, #tpu.memory_space<vmem>> -> memref<1x1x128xi32, #tpu.memory_space<vmem>>
        %dma_wait3A_212 = tpu.memref_squeeze %dma_wait3A_211 : memref<1x1x128xi32, #tpu.memory_space<vmem>> -> memref<128xi32, #tpu.memory_space<vmem>>
        %dma_wait3A_213 = arith.constant 0 : i32
        %dma_wait3A_214 = arith.constant 0 : i32
        %dma_wait3A_215 = tpu.memref_slice %arg7[%dma_wait3A_213, %dma_wait3A_214] : memref<10112x128xf32, #tpu.memory_space<vmem_shared>> -> memref<10112x128xf32, #tpu.memory_space<vmem_shared>>
        tpu.wait_indirect_dma semaphore(%run_scoped3A_195 : memref<!tpu.dma_semaphore, #tpu.memory_space<semaphore_mem>>) src(%dma_wait3A_209 : memref<128x128xf32, #tpu.memory_space<vmem>>) dst(%dma_wait3A_215 : memref<10112x128xf32, #tpu.memory_space<vmem_shared>>)
        tpu.yield
      }) : () -> ()
      %add3A_188 = arith.constant 2 : i32
      %add3A_189 = arith.addi %add3A_151, %add3A_188 : i32
      %lt3A_190 = arith.constant 80 : i32
      %lt3A_191 = arith.cmpi slt, %add3A_189, %lt3A_190 : i32
      %convert_element_type3A_192 = arith.extui %lt3A_191 : i1 to i32
      %cond3A_193 = arith.constant 0 : i32
      %cond3A_194 = arith.cmpi ne, %convert_element_type3A_192, %cond3A_193 : i32
      scf.if %cond3A_194 {
        %add3A_195 = arith.constant 2 : i32
        %add3A_196 = arith.addi %add3A_151, %add3A_195 : i32
        %dma_start3A_197 = arith.constant 1 : i32
        %dma_start3A_198 = arith.constant 0 : i32
        %dma_start3A_199 = arith.constant 0 : i32
        %dma_start3A_200 = tpu.memref_slice %arg5[%dma_start3A_197, %dma_start3A_198, %dma_start3A_199] : memref<2x2x128xi32, #tpu.memory_space<vmem>> -> memref<1x2x128xi32, #tpu.memory_space<vmem>>
        %dma_start3A_201 = tpu.memref_squeeze %dma_start3A_200 : memref<1x2x128xi32, #tpu.memory_space<vmem>> -> memref<2x128xi32, #tpu.memory_space<vmem>>
        %dma_start3A_202 = arith.constant 0 : i32
        %dma_start3A_203 = arith.constant 0 : i32
        %dma_start3A_204 = tpu.memref_slice %arg3[%add3A, %add3A_196, %dma_start3A_202, %dma_start3A_203] : memref<32x80x2x128xi32, #tpu.memory_space<hbm>> -> memref<1x1x2x128xi32, #tpu.memory_space<hbm>>
        %dma_start3A_205 = tpu.memref_squeeze %dma_start3A_204 : memref<1x1x2x128xi32, #tpu.memory_space<hbm>> -> memref<2x128xi32, #tpu.memory_space<hbm>>
        %dma_start3A_206 = arith.constant 0 : i32
        %dma_start3A_207 = arith.constant 0 : i32
        %dma_start3A_208 = tpu.memref_slice %arg5[%dma_start3A_197, %dma_start3A_206, %dma_start3A_207] : memref<2x2x128xi32, #tpu.memory_space<vmem>> -> memref<1x2x128xi32, #tpu.memory_space<vmem>>
        %dma_start3A_209 = tpu.memref_squeeze %dma_start3A_208 : memref<1x2x128xi32, #tpu.memory_space<vmem>> -> memref<2x128xi32, #tpu.memory_space<vmem>>
        %dma_start3A_210 = arith.constant 0 : i32
        %dma_start3A_211 = arith.constant 0 : i32
        %dma_start3A_212 = tpu.memref_slice %arg3[%add3A, %add3A_196, %dma_start3A_210, %dma_start3A_211] : memref<32x80x2x128xi32, #tpu.memory_space<hbm>> -> memref<1x1x2x128xi32, #tpu.memory_space<hbm>>
        %dma_start3A_213 = tpu.memref_squeeze %dma_start3A_212 : memref<1x1x2x128xi32, #tpu.memory_space<hbm>> -> memref<2x128xi32, #tpu.memory_space<hbm>>
        tpu.enqueue_dma source(%dma_start3A_213 : memref<2x128xi32, #tpu.memory_space<hbm>>) target(%dma_start3A_209 : memref<2x128xi32, #tpu.memory_space<vmem>>) target_semaphore(%arg13 : memref<!tpu.dma_semaphore, #tpu.memory_space<semaphore_mem>>)
      } else {
      }
    }
    %scan3A_72 = arith.constant 40 : i32
    %barrier3A_73 = arith.constant 0 : index
    tpu.barrier barrier_id(%barrier3A_73)
    %add3A_74 = arith.constant 0 : i32
    %add3A_75 = arith.addi %mul3A_7, %add3A_74 : i32
    %run_scoped3A_76 = arith.constant 0 : i32
    "tpu.region"() ({
      %run_scoped3A_104 = tpu.sem_alloc : memref<!tpu.dma_semaphore, #tpu.memory_space<semaphore_mem>>
      %dma_start3A_105 = arith.constant 0 : i32
      %dma_start3A_106 = arith.constant 0 : i32
      %dma_start3A_107 = tpu.memref_slice %arg6[%run_scoped3A_76, %dma_start3A_105, %dma_start3A_106] : memref<2x128x128xf32, #tpu.memory_space<vmem>> -> memref<1x128x128xf32, #tpu.memory_space<vmem>>
      %dma_start3A_108 = tpu.memref_squeeze %dma_start3A_107 : memref<1x128x128xf32, #tpu.memory_space<vmem>> -> memref<128x128xf32, #tpu.memory_space<vmem>>
      %dma_start3A_109 = arith.constant 0 : i32
      %dma_start3A_110 = tpu.memref_slice %arg7[%add3A_75, %dma_start3A_109] : memref<10112x128xf32, #tpu.memory_space<vmem_shared>> -> memref<128x128xf32, #tpu.memory_space<vmem_shared>>
      %dma_start3A_111 = arith.constant 0 : i32
      %dma_start3A_112 = arith.constant 0 : i32
      %dma_start3A_113 = tpu.memref_slice %arg6[%run_scoped3A_76, %dma_start3A_111, %dma_start3A_112] : memref<2x128x128xf32, #tpu.memory_space<vmem>> -> memref<1x128x128xf32, #tpu.memory_space<vmem>>
      %dma_start3A_114 = tpu.memref_squeeze %dma_start3A_113 : memref<1x128x128xf32, #tpu.memory_space<vmem>> -> memref<128x128xf32, #tpu.memory_space<vmem>>
      %dma_start3A_115 = arith.constant 0 : i32
      %dma_start3A_116 = tpu.memref_slice %arg7[%add3A_75, %dma_start3A_115] : memref<10112x128xf32, #tpu.memory_space<vmem_shared>> -> memref<128x128xf32, #tpu.memory_space<vmem_shared>>
      tpu.enqueue_dma source(%dma_start3A_116 : memref<128x128xf32, #tpu.memory_space<vmem_shared>>) target(%dma_start3A_114 : memref<128x128xf32, #tpu.memory_space<vmem>>) target_semaphore(%run_scoped3A_104 : memref<!tpu.dma_semaphore, #tpu.memory_space<semaphore_mem>>)
      %dma_wait3A = arith.constant 0 : i32
      %dma_wait3A_117 = arith.constant 0 : i32
      %dma_wait3A_118 = tpu.memref_slice %arg6[%run_scoped3A_76, %dma_wait3A, %dma_wait3A_117] : memref<2x128x128xf32, #tpu.memory_space<vmem>> -> memref<1x128x128xf32, #tpu.memory_space<vmem>>
      %dma_wait3A_119 = tpu.memref_squeeze %dma_wait3A_118 : memref<1x128x128xf32, #tpu.memory_space<vmem>> -> memref<128x128xf32, #tpu.memory_space<vmem>>
      %dma_wait3A_120 = arith.constant 0 : i32
      %dma_wait3A_121 = tpu.memref_slice %arg7[%add3A_75, %dma_wait3A_120] : memref<10112x128xf32, #tpu.memory_space<vmem_shared>> -> memref<128x128xf32, #tpu.memory_space<vmem_shared>>
      %dma_wait3A_122 = arith.constant 0 : i32
      %dma_wait3A_123 = arith.constant 0 : i32
      %dma_wait3A_124 = tpu.memref_slice %arg6[%run_scoped3A_76, %dma_wait3A_122, %dma_wait3A_123] : memref<2x128x128xf32, #tpu.memory_space<vmem>> -> memref<1x128x128xf32, #tpu.memory_space<vmem>>
      %dma_wait3A_125 = tpu.memref_squeeze %dma_wait3A_124 : memref<1x128x128xf32, #tpu.memory_space<vmem>> -> memref<128x128xf32, #tpu.memory_space<vmem>>
      %dma_wait3A_126 = arith.constant 0 : i32
      %dma_wait3A_127 = tpu.memref_slice %arg7[%add3A_75, %dma_wait3A_126] : memref<10112x128xf32, #tpu.memory_space<vmem_shared>> -> memref<128x128xf32, #tpu.memory_space<vmem_shared>>
      tpu.wait_dma2 semaphore(%run_scoped3A_104 : memref<!tpu.dma_semaphore, #tpu.memory_space<semaphore_mem>>) src(%dma_wait3A_127 : memref<128x128xf32, #tpu.memory_space<vmem_shared>>) dst(%dma_wait3A_125 : memref<128x128xf32, #tpu.memory_space<vmem>>)
      tpu.yield
    }) : () -> ()
    %add3A_77 = arith.constant 0 : i32
    %add3A_78 = arith.addi %mul3A_7, %add3A_77 : i32
    %run_scoped3A_79 = arith.constant 0 : i32
    "tpu.region"() ({
      %run_scoped3A_104 = tpu.sem_alloc : memref<!tpu.dma_semaphore, #tpu.memory_space<semaphore_mem>>
      %dma_start3A_105 = arith.constant 0 : i32
      %dma_start3A_106 = arith.constant 0 : i32
      %dma_start3A_107 = tpu.memref_slice %arg6[%run_scoped3A_79, %dma_start3A_105, %dma_start3A_106] : memref<2x128x128xf32, #tpu.memory_space<vmem>> -> memref<1x128x128xf32, #tpu.memory_space<vmem>>
      %dma_start3A_108 = tpu.memref_squeeze %dma_start3A_107 : memref<1x128x128xf32, #tpu.memory_space<vmem>> -> memref<128x128xf32, #tpu.memory_space<vmem>>
      %dma_start3A_109 = arith.constant 0 : i32
      %dma_start3A_110 = tpu.memref_slice %arg4[%arg0, %add3A_78, %dma_start3A_109] : memref<2x10112x128xf32, #tpu.memory_space<hbm>> -> memref<1x128x128xf32, #tpu.memory_space<hbm>>
      %dma_start3A_111 = tpu.memref_squeeze %dma_start3A_110 : memref<1x128x128xf32, #tpu.memory_space<hbm>> -> memref<128x128xf32, #tpu.memory_space<hbm>>
      %dma_start3A_112 = arith.constant 0 : i32
      %dma_start3A_113 = tpu.memref_slice %arg4[%arg0, %add3A_78, %dma_start3A_112] : memref<2x10112x128xf32, #tpu.memory_space<hbm>> -> memref<1x128x128xf32, #tpu.memory_space<hbm>>
      %dma_start3A_114 = tpu.memref_squeeze %dma_start3A_113 : memref<1x128x128xf32, #tpu.memory_space<hbm>> -> memref<128x128xf32, #tpu.memory_space<hbm>>
      %dma_start3A_115 = arith.constant 0 : i32
      %dma_start3A_116 = arith.constant 0 : i32
      %dma_start3A_117 = tpu.memref_slice %arg6[%run_scoped3A_79, %dma_start3A_115, %dma_start3A_116] : memref<2x128x128xf32, #tpu.memory_space<vmem>> -> memref<1x128x128xf32, #tpu.memory_space<vmem>>
      %dma_start3A_118 = tpu.memref_squeeze %dma_start3A_117 : memref<1x128x128xf32, #tpu.memory_space<vmem>> -> memref<128x128xf32, #tpu.memory_space<vmem>>
      tpu.enqueue_dma source(%dma_start3A_118 : memref<128x128xf32, #tpu.memory_space<vmem>>) target(%dma_start3A_114 : memref<128x128xf32, #tpu.memory_space<hbm>>) target_semaphore(%run_scoped3A_104 : memref<!tpu.dma_semaphore, #tpu.memory_space<semaphore_mem>>)
      %dma_wait3A = arith.constant 0 : i32
      %dma_wait3A_119 = arith.constant 0 : i32
      %dma_wait3A_120 = tpu.memref_slice %arg6[%run_scoped3A_79, %dma_wait3A, %dma_wait3A_119] : memref<2x128x128xf32, #tpu.memory_space<vmem>> -> memref<1x128x128xf32, #tpu.memory_space<vmem>>
      %dma_wait3A_121 = tpu.memref_squeeze %dma_wait3A_120 : memref<1x128x128xf32, #tpu.memory_space<vmem>> -> memref<128x128xf32, #tpu.memory_space<vmem>>
      %dma_wait3A_122 = arith.constant 0 : i32
      %dma_wait3A_123 = tpu.memref_slice %arg4[%arg0, %add3A_78, %dma_wait3A_122] : memref<2x10112x128xf32, #tpu.memory_space<hbm>> -> memref<1x128x128xf32, #tpu.memory_space<hbm>>
      %dma_wait3A_124 = tpu.memref_squeeze %dma_wait3A_123 : memref<1x128x128xf32, #tpu.memory_space<hbm>> -> memref<128x128xf32, #tpu.memory_space<hbm>>
      %dma_wait3A_125 = arith.constant 0 : i32
      %dma_wait3A_126 = tpu.memref_slice %arg4[%arg0, %add3A_78, %dma_wait3A_125] : memref<2x10112x128xf32, #tpu.memory_space<hbm>> -> memref<1x128x128xf32, #tpu.memory_space<hbm>>
      %dma_wait3A_127 = tpu.memref_squeeze %dma_wait3A_126 : memref<1x128x128xf32, #tpu.memory_space<hbm>> -> memref<128x128xf32, #tpu.memory_space<hbm>>
      %dma_wait3A_128 = arith.constant 0 : i32
      %dma_wait3A_129 = arith.constant 0 : i32
      %dma_wait3A_130 = tpu.memref_slice %arg6[%run_scoped3A_79, %dma_wait3A_128, %dma_wait3A_129] : memref<2x128x128xf32, #tpu.memory_space<vmem>> -> memref<1x128x128xf32, #tpu.memory_space<vmem>>
      %dma_wait3A_131 = tpu.memref_squeeze %dma_wait3A_130 : memref<1x128x128xf32, #tpu.memory_space<vmem>> -> memref<128x128xf32, #tpu.memory_space<vmem>>
      tpu.wait_dma2 semaphore(%run_scoped3A_104 : memref<!tpu.dma_semaphore, #tpu.memory_space<semaphore_mem>>) src(%dma_wait3A_131 : memref<128x128xf32, #tpu.memory_space<vmem>>) dst(%dma_wait3A_127 : memref<128x128xf32, #tpu.memory_space<hbm>>)
      tpu.yield
    }) : () -> ()
    %add3A_80 = arith.constant 128 : i32
    %add3A_81 = arith.addi %mul3A_7, %add3A_80 : i32
    %run_scoped3A_82 = arith.constant 0 : i32
    "tpu.region"() ({
      %run_scoped3A_104 = tpu.sem_alloc : memref<!tpu.dma_semaphore, #tpu.memory_space<semaphore_mem>>
      %dma_start3A_105 = arith.constant 0 : i32
      %dma_start3A_106 = arith.constant 0 : i32
      %dma_start3A_107 = tpu.memref_slice %arg6[%run_scoped3A_82, %dma_start3A_105, %dma_start3A_106] : memref<2x128x128xf32, #tpu.memory_space<vmem>> -> memref<1x128x128xf32, #tpu.memory_space<vmem>>
      %dma_start3A_108 = tpu.memref_squeeze %dma_start3A_107 : memref<1x128x128xf32, #tpu.memory_space<vmem>> -> memref<128x128xf32, #tpu.memory_space<vmem>>
      %dma_start3A_109 = arith.constant 0 : i32
      %dma_start3A_110 = tpu.memref_slice %arg7[%add3A_81, %dma_start3A_109] : memref<10112x128xf32, #tpu.memory_space<vmem_shared>> -> memref<128x128xf32, #tpu.memory_space<vmem_shared>>
      %dma_start3A_111 = arith.constant 0 : i32
      %dma_start3A_112 = arith.constant 0 : i32
      %dma_start3A_113 = tpu.memref_slice %arg6[%run_scoped3A_82, %dma_start3A_111, %dma_start3A_112] : memref<2x128x128xf32, #tpu.memory_space<vmem>> -> memref<1x128x128xf32, #tpu.memory_space<vmem>>
      %dma_start3A_114 = tpu.memref_squeeze %dma_start3A_113 : memref<1x128x128xf32, #tpu.memory_space<vmem>> -> memref<128x128xf32, #tpu.memory_space<vmem>>
      %dma_start3A_115 = arith.constant 0 : i32
      %dma_start3A_116 = tpu.memref_slice %arg7[%add3A_81, %dma_start3A_115] : memref<10112x128xf32, #tpu.memory_space<vmem_shared>> -> memref<128x128xf32, #tpu.memory_space<vmem_shared>>
      tpu.enqueue_dma source(%dma_start3A_116 : memref<128x128xf32, #tpu.memory_space<vmem_shared>>) target(%dma_start3A_114 : memref<128x128xf32, #tpu.memory_space<vmem>>) target_semaphore(%run_scoped3A_104 : memref<!tpu.dma_semaphore, #tpu.memory_space<semaphore_mem>>)
      %dma_wait3A = arith.constant 0 : i32
      %dma_wait3A_117 = arith.constant 0 : i32
      %dma_wait3A_118 = tpu.memref_slice %arg6[%run_scoped3A_82, %dma_wait3A, %dma_wait3A_117] : memref<2x128x128xf32, #tpu.memory_space<vmem>> -> memref<1x128x128xf32, #tpu.memory_space<vmem>>
      %dma_wait3A_119 = tpu.memref_squeeze %dma_wait3A_118 : memref<1x128x128xf32, #tpu.memory_space<vmem>> -> memref<128x128xf32, #tpu.memory_space<vmem>>
      %dma_wait3A_120 = arith.constant 0 : i32
      %dma_wait3A_121 = tpu.memref_slice %arg7[%add3A_81, %dma_wait3A_120] : memref<10112x128xf32, #tpu.memory_space<vmem_shared>> -> memref<128x128xf32, #tpu.memory_space<vmem_shared>>
      %dma_wait3A_122 = arith.constant 0 : i32
      %dma_wait3A_123 = arith.constant 0 : i32
      %dma_wait3A_124 = tpu.memref_slice %arg6[%run_scoped3A_82, %dma_wait3A_122, %dma_wait3A_123] : memref<2x128x128xf32, #tpu.memory_space<vmem>> -> memref<1x128x128xf32, #tpu.memory_space<vmem>>
      %dma_wait3A_125 = tpu.memref_squeeze %dma_wait3A_124 : memref<1x128x128xf32, #tpu.memory_space<vmem>> -> memref<128x128xf32, #tpu.memory_space<vmem>>
      %dma_wait3A_126 = arith.constant 0 : i32
      %dma_wait3A_127 = tpu.memref_slice %arg7[%add3A_81, %dma_wait3A_126] : memref<10112x128xf32, #tpu.memory_space<vmem_shared>> -> memref<128x128xf32, #tpu.memory_space<vmem_shared>>
      tpu.wait_dma2 semaphore(%run_scoped3A_104 : memref<!tpu.dma_semaphore, #tpu.memory_space<semaphore_mem>>) src(%dma_wait3A_127 : memref<128x128xf32, #tpu.memory_space<vmem_shared>>) dst(%dma_wait3A_125 : memref<128x128xf32, #tpu.memory_space<vmem>>)
      tpu.yield
    }) : () -> ()
    %add3A_83 = arith.constant 128 : i32
    %add3A_84 = arith.addi %mul3A_7, %add3A_83 : i32
    %run_scoped3A_85 = arith.constant 0 : i32
    "tpu.region"() ({
      %run_scoped3A_104 = tpu.sem_alloc : memref<!tpu.dma_semaphore, #tpu.memory_space<semaphore_mem>>
      %dma_start3A_105 = arith.constant 0 : i32
      %dma_start3A_106 = arith.constant 0 : i32
      %dma_start3A_107 = tpu.memref_slice %arg6[%run_scoped3A_85, %dma_start3A_105, %dma_start3A_106] : memref<2x128x128xf32, #tpu.memory_space<vmem>> -> memref<1x128x128xf32, #tpu.memory_space<vmem>>
      %dma_start3A_108 = tpu.memref_squeeze %dma_start3A_107 : memref<1x128x128xf32, #tpu.memory_space<vmem>> -> memref<128x128xf32, #tpu.memory_space<vmem>>
      %dma_start3A_109 = arith.constant 0 : i32
      %dma_start3A_110 = tpu.memref_slice %arg4[%arg0, %add3A_84, %dma_start3A_109] : memref<2x10112x128xf32, #tpu.memory_space<hbm>> -> memref<1x128x128xf32, #tpu.memory_space<hbm>>
      %dma_start3A_111 = tpu.memref_squeeze %dma_start3A_110 : memref<1x128x128xf32, #tpu.memory_space<hbm>> -> memref<128x128xf32, #tpu.memory_space<hbm>>
      %dma_start3A_112 = arith.constant 0 : i32
      %dma_start3A_113 = tpu.memref_slice %arg4[%arg0, %add3A_84, %dma_start3A_112] : memref<2x10112x128xf32, #tpu.memory_space<hbm>> -> memref<1x128x128xf32, #tpu.memory_space<hbm>>
      %dma_start3A_114 = tpu.memref_squeeze %dma_start3A_113 : memref<1x128x128xf32, #tpu.memory_space<hbm>> -> memref<128x128xf32, #tpu.memory_space<hbm>>
      %dma_start3A_115 = arith.constant 0 : i32
      %dma_start3A_116 = arith.constant 0 : i32
      %dma_start3A_117 = tpu.memref_slice %arg6[%run_scoped3A_85, %dma_start3A_115, %dma_start3A_116] : memref<2x128x128xf32, #tpu.memory_space<vmem>> -> memref<1x128x128xf32, #tpu.memory_space<vmem>>
      %dma_start3A_118 = tpu.memref_squeeze %dma_start3A_117 : memref<1x128x128xf32, #tpu.memory_space<vmem>> -> memref<128x128xf32, #tpu.memory_space<vmem>>
      tpu.enqueue_dma source(%dma_start3A_118 : memref<128x128xf32, #tpu.memory_space<vmem>>) target(%dma_start3A_114 : memref<128x128xf32, #tpu.memory_space<hbm>>) target_semaphore(%run_scoped3A_104 : memref<!tpu.dma_semaphore, #tpu.memory_space<semaphore_mem>>)
      %dma_wait3A = arith.constant 0 : i32
      %dma_wait3A_119 = arith.constant 0 : i32
      %dma_wait3A_120 = tpu.memref_slice %arg6[%run_scoped3A_85, %dma_wait3A, %dma_wait3A_119] : memref<2x128x128xf32, #tpu.memory_space<vmem>> -> memref<1x128x128xf32, #tpu.memory_space<vmem>>
      %dma_wait3A_121 = tpu.memref_squeeze %dma_wait3A_120 : memref<1x128x128xf32, #tpu.memory_space<vmem>> -> memref<128x128xf32, #tpu.memory_space<vmem>>
      %dma_wait3A_122 = arith.constant 0 : i32
      %dma_wait3A_123 = tpu.memref_slice %arg4[%arg0, %add3A_84, %dma_wait3A_122] : memref<2x10112x128xf32, #tpu.memory_space<hbm>> -> memref<1x128x128xf32, #tpu.memory_space<hbm>>
      %dma_wait3A_124 = tpu.memref_squeeze %dma_wait3A_123 : memref<1x128x128xf32, #tpu.memory_space<hbm>> -> memref<128x128xf32, #tpu.memory_space<hbm>>
      %dma_wait3A_125 = arith.constant 0 : i32
      %dma_wait3A_126 = tpu.memref_slice %arg4[%arg0, %add3A_84, %dma_wait3A_125] : memref<2x10112x128xf32, #tpu.memory_space<hbm>> -> memref<1x128x128xf32, #tpu.memory_space<hbm>>
      %dma_wait3A_127 = tpu.memref_squeeze %dma_wait3A_126 : memref<1x128x128xf32, #tpu.memory_space<hbm>> -> memref<128x128xf32, #tpu.memory_space<hbm>>
      %dma_wait3A_128 = arith.constant 0 : i32
      %dma_wait3A_129 = arith.constant 0 : i32
      %dma_wait3A_130 = tpu.memref_slice %arg6[%run_scoped3A_85, %dma_wait3A_128, %dma_wait3A_129] : memref<2x128x128xf32, #tpu.memory_space<vmem>> -> memref<1x128x128xf32, #tpu.memory_space<vmem>>
      %dma_wait3A_131 = tpu.memref_squeeze %dma_wait3A_130 : memref<1x128x128xf32, #tpu.memory_space<vmem>> -> memref<128x128xf32, #tpu.memory_space<vmem>>
      tpu.wait_dma2 semaphore(%run_scoped3A_104 : memref<!tpu.dma_semaphore, #tpu.memory_space<semaphore_mem>>) src(%dma_wait3A_131 : memref<128x128xf32, #tpu.memory_space<vmem>>) dst(%dma_wait3A_127 : memref<128x128xf32, #tpu.memory_space<hbm>>)
      tpu.yield
    }) : () -> ()
    %add3A_86 = arith.constant 256 : i32
    %add3A_87 = arith.addi %mul3A_7, %add3A_86 : i32
    %run_scoped3A_88 = arith.constant 0 : i32
    "tpu.region"() ({
      %run_scoped3A_104 = tpu.sem_alloc : memref<!tpu.dma_semaphore, #tpu.memory_space<semaphore_mem>>
      %dma_start3A_105 = arith.constant 0 : i32
      %dma_start3A_106 = arith.constant 0 : i32
      %dma_start3A_107 = tpu.memref_slice %arg6[%run_scoped3A_88, %dma_start3A_105, %dma_start3A_106] : memref<2x128x128xf32, #tpu.memory_space<vmem>> -> memref<1x128x128xf32, #tpu.memory_space<vmem>>
      %dma_start3A_108 = tpu.memref_squeeze %dma_start3A_107 : memref<1x128x128xf32, #tpu.memory_space<vmem>> -> memref<128x128xf32, #tpu.memory_space<vmem>>
      %dma_start3A_109 = arith.constant 0 : i32
      %dma_start3A_110 = tpu.memref_slice %arg7[%add3A_87, %dma_start3A_109] : memref<10112x128xf32, #tpu.memory_space<vmem_shared>> -> memref<128x128xf32, #tpu.memory_space<vmem_shared>>
      %dma_start3A_111 = arith.constant 0 : i32
      %dma_start3A_112 = arith.constant 0 : i32
      %dma_start3A_113 = tpu.memref_slice %arg6[%run_scoped3A_88, %dma_start3A_111, %dma_start3A_112] : memref<2x128x128xf32, #tpu.memory_space<vmem>> -> memref<1x128x128xf32, #tpu.memory_space<vmem>>
      %dma_start3A_114 = tpu.memref_squeeze %dma_start3A_113 : memref<1x128x128xf32, #tpu.memory_space<vmem>> -> memref<128x128xf32, #tpu.memory_space<vmem>>
      %dma_start3A_115 = arith.constant 0 : i32
      %dma_start3A_116 = tpu.memref_slice %arg7[%add3A_87, %dma_start3A_115] : memref<10112x128xf32, #tpu.memory_space<vmem_shared>> -> memref<128x128xf32, #tpu.memory_space<vmem_shared>>
      tpu.enqueue_dma source(%dma_start3A_116 : memref<128x128xf32, #tpu.memory_space<vmem_shared>>) target(%dma_start3A_114 : memref<128x128xf32, #tpu.memory_space<vmem>>) target_semaphore(%run_scoped3A_104 : memref<!tpu.dma_semaphore, #tpu.memory_space<semaphore_mem>>)
      %dma_wait3A = arith.constant 0 : i32
      %dma_wait3A_117 = arith.constant 0 : i32
      %dma_wait3A_118 = tpu.memref_slice %arg6[%run_scoped3A_88, %dma_wait3A, %dma_wait3A_117] : memref<2x128x128xf32, #tpu.memory_space<vmem>> -> memref<1x128x128xf32, #tpu.memory_space<vmem>>
      %dma_wait3A_119 = tpu.memref_squeeze %dma_wait3A_118 : memref<1x128x128xf32, #tpu.memory_space<vmem>> -> memref<128x128xf32, #tpu.memory_space<vmem>>
      %dma_wait3A_120 = arith.constant 0 : i32
      %dma_wait3A_121 = tpu.memref_slice %arg7[%add3A_87, %dma_wait3A_120] : memref<10112x128xf32, #tpu.memory_space<vmem_shared>> -> memref<128x128xf32, #tpu.memory_space<vmem_shared>>
      %dma_wait3A_122 = arith.constant 0 : i32
      %dma_wait3A_123 = arith.constant 0 : i32
      %dma_wait3A_124 = tpu.memref_slice %arg6[%run_scoped3A_88, %dma_wait3A_122, %dma_wait3A_123] : memref<2x128x128xf32, #tpu.memory_space<vmem>> -> memref<1x128x128xf32, #tpu.memory_space<vmem>>
      %dma_wait3A_125 = tpu.memref_squeeze %dma_wait3A_124 : memref<1x128x128xf32, #tpu.memory_space<vmem>> -> memref<128x128xf32, #tpu.memory_space<vmem>>
      %dma_wait3A_126 = arith.constant 0 : i32
      %dma_wait3A_127 = tpu.memref_slice %arg7[%add3A_87, %dma_wait3A_126] : memref<10112x128xf32, #tpu.memory_space<vmem_shared>> -> memref<128x128xf32, #tpu.memory_space<vmem_shared>>
      tpu.wait_dma2 semaphore(%run_scoped3A_104 : memref<!tpu.dma_semaphore, #tpu.memory_space<semaphore_mem>>) src(%dma_wait3A_127 : memref<128x128xf32, #tpu.memory_space<vmem_shared>>) dst(%dma_wait3A_125 : memref<128x128xf32, #tpu.memory_space<vmem>>)
      tpu.yield
    }) : () -> ()
    %add3A_89 = arith.constant 256 : i32
    %add3A_90 = arith.addi %mul3A_7, %add3A_89 : i32
    %run_scoped3A_91 = arith.constant 0 : i32
    "tpu.region"() ({
      %run_scoped3A_104 = tpu.sem_alloc : memref<!tpu.dma_semaphore, #tpu.memory_space<semaphore_mem>>
      %dma_start3A_105 = arith.constant 0 : i32
      %dma_start3A_106 = arith.constant 0 : i32
      %dma_start3A_107 = tpu.memref_slice %arg6[%run_scoped3A_91, %dma_start3A_105, %dma_start3A_106] : memref<2x128x128xf32, #tpu.memory_space<vmem>> -> memref<1x128x128xf32, #tpu.memory_space<vmem>>
      %dma_start3A_108 = tpu.memref_squeeze %dma_start3A_107 : memref<1x128x128xf32, #tpu.memory_space<vmem>> -> memref<128x128xf32, #tpu.memory_space<vmem>>
      %dma_start3A_109 = arith.constant 0 : i32
      %dma_start3A_110 = tpu.memref_slice %arg4[%arg0, %add3A_90, %dma_start3A_109] : memref<2x10112x128xf32, #tpu.memory_space<hbm>> -> memref<1x128x128xf32, #tpu.memory_space<hbm>>
      %dma_start3A_111 = tpu.memref_squeeze %dma_start3A_110 : memref<1x128x128xf32, #tpu.memory_space<hbm>> -> memref<128x128xf32, #tpu.memory_space<hbm>>
      %dma_start3A_112 = arith.constant 0 : i32
      %dma_start3A_113 = tpu.memref_slice %arg4[%arg0, %add3A_90, %dma_start3A_112] : memref<2x10112x128xf32, #tpu.memory_space<hbm>> -> memref<1x128x128xf32, #tpu.memory_space<hbm>>
      %dma_start3A_114 = tpu.memref_squeeze %dma_start3A_113 : memref<1x128x128xf32, #tpu.memory_space<hbm>> -> memref<128x128xf32, #tpu.memory_space<hbm>>
      %dma_start3A_115 = arith.constant 0 : i32
      %dma_start3A_116 = arith.constant 0 : i32
      %dma_start3A_117 = tpu.memref_slice %arg6[%run_scoped3A_91, %dma_start3A_115, %dma_start3A_116] : memref<2x128x128xf32, #tpu.memory_space<vmem>> -> memref<1x128x128xf32, #tpu.memory_space<vmem>>
      %dma_start3A_118 = tpu.memref_squeeze %dma_start3A_117 : memref<1x128x128xf32, #tpu.memory_space<vmem>> -> memref<128x128xf32, #tpu.memory_space<vmem>>
      tpu.enqueue_dma source(%dma_start3A_118 : memref<128x128xf32, #tpu.memory_space<vmem>>) target(%dma_start3A_114 : memref<128x128xf32, #tpu.memory_space<hbm>>) target_semaphore(%run_scoped3A_104 : memref<!tpu.dma_semaphore, #tpu.memory_space<semaphore_mem>>)
      %dma_wait3A = arith.constant 0 : i32
      %dma_wait3A_119 = arith.constant 0 : i32
      %dma_wait3A_120 = tpu.memref_slice %arg6[%run_scoped3A_91, %dma_wait3A, %dma_wait3A_119] : memref<2x128x128xf32, #tpu.memory_space<vmem>> -> memref<1x128x128xf32, #tpu.memory_space<vmem>>
      %dma_wait3A_121 = tpu.memref_squeeze %dma_wait3A_120 : memref<1x128x128xf32, #tpu.memory_space<vmem>> -> memref<128x128xf32, #tpu.memory_space<vmem>>
      %dma_wait3A_122 = arith.constant 0 : i32
      %dma_wait3A_123 = tpu.memref_slice %arg4[%arg0, %add3A_90, %dma_wait3A_122] : memref<2x10112x128xf32, #tpu.memory_space<hbm>> -> memref<1x128x128xf32, #tpu.memory_space<hbm>>
      %dma_wait3A_124 = tpu.memref_squeeze %dma_wait3A_123 : memref<1x128x128xf32, #tpu.memory_space<hbm>> -> memref<128x128xf32, #tpu.memory_space<hbm>>
      %dma_wait3A_125 = arith.constant 0 : i32
      %dma_wait3A_126 = tpu.memref_slice %arg4[%arg0, %add3A_90, %dma_wait3A_125] : memref<2x10112x128xf32, #tpu.memory_space<hbm>> -> memref<1x128x128xf32, #tpu.memory_space<hbm>>
      %dma_wait3A_127 = tpu.memref_squeeze %dma_wait3A_126 : memref<1x128x128xf32, #tpu.memory_space<hbm>> -> memref<128x128xf32, #tpu.memory_space<hbm>>
      %dma_wait3A_128 = arith.constant 0 : i32
      %dma_wait3A_129 = arith.constant 0 : i32
      %dma_wait3A_130 = tpu.memref_slice %arg6[%run_scoped3A_91, %dma_wait3A_128, %dma_wait3A_129] : memref<2x128x128xf32, #tpu.memory_space<vmem>> -> memref<1x128x128xf32, #tpu.memory_space<vmem>>
      %dma_wait3A_131 = tpu.memref_squeeze %dma_wait3A_130 : memref<1x128x128xf32, #tpu.memory_space<vmem>> -> memref<128x128xf32, #tpu.memory_space<vmem>>
      tpu.wait_dma2 semaphore(%run_scoped3A_104 : memref<!tpu.dma_semaphore, #tpu.memory_space<semaphore_mem>>) src(%dma_wait3A_131 : memref<128x128xf32, #tpu.memory_space<vmem>>) dst(%dma_wait3A_127 : memref<128x128xf32, #tpu.memory_space<hbm>>)
      tpu.yield
    }) : () -> ()
    %add3A_92 = arith.constant 384 : i32
    %add3A_93 = arith.addi %mul3A_7, %add3A_92 : i32
    %run_scoped3A_94 = arith.constant 0 : i32
    "tpu.region"() ({
      %run_scoped3A_104 = tpu.sem_alloc : memref<!tpu.dma_semaphore, #tpu.memory_space<semaphore_mem>>
      %dma_start3A_105 = arith.constant 0 : i32
      %dma_start3A_106 = arith.constant 0 : i32
      %dma_start3A_107 = tpu.memref_slice %arg6[%run_scoped3A_94, %dma_start3A_105, %dma_start3A_106] : memref<2x128x128xf32, #tpu.memory_space<vmem>> -> memref<1x128x128xf32, #tpu.memory_space<vmem>>
      %dma_start3A_108 = tpu.memref_squeeze %dma_start3A_107 : memref<1x128x128xf32, #tpu.memory_space<vmem>> -> memref<128x128xf32, #tpu.memory_space<vmem>>
      %dma_start3A_109 = arith.constant 0 : i32
      %dma_start3A_110 = tpu.memref_slice %arg7[%add3A_93, %dma_start3A_109] : memref<10112x128xf32, #tpu.memory_space<vmem_shared>> -> memref<128x128xf32, #tpu.memory_space<vmem_shared>>
      %dma_start3A_111 = arith.constant 0 : i32
      %dma_start3A_112 = arith.constant 0 : i32
      %dma_start3A_113 = tpu.memref_slice %arg6[%run_scoped3A_94, %dma_start3A_111, %dma_start3A_112] : memref<2x128x128xf32, #tpu.memory_space<vmem>> -> memref<1x128x128xf32, #tpu.memory_space<vmem>>
      %dma_start3A_114 = tpu.memref_squeeze %dma_start3A_113 : memref<1x128x128xf32, #tpu.memory_space<vmem>> -> memref<128x128xf32, #tpu.memory_space<vmem>>
      %dma_start3A_115 = arith.constant 0 : i32
      %dma_start3A_116 = tpu.memref_slice %arg7[%add3A_93, %dma_start3A_115] : memref<10112x128xf32, #tpu.memory_space<vmem_shared>> -> memref<128x128xf32, #tpu.memory_space<vmem_shared>>
      tpu.enqueue_dma source(%dma_start3A_116 : memref<128x128xf32, #tpu.memory_space<vmem_shared>>) target(%dma_start3A_114 : memref<128x128xf32, #tpu.memory_space<vmem>>) target_semaphore(%run_scoped3A_104 : memref<!tpu.dma_semaphore, #tpu.memory_space<semaphore_mem>>)
      %dma_wait3A = arith.constant 0 : i32
      %dma_wait3A_117 = arith.constant 0 : i32
      %dma_wait3A_118 = tpu.memref_slice %arg6[%run_scoped3A_94, %dma_wait3A, %dma_wait3A_117] : memref<2x128x128xf32, #tpu.memory_space<vmem>> -> memref<1x128x128xf32, #tpu.memory_space<vmem>>
      %dma_wait3A_119 = tpu.memref_squeeze %dma_wait3A_118 : memref<1x128x128xf32, #tpu.memory_space<vmem>> -> memref<128x128xf32, #tpu.memory_space<vmem>>
      %dma_wait3A_120 = arith.constant 0 : i32
      %dma_wait3A_121 = tpu.memref_slice %arg7[%add3A_93, %dma_wait3A_120] : memref<10112x128xf32, #tpu.memory_space<vmem_shared>> -> memref<128x128xf32, #tpu.memory_space<vmem_shared>>
      %dma_wait3A_122 = arith.constant 0 : i32
      %dma_wait3A_123 = arith.constant 0 : i32
      %dma_wait3A_124 = tpu.memref_slice %arg6[%run_scoped3A_94, %dma_wait3A_122, %dma_wait3A_123] : memref<2x128x128xf32, #tpu.memory_space<vmem>> -> memref<1x128x128xf32, #tpu.memory_space<vmem>>
      %dma_wait3A_125 = tpu.memref_squeeze %dma_wait3A_124 : memref<1x128x128xf32, #tpu.memory_space<vmem>> -> memref<128x128xf32, #tpu.memory_space<vmem>>
      %dma_wait3A_126 = arith.constant 0 : i32
      %dma_wait3A_127 = tpu.memref_slice %arg7[%add3A_93, %dma_wait3A_126] : memref<10112x128xf32, #tpu.memory_space<vmem_shared>> -> memref<128x128xf32, #tpu.memory_space<vmem_shared>>
      tpu.wait_dma2 semaphore(%run_scoped3A_104 : memref<!tpu.dma_semaphore, #tpu.memory_space<semaphore_mem>>) src(%dma_wait3A_127 : memref<128x128xf32, #tpu.memory_space<vmem_shared>>) dst(%dma_wait3A_125 : memref<128x128xf32, #tpu.memory_space<vmem>>)
      tpu.yield
    }) : () -> ()
    %add3A_95 = arith.constant 384 : i32
    %add3A_96 = arith.addi %mul3A_7, %add3A_95 : i32
    %run_scoped3A_97 = arith.constant 0 : i32
    "tpu.region"() ({
      %run_scoped3A_104 = tpu.sem_alloc : memref<!tpu.dma_semaphore, #tpu.memory_space<semaphore_mem>>
      %dma_start3A_105 = arith.constant 0 : i32
      %dma_start3A_106 = arith.constant 0 : i32
      %dma_start3A_107 = tpu.memref_slice %arg6[%run_scoped3A_97, %dma_start3A_105, %dma_start3A_106] : memref<2x128x128xf32, #tpu.memory_space<vmem>> -> memref<1x128x128xf32, #tpu.memory_space<vmem>>
      %dma_start3A_108 = tpu.memref_squeeze %dma_start3A_107 : memref<1x128x128xf32, #tpu.memory_space<vmem>> -> memref<128x128xf32, #tpu.memory_space<vmem>>
      %dma_start3A_109 = arith.constant 0 : i32
      %dma_start3A_110 = tpu.memref_slice %arg4[%arg0, %add3A_96, %dma_start3A_109] : memref<2x10112x128xf32, #tpu.memory_space<hbm>> -> memref<1x128x128xf32, #tpu.memory_space<hbm>>
      %dma_start3A_111 = tpu.memref_squeeze %dma_start3A_110 : memref<1x128x128xf32, #tpu.memory_space<hbm>> -> memref<128x128xf32, #tpu.memory_space<hbm>>
      %dma_start3A_112 = arith.constant 0 : i32
      %dma_start3A_113 = tpu.memref_slice %arg4[%arg0, %add3A_96, %dma_start3A_112] : memref<2x10112x128xf32, #tpu.memory_space<hbm>> -> memref<1x128x128xf32, #tpu.memory_space<hbm>>
      %dma_start3A_114 = tpu.memref_squeeze %dma_start3A_113 : memref<1x128x128xf32, #tpu.memory_space<hbm>> -> memref<128x128xf32, #tpu.memory_space<hbm>>
      %dma_start3A_115 = arith.constant 0 : i32
      %dma_start3A_116 = arith.constant 0 : i32
      %dma_start3A_117 = tpu.memref_slice %arg6[%run_scoped3A_97, %dma_start3A_115, %dma_start3A_116] : memref<2x128x128xf32, #tpu.memory_space<vmem>> -> memref<1x128x128xf32, #tpu.memory_space<vmem>>
      %dma_start3A_118 = tpu.memref_squeeze %dma_start3A_117 : memref<1x128x128xf32, #tpu.memory_space<vmem>> -> memref<128x128xf32, #tpu.memory_space<vmem>>
      tpu.enqueue_dma source(%dma_start3A_118 : memref<128x128xf32, #tpu.memory_space<vmem>>) target(%dma_start3A_114 : memref<128x128xf32, #tpu.memory_space<hbm>>) target_semaphore(%run_scoped3A_104 : memref<!tpu.dma_semaphore, #tpu.memory_space<semaphore_mem>>)
      %dma_wait3A = arith.constant 0 : i32
      %dma_wait3A_119 = arith.constant 0 : i32
      %dma_wait3A_120 = tpu.memref_slice %arg6[%run_scoped3A_97, %dma_wait3A, %dma_wait3A_119] : memref<2x128x128xf32, #tpu.memory_space<vmem>> -> memref<1x128x128xf32, #tpu.memory_space<vmem>>
      %dma_wait3A_121 = tpu.memref_squeeze %dma_wait3A_120 : memref<1x128x128xf32, #tpu.memory_space<vmem>> -> memref<128x128xf32, #tpu.memory_space<vmem>>
      %dma_wait3A_122 = arith.constant 0 : i32
      %dma_wait3A_123 = tpu.memref_slice %arg4[%arg0, %add3A_96, %dma_wait3A_122] : memref<2x10112x128xf32, #tpu.memory_space<hbm>> -> memref<1x128x128xf32, #tpu.memory_space<hbm>>
      %dma_wait3A_124 = tpu.memref_squeeze %dma_wait3A_123 : memref<1x128x128xf32, #tpu.memory_space<hbm>> -> memref<128x128xf32, #tpu.memory_space<hbm>>
      %dma_wait3A_125 = arith.constant 0 : i32
      %dma_wait3A_126 = tpu.memref_slice %arg4[%arg0, %add3A_96, %dma_wait3A_125] : memref<2x10112x128xf32, #tpu.memory_space<hbm>> -> memref<1x128x128xf32, #tpu.memory_space<hbm>>
      %dma_wait3A_127 = tpu.memref_squeeze %dma_wait3A_126 : memref<1x128x128xf32, #tpu.memory_space<hbm>> -> memref<128x128xf32, #tpu.memory_space<hbm>>
      %dma_wait3A_128 = arith.constant 0 : i32
      %dma_wait3A_129 = arith.constant 0 : i32
      %dma_wait3A_130 = tpu.memref_slice %arg6[%run_scoped3A_97, %dma_wait3A_128, %dma_wait3A_129] : memref<2x128x128xf32, #tpu.memory_space<vmem>> -> memref<1x128x128xf32, #tpu.memory_space<vmem>>
      %dma_wait3A_131 = tpu.memref_squeeze %dma_wait3A_130 : memref<1x128x128xf32, #tpu.memory_space<vmem>> -> memref<128x128xf32, #tpu.memory_space<vmem>>
      tpu.wait_dma2 semaphore(%run_scoped3A_104 : memref<!tpu.dma_semaphore, #tpu.memory_space<semaphore_mem>>) src(%dma_wait3A_131 : memref<128x128xf32, #tpu.memory_space<vmem>>) dst(%dma_wait3A_127 : memref<128x128xf32, #tpu.memory_space<hbm>>)
      tpu.yield
    }) : () -> ()
    %add3A_98 = arith.constant 512 : i32
    %add3A_99 = arith.addi %mul3A_7, %add3A_98 : i32
    %run_scoped3A_100 = arith.constant 0 : i32
    "tpu.region"() ({
      %run_scoped3A_104 = tpu.sem_alloc : memref<!tpu.dma_semaphore, #tpu.memory_space<semaphore_mem>>
      %dma_start3A_105 = arith.constant 0 : i32
      %dma_start3A_106 = arith.constant 0 : i32
      %dma_start3A_107 = tpu.memref_slice %arg6[%run_scoped3A_100, %dma_start3A_105, %dma_start3A_106] : memref<2x128x128xf32, #tpu.memory_space<vmem>> -> memref<1x120x128xf32, #tpu.memory_space<vmem>>
      %dma_start3A_108 = tpu.memref_squeeze %dma_start3A_107 : memref<1x120x128xf32, #tpu.memory_space<vmem>> -> memref<120x128xf32, #tpu.memory_space<vmem>>
      %dma_start3A_109 = arith.constant 0 : i32
      %dma_start3A_110 = tpu.memref_slice %arg7[%add3A_99, %dma_start3A_109] : memref<10112x128xf32, #tpu.memory_space<vmem_shared>> -> memref<120x128xf32, #tpu.memory_space<vmem_shared>>
      %dma_start3A_111 = arith.constant 0 : i32
      %dma_start3A_112 = arith.constant 0 : i32
      %dma_start3A_113 = tpu.memref_slice %arg6[%run_scoped3A_100, %dma_start3A_111, %dma_start3A_112] : memref<2x128x128xf32, #tpu.memory_space<vmem>> -> memref<1x120x128xf32, #tpu.memory_space<vmem>>
      %dma_start3A_114 = tpu.memref_squeeze %dma_start3A_113 : memref<1x120x128xf32, #tpu.memory_space<vmem>> -> memref<120x128xf32, #tpu.memory_space<vmem>>
      %dma_start3A_115 = arith.constant 0 : i32
      %dma_start3A_116 = tpu.memref_slice %arg7[%add3A_99, %dma_start3A_115] : memref<10112x128xf32, #tpu.memory_space<vmem_shared>> -> memref<120x128xf32, #tpu.memory_space<vmem_shared>>
      tpu.enqueue_dma source(%dma_start3A_116 : memref<120x128xf32, #tpu.memory_space<vmem_shared>>) target(%dma_start3A_114 : memref<120x128xf32, #tpu.memory_space<vmem>>) target_semaphore(%run_scoped3A_104 : memref<!tpu.dma_semaphore, #tpu.memory_space<semaphore_mem>>)
      %dma_wait3A = arith.constant 0 : i32
      %dma_wait3A_117 = arith.constant 0 : i32
      %dma_wait3A_118 = tpu.memref_slice %arg6[%run_scoped3A_100, %dma_wait3A, %dma_wait3A_117] : memref<2x128x128xf32, #tpu.memory_space<vmem>> -> memref<1x120x128xf32, #tpu.memory_space<vmem>>
      %dma_wait3A_119 = tpu.memref_squeeze %dma_wait3A_118 : memref<1x120x128xf32, #tpu.memory_space<vmem>> -> memref<120x128xf32, #tpu.memory_space<vmem>>
      %dma_wait3A_120 = arith.constant 0 : i32
      %dma_wait3A_121 = tpu.memref_slice %arg7[%add3A_99, %dma_wait3A_120] : memref<10112x128xf32, #tpu.memory_space<vmem_shared>> -> memref<120x128xf32, #tpu.memory_space<vmem_shared>>
      %dma_wait3A_122 = arith.constant 0 : i32
      %dma_wait3A_123 = arith.constant 0 : i32
      %dma_wait3A_124 = tpu.memref_slice %arg6[%run_scoped3A_100, %dma_wait3A_122, %dma_wait3A_123] : memref<2x128x128xf32, #tpu.memory_space<vmem>> -> memref<1x120x128xf32, #tpu.memory_space<vmem>>
      %dma_wait3A_125 = tpu.memref_squeeze %dma_wait3A_124 : memref<1x120x128xf32, #tpu.memory_space<vmem>> -> memref<120x128xf32, #tpu.memory_space<vmem>>
      %dma_wait3A_126 = arith.constant 0 : i32
      %dma_wait3A_127 = tpu.memref_slice %arg7[%add3A_99, %dma_wait3A_126] : memref<10112x128xf32, #tpu.memory_space<vmem_shared>> -> memref<120x128xf32, #tpu.memory_space<vmem_shared>>
      tpu.wait_dma2 semaphore(%run_scoped3A_104 : memref<!tpu.dma_semaphore, #tpu.memory_space<semaphore_mem>>) src(%dma_wait3A_127 : memref<120x128xf32, #tpu.memory_space<vmem_shared>>) dst(%dma_wait3A_125 : memref<120x128xf32, #tpu.memory_space<vmem>>)
      tpu.yield
    }) : () -> ()
    %add3A_101 = arith.constant 512 : i32
    %add3A_102 = arith.addi %mul3A_7, %add3A_101 : i32
    %run_scoped3A_103 = arith.constant 0 : i32
    "tpu.region"() ({
      %run_scoped3A_104 = tpu.sem_alloc : memref<!tpu.dma_semaphore, #tpu.memory_space<semaphore_mem>>
      %dma_start3A_105 = arith.constant 0 : i32
      %dma_start3A_106 = arith.constant 0 : i32
      %dma_start3A_107 = tpu.memref_slice %arg6[%run_scoped3A_103, %dma_start3A_105, %dma_start3A_106] : memref<2x128x128xf32, #tpu.memory_space<vmem>> -> memref<1x120x128xf32, #tpu.memory_space<vmem>>
      %dma_start3A_108 = tpu.memref_squeeze %dma_start3A_107 : memref<1x120x128xf32, #tpu.memory_space<vmem>> -> memref<120x128xf32, #tpu.memory_space<vmem>>
      %dma_start3A_109 = arith.constant 0 : i32
      %dma_start3A_110 = tpu.memref_slice %arg4[%arg0, %add3A_102, %dma_start3A_109] : memref<2x10112x128xf32, #tpu.memory_space<hbm>> -> memref<1x120x128xf32, #tpu.memory_space<hbm>>
      %dma_start3A_111 = tpu.memref_squeeze %dma_start3A_110 : memref<1x120x128xf32, #tpu.memory_space<hbm>> -> memref<120x128xf32, #tpu.memory_space<hbm>>
      %dma_start3A_112 = arith.constant 0 : i32
      %dma_start3A_113 = tpu.memref_slice %arg4[%arg0, %add3A_102, %dma_start3A_112] : memref<2x10112x128xf32, #tpu.memory_space<hbm>> -> memref<1x120x128xf32, #tpu.memory_space<hbm>>
      %dma_start3A_114 = tpu.memref_squeeze %dma_start3A_113 : memref<1x120x128xf32, #tpu.memory_space<hbm>> -> memref<120x128xf32, #tpu.memory_space<hbm>>
      %dma_start3A_115 = arith.constant 0 : i32
      %dma_start3A_116 = arith.constant 0 : i32
      %dma_start3A_117 = tpu.memref_slice %arg6[%run_scoped3A_103, %dma_start3A_115, %dma_start3A_116] : memref<2x128x128xf32, #tpu.memory_space<vmem>> -> memref<1x120x128xf32, #tpu.memory_space<vmem>>
      %dma_start3A_118 = tpu.memref_squeeze %dma_start3A_117 : memref<1x120x128xf32, #tpu.memory_space<vmem>> -> memref<120x128xf32, #tpu.memory_space<vmem>>
      tpu.enqueue_dma source(%dma_start3A_118 : memref<120x128xf32, #tpu.memory_space<vmem>>) target(%dma_start3A_114 : memref<120x128xf32, #tpu.memory_space<hbm>>) target_semaphore(%run_scoped3A_104 : memref<!tpu.dma_semaphore, #tpu.memory_space<semaphore_mem>>)
      %dma_wait3A = arith.constant 0 : i32
      %dma_wait3A_119 = arith.constant 0 : i32
      %dma_wait3A_120 = tpu.memref_slice %arg6[%run_scoped3A_103, %dma_wait3A, %dma_wait3A_119] : memref<2x128x128xf32, #tpu.memory_space<vmem>> -> memref<1x120x128xf32, #tpu.memory_space<vmem>>
      %dma_wait3A_121 = tpu.memref_squeeze %dma_wait3A_120 : memref<1x120x128xf32, #tpu.memory_space<vmem>> -> memref<120x128xf32, #tpu.memory_space<vmem>>
      %dma_wait3A_122 = arith.constant 0 : i32
      %dma_wait3A_123 = tpu.memref_slice %arg4[%arg0, %add3A_102, %dma_wait3A_122] : memref<2x10112x128xf32, #tpu.memory_space<hbm>> -> memref<1x120x128xf32, #tpu.memory_space<hbm>>
      %dma_wait3A_124 = tpu.memref_squeeze %dma_wait3A_123 : memref<1x120x128xf32, #tpu.memory_space<hbm>> -> memref<120x128xf32, #tpu.memory_space<hbm>>
      %dma_wait3A_125 = arith.constant 0 : i32
      %dma_wait3A_126 = tpu.memref_slice %arg4[%arg0, %add3A_102, %dma_wait3A_125] : memref<2x10112x128xf32, #tpu.memory_space<hbm>> -> memref<1x120x128xf32, #tpu.memory_space<hbm>>
      %dma_wait3A_127 = tpu.memref_squeeze %dma_wait3A_126 : memref<1x120x128xf32, #tpu.memory_space<hbm>> -> memref<120x128xf32, #tpu.memory_space<hbm>>
      %dma_wait3A_128 = arith.constant 0 : i32
      %dma_wait3A_129 = arith.constant 0 : i32
      %dma_wait3A_130 = tpu.memref_slice %arg6[%run_scoped3A_103, %dma_wait3A_128, %dma_wait3A_129] : memref<2x128x128xf32, #tpu.memory_space<vmem>> -> memref<1x120x128xf32, #tpu.memory_space<vmem>>
      %dma_wait3A_131 = tpu.memref_squeeze %dma_wait3A_130 : memref<1x120x128xf32, #tpu.memory_space<vmem>> -> memref<120x128xf32, #tpu.memory_space<vmem>>
      tpu.wait_dma2 semaphore(%run_scoped3A_104 : memref<!tpu.dma_semaphore, #tpu.memory_space<semaphore_mem>>) src(%dma_wait3A_131 : memref<120x128xf32, #tpu.memory_space<vmem>>) dst(%dma_wait3A_127 : memref<120x128xf32, #tpu.memory_space<hbm>>)
      tpu.yield
    }) : () -> ()
    return
  }
}

#map = affine_map<(d0, d1) -> (0, 0)>
#map1 = affine_map<(d0, d1) -> (0, 0, 0, 0)>
#map2 = affine_map<(d0, d1) -> (0, 0, 0)>
module attributes {stable_mosaic.version = 14 : i64} {
  func.func @_sc_segsum_body(%arg0: i32, %arg1: i32, %arg2: memref<10000x128xf32, #tpu.memory_space<hbm>>, %arg3: memref<32x80x2x128xi32, #tpu.memory_space<hbm>>, %arg4: memref<2x10112x128xf32, #tpu.memory_space<hbm>>, %arg5: memref<2x2x128xi32, #tpu.memory_space<vmem>>, %arg6: memref<2x128x128xf32, #tpu.memory_space<vmem>>, %arg7: memref<10112x128xf32, #tpu.memory_space<vmem_shared>>, %arg8: memref<!tpu.dma_semaphore, #tpu.memory_space<semaphore_mem>>, %arg9: memref<!tpu.dma_semaphore, #tpu.memory_space<semaphore_mem>>, %arg10: memref<!tpu.dma_semaphore, #tpu.memory_space<semaphore_mem>>, %arg11: memref<!tpu.dma_semaphore, #tpu.memory_space<semaphore_mem>>, %arg12: memref<!tpu.dma_semaphore, #tpu.memory_space<semaphore_mem>>, %arg13: memref<!tpu.dma_semaphore, #tpu.memory_space<semaphore_mem>>) attributes {dimension_semantics = [#tpu.dimension_semantics<core_parallel>, #tpu.dimension_semantics<subcore_parallel>], iteration_bounds = array<i64: 2, 16>, scalar_prefetch = 0 : i64, scratch_operands = 9 : i64, tpu.core_type = #tpu.core_type<sc_vector_subcore>, window_params = [{transform_indices = #map}, {transform_indices = #map1}, {transform_indices = #map2}]} {
    %mul3A = arith.constant 2 : i32
    %mul3A_0 = arith.muli %arg1, %mul3A : i32
    %add3A = arith.addi %mul3A_0, %arg0 : i32
    %scan3A = arith.constant 0 : i32
    %scan3A_1 = arith.constant 0 : i32
    %scan3A_2 = arith.constant 128 : i32
    %scan3A_3 = arith.addi %scan3A_1, %scan3A_2 : i32
    %scan3A_4 = arith.constant 1 : i32
    scf.for %scan3A_104 = %scan3A_1 to %scan3A_3 step %scan3A_4  : i32 {
      %broadcast_in_dim3A = arith.constant 0.000000e+00 : f32
      %broadcast_in_dim3A_105 = vector.broadcast %broadcast_in_dim3A : f32 to vector<16xf32>
      %swap3A = arith.constant 0 : i32
      %swap3A_106 = arith.index_cast %swap3A : i32 to index
      %swap3A_107 = arith.index_cast %scan3A_104 : i32 to index
      %swap3A_108 = arith.constant 0 : index
      %swap3A_109 = tpu.vector_load %arg6[%swap3A_106, %swap3A_107, %swap3A_108] {strides = array<i32>} : memref<2x128x128xf32, #tpu.memory_space<vmem>>, vector<1x1x16xf32>,
      %swap3A_110 = vector.shape_cast %swap3A_109 : vector<1x1x16xf32> to vector<16xf32>
      %swap3A_111 = vector.shape_cast %broadcast_in_dim3A_105 : vector<16xf32> to vector<1x1x16xf32>
      tpu.vector_store %arg6[%swap3A_106, %swap3A_107, %swap3A_108], %swap3A_111 {strides = array<i32>} : memref<2x128x128xf32, #tpu.memory_space<vmem>>, vector<1x1x16xf32>,
      %broadcast_in_dim3A_112 = arith.constant 0.000000e+00 : f32
      %broadcast_in_dim3A_113 = vector.broadcast %broadcast_in_dim3A_112 : f32 to vector<16xf32>
      %swap3A_114 = arith.constant 0 : i32
      %swap3A_115 = arith.index_cast %swap3A_114 : i32 to index
      %swap3A_116 = arith.index_cast %scan3A_104 : i32 to index
      %swap3A_117 = arith.constant 16 : index
      %swap3A_118 = tpu.vector_load %arg6[%swap3A_115, %swap3A_116, %swap3A_117] {strides = array<i32>} : memref<2x128x128xf32, #tpu.memory_space<vmem>>, vector<1x1x16xf32>,
      %swap3A_119 = vector.shape_cast %swap3A_118 : vector<1x1x16xf32> to vector<16xf32>
      %swap3A_120 = vector.shape_cast %broadcast_in_dim3A_113 : vector<16xf32> to vector<1x1x16xf32>
      tpu.vector_store %arg6[%swap3A_115, %swap3A_116, %swap3A_117], %swap3A_120 {strides = array<i32>} : memref<2x128x128xf32, #tpu.memory_space<vmem>>, vector<1x1x16xf32>,
      %broadcast_in_dim3A_121 = arith.constant 0.000000e+00 : f32
      %broadcast_in_dim3A_122 = vector.broadcast %broadcast_in_dim3A_121 : f32 to vector<16xf32>
      %swap3A_123 = arith.constant 0 : i32
      %swap3A_124 = arith.index_cast %swap3A_123 : i32 to index
      %swap3A_125 = arith.index_cast %scan3A_104 : i32 to index
      %swap3A_126 = arith.constant 32 : index
      %swap3A_127 = tpu.vector_load %arg6[%swap3A_124, %swap3A_125, %swap3A_126] {strides = array<i32>} : memref<2x128x128xf32, #tpu.memory_space<vmem>>, vector<1x1x16xf32>,
      %swap3A_128 = vector.shape_cast %swap3A_127 : vector<1x1x16xf32> to vector<16xf32>
      %swap3A_129 = vector.shape_cast %broadcast_in_dim3A_122 : vector<16xf32> to vector<1x1x16xf32>
      tpu.vector_store %arg6[%swap3A_124, %swap3A_125, %swap3A_126], %swap3A_129 {strides = array<i32>} : memref<2x128x128xf32, #tpu.memory_space<vmem>>, vector<1x1x16xf32>,
      %broadcast_in_dim3A_130 = arith.constant 0.000000e+00 : f32
      %broadcast_in_dim3A_131 = vector.broadcast %broadcast_in_dim3A_130 : f32 to vector<16xf32>
      %swap3A_132 = arith.constant 0 : i32
      %swap3A_133 = arith.index_cast %swap3A_132 : i32 to index
      %swap3A_134 = arith.index_cast %scan3A_104 : i32 to index
      %swap3A_135 = arith.constant 48 : index
      %swap3A_136 = tpu.vector_load %arg6[%swap3A_133, %swap3A_134, %swap3A_135] {strides = array<i32>} : memref<2x128x128xf32, #tpu.memory_space<vmem>>, vector<1x1x16xf32>,
      %swap3A_137 = vector.shape_cast %swap3A_136 : vector<1x1x16xf32> to vector<16xf32>
      %swap3A_138 = vector.shape_cast %broadcast_in_dim3A_131 : vector<16xf32> to vector<1x1x16xf32>
      tpu.vector_store %arg6[%swap3A_133, %swap3A_134, %swap3A_135], %swap3A_138 {strides = array<i32>} : memref<2x128x128xf32, #tpu.memory_space<vmem>>, vector<1x1x16xf32>,
      %broadcast_in_dim3A_139 = arith.constant 0.000000e+00 : f32
      %broadcast_in_dim3A_140 = vector.broadcast %broadcast_in_dim3A_139 : f32 to vector<16xf32>
      %swap3A_141 = arith.constant 0 : i32
      %swap3A_142 = arith.index_cast %swap3A_141 : i32 to index
      %swap3A_143 = arith.index_cast %scan3A_104 : i32 to index
      %swap3A_144 = arith.constant 64 : index
      %swap3A_145 = tpu.vector_load %arg6[%swap3A_142, %swap3A_143, %swap3A_144] {strides = array<i32>} : memref<2x128x128xf32, #tpu.memory_space<vmem>>, vector<1x1x16xf32>,
      %swap3A_146 = vector.shape_cast %swap3A_145 : vector<1x1x16xf32> to vector<16xf32>
      %swap3A_147 = vector.shape_cast %broadcast_in_dim3A_140 : vector<16xf32> to vector<1x1x16xf32>
      tpu.vector_store %arg6[%swap3A_142, %swap3A_143, %swap3A_144], %swap3A_147 {strides = array<i32>} : memref<2x128x128xf32, #tpu.memory_space<vmem>>, vector<1x1x16xf32>,
      %broadcast_in_dim3A_148 = arith.constant 0.000000e+00 : f32
      %broadcast_in_dim3A_149 = vector.broadcast %broadcast_in_dim3A_148 : f32 to vector<16xf32>
      %swap3A_150 = arith.constant 0 : i32
      %swap3A_151 = arith.index_cast %swap3A_150 : i32 to index
      %swap3A_152 = arith.index_cast %scan3A_104 : i32 to index
      %swap3A_153 = arith.constant 80 : index
      %swap3A_154 = tpu.vector_load %arg6[%swap3A_151, %swap3A_152, %swap3A_153] {strides = array<i32>} : memref<2x128x128xf32, #tpu.memory_space<vmem>>, vector<1x1x16xf32>,
      %swap3A_155 = vector.shape_cast %swap3A_154 : vector<1x1x16xf32> to vector<16xf32>
      %swap3A_156 = vector.shape_cast %broadcast_in_dim3A_149 : vector<16xf32> to vector<1x1x16xf32>
      tpu.vector_store %arg6[%swap3A_151, %swap3A_152, %swap3A_153], %swap3A_156 {strides = array<i32>} : memref<2x128x128xf32, #tpu.memory_space<vmem>>, vector<1x1x16xf32>,
      %broadcast_in_dim3A_157 = arith.constant 0.000000e+00 : f32
      %broadcast_in_dim3A_158 = vector.broadcast %broadcast_in_dim3A_157 : f32 to vector<16xf32>
      %swap3A_159 = arith.constant 0 : i32
      %swap3A_160 = arith.index_cast %swap3A_159 : i32 to index
      %swap3A_161 = arith.index_cast %scan3A_104 : i32 to index
      %swap3A_162 = arith.constant 96 : index
      %swap3A_163 = tpu.vector_load %arg6[%swap3A_160, %swap3A_161, %swap3A_162] {strides = array<i32>} : memref<2x128x128xf32, #tpu.memory_space<vmem>>, vector<1x1x16xf32>,
      %swap3A_164 = vector.shape_cast %swap3A_163 : vector<1x1x16xf32> to vector<16xf32>
      %swap3A_165 = vector.shape_cast %broadcast_in_dim3A_158 : vector<16xf32> to vector<1x1x16xf32>
      tpu.vector_store %arg6[%swap3A_160, %swap3A_161, %swap3A_162], %swap3A_165 {strides = array<i32>} : memref<2x128x128xf32, #tpu.memory_space<vmem>>, vector<1x1x16xf32>,
      %broadcast_in_dim3A_166 = arith.constant 0.000000e+00 : f32
      %broadcast_in_dim3A_167 = vector.broadcast %broadcast_in_dim3A_166 : f32 to vector<16xf32>
      %swap3A_168 = arith.constant 0 : i32
      %swap3A_169 = arith.index_cast %swap3A_168 : i32 to index
      %swap3A_170 = arith.index_cast %scan3A_104 : i32 to index
      %swap3A_171 = arith.constant 112 : index
      %swap3A_172 = tpu.vector_load %arg6[%swap3A_169, %swap3A_170, %swap3A_171] {strides = array<i32>} : memref<2x128x128xf32, #tpu.memory_space<vmem>>, vector<1x1x16xf32>,
      %swap3A_173 = vector.shape_cast %swap3A_172 : vector<1x1x16xf32> to vector<16xf32>
      %swap3A_174 = vector.shape_cast %broadcast_in_dim3A_167 : vector<16xf32> to vector<1x1x16xf32>
      tpu.vector_store %arg6[%swap3A_169, %swap3A_170, %swap3A_171], %swap3A_174 {strides = array<i32>} : memref<2x128x128xf32, #tpu.memory_space<vmem>>, vector<1x1x16xf32>,
    }
    %scan3A_5 = arith.constant 128 : i32
    %mul3A_6 = arith.constant 632 : i32
    %mul3A_7 = arith.muli %arg1, %mul3A_6 : i32
    %add3A_8 = arith.constant 0 : i32
    %add3A_9 = arith.addi %mul3A_7, %add3A_8 : i32
    %run_scoped3A = arith.constant 0 : i32
    "tpu.region"() ({
      %run_scoped3A_104 = tpu.sem_alloc : memref<!tpu.dma_semaphore, #tpu.memory_space<semaphore_mem>>
      %dma_start3A_105 = arith.constant 0 : i32
      %dma_start3A_106 = arith.constant 0 : i32
      %dma_start3A_107 = tpu.memref_slice %arg6[%run_scoped3A, %dma_start3A_105, %dma_start3A_106] : memref<2x128x128xf32, #tpu.memory_space<vmem>> -> memref<1x128x128xf32, #tpu.memory_space<vmem>>
      %dma_start3A_108 = tpu.memref_squeeze %dma_start3A_107 : memref<1x128x128xf32, #tpu.memory_space<vmem>> -> memref<128x128xf32, #tpu.memory_space<vmem>>
      %dma_start3A_109 = arith.constant 0 : i32
      %dma_start3A_110 = tpu.memref_slice %arg7[%add3A_9, %dma_start3A_109] : memref<10112x128xf32, #tpu.memory_space<vmem_shared>> -> memref<128x128xf32, #tpu.memory_space<vmem_shared>>
      %dma_start3A_111 = arith.constant 0 : i32
      %dma_start3A_112 = tpu.memref_slice %arg7[%add3A_9, %dma_start3A_111] : memref<10112x128xf32, #tpu.memory_space<vmem_shared>> -> memref<128x128xf32, #tpu.memory_space<vmem_shared>>
      %dma_start3A_113 = arith.constant 0 : i32
      %dma_start3A_114 = arith.constant 0 : i32
      %dma_start3A_115 = tpu.memref_slice %arg6[%run_scoped3A, %dma_start3A_113, %dma_start3A_114] : memref<2x128x128xf32, #tpu.memory_space<vmem>> -> memref<1x128x128xf32, #tpu.memory_space<vmem>>
      %dma_start3A_116 = tpu.memref_squeeze %dma_start3A_115 : memref<1x128x128xf32, #tpu.memory_space<vmem>> -> memref<128x128xf32, #tpu.memory_space<vmem>>
      tpu.enqueue_dma source(%dma_start3A_116 : memref<128x128xf32, #tpu.memory_space<vmem>>) target(%dma_start3A_112 : memref<128x128xf32, #tpu.memory_space<vmem_shared>>) target_semaphore(%run_scoped3A_104 : memref<!tpu.dma_semaphore, #tpu.memory_space<semaphore_mem>>)
      %dma_wait3A = arith.constant 0 : i32
      %dma_wait3A_117 = arith.constant 0 : i32
      %dma_wait3A_118 = tpu.memref_slice %arg6[%run_scoped3A, %dma_wait3A, %dma_wait3A_117] : memref<2x128x128xf32, #tpu.memory_space<vmem>> -> memref<1x128x128xf32, #tpu.memory_space<vmem>>
      %dma_wait3A_119 = tpu.memref_squeeze %dma_wait3A_118 : memref<1x128x128xf32, #tpu.memory_space<vmem>> -> memref<128x128xf32, #tpu.memory_space<vmem>>
      %dma_wait3A_120 = arith.constant 0 : i32
      %dma_wait3A_121 = tpu.memref_slice %arg7[%add3A_9, %dma_wait3A_120] : memref<10112x128xf32, #tpu.memory_space<vmem_shared>> -> memref<128x128xf32, #tpu.memory_space<vmem_shared>>
      %dma_wait3A_122 = arith.constant 0 : i32
      %dma_wait3A_123 = tpu.memref_slice %arg7[%add3A_9, %dma_wait3A_122] : memref<10112x128xf32, #tpu.memory_space<vmem_shared>> -> memref<128x128xf32, #tpu.memory_space<vmem_shared>>
      %dma_wait3A_124 = arith.constant 0 : i32
      %dma_wait3A_125 = arith.constant 0 : i32
      %dma_wait3A_126 = tpu.memref_slice %arg6[%run_scoped3A, %dma_wait3A_124, %dma_wait3A_125] : memref<2x128x128xf32, #tpu.memory_space<vmem>> -> memref<1x128x128xf32, #tpu.memory_space<vmem>>
      %dma_wait3A_127 = tpu.memref_squeeze %dma_wait3A_126 : memref<1x128x128xf32, #tpu.memory_space<vmem>> -> memref<128x128xf32, #tpu.memory_space<vmem>>
      tpu.wait_dma2 semaphore(%run_scoped3A_104 : memref<!tpu.dma_semaphore, #tpu.memory_space<semaphore_mem>>) src(%dma_wait3A_127 : memref<128x128xf32, #tpu.memory_space<vmem>>) dst(%dma_wait3A_123 : memref<128x128xf32, #tpu.memory_space<vmem_shared>>)
      tpu.yield
    }) : () -> ()
    %add3A_10 = arith.constant 128 : i32
    %add3A_11 = arith.addi %mul3A_7, %add3A_10 : i32
    %run_scoped3A_12 = arith.constant 0 : i32
    "tpu.region"() ({
      %run_scoped3A_104 = tpu.sem_alloc : memref<!tpu.dma_semaphore, #tpu.memory_space<semaphore_mem>>
      %dma_start3A_105 = arith.constant 0 : i32
      %dma_start3A_106 = arith.constant 0 : i32
      %dma_start3A_107 = tpu.memref_slice %arg6[%run_scoped3A_12, %dma_start3A_105, %dma_start3A_106] : memref<2x128x128xf32, #tpu.memory_space<vmem>> -> memref<1x128x128xf32, #tpu.memory_space<vmem>>
      %dma_start3A_108 = tpu.memref_squeeze %dma_start3A_107 : memref<1x128x128xf32, #tpu.memory_space<vmem>> -> memref<128x128xf32, #tpu.memory_space<vmem>>
      %dma_start3A_109 = arith.constant 0 : i32
      %dma_start3A_110 = tpu.memref_slice %arg7[%add3A_11, %dma_start3A_109] : memref<10112x128xf32, #tpu.memory_space<vmem_shared>> -> memref<128x128xf32, #tpu.memory_space<vmem_shared>>
      %dma_start3A_111 = arith.constant 0 : i32
      %dma_start3A_112 = tpu.memref_slice %arg7[%add3A_11, %dma_start3A_111] : memref<10112x128xf32, #tpu.memory_space<vmem_shared>> -> memref<128x128xf32, #tpu.memory_space<vmem_shared>>
      %dma_start3A_113 = arith.constant 0 : i32
      %dma_start3A_114 = arith.constant 0 : i32
      %dma_start3A_115 = tpu.memref_slice %arg6[%run_scoped3A_12, %dma_start3A_113, %dma_start3A_114] : memref<2x128x128xf32, #tpu.memory_space<vmem>> -> memref<1x128x128xf32, #tpu.memory_space<vmem>>
      %dma_start3A_116 = tpu.memref_squeeze %dma_start3A_115 : memref<1x128x128xf32, #tpu.memory_space<vmem>> -> memref<128x128xf32, #tpu.memory_space<vmem>>
      tpu.enqueue_dma source(%dma_start3A_116 : memref<128x128xf32, #tpu.memory_space<vmem>>) target(%dma_start3A_112 : memref<128x128xf32, #tpu.memory_space<vmem_shared>>) target_semaphore(%run_scoped3A_104 : memref<!tpu.dma_semaphore, #tpu.memory_space<semaphore_mem>>)
      %dma_wait3A = arith.constant 0 : i32
      %dma_wait3A_117 = arith.constant 0 : i32
      %dma_wait3A_118 = tpu.memref_slice %arg6[%run_scoped3A_12, %dma_wait3A, %dma_wait3A_117] : memref<2x128x128xf32, #tpu.memory_space<vmem>> -> memref<1x128x128xf32, #tpu.memory_space<vmem>>
      %dma_wait3A_119 = tpu.memref_squeeze %dma_wait3A_118 : memref<1x128x128xf32, #tpu.memory_space<vmem>> -> memref<128x128xf32, #tpu.memory_space<vmem>>
      %dma_wait3A_120 = arith.constant 0 : i32
      %dma_wait3A_121 = tpu.memref_slice %arg7[%add3A_11, %dma_wait3A_120] : memref<10112x128xf32, #tpu.memory_space<vmem_shared>> -> memref<128x128xf32, #tpu.memory_space<vmem_shared>>
      %dma_wait3A_122 = arith.constant 0 : i32
      %dma_wait3A_123 = tpu.memref_slice %arg7[%add3A_11, %dma_wait3A_122] : memref<10112x128xf32, #tpu.memory_space<vmem_shared>> -> memref<128x128xf32, #tpu.memory_space<vmem_shared>>
      %dma_wait3A_124 = arith.constant 0 : i32
      %dma_wait3A_125 = arith.constant 0 : i32
      %dma_wait3A_126 = tpu.memref_slice %arg6[%run_scoped3A_12, %dma_wait3A_124, %dma_wait3A_125] : memref<2x128x128xf32, #tpu.memory_space<vmem>> -> memref<1x128x128xf32, #tpu.memory_space<vmem>>
      %dma_wait3A_127 = tpu.memref_squeeze %dma_wait3A_126 : memref<1x128x128xf32, #tpu.memory_space<vmem>> -> memref<128x128xf32, #tpu.memory_space<vmem>>
      tpu.wait_dma2 semaphore(%run_scoped3A_104 : memref<!tpu.dma_semaphore, #tpu.memory_space<semaphore_mem>>) src(%dma_wait3A_127 : memref<128x128xf32, #tpu.memory_space<vmem>>) dst(%dma_wait3A_123 : memref<128x128xf32, #tpu.memory_space<vmem_shared>>)
      tpu.yield
    }) : () -> ()
    %add3A_13 = arith.constant 256 : i32
    %add3A_14 = arith.addi %mul3A_7, %add3A_13 : i32
    %run_scoped3A_15 = arith.constant 0 : i32
    "tpu.region"() ({
      %run_scoped3A_104 = tpu.sem_alloc : memref<!tpu.dma_semaphore, #tpu.memory_space<semaphore_mem>>
      %dma_start3A_105 = arith.constant 0 : i32
      %dma_start3A_106 = arith.constant 0 : i32
      %dma_start3A_107 = tpu.memref_slice %arg6[%run_scoped3A_15, %dma_start3A_105, %dma_start3A_106] : memref<2x128x128xf32, #tpu.memory_space<vmem>> -> memref<1x128x128xf32, #tpu.memory_space<vmem>>
      %dma_start3A_108 = tpu.memref_squeeze %dma_start3A_107 : memref<1x128x128xf32, #tpu.memory_space<vmem>> -> memref<128x128xf32, #tpu.memory_space<vmem>>
      %dma_start3A_109 = arith.constant 0 : i32
      %dma_start3A_110 = tpu.memref_slice %arg7[%add3A_14, %dma_start3A_109] : memref<10112x128xf32, #tpu.memory_space<vmem_shared>> -> memref<128x128xf32, #tpu.memory_space<vmem_shared>>
      %dma_start3A_111 = arith.constant 0 : i32
      %dma_start3A_112 = tpu.memref_slice %arg7[%add3A_14, %dma_start3A_111] : memref<10112x128xf32, #tpu.memory_space<vmem_shared>> -> memref<128x128xf32, #tpu.memory_space<vmem_shared>>
      %dma_start3A_113 = arith.constant 0 : i32
      %dma_start3A_114 = arith.constant 0 : i32
      %dma_start3A_115 = tpu.memref_slice %arg6[%run_scoped3A_15, %dma_start3A_113, %dma_start3A_114] : memref<2x128x128xf32, #tpu.memory_space<vmem>> -> memref<1x128x128xf32, #tpu.memory_space<vmem>>
      %dma_start3A_116 = tpu.memref_squeeze %dma_start3A_115 : memref<1x128x128xf32, #tpu.memory_space<vmem>> -> memref<128x128xf32, #tpu.memory_space<vmem>>
      tpu.enqueue_dma source(%dma_start3A_116 : memref<128x128xf32, #tpu.memory_space<vmem>>) target(%dma_start3A_112 : memref<128x128xf32, #tpu.memory_space<vmem_shared>>) target_semaphore(%run_scoped3A_104 : memref<!tpu.dma_semaphore, #tpu.memory_space<semaphore_mem>>)
      %dma_wait3A = arith.constant 0 : i32
      %dma_wait3A_117 = arith.constant 0 : i32
      %dma_wait3A_118 = tpu.memref_slice %arg6[%run_scoped3A_15, %dma_wait3A, %dma_wait3A_117] : memref<2x128x128xf32, #tpu.memory_space<vmem>> -> memref<1x128x128xf32, #tpu.memory_space<vmem>>
      %dma_wait3A_119 = tpu.memref_squeeze %dma_wait3A_118 : memref<1x128x128xf32, #tpu.memory_space<vmem>> -> memref<128x128xf32, #tpu.memory_space<vmem>>
      %dma_wait3A_120 = arith.constant 0 : i32
      %dma_wait3A_121 = tpu.memref_slice %arg7[%add3A_14, %dma_wait3A_120] : memref<10112x128xf32, #tpu.memory_space<vmem_shared>> -> memref<128x128xf32, #tpu.memory_space<vmem_shared>>
      %dma_wait3A_122 = arith.constant 0 : i32
      %dma_wait3A_123 = tpu.memref_slice %arg7[%add3A_14, %dma_wait3A_122] : memref<10112x128xf32, #tpu.memory_space<vmem_shared>> -> memref<128x128xf32, #tpu.memory_space<vmem_shared>>
      %dma_wait3A_124 = arith.constant 0 : i32
      %dma_wait3A_125 = arith.constant 0 : i32
      %dma_wait3A_126 = tpu.memref_slice %arg6[%run_scoped3A_15, %dma_wait3A_124, %dma_wait3A_125] : memref<2x128x128xf32, #tpu.memory_space<vmem>> -> memref<1x128x128xf32, #tpu.memory_space<vmem>>
      %dma_wait3A_127 = tpu.memref_squeeze %dma_wait3A_126 : memref<1x128x128xf32, #tpu.memory_space<vmem>> -> memref<128x128xf32, #tpu.memory_space<vmem>>
      tpu.wait_dma2 semaphore(%run_scoped3A_104 : memref<!tpu.dma_semaphore, #tpu.memory_space<semaphore_mem>>) src(%dma_wait3A_127 : memref<128x128xf32, #tpu.memory_space<vmem>>) dst(%dma_wait3A_123 : memref<128x128xf32, #tpu.memory_space<vmem_shared>>)
      tpu.yield
    }) : () -> ()
    %add3A_16 = arith.constant 384 : i32
    %add3A_17 = arith.addi %mul3A_7, %add3A_16 : i32
    %run_scoped3A_18 = arith.constant 0 : i32
    "tpu.region"() ({
      %run_scoped3A_104 = tpu.sem_alloc : memref<!tpu.dma_semaphore, #tpu.memory_space<semaphore_mem>>
      %dma_start3A_105 = arith.constant 0 : i32
      %dma_start3A_106 = arith.constant 0 : i32
      %dma_start3A_107 = tpu.memref_slice %arg6[%run_scoped3A_18, %dma_start3A_105, %dma_start3A_106] : memref<2x128x128xf32, #tpu.memory_space<vmem>> -> memref<1x128x128xf32, #tpu.memory_space<vmem>>
      %dma_start3A_108 = tpu.memref_squeeze %dma_start3A_107 : memref<1x128x128xf32, #tpu.memory_space<vmem>> -> memref<128x128xf32, #tpu.memory_space<vmem>>
      %dma_start3A_109 = arith.constant 0 : i32
      %dma_start3A_110 = tpu.memref_slice %arg7[%add3A_17, %dma_start3A_109] : memref<10112x128xf32, #tpu.memory_space<vmem_shared>> -> memref<128x128xf32, #tpu.memory_space<vmem_shared>>
      %dma_start3A_111 = arith.constant 0 : i32
      %dma_start3A_112 = tpu.memref_slice %arg7[%add3A_17, %dma_start3A_111] : memref<10112x128xf32, #tpu.memory_space<vmem_shared>> -> memref<128x128xf32, #tpu.memory_space<vmem_shared>>
      %dma_start3A_113 = arith.constant 0 : i32
      %dma_start3A_114 = arith.constant 0 : i32
      %dma_start3A_115 = tpu.memref_slice %arg6[%run_scoped3A_18, %dma_start3A_113, %dma_start3A_114] : memref<2x128x128xf32, #tpu.memory_space<vmem>> -> memref<1x128x128xf32, #tpu.memory_space<vmem>>
      %dma_start3A_116 = tpu.memref_squeeze %dma_start3A_115 : memref<1x128x128xf32, #tpu.memory_space<vmem>> -> memref<128x128xf32, #tpu.memory_space<vmem>>
      tpu.enqueue_dma source(%dma_start3A_116 : memref<128x128xf32, #tpu.memory_space<vmem>>) target(%dma_start3A_112 : memref<128x128xf32, #tpu.memory_space<vmem_shared>>) target_semaphore(%run_scoped3A_104 : memref<!tpu.dma_semaphore, #tpu.memory_space<semaphore_mem>>)
      %dma_wait3A = arith.constant 0 : i32
      %dma_wait3A_117 = arith.constant 0 : i32
      %dma_wait3A_118 = tpu.memref_slice %arg6[%run_scoped3A_18, %dma_wait3A, %dma_wait3A_117] : memref<2x128x128xf32, #tpu.memory_space<vmem>> -> memref<1x128x128xf32, #tpu.memory_space<vmem>>
      %dma_wait3A_119 = tpu.memref_squeeze %dma_wait3A_118 : memref<1x128x128xf32, #tpu.memory_space<vmem>> -> memref<128x128xf32, #tpu.memory_space<vmem>>
      %dma_wait3A_120 = arith.constant 0 : i32
      %dma_wait3A_121 = tpu.memref_slice %arg7[%add3A_17, %dma_wait3A_120] : memref<10112x128xf32, #tpu.memory_space<vmem_shared>> -> memref<128x128xf32, #tpu.memory_space<vmem_shared>>
      %dma_wait3A_122 = arith.constant 0 : i32
      %dma_wait3A_123 = tpu.memref_slice %arg7[%add3A_17, %dma_wait3A_122] : memref<10112x128xf32, #tpu.memory_space<vmem_shared>> -> memref<128x128xf32, #tpu.memory_space<vmem_shared>>
      %dma_wait3A_124 = arith.constant 0 : i32
      %dma_wait3A_125 = arith.constant 0 : i32
      %dma_wait3A_126 = tpu.memref_slice %arg6[%run_scoped3A_18, %dma_wait3A_124, %dma_wait3A_125] : memref<2x128x128xf32, #tpu.memory_space<vmem>> -> memref<1x128x128xf32, #tpu.memory_space<vmem>>
      %dma_wait3A_127 = tpu.memref_squeeze %dma_wait3A_126 : memref<1x128x128xf32, #tpu.memory_space<vmem>> -> memref<128x128xf32, #tpu.memory_space<vmem>>
      tpu.wait_dma2 semaphore(%run_scoped3A_104 : memref<!tpu.dma_semaphore, #tpu.memory_space<semaphore_mem>>) src(%dma_wait3A_127 : memref<128x128xf32, #tpu.memory_space<vmem>>) dst(%dma_wait3A_123 : memref<128x128xf32, #tpu.memory_space<vmem_shared>>)
      tpu.yield
    }) : () -> ()
    %add3A_19 = arith.constant 512 : i32
    %add3A_20 = arith.addi %mul3A_7, %add3A_19 : i32
    %run_scoped3A_21 = arith.constant 0 : i32
    "tpu.region"() ({
      %run_scoped3A_104 = tpu.sem_alloc : memref<!tpu.dma_semaphore, #tpu.memory_space<semaphore_mem>>
      %dma_start3A_105 = arith.constant 0 : i32
      %dma_start3A_106 = arith.constant 0 : i32
      %dma_start3A_107 = tpu.memref_slice %arg6[%run_scoped3A_21, %dma_start3A_105, %dma_start3A_106] : memref<2x128x128xf32, #tpu.memory_space<vmem>> -> memref<1x120x128xf32, #tpu.memory_space<vmem>>
      %dma_start3A_108 = tpu.memref_squeeze %dma_start3A_107 : memref<1x120x128xf32, #tpu.memory_space<vmem>> -> memref<120x128xf32, #tpu.memory_space<vmem>>
      %dma_start3A_109 = arith.constant 0 : i32
      %dma_start3A_110 = tpu.memref_slice %arg7[%add3A_20, %dma_start3A_109] : memref<10112x128xf32, #tpu.memory_space<vmem_shared>> -> memref<120x128xf32, #tpu.memory_space<vmem_shared>>
      %dma_start3A_111 = arith.constant 0 : i32
      %dma_start3A_112 = tpu.memref_slice %arg7[%add3A_20, %dma_start3A_111] : memref<10112x128xf32, #tpu.memory_space<vmem_shared>> -> memref<120x128xf32, #tpu.memory_space<vmem_shared>>
      %dma_start3A_113 = arith.constant 0 : i32
      %dma_start3A_114 = arith.constant 0 : i32
      %dma_start3A_115 = tpu.memref_slice %arg6[%run_scoped3A_21, %dma_start3A_113, %dma_start3A_114] : memref<2x128x128xf32, #tpu.memory_space<vmem>> -> memref<1x120x128xf32, #tpu.memory_space<vmem>>
      %dma_start3A_116 = tpu.memref_squeeze %dma_start3A_115 : memref<1x120x128xf32, #tpu.memory_space<vmem>> -> memref<120x128xf32, #tpu.memory_space<vmem>>
      tpu.enqueue_dma source(%dma_start3A_116 : memref<120x128xf32, #tpu.memory_space<vmem>>) target(%dma_start3A_112 : memref<120x128xf32, #tpu.memory_space<vmem_shared>>) target_semaphore(%run_scoped3A_104 : memref<!tpu.dma_semaphore, #tpu.memory_space<semaphore_mem>>)
      %dma_wait3A = arith.constant 0 : i32
      %dma_wait3A_117 = arith.constant 0 : i32
      %dma_wait3A_118 = tpu.memref_slice %arg6[%run_scoped3A_21, %dma_wait3A, %dma_wait3A_117] : memref<2x128x128xf32, #tpu.memory_space<vmem>> -> memref<1x120x128xf32, #tpu.memory_space<vmem>>
      %dma_wait3A_119 = tpu.memref_squeeze %dma_wait3A_118 : memref<1x120x128xf32, #tpu.memory_space<vmem>> -> memref<120x128xf32, #tpu.memory_space<vmem>>
      %dma_wait3A_120 = arith.constant 0 : i32
      %dma_wait3A_121 = tpu.memref_slice %arg7[%add3A_20, %dma_wait3A_120] : memref<10112x128xf32, #tpu.memory_space<vmem_shared>> -> memref<120x128xf32, #tpu.memory_space<vmem_shared>>
      %dma_wait3A_122 = arith.constant 0 : i32
      %dma_wait3A_123 = tpu.memref_slice %arg7[%add3A_20, %dma_wait3A_122] : memref<10112x128xf32, #tpu.memory_space<vmem_shared>> -> memref<120x128xf32, #tpu.memory_space<vmem_shared>>
      %dma_wait3A_124 = arith.constant 0 : i32
      %dma_wait3A_125 = arith.constant 0 : i32
      %dma_wait3A_126 = tpu.memref_slice %arg6[%run_scoped3A_21, %dma_wait3A_124, %dma_wait3A_125] : memref<2x128x128xf32, #tpu.memory_space<vmem>> -> memref<1x120x128xf32, #tpu.memory_space<vmem>>
      %dma_wait3A_127 = tpu.memref_squeeze %dma_wait3A_126 : memref<1x120x128xf32, #tpu.memory_space<vmem>> -> memref<120x128xf32, #tpu.memory_space<vmem>>
      tpu.wait_dma2 semaphore(%run_scoped3A_104 : memref<!tpu.dma_semaphore, #tpu.memory_space<semaphore_mem>>) src(%dma_wait3A_127 : memref<120x128xf32, #tpu.memory_space<vmem>>) dst(%dma_wait3A_123 : memref<120x128xf32, #tpu.memory_space<vmem_shared>>)
      tpu.yield
    }) : () -> ()
    %run_scoped3A_22 = arith.constant 0 : i32
    %run_scoped3A_23 = arith.constant 0 : i32
    "tpu.region"() ({
      %run_scoped3A_104 = tpu.sem_alloc : memref<!tpu.dma_semaphore, #tpu.memory_space<semaphore_mem>>
      %dma_start3A_105 = arith.constant 0 : i32
      %dma_start3A_106 = arith.constant 0 : i32
      %dma_start3A_107 = tpu.memref_slice %arg5[%run_scoped3A_23, %dma_start3A_105, %dma_start3A_106] : memref<2x2x128xi32, #tpu.memory_space<vmem>> -> memref<1x2x128xi32, #tpu.memory_space<vmem>>
      %dma_start3A_108 = tpu.memref_squeeze %dma_start3A_107 : memref<1x2x128xi32, #tpu.memory_space<vmem>> -> memref<2x128xi32, #tpu.memory_space<vmem>>
      %dma_start3A_109 = arith.constant 0 : i32
      %dma_start3A_110 = arith.constant 0 : i32
      %dma_start3A_111 = tpu.memref_slice %arg3[%add3A, %run_scoped3A_22, %dma_start3A_109, %dma_start3A_110] : memref<32x80x2x128xi32, #tpu.memory_space<hbm>> -> memref<1x1x2x128xi32, #tpu.memory_space<hbm>>
      %dma_start3A_112 = tpu.memref_squeeze %dma_start3A_111 : memref<1x1x2x128xi32, #tpu.memory_space<hbm>> -> memref<2x128xi32, #tpu.memory_space<hbm>>
      %dma_start3A_113 = arith.constant 0 : i32
      %dma_start3A_114 = arith.constant 0 : i32
      %dma_start3A_115 = tpu.memref_slice %arg5[%run_scoped3A_23, %dma_start3A_113, %dma_start3A_114] : memref<2x2x128xi32, #tpu.memory_space<vmem>> -> memref<1x2x128xi32, #tpu.memory_space<vmem>>
      %dma_start3A_116 = tpu.memref_squeeze %dma_start3A_115 : memref<1x2x128xi32, #tpu.memory_space<vmem>> -> memref<2x128xi32, #tpu.memory_space<vmem>>
      %dma_start3A_117 = arith.constant 0 : i32
      %dma_start3A_118 = arith.constant 0 : i32
      %dma_start3A_119 = tpu.memref_slice %arg3[%add3A, %run_scoped3A_22, %dma_start3A_117, %dma_start3A_118] : memref<32x80x2x128xi32, #tpu.memory_space<hbm>> -> memref<1x1x2x128xi32, #tpu.memory_space<hbm>>
      %dma_start3A_120 = tpu.memref_squeeze %dma_start3A_119 : memref<1x1x2x128xi32, #tpu.memory_space<hbm>> -> memref<2x128xi32, #tpu.memory_space<hbm>>
      tpu.enqueue_dma source(%dma_start3A_120 : memref<2x128xi32, #tpu.memory_space<hbm>>) target(%dma_start3A_116 : memref<2x128xi32, #tpu.memory_space<vmem>>) target_semaphore(%run_scoped3A_104 : memref<!tpu.dma_semaphore, #tpu.memory_space<semaphore_mem>>)
      %dma_wait3A = arith.constant 0 : i32
      %dma_wait3A_121 = arith.constant 0 : i32
      %dma_wait3A_122 = tpu.memref_slice %arg5[%run_scoped3A_23, %dma_wait3A, %dma_wait3A_121] : memref<2x2x128xi32, #tpu.memory_space<vmem>> -> memref<1x2x128xi32, #tpu.memory_space<vmem>>
      %dma_wait3A_123 = tpu.memref_squeeze %dma_wait3A_122 : memref<1x2x128xi32, #tpu.memory_space<vmem>> -> memref<2x128xi32, #tpu.memory_space<vmem>>
      %dma_wait3A_124 = arith.constant 0 : i32
      %dma_wait3A_125 = arith.constant 0 : i32
      %dma_wait3A_126 = tpu.memref_slice %arg3[%add3A, %run_scoped3A_22, %dma_wait3A_124, %dma_wait3A_125] : memref<32x80x2x128xi32, #tpu.memory_space<hbm>> -> memref<1x1x2x128xi32, #tpu.memory_space<hbm>>
      %dma_wait3A_127 = tpu.memref_squeeze %dma_wait3A_126 : memref<1x1x2x128xi32, #tpu.memory_space<hbm>> -> memref<2x128xi32, #tpu.memory_space<hbm>>
      %dma_wait3A_128 = arith.constant 0 : i32
      %dma_wait3A_129 = arith.constant 0 : i32
      %dma_wait3A_130 = tpu.memref_slice %arg5[%run_scoped3A_23, %dma_wait3A_128, %dma_wait3A_129] : memref<2x2x128xi32, #tpu.memory_space<vmem>> -> memref<1x2x128xi32, #tpu.memory_space<vmem>>
      %dma_wait3A_131 = tpu.memref_squeeze %dma_wait3A_130 : memref<1x2x128xi32, #tpu.memory_space<vmem>> -> memref<2x128xi32, #tpu.memory_space<vmem>>
      %dma_wait3A_132 = arith.constant 0 : i32
      %dma_wait3A_133 = arith.constant 0 : i32
      %dma_wait3A_134 = tpu.memref_slice %arg3[%add3A, %run_scoped3A_22, %dma_wait3A_132, %dma_wait3A_133] : memref<32x80x2x128xi32, #tpu.memory_space<hbm>> -> memref<1x1x2x128xi32, #tpu.memory_space<hbm>>
      %dma_wait3A_135 = tpu.memref_squeeze %dma_wait3A_134 : memref<1x1x2x128xi32, #tpu.memory_space<hbm>> -> memref<2x128xi32, #tpu.memory_space<hbm>>
      tpu.wait_dma2 semaphore(%run_scoped3A_104 : memref<!tpu.dma_semaphore, #tpu.memory_space<semaphore_mem>>) src(%dma_wait3A_135 : memref<2x128xi32, #tpu.memory_space<hbm>>) dst(%dma_wait3A_131 : memref<2x128xi32, #tpu.memory_space<vmem>>)
      tpu.yield
    }) : () -> ()
    %dma_start3A = arith.constant 0 : i32
    %dma_start3A_24 = arith.constant 0 : i32
    %dma_start3A_25 = arith.constant 0 : i32
    %dma_start3A_26 = arith.constant 0 : i32
    %dma_start3A_27 = arith.constant 0 : i32
    %dma_start3A_28 = tpu.memref_slice %arg6[%dma_start3A_25, %dma_start3A_26, %dma_start3A_27] : memref<2x128x128xf32, #tpu.memory_space<vmem>> -> memref<1x64x128xf32, #tpu.memory_space<vmem>>
    %dma_start3A_29 = tpu.memref_squeeze %dma_start3A_28 : memref<1x64x128xf32, #tpu.memory_space<vmem>> -> memref<64x128xf32, #tpu.memory_space<vmem>>
    %dma_start3A_30 = arith.constant 0 : i32
    %dma_start3A_31 = tpu.memref_slice %arg5[%dma_start3A, %dma_start3A_24, %dma_start3A_30] : memref<2x2x128xi32, #tpu.memory_space<vmem>> -> memref<1x1x64xi32, #tpu.memory_space<vmem>>
    %dma_start3A_32 = tpu.memref_squeeze %dma_start3A_31 : memref<1x1x64xi32, #tpu.memory_space<vmem>> -> memref<64xi32, #tpu.memory_space<vmem>>
    %dma_start3A_33 = arith.constant 0 : i32
    %dma_start3A_34 = arith.constant 0 : i32
    %dma_start3A_35 = tpu.memref_slice %arg2[%dma_start3A_33, %dma_start3A_34] : memref<10000x128xf32, #tpu.memory_space<hbm>> -> memref<10000x128xf32, #tpu.memory_space<hbm>>
    tpu.enqueue_indirect_dma source(%dma_start3A_35 : memref<10000x128xf32, #tpu.memory_space<hbm>>) target(%dma_start3A_29 : memref<64x128xf32, #tpu.memory_space<vmem>>) offsets(%dma_start3A_32 : memref<64xi32, #tpu.memory_space<vmem>>) semaphore(%arg8 : memref<!tpu.dma_semaphore, #tpu.memory_space<semaphore_mem>>)
    %dma_start3A_36 = arith.constant 0 : i32
    %dma_start3A_37 = arith.constant 0 : i32
    %dma_start3A_38 = arith.constant 0 : i32
    %dma_start3A_39 = arith.constant 64 : i32
    %dma_start3A_40 = arith.constant 0 : i32
    %dma_start3A_41 = tpu.memref_slice %arg6[%dma_start3A_38, %dma_start3A_39, %dma_start3A_40] : memref<2x128x128xf32, #tpu.memory_space<vmem>> -> memref<1x64x128xf32, #tpu.memory_space<vmem>>
    %dma_start3A_42 = tpu.memref_squeeze %dma_start3A_41 : memref<1x64x128xf32, #tpu.memory_space<vmem>> -> memref<64x128xf32, #tpu.memory_space<vmem>>
    %dma_start3A_43 = arith.constant 64 : i32
    %dma_start3A_44 = tpu.memref_slice %arg5[%dma_start3A_36, %dma_start3A_37, %dma_start3A_43] : memref<2x2x128xi32, #tpu.memory_space<vmem>> -> memref<1x1x64xi32, #tpu.memory_space<vmem>>
    %dma_start3A_45 = tpu.memref_squeeze %dma_start3A_44 : memref<1x1x64xi32, #tpu.memory_space<vmem>> -> memref<64xi32, #tpu.memory_space<vmem>>
    %dma_start3A_46 = arith.constant 0 : i32
    %dma_start3A_47 = arith.constant 0 : i32
    %dma_start3A_48 = tpu.memref_slice %arg2[%dma_start3A_46, %dma_start3A_47] : memref<10000x128xf32, #tpu.memory_space<hbm>> -> memref<10000x128xf32, #tpu.memory_space<hbm>>
    tpu.enqueue_indirect_dma source(%dma_start3A_48 : memref<10000x128xf32, #tpu.memory_space<hbm>>) target(%dma_start3A_42 : memref<64x128xf32, #tpu.memory_space<vmem>>) offsets(%dma_start3A_45 : memref<64xi32, #tpu.memory_space<vmem>>) semaphore(%arg10 : memref<!tpu.dma_semaphore, #tpu.memory_space<semaphore_mem>>)
    %dma_start3A_49 = arith.constant 1 : i32
    %dma_start3A_50 = arith.constant 1 : i32
    %dma_start3A_51 = arith.constant 0 : i32
    %dma_start3A_52 = arith.constant 0 : i32
    %dma_start3A_53 = tpu.memref_slice %arg5[%dma_start3A_50, %dma_start3A_51, %dma_start3A_52] : memref<2x2x128xi32, #tpu.memory_space<vmem>> -> memref<1x2x128xi32, #tpu.memory_space<vmem>>
    %dma_start3A_54 = tpu.memref_squeeze %dma_start3A_53 : memref<1x2x128xi32, #tpu.memory_space<vmem>> -> memref<2x128xi32, #tpu.memory_space<vmem>>
    %dma_start3A_55 = arith.constant 0 : i32
    %dma_start3A_56 = arith.constant 0 : i32
    %dma_start3A_57 = tpu.memref_slice %arg3[%add3A, %dma_start3A_49, %dma_start3A_55, %dma_start3A_56] : memref<32x80x2x128xi32, #tpu.memory_space<hbm>> -> memref<1x1x2x128xi32, #tpu.memory_space<hbm>>
    %dma_start3A_58 = tpu.memref_squeeze %dma_start3A_57 : memref<1x1x2x128xi32, #tpu.memory_space<hbm>> -> memref<2x128xi32, #tpu.memory_space<hbm>>
    %dma_start3A_59 = arith.constant 0 : i32
    %dma_start3A_60 = arith.constant 0 : i32
    %dma_start3A_61 = tpu.memref_slice %arg5[%dma_start3A_50, %dma_start3A_59, %dma_start3A_60] : memref<2x2x128xi32, #tpu.memory_space<vmem>> -> memref<1x2x128xi32, #tpu.memory_space<vmem>>
    %dma_start3A_62 = tpu.memref_squeeze %dma_start3A_61 : memref<1x2x128xi32, #tpu.memory_space<vmem>> -> memref<2x128xi32, #tpu.memory_space<vmem>>
    %dma_start3A_63 = arith.constant 0 : i32
    %dma_start3A_64 = arith.constant 0 : i32
    %dma_start3A_65 = tpu.memref_slice %arg3[%add3A, %dma_start3A_49, %dma_start3A_63, %dma_start3A_64] : memref<32x80x2x128xi32, #tpu.memory_space<hbm>> -> memref<1x1x2x128xi32, #tpu.memory_space<hbm>>
    %dma_start3A_66 = tpu.memref_squeeze %dma_start3A_65 : memref<1x1x2x128xi32, #tpu.memory_space<hbm>> -> memref<2x128xi32, #tpu.memory_space<hbm>>
    tpu.enqueue_dma source(%dma_start3A_66 : memref<2x128xi32, #tpu.memory_space<hbm>>) target(%dma_start3A_62 : memref<2x128xi32, #tpu.memory_space<vmem>>) target_semaphore(%arg13 : memref<!tpu.dma_semaphore, #tpu.memory_space<semaphore_mem>>)
    %barrier3A = arith.constant 0 : index
    tpu.barrier barrier_id(%barrier3A)
    %scan3A_67 = arith.constant 0 : i32
    %scan3A_68 = arith.constant 0 : i32
    %scan3A_69 = arith.constant 40 : i32
    %scan3A_70 = arith.addi %scan3A_68, %scan3A_69 : i32
    %scan3A_71 = arith.constant 1 : i32
    scf.for %scan3A_104 = %scan3A_68 to %scan3A_70 step %scan3A_71  : i32 {
      %mul3A_105 = arith.constant 2 : i32
      %mul3A_106 = arith.muli %mul3A_105, %scan3A_104 : i32
      %add3A_107 = arith.constant 0 : i32
      %add3A_108 = arith.addi %mul3A_106, %add3A_107 : i32
      %dma_wait3A = arith.constant 0 : i32
      %dma_wait3A_109 = arith.constant 0 : i32
      %dma_wait3A_110 = arith.constant 0 : i32
      %dma_wait3A_111 = arith.constant 0 : i32
      %dma_wait3A_112 = arith.constant 0 : i32
      %dma_wait3A_113 = tpu.memref_slice %arg6[%dma_wait3A_110, %dma_wait3A_111, %dma_wait3A_112] : memref<2x128x128xf32, #tpu.memory_space<vmem>> -> memref<1x64x128xf32, #tpu.memory_space<vmem>>
      %dma_wait3A_114 = tpu.memref_squeeze %dma_wait3A_113 : memref<1x64x128xf32, #tpu.memory_space<vmem>> -> memref<64x128xf32, #tpu.memory_space<vmem>>
      %dma_wait3A_115 = arith.constant 0 : i32
      %dma_wait3A_116 = tpu.memref_slice %arg5[%dma_wait3A, %dma_wait3A_109, %dma_wait3A_115] : memref<2x2x128xi32, #tpu.memory_space<vmem>> -> memref<1x1x64xi32, #tpu.memory_space<vmem>>
      %dma_wait3A_117 = tpu.memref_squeeze %dma_wait3A_116 : memref<1x1x64xi32, #tpu.memory_space<vmem>> -> memref<64xi32, #tpu.memory_space<vmem>>
      %dma_wait3A_118 = arith.constant 0 : i32
      %dma_wait3A_119 = arith.constant 0 : i32
      %dma_wait3A_120 = tpu.memref_slice %arg2[%dma_wait3A_118, %dma_wait3A_119] : memref<10000x128xf32, #tpu.memory_space<hbm>> -> memref<10000x128xf32, #tpu.memory_space<hbm>>
      tpu.wait_indirect_dma semaphore(%arg8 : memref<!tpu.dma_semaphore, #tpu.memory_space<semaphore_mem>>) src(%dma_wait3A_120 : memref<10000x128xf32, #tpu.memory_space<hbm>>) dst(%dma_wait3A_114 : memref<64x128xf32, #tpu.memory_space<vmem>>)
      %dma_wait3A_121 = arith.constant 0 : i32
      %dma_wait3A_122 = arith.constant 0 : i32
      %dma_wait3A_123 = arith.constant 0 : i32
      %dma_wait3A_124 = arith.constant 64 : i32
      %dma_wait3A_125 = arith.constant 0 : i32
      %dma_wait3A_126 = tpu.memref_slice %arg6[%dma_wait3A_123, %dma_wait3A_124, %dma_wait3A_125] : memref<2x128x128xf32, #tpu.memory_space<vmem>> -> memref<1x64x128xf32, #tpu.memory_space<vmem>>
      %dma_wait3A_127 = tpu.memref_squeeze %dma_wait3A_126 : memref<1x64x128xf32, #tpu.memory_space<vmem>> -> memref<64x128xf32, #tpu.memory_space<vmem>>
      %dma_wait3A_128 = arith.constant 64 : i32
      %dma_wait3A_129 = tpu.memref_slice %arg5[%dma_wait3A_121, %dma_wait3A_122, %dma_wait3A_128] : memref<2x2x128xi32, #tpu.memory_space<vmem>> -> memref<1x1x64xi32, #tpu.memory_space<vmem>>
      %dma_wait3A_130 = tpu.memref_squeeze %dma_wait3A_129 : memref<1x1x64xi32, #tpu.memory_space<vmem>> -> memref<64xi32, #tpu.memory_space<vmem>>
      %dma_wait3A_131 = arith.constant 0 : i32
      %dma_wait3A_132 = arith.constant 0 : i32
      %dma_wait3A_133 = tpu.memref_slice %arg2[%dma_wait3A_131, %dma_wait3A_132] : memref<10000x128xf32, #tpu.memory_space<hbm>> -> memref<10000x128xf32, #tpu.memory_space<hbm>>
      tpu.wait_indirect_dma semaphore(%arg10 : memref<!tpu.dma_semaphore, #tpu.memory_space<semaphore_mem>>) src(%dma_wait3A_133 : memref<10000x128xf32, #tpu.memory_space<hbm>>) dst(%dma_wait3A_127 : memref<64x128xf32, #tpu.memory_space<vmem>>)
      %add3A_134 = arith.constant 1 : i32
      %add3A_135 = arith.addi %add3A_108, %add3A_134 : i32
      %lt3A = arith.constant 80 : i32
      %lt3A_136 = arith.cmpi slt, %add3A_135, %lt3A : i32
      %convert_element_type3A = arith.extui %lt3A_136 : i1 to i32
      %cond3A = arith.constant 0 : i32
      %cond3A_137 = arith.cmpi ne, %convert_element_type3A, %cond3A : i32
      scf.if %cond3A_137 {
        %dma_wait3A_195 = arith.constant 0 : i32
        %dma_wait3A_196 = arith.constant 1 : i32
        %dma_wait3A_197 = arith.constant 0 : i32
        %dma_wait3A_198 = arith.constant 0 : i32
        %dma_wait3A_199 = tpu.memref_slice %arg5[%dma_wait3A_196, %dma_wait3A_197, %dma_wait3A_198] : memref<2x2x128xi32, #tpu.memory_space<vmem>> -> memref<1x2x128xi32, #tpu.memory_space<vmem>>
        %dma_wait3A_200 = tpu.memref_squeeze %dma_wait3A_199 : memref<1x2x128xi32, #tpu.memory_space<vmem>> -> memref<2x128xi32, #tpu.memory_space<vmem>>
        %dma_wait3A_201 = arith.constant 0 : i32
        %dma_wait3A_202 = arith.constant 0 : i32
        %dma_wait3A_203 = tpu.memref_slice %arg3[%add3A, %dma_wait3A_195, %dma_wait3A_201, %dma_wait3A_202] : memref<32x80x2x128xi32, #tpu.memory_space<hbm>> -> memref<1x1x2x128xi32, #tpu.memory_space<hbm>>
        %dma_wait3A_204 = tpu.memref_squeeze %dma_wait3A_203 : memref<1x1x2x128xi32, #tpu.memory_space<hbm>> -> memref<2x128xi32, #tpu.memory_space<hbm>>
        %dma_wait3A_205 = arith.constant 0 : i32
        %dma_wait3A_206 = arith.constant 0 : i32
        %dma_wait3A_207 = tpu.memref_slice %arg5[%dma_wait3A_196, %dma_wait3A_205, %dma_wait3A_206] : memref<2x2x128xi32, #tpu.memory_space<vmem>> -> memref<1x2x128xi32, #tpu.memory_space<vmem>>
        %dma_wait3A_208 = tpu.memref_squeeze %dma_wait3A_207 : memref<1x2x128xi32, #tpu.memory_space<vmem>> -> memref<2x128xi32, #tpu.memory_space<vmem>>
        %dma_wait3A_209 = arith.constant 0 : i32
        %dma_wait3A_210 = arith.constant 0 : i32
        %dma_wait3A_211 = tpu.memref_slice %arg3[%add3A, %dma_wait3A_195, %dma_wait3A_209, %dma_wait3A_210] : memref<32x80x2x128xi32, #tpu.memory_space<hbm>> -> memref<1x1x2x128xi32, #tpu.memory_space<hbm>>
        %dma_wait3A_212 = tpu.memref_squeeze %dma_wait3A_211 : memref<1x1x2x128xi32, #tpu.memory_space<hbm>> -> memref<2x128xi32, #tpu.memory_space<hbm>>
        tpu.wait_dma2 semaphore(%arg13 : memref<!tpu.dma_semaphore, #tpu.memory_space<semaphore_mem>>) src(%dma_wait3A_212 : memref<2x128xi32, #tpu.memory_space<hbm>>) dst(%dma_wait3A_208 : memref<2x128xi32, #tpu.memory_space<vmem>>)
        %dma_start3A_213 = arith.constant 1 : i32
        %dma_start3A_214 = arith.constant 0 : i32
        %dma_start3A_215 = arith.constant 1 : i32
        %dma_start3A_216 = arith.constant 0 : i32
        %dma_start3A_217 = arith.constant 0 : i32
        %dma_start3A_218 = tpu.memref_slice %arg6[%dma_start3A_215, %dma_start3A_216, %dma_start3A_217] : memref<2x128x128xf32, #tpu.memory_space<vmem>> -> memref<1x64x128xf32, #tpu.memory_space<vmem>>
        %dma_start3A_219 = tpu.memref_squeeze %dma_start3A_218 : memref<1x64x128xf32, #tpu.memory_space<vmem>> -> memref<64x128xf32, #tpu.memory_space<vmem>>
        %dma_start3A_220 = arith.constant 0 : i32
        %dma_start3A_221 = tpu.memref_slice %arg5[%dma_start3A_213, %dma_start3A_214, %dma_start3A_220] : memref<2x2x128xi32, #tpu.memory_space<vmem>> -> memref<1x1x64xi32, #tpu.memory_space<vmem>>
        %dma_start3A_222 = tpu.memref_squeeze %dma_start3A_221 : memref<1x1x64xi32, #tpu.memory_space<vmem>> -> memref<64xi32, #tpu.memory_space<vmem>>
        %dma_start3A_223 = arith.constant 0 : i32
        %dma_start3A_224 = arith.constant 0 : i32
        %dma_start3A_225 = tpu.memref_slice %arg2[%dma_start3A_223, %dma_start3A_224] : memref<10000x128xf32, #tpu.memory_space<hbm>> -> memref<10000x128xf32, #tpu.memory_space<hbm>>
        tpu.enqueue_indirect_dma source(%dma_start3A_225 : memref<10000x128xf32, #tpu.memory_space<hbm>>) target(%dma_start3A_219 : memref<64x128xf32, #tpu.memory_space<vmem>>) offsets(%dma_start3A_222 : memref<64xi32, #tpu.memory_space<vmem>>) semaphore(%arg9 : memref<!tpu.dma_semaphore, #tpu.memory_space<semaphore_mem>>)
        %dma_start3A_226 = arith.constant 1 : i32
        %dma_start3A_227 = arith.constant 0 : i32
        %dma_start3A_228 = arith.constant 1 : i32
        %dma_start3A_229 = arith.constant 64 : i32
        %dma_start3A_230 = arith.constant 0 : i32
        %dma_start3A_231 = tpu.memref_slice %arg6[%dma_start3A_228, %dma_start3A_229, %dma_start3A_230] : memref<2x128x128xf32, #tpu.memory_space<vmem>> -> memref<1x64x128xf32, #tpu.memory_space<vmem>>
        %dma_start3A_232 = tpu.memref_squeeze %dma_start3A_231 : memref<1x64x128xf32, #tpu.memory_space<vmem>> -> memref<64x128xf32, #tpu.memory_space<vmem>>
        %dma_start3A_233 = arith.constant 64 : i32
        %dma_start3A_234 = tpu.memref_slice %arg5[%dma_start3A_226, %dma_start3A_227, %dma_start3A_233] : memref<2x2x128xi32, #tpu.memory_space<vmem>> -> memref<1x1x64xi32, #tpu.memory_space<vmem>>
        %dma_start3A_235 = tpu.memref_squeeze %dma_start3A_234 : memref<1x1x64xi32, #tpu.memory_space<vmem>> -> memref<64xi32, #tpu.memory_space<vmem>>
        %dma_start3A_236 = arith.constant 0 : i32
        %dma_start3A_237 = arith.constant 0 : i32
        %dma_start3A_238 = tpu.memref_slice %arg2[%dma_start3A_236, %dma_start3A_237] : memref<10000x128xf32, #tpu.memory_space<hbm>> -> memref<10000x128xf32, #tpu.memory_space<hbm>>
        tpu.enqueue_indirect_dma source(%dma_start3A_238 : memref<10000x128xf32, #tpu.memory_space<hbm>>) target(%dma_start3A_232 : memref<64x128xf32, #tpu.memory_space<vmem>>) offsets(%dma_start3A_235 : memref<64xi32, #tpu.memory_space<vmem>>) semaphore(%arg11 : memref<!tpu.dma_semaphore, #tpu.memory_space<semaphore_mem>>)
      } else {
      }
      %run_scoped3A_138 = arith.constant 0 : i32
      %run_scoped3A_139 = arith.constant 0 : i32
      %run_scoped3A_140 = arith.constant 1 : i32
      "tpu.region"() ({
        %run_scoped3A_195 = tpu.sem_alloc : memref<!tpu.dma_semaphore, #tpu.memory_space<semaphore_mem>>
        %dma_start3A_196 = arith.constant 0 : i32
        %dma_start3A_197 = arith.constant 0 : i32
        %dma_start3A_198 = tpu.memref_slice %arg6[%run_scoped3A_138, %dma_start3A_196, %dma_start3A_197] : memref<2x128x128xf32, #tpu.memory_space<vmem>> -> memref<1x128x128xf32, #tpu.memory_space<vmem>>
        %dma_start3A_199 = tpu.memref_squeeze %dma_start3A_198 : memref<1x128x128xf32, #tpu.memory_space<vmem>> -> memref<128x128xf32, #tpu.memory_space<vmem>>
        %dma_start3A_200 = arith.constant 0 : i32
        %dma_start3A_201 = tpu.memref_slice %arg5[%run_scoped3A_139, %run_scoped3A_140, %dma_start3A_200] : memref<2x2x128xi32, #tpu.memory_space<vmem>> -> memref<1x1x128xi32, #tpu.memory_space<vmem>>
        %dma_start3A_202 = tpu.memref_squeeze %dma_start3A_201 : memref<1x1x128xi32, #tpu.memory_space<vmem>> -> memref<128xi32, #tpu.memory_space<vmem>>
        %dma_start3A_203 = arith.constant 0 : i32
        %dma_start3A_204 = arith.constant 0 : i32
        %dma_start3A_205 = tpu.memref_slice %arg7[%dma_start3A_203, %dma_start3A_204] : memref<10112x128xf32, #tpu.memory_space<vmem_shared>> -> memref<10112x128xf32, #tpu.memory_space<vmem_shared>>
        tpu.enqueue_indirect_dma source(%dma_start3A_199 : memref<128x128xf32, #tpu.memory_space<vmem>>) target(%dma_start3A_205 : memref<10112x128xf32, #tpu.memory_space<vmem_shared>>) offsets(%dma_start3A_202 : memref<128xi32, #tpu.memory_space<vmem>>) semaphore(%run_scoped3A_195 : memref<!tpu.dma_semaphore, #tpu.memory_space<semaphore_mem>>) {add = true}
        %dma_wait3A_206 = arith.constant 0 : i32
        %dma_wait3A_207 = arith.constant 0 : i32
        %dma_wait3A_208 = tpu.memref_slice %arg6[%run_scoped3A_138, %dma_wait3A_206, %dma_wait3A_207] : memref<2x128x128xf32, #tpu.memory_space<vmem>> -> memref<1x128x128xf32, #tpu.memory_space<vmem>>
        %dma_wait3A_209 = tpu.memref_squeeze %dma_wait3A_208 : memref<1x128x128xf32, #tpu.memory_space<vmem>> -> memref<128x128xf32, #tpu.memory_space<vmem>>
        %dma_wait3A_210 = arith.constant 0 : i32
        %dma_wait3A_211 = tpu.memref_slice %arg5[%run_scoped3A_139, %run_scoped3A_140, %dma_wait3A_210] : memref<2x2x128xi32, #tpu.memory_space<vmem>> -> memref<1x1x128xi32, #tpu.memory_space<vmem>>
        %dma_wait3A_212 = tpu.memref_squeeze %dma_wait3A_211 : memref<1x1x128xi32, #tpu.memory_space<vmem>> -> memref<128xi32, #tpu.memory_space<vmem>>
        %dma_wait3A_213 = arith.constant 0 : i32
        %dma_wait3A_214 = arith.constant 0 : i32
        %dma_wait3A_215 = tpu.memref_slice %arg7[%dma_wait3A_213, %dma_wait3A_214] : memref<10112x128xf32, #tpu.memory_space<vmem_shared>> -> memref<10112x128xf32, #tpu.memory_space<vmem_shared>>
        tpu.wait_indirect_dma semaphore(%run_scoped3A_195 : memref<!tpu.dma_semaphore, #tpu.memory_space<semaphore_mem>>) src(%dma_wait3A_209 : memref<128x128xf32, #tpu.memory_space<vmem>>) dst(%dma_wait3A_215 : memref<10112x128xf32, #tpu.memory_space<vmem_shared>>)
        tpu.yield
      }) : () -> ()
      %add3A_141 = arith.constant 2 : i32
      %add3A_142 = arith.addi %add3A_108, %add3A_141 : i32
      %lt3A_143 = arith.constant 80 : i32
      %lt3A_144 = arith.cmpi slt, %add3A_142, %lt3A_143 : i32
      %convert_element_type3A_145 = arith.extui %lt3A_144 : i1 to i32
      %cond3A_146 = arith.constant 0 : i32
      %cond3A_147 = arith.cmpi ne, %convert_element_type3A_145, %cond3A_146 : i32
      scf.if %cond3A_147 {
        %add3A_195 = arith.constant 2 : i32
        %add3A_196 = arith.addi %add3A_108, %add3A_195 : i32
        %dma_start3A_197 = arith.constant 0 : i32
        %dma_start3A_198 = arith.constant 0 : i32
        %dma_start3A_199 = arith.constant 0 : i32
        %dma_start3A_200 = tpu.memref_slice %arg5[%dma_start3A_197, %dma_start3A_198, %dma_start3A_199] : memref<2x2x128xi32, #tpu.memory_space<vmem>> -> memref<1x2x128xi32, #tpu.memory_space<vmem>>
        %dma_start3A_201 = tpu.memref_squeeze %dma_start3A_200 : memref<1x2x128xi32, #tpu.memory_space<vmem>> -> memref<2x128xi32, #tpu.memory_space<vmem>>
        %dma_start3A_202 = arith.constant 0 : i32
        %dma_start3A_203 = arith.constant 0 : i32
        %dma_start3A_204 = tpu.memref_slice %arg3[%add3A, %add3A_196, %dma_start3A_202, %dma_start3A_203] : memref<32x80x2x128xi32, #tpu.memory_space<hbm>> -> memref<1x1x2x128xi32, #tpu.memory_space<hbm>>
        %dma_start3A_205 = tpu.memref_squeeze %dma_start3A_204 : memref<1x1x2x128xi32, #tpu.memory_space<hbm>> -> memref<2x128xi32, #tpu.memory_space<hbm>>
        %dma_start3A_206 = arith.constant 0 : i32
        %dma_start3A_207 = arith.constant 0 : i32
        %dma_start3A_208 = tpu.memref_slice %arg5[%dma_start3A_197, %dma_start3A_206, %dma_start3A_207] : memref<2x2x128xi32, #tpu.memory_space<vmem>> -> memref<1x2x128xi32, #tpu.memory_space<vmem>>
        %dma_start3A_209 = tpu.memref_squeeze %dma_start3A_208 : memref<1x2x128xi32, #tpu.memory_space<vmem>> -> memref<2x128xi32, #tpu.memory_space<vmem>>
        %dma_start3A_210 = arith.constant 0 : i32
        %dma_start3A_211 = arith.constant 0 : i32
        %dma_start3A_212 = tpu.memref_slice %arg3[%add3A, %add3A_196, %dma_start3A_210, %dma_start3A_211] : memref<32x80x2x128xi32, #tpu.memory_space<hbm>> -> memref<1x1x2x128xi32, #tpu.memory_space<hbm>>
        %dma_start3A_213 = tpu.memref_squeeze %dma_start3A_212 : memref<1x1x2x128xi32, #tpu.memory_space<hbm>> -> memref<2x128xi32, #tpu.memory_space<hbm>>
        tpu.enqueue_dma source(%dma_start3A_213 : memref<2x128xi32, #tpu.memory_space<hbm>>) target(%dma_start3A_209 : memref<2x128xi32, #tpu.memory_space<vmem>>) target_semaphore(%arg12 : memref<!tpu.dma_semaphore, #tpu.memory_space<semaphore_mem>>)
      } else {
      }
      %mul3A_148 = arith.constant 2 : i32
      %mul3A_149 = arith.muli %mul3A_148, %scan3A_104 : i32
      %add3A_150 = arith.constant 1 : i32
      %add3A_151 = arith.addi %mul3A_149, %add3A_150 : i32
      %dma_wait3A_152 = arith.constant 1 : i32
      %dma_wait3A_153 = arith.constant 0 : i32
      %dma_wait3A_154 = arith.constant 1 : i32
      %dma_wait3A_155 = arith.constant 0 : i32
      %dma_wait3A_156 = arith.constant 0 : i32
      %dma_wait3A_157 = tpu.memref_slice %arg6[%dma_wait3A_154, %dma_wait3A_155, %dma_wait3A_156] : memref<2x128x128xf32, #tpu.memory_space<vmem>> -> memref<1x64x128xf32, #tpu.memory_space<vmem>>
      %dma_wait3A_158 = tpu.memref_squeeze %dma_wait3A_157 : memref<1x64x128xf32, #tpu.memory_space<vmem>> -> memref<64x128xf32, #tpu.memory_space<vmem>>
      %dma_wait3A_159 = arith.constant 0 : i32
      %dma_wait3A_160 = tpu.memref_slice %arg5[%dma_wait3A_152, %dma_wait3A_153, %dma_wait3A_159] : memref<2x2x128xi32, #tpu.memory_space<vmem>> -> memref<1x1x64xi32, #tpu.memory_space<vmem>>
      %dma_wait3A_161 = tpu.memref_squeeze %dma_wait3A_160 : memref<1x1x64xi32, #tpu.memory_space<vmem>> -> memref<64xi32, #tpu.memory_space<vmem>>
      %dma_wait3A_162 = arith.constant 0 : i32
      %dma_wait3A_163 = arith.constant 0 : i32
      %dma_wait3A_164 = tpu.memref_slice %arg2[%dma_wait3A_162, %dma_wait3A_163] : memref<10000x128xf32, #tpu.memory_space<hbm>> -> memref<10000x128xf32, #tpu.memory_space<hbm>>
      tpu.wait_indirect_dma semaphore(%arg9 : memref<!tpu.dma_semaphore, #tpu.memory_space<semaphore_mem>>) src(%dma_wait3A_164 : memref<10000x128xf32, #tpu.memory_space<hbm>>) dst(%dma_wait3A_158 : memref<64x128xf32, #tpu.memory_space<vmem>>)
      %dma_wait3A_165 = arith.constant 1 : i32
      %dma_wait3A_166 = arith.constant 0 : i32
      %dma_wait3A_167 = arith.constant 1 : i32
      %dma_wait3A_168 = arith.constant 64 : i32
      %dma_wait3A_169 = arith.constant 0 : i32
      %dma_wait3A_170 = tpu.memref_slice %arg6[%dma_wait3A_167, %dma_wait3A_168, %dma_wait3A_169] : memref<2x128x128xf32, #tpu.memory_space<vmem>> -> memref<1x64x128xf32, #tpu.memory_space<vmem>>
      %dma_wait3A_171 = tpu.memref_squeeze %dma_wait3A_170 : memref<1x64x128xf32, #tpu.memory_space<vmem>> -> memref<64x128xf32, #tpu.memory_space<vmem>>
      %dma_wait3A_172 = arith.constant 64 : i32
      %dma_wait3A_173 = tpu.memref_slice %arg5[%dma_wait3A_165, %dma_wait3A_166, %dma_wait3A_172] : memref<2x2x128xi32, #tpu.memory_space<vmem>> -> memref<1x1x64xi32, #tpu.memory_space<vmem>>
      %dma_wait3A_174 = tpu.memref_squeeze %dma_wait3A_173 : memref<1x1x64xi32, #tpu.memory_space<vmem>> -> memref<64xi32, #tpu.memory_space<vmem>>
      %dma_wait3A_175 = arith.constant 0 : i32
      %dma_wait3A_176 = arith.constant 0 : i32
      %dma_wait3A_177 = tpu.memref_slice %arg2[%dma_wait3A_175, %dma_wait3A_176] : memref<10000x128xf32, #tpu.memory_space<hbm>> -> memref<10000x128xf32, #tpu.memory_space<hbm>>
      tpu.wait_indirect_dma semaphore(%arg11 : memref<!tpu.dma_semaphore, #tpu.memory_space<semaphore_mem>>) src(%dma_wait3A_177 : memref<10000x128xf32, #tpu.memory_space<hbm>>) dst(%dma_wait3A_171 : memref<64x128xf32, #tpu.memory_space<vmem>>)
      %add3A_178 = arith.constant 1 : i32
      %add3A_179 = arith.addi %add3A_151, %add3A_178 : i32
      %lt3A_180 = arith.constant 80 : i32
      %lt3A_181 = arith.cmpi slt, %add3A_179, %lt3A_180 : i32
      %convert_element_type3A_182 = arith.extui %lt3A_181 : i1 to i32
      %cond3A_183 = arith.constant 0 : i32
      %cond3A_184 = arith.cmpi ne, %convert_element_type3A_182, %cond3A_183 : i32
      scf.if %cond3A_184 {
        %dma_wait3A_195 = arith.constant 0 : i32
        %dma_wait3A_196 = arith.constant 0 : i32
        %dma_wait3A_197 = arith.constant 0 : i32
        %dma_wait3A_198 = arith.constant 0 : i32
        %dma_wait3A_199 = tpu.memref_slice %arg5[%dma_wait3A_196, %dma_wait3A_197, %dma_wait3A_198] : memref<2x2x128xi32, #tpu.memory_space<vmem>> -> memref<1x2x128xi32, #tpu.memory_space<vmem>>
        %dma_wait3A_200 = tpu.memref_squeeze %dma_wait3A_199 : memref<1x2x128xi32, #tpu.memory_space<vmem>> -> memref<2x128xi32, #tpu.memory_space<vmem>>
        %dma_wait3A_201 = arith.constant 0 : i32
        %dma_wait3A_202 = arith.constant 0 : i32
        %dma_wait3A_203 = tpu.memref_slice %arg3[%add3A, %dma_wait3A_195, %dma_wait3A_201, %dma_wait3A_202] : memref<32x80x2x128xi32, #tpu.memory_space<hbm>> -> memref<1x1x2x128xi32, #tpu.memory_space<hbm>>
        %dma_wait3A_204 = tpu.memref_squeeze %dma_wait3A_203 : memref<1x1x2x128xi32, #tpu.memory_space<hbm>> -> memref<2x128xi32, #tpu.memory_space<hbm>>
        %dma_wait3A_205 = arith.constant 0 : i32
        %dma_wait3A_206 = arith.constant 0 : i32
        %dma_wait3A_207 = tpu.memref_slice %arg5[%dma_wait3A_196, %dma_wait3A_205, %dma_wait3A_206] : memref<2x2x128xi32, #tpu.memory_space<vmem>> -> memref<1x2x128xi32, #tpu.memory_space<vmem>>
        %dma_wait3A_208 = tpu.memref_squeeze %dma_wait3A_207 : memref<1x2x128xi32, #tpu.memory_space<vmem>> -> memref<2x128xi32, #tpu.memory_space<vmem>>
        %dma_wait3A_209 = arith.constant 0 : i32
        %dma_wait3A_210 = arith.constant 0 : i32
        %dma_wait3A_211 = tpu.memref_slice %arg3[%add3A, %dma_wait3A_195, %dma_wait3A_209, %dma_wait3A_210] : memref<32x80x2x128xi32, #tpu.memory_space<hbm>> -> memref<1x1x2x128xi32, #tpu.memory_space<hbm>>
        %dma_wait3A_212 = tpu.memref_squeeze %dma_wait3A_211 : memref<1x1x2x128xi32, #tpu.memory_space<hbm>> -> memref<2x128xi32, #tpu.memory_space<hbm>>
        tpu.wait_dma2 semaphore(%arg12 : memref<!tpu.dma_semaphore, #tpu.memory_space<semaphore_mem>>) src(%dma_wait3A_212 : memref<2x128xi32, #tpu.memory_space<hbm>>) dst(%dma_wait3A_208 : memref<2x128xi32, #tpu.memory_space<vmem>>)
        %dma_start3A_213 = arith.constant 0 : i32
        %dma_start3A_214 = arith.constant 0 : i32
        %dma_start3A_215 = arith.constant 0 : i32
        %dma_start3A_216 = arith.constant 0 : i32
        %dma_start3A_217 = arith.constant 0 : i32
        %dma_start3A_218 = tpu.memref_slice %arg6[%dma_start3A_215, %dma_start3A_216, %dma_start3A_217] : memref<2x128x128xf32, #tpu.memory_space<vmem>> -> memref<1x64x128xf32, #tpu.memory_space<vmem>>
        %dma_start3A_219 = tpu.memref_squeeze %dma_start3A_218 : memref<1x64x128xf32, #tpu.memory_space<vmem>> -> memref<64x128xf32, #tpu.memory_space<vmem>>
        %dma_start3A_220 = arith.constant 0 : i32
        %dma_start3A_221 = tpu.memref_slice %arg5[%dma_start3A_213, %dma_start3A_214, %dma_start3A_220] : memref<2x2x128xi32, #tpu.memory_space<vmem>> -> memref<1x1x64xi32, #tpu.memory_space<vmem>>
        %dma_start3A_222 = tpu.memref_squeeze %dma_start3A_221 : memref<1x1x64xi32, #tpu.memory_space<vmem>> -> memref<64xi32, #tpu.memory_space<vmem>>
        %dma_start3A_223 = arith.constant 0 : i32
        %dma_start3A_224 = arith.constant 0 : i32
        %dma_start3A_225 = tpu.memref_slice %arg2[%dma_start3A_223, %dma_start3A_224] : memref<10000x128xf32, #tpu.memory_space<hbm>> -> memref<10000x128xf32, #tpu.memory_space<hbm>>
        tpu.enqueue_indirect_dma source(%dma_start3A_225 : memref<10000x128xf32, #tpu.memory_space<hbm>>) target(%dma_start3A_219 : memref<64x128xf32, #tpu.memory_space<vmem>>) offsets(%dma_start3A_222 : memref<64xi32, #tpu.memory_space<vmem>>) semaphore(%arg8 : memref<!tpu.dma_semaphore, #tpu.memory_space<semaphore_mem>>)
        %dma_start3A_226 = arith.constant 0 : i32
        %dma_start3A_227 = arith.constant 0 : i32
        %dma_start3A_228 = arith.constant 0 : i32
        %dma_start3A_229 = arith.constant 64 : i32
        %dma_start3A_230 = arith.constant 0 : i32
        %dma_start3A_231 = tpu.memref_slice %arg6[%dma_start3A_228, %dma_start3A_229, %dma_start3A_230] : memref<2x128x128xf32, #tpu.memory_space<vmem>> -> memref<1x64x128xf32, #tpu.memory_space<vmem>>
        %dma_start3A_232 = tpu.memref_squeeze %dma_start3A_231 : memref<1x64x128xf32, #tpu.memory_space<vmem>> -> memref<64x128xf32, #tpu.memory_space<vmem>>
        %dma_start3A_233 = arith.constant 64 : i32
        %dma_start3A_234 = tpu.memref_slice %arg5[%dma_start3A_226, %dma_start3A_227, %dma_start3A_233] : memref<2x2x128xi32, #tpu.memory_space<vmem>> -> memref<1x1x64xi32, #tpu.memory_space<vmem>>
        %dma_start3A_235 = tpu.memref_squeeze %dma_start3A_234 : memref<1x1x64xi32, #tpu.memory_space<vmem>> -> memref<64xi32, #tpu.memory_space<vmem>>
        %dma_start3A_236 = arith.constant 0 : i32
        %dma_start3A_237 = arith.constant 0 : i32
        %dma_start3A_238 = tpu.memref_slice %arg2[%dma_start3A_236, %dma_start3A_237] : memref<10000x128xf32, #tpu.memory_space<hbm>> -> memref<10000x128xf32, #tpu.memory_space<hbm>>
        tpu.enqueue_indirect_dma source(%dma_start3A_238 : memref<10000x128xf32, #tpu.memory_space<hbm>>) target(%dma_start3A_232 : memref<64x128xf32, #tpu.memory_space<vmem>>) offsets(%dma_start3A_235 : memref<64xi32, #tpu.memory_space<vmem>>) semaphore(%arg10 : memref<!tpu.dma_semaphore, #tpu.memory_space<semaphore_mem>>)
      } else {
      }
      %run_scoped3A_185 = arith.constant 1 : i32
      %run_scoped3A_186 = arith.constant 1 : i32
      %run_scoped3A_187 = arith.constant 1 : i32
      "tpu.region"() ({
        %run_scoped3A_195 = tpu.sem_alloc : memref<!tpu.dma_semaphore, #tpu.memory_space<semaphore_mem>>
        %dma_start3A_196 = arith.constant 0 : i32
        %dma_start3A_197 = arith.constant 0 : i32
        %dma_start3A_198 = tpu.memref_slice %arg6[%run_scoped3A_185, %dma_start3A_196, %dma_start3A_197] : memref<2x128x128xf32, #tpu.memory_space<vmem>> -> memref<1x128x128xf32, #tpu.memory_space<vmem>>
        %dma_start3A_199 = tpu.memref_squeeze %dma_start3A_198 : memref<1x128x128xf32, #tpu.memory_space<vmem>> -> memref<128x128xf32, #tpu.memory_space<vmem>>
        %dma_start3A_200 = arith.constant 0 : i32
        %dma_start3A_201 = tpu.memref_slice %arg5[%run_scoped3A_186, %run_scoped3A_187, %dma_start3A_200] : memref<2x2x128xi32, #tpu.memory_space<vmem>> -> memref<1x1x128xi32, #tpu.memory_space<vmem>>
        %dma_start3A_202 = tpu.memref_squeeze %dma_start3A_201 : memref<1x1x128xi32, #tpu.memory_space<vmem>> -> memref<128xi32, #tpu.memory_space<vmem>>
        %dma_start3A_203 = arith.constant 0 : i32
        %dma_start3A_204 = arith.constant 0 : i32
        %dma_start3A_205 = tpu.memref_slice %arg7[%dma_start3A_203, %dma_start3A_204] : memref<10112x128xf32, #tpu.memory_space<vmem_shared>> -> memref<10112x128xf32, #tpu.memory_space<vmem_shared>>
        tpu.enqueue_indirect_dma source(%dma_start3A_199 : memref<128x128xf32, #tpu.memory_space<vmem>>) target(%dma_start3A_205 : memref<10112x128xf32, #tpu.memory_space<vmem_shared>>) offsets(%dma_start3A_202 : memref<128xi32, #tpu.memory_space<vmem>>) semaphore(%run_scoped3A_195 : memref<!tpu.dma_semaphore, #tpu.memory_space<semaphore_mem>>) {add = true}
        %dma_wait3A_206 = arith.constant 0 : i32
        %dma_wait3A_207 = arith.constant 0 : i32
        %dma_wait3A_208 = tpu.memref_slice %arg6[%run_scoped3A_185, %dma_wait3A_206, %dma_wait3A_207] : memref<2x128x128xf32, #tpu.memory_space<vmem>> -> memref<1x128x128xf32, #tpu.memory_space<vmem>>
        %dma_wait3A_209 = tpu.memref_squeeze %dma_wait3A_208 : memref<1x128x128xf32, #tpu.memory_space<vmem>> -> memref<128x128xf32, #tpu.memory_space<vmem>>
        %dma_wait3A_210 = arith.constant 0 : i32
        %dma_wait3A_211 = tpu.memref_slice %arg5[%run_scoped3A_186, %run_scoped3A_187, %dma_wait3A_210] : memref<2x2x128xi32, #tpu.memory_space<vmem>> -> memref<1x1x128xi32, #tpu.memory_space<vmem>>
        %dma_wait3A_212 = tpu.memref_squeeze %dma_wait3A_211 : memref<1x1x128xi32, #tpu.memory_space<vmem>> -> memref<128xi32, #tpu.memory_space<vmem>>
        %dma_wait3A_213 = arith.constant 0 : i32
        %dma_wait3A_214 = arith.constant 0 : i32
        %dma_wait3A_215 = tpu.memref_slice %arg7[%dma_wait3A_213, %dma_wait3A_214] : memref<10112x128xf32, #tpu.memory_space<vmem_shared>> -> memref<10112x128xf32, #tpu.memory_space<vmem_shared>>
        tpu.wait_indirect_dma semaphore(%run_scoped3A_195 : memref<!tpu.dma_semaphore, #tpu.memory_space<semaphore_mem>>) src(%dma_wait3A_209 : memref<128x128xf32, #tpu.memory_space<vmem>>) dst(%dma_wait3A_215 : memref<10112x128xf32, #tpu.memory_space<vmem_shared>>)
        tpu.yield
      }) : () -> ()
      %add3A_188 = arith.constant 2 : i32
      %add3A_189 = arith.addi %add3A_151, %add3A_188 : i32
      %lt3A_190 = arith.constant 80 : i32
      %lt3A_191 = arith.cmpi slt, %add3A_189, %lt3A_190 : i32
      %convert_element_type3A_192 = arith.extui %lt3A_191 : i1 to i32
      %cond3A_193 = arith.constant 0 : i32
      %cond3A_194 = arith.cmpi ne, %convert_element_type3A_192, %cond3A_193 : i32
      scf.if %cond3A_194 {
        %add3A_195 = arith.constant 2 : i32
        %add3A_196 = arith.addi %add3A_151, %add3A_195 : i32
        %dma_start3A_197 = arith.constant 1 : i32
        %dma_start3A_198 = arith.constant 0 : i32
        %dma_start3A_199 = arith.constant 0 : i32
        %dma_start3A_200 = tpu.memref_slice %arg5[%dma_start3A_197, %dma_start3A_198, %dma_start3A_199] : memref<2x2x128xi32, #tpu.memory_space<vmem>> -> memref<1x2x128xi32, #tpu.memory_space<vmem>>
        %dma_start3A_201 = tpu.memref_squeeze %dma_start3A_200 : memref<1x2x128xi32, #tpu.memory_space<vmem>> -> memref<2x128xi32, #tpu.memory_space<vmem>>
        %dma_start3A_202 = arith.constant 0 : i32
        %dma_start3A_203 = arith.constant 0 : i32
        %dma_start3A_204 = tpu.memref_slice %arg3[%add3A, %add3A_196, %dma_start3A_202, %dma_start3A_203] : memref<32x80x2x128xi32, #tpu.memory_space<hbm>> -> memref<1x1x2x128xi32, #tpu.memory_space<hbm>>
        %dma_start3A_205 = tpu.memref_squeeze %dma_start3A_204 : memref<1x1x2x128xi32, #tpu.memory_space<hbm>> -> memref<2x128xi32, #tpu.memory_space<hbm>>
        %dma_start3A_206 = arith.constant 0 : i32
        %dma_start3A_207 = arith.constant 0 : i32
        %dma_start3A_208 = tpu.memref_slice %arg5[%dma_start3A_197, %dma_start3A_206, %dma_start3A_207] : memref<2x2x128xi32, #tpu.memory_space<vmem>> -> memref<1x2x128xi32, #tpu.memory_space<vmem>>
        %dma_start3A_209 = tpu.memref_squeeze %dma_start3A_208 : memref<1x2x128xi32, #tpu.memory_space<vmem>> -> memref<2x128xi32, #tpu.memory_space<vmem>>
        %dma_start3A_210 = arith.constant 0 : i32
        %dma_start3A_211 = arith.constant 0 : i32
        %dma_start3A_212 = tpu.memref_slice %arg3[%add3A, %add3A_196, %dma_start3A_210, %dma_start3A_211] : memref<32x80x2x128xi32, #tpu.memory_space<hbm>> -> memref<1x1x2x128xi32, #tpu.memory_space<hbm>>
        %dma_start3A_213 = tpu.memref_squeeze %dma_start3A_212 : memref<1x1x2x128xi32, #tpu.memory_space<hbm>> -> memref<2x128xi32, #tpu.memory_space<hbm>>
        tpu.enqueue_dma source(%dma_start3A_213 : memref<2x128xi32, #tpu.memory_space<hbm>>) target(%dma_start3A_209 : memref<2x128xi32, #tpu.memory_space<vmem>>) target_semaphore(%arg13 : memref<!tpu.dma_semaphore, #tpu.memory_space<semaphore_mem>>)
      } else {
      }
    }
    %scan3A_72 = arith.constant 40 : i32
    %barrier3A_73 = arith.constant 0 : index
    tpu.barrier barrier_id(%barrier3A_73)
    %add3A_74 = arith.constant 0 : i32
    %add3A_75 = arith.addi %mul3A_7, %add3A_74 : i32
    %run_scoped3A_76 = arith.constant 0 : i32
    "tpu.region"() ({
      %run_scoped3A_104 = tpu.sem_alloc : memref<!tpu.dma_semaphore, #tpu.memory_space<semaphore_mem>>
      %dma_start3A_105 = arith.constant 0 : i32
      %dma_start3A_106 = arith.constant 0 : i32
      %dma_start3A_107 = tpu.memref_slice %arg6[%run_scoped3A_76, %dma_start3A_105, %dma_start3A_106] : memref<2x128x128xf32, #tpu.memory_space<vmem>> -> memref<1x128x128xf32, #tpu.memory_space<vmem>>
      %dma_start3A_108 = tpu.memref_squeeze %dma_start3A_107 : memref<1x128x128xf32, #tpu.memory_space<vmem>> -> memref<128x128xf32, #tpu.memory_space<vmem>>
      %dma_start3A_109 = arith.constant 0 : i32
      %dma_start3A_110 = tpu.memref_slice %arg7[%add3A_75, %dma_start3A_109] : memref<10112x128xf32, #tpu.memory_space<vmem_shared>> -> memref<128x128xf32, #tpu.memory_space<vmem_shared>>
      %dma_start3A_111 = arith.constant 0 : i32
      %dma_start3A_112 = arith.constant 0 : i32
      %dma_start3A_113 = tpu.memref_slice %arg6[%run_scoped3A_76, %dma_start3A_111, %dma_start3A_112] : memref<2x128x128xf32, #tpu.memory_space<vmem>> -> memref<1x128x128xf32, #tpu.memory_space<vmem>>
      %dma_start3A_114 = tpu.memref_squeeze %dma_start3A_113 : memref<1x128x128xf32, #tpu.memory_space<vmem>> -> memref<128x128xf32, #tpu.memory_space<vmem>>
      %dma_start3A_115 = arith.constant 0 : i32
      %dma_start3A_116 = tpu.memref_slice %arg7[%add3A_75, %dma_start3A_115] : memref<10112x128xf32, #tpu.memory_space<vmem_shared>> -> memref<128x128xf32, #tpu.memory_space<vmem_shared>>
      tpu.enqueue_dma source(%dma_start3A_116 : memref<128x128xf32, #tpu.memory_space<vmem_shared>>) target(%dma_start3A_114 : memref<128x128xf32, #tpu.memory_space<vmem>>) target_semaphore(%run_scoped3A_104 : memref<!tpu.dma_semaphore, #tpu.memory_space<semaphore_mem>>)
      %dma_wait3A = arith.constant 0 : i32
      %dma_wait3A_117 = arith.constant 0 : i32
      %dma_wait3A_118 = tpu.memref_slice %arg6[%run_scoped3A_76, %dma_wait3A, %dma_wait3A_117] : memref<2x128x128xf32, #tpu.memory_space<vmem>> -> memref<1x128x128xf32, #tpu.memory_space<vmem>>
      %dma_wait3A_119 = tpu.memref_squeeze %dma_wait3A_118 : memref<1x128x128xf32, #tpu.memory_space<vmem>> -> memref<128x128xf32, #tpu.memory_space<vmem>>
      %dma_wait3A_120 = arith.constant 0 : i32
      %dma_wait3A_121 = tpu.memref_slice %arg7[%add3A_75, %dma_wait3A_120] : memref<10112x128xf32, #tpu.memory_space<vmem_shared>> -> memref<128x128xf32, #tpu.memory_space<vmem_shared>>
      %dma_wait3A_122 = arith.constant 0 : i32
      %dma_wait3A_123 = arith.constant 0 : i32
      %dma_wait3A_124 = tpu.memref_slice %arg6[%run_scoped3A_76, %dma_wait3A_122, %dma_wait3A_123] : memref<2x128x128xf32, #tpu.memory_space<vmem>> -> memref<1x128x128xf32, #tpu.memory_space<vmem>>
      %dma_wait3A_125 = tpu.memref_squeeze %dma_wait3A_124 : memref<1x128x128xf32, #tpu.memory_space<vmem>> -> memref<128x128xf32, #tpu.memory_space<vmem>>
      %dma_wait3A_126 = arith.constant 0 : i32
      %dma_wait3A_127 = tpu.memref_slice %arg7[%add3A_75, %dma_wait3A_126] : memref<10112x128xf32, #tpu.memory_space<vmem_shared>> -> memref<128x128xf32, #tpu.memory_space<vmem_shared>>
      tpu.wait_dma2 semaphore(%run_scoped3A_104 : memref<!tpu.dma_semaphore, #tpu.memory_space<semaphore_mem>>) src(%dma_wait3A_127 : memref<128x128xf32, #tpu.memory_space<vmem_shared>>) dst(%dma_wait3A_125 : memref<128x128xf32, #tpu.memory_space<vmem>>)
      tpu.yield
    }) : () -> ()
    %add3A_77 = arith.constant 0 : i32
    %add3A_78 = arith.addi %mul3A_7, %add3A_77 : i32
    %run_scoped3A_79 = arith.constant 0 : i32
    "tpu.region"() ({
      %run_scoped3A_104 = tpu.sem_alloc : memref<!tpu.dma_semaphore, #tpu.memory_space<semaphore_mem>>
      %dma_start3A_105 = arith.constant 0 : i32
      %dma_start3A_106 = arith.constant 0 : i32
      %dma_start3A_107 = tpu.memref_slice %arg6[%run_scoped3A_79, %dma_start3A_105, %dma_start3A_106] : memref<2x128x128xf32, #tpu.memory_space<vmem>> -> memref<1x128x128xf32, #tpu.memory_space<vmem>>
      %dma_start3A_108 = tpu.memref_squeeze %dma_start3A_107 : memref<1x128x128xf32, #tpu.memory_space<vmem>> -> memref<128x128xf32, #tpu.memory_space<vmem>>
      %dma_start3A_109 = arith.constant 0 : i32
      %dma_start3A_110 = tpu.memref_slice %arg4[%arg0, %add3A_78, %dma_start3A_109] : memref<2x10112x128xf32, #tpu.memory_space<hbm>> -> memref<1x128x128xf32, #tpu.memory_space<hbm>>
      %dma_start3A_111 = tpu.memref_squeeze %dma_start3A_110 : memref<1x128x128xf32, #tpu.memory_space<hbm>> -> memref<128x128xf32, #tpu.memory_space<hbm>>
      %dma_start3A_112 = arith.constant 0 : i32
      %dma_start3A_113 = tpu.memref_slice %arg4[%arg0, %add3A_78, %dma_start3A_112] : memref<2x10112x128xf32, #tpu.memory_space<hbm>> -> memref<1x128x128xf32, #tpu.memory_space<hbm>>
      %dma_start3A_114 = tpu.memref_squeeze %dma_start3A_113 : memref<1x128x128xf32, #tpu.memory_space<hbm>> -> memref<128x128xf32, #tpu.memory_space<hbm>>
      %dma_start3A_115 = arith.constant 0 : i32
      %dma_start3A_116 = arith.constant 0 : i32
      %dma_start3A_117 = tpu.memref_slice %arg6[%run_scoped3A_79, %dma_start3A_115, %dma_start3A_116] : memref<2x128x128xf32, #tpu.memory_space<vmem>> -> memref<1x128x128xf32, #tpu.memory_space<vmem>>
      %dma_start3A_118 = tpu.memref_squeeze %dma_start3A_117 : memref<1x128x128xf32, #tpu.memory_space<vmem>> -> memref<128x128xf32, #tpu.memory_space<vmem>>
      tpu.enqueue_dma source(%dma_start3A_118 : memref<128x128xf32, #tpu.memory_space<vmem>>) target(%dma_start3A_114 : memref<128x128xf32, #tpu.memory_space<hbm>>) target_semaphore(%run_scoped3A_104 : memref<!tpu.dma_semaphore, #tpu.memory_space<semaphore_mem>>)
      %dma_wait3A = arith.constant 0 : i32
      %dma_wait3A_119 = arith.constant 0 : i32
      %dma_wait3A_120 = tpu.memref_slice %arg6[%run_scoped3A_79, %dma_wait3A, %dma_wait3A_119] : memref<2x128x128xf32, #tpu.memory_space<vmem>> -> memref<1x128x128xf32, #tpu.memory_space<vmem>>
      %dma_wait3A_121 = tpu.memref_squeeze %dma_wait3A_120 : memref<1x128x128xf32, #tpu.memory_space<vmem>> -> memref<128x128xf32, #tpu.memory_space<vmem>>
      %dma_wait3A_122 = arith.constant 0 : i32
      %dma_wait3A_123 = tpu.memref_slice %arg4[%arg0, %add3A_78, %dma_wait3A_122] : memref<2x10112x128xf32, #tpu.memory_space<hbm>> -> memref<1x128x128xf32, #tpu.memory_space<hbm>>
      %dma_wait3A_124 = tpu.memref_squeeze %dma_wait3A_123 : memref<1x128x128xf32, #tpu.memory_space<hbm>> -> memref<128x128xf32, #tpu.memory_space<hbm>>
      %dma_wait3A_125 = arith.constant 0 : i32
      %dma_wait3A_126 = tpu.memref_slice %arg4[%arg0, %add3A_78, %dma_wait3A_125] : memref<2x10112x128xf32, #tpu.memory_space<hbm>> -> memref<1x128x128xf32, #tpu.memory_space<hbm>>
      %dma_wait3A_127 = tpu.memref_squeeze %dma_wait3A_126 : memref<1x128x128xf32, #tpu.memory_space<hbm>> -> memref<128x128xf32, #tpu.memory_space<hbm>>
      %dma_wait3A_128 = arith.constant 0 : i32
      %dma_wait3A_129 = arith.constant 0 : i32
      %dma_wait3A_130 = tpu.memref_slice %arg6[%run_scoped3A_79, %dma_wait3A_128, %dma_wait3A_129] : memref<2x128x128xf32, #tpu.memory_space<vmem>> -> memref<1x128x128xf32, #tpu.memory_space<vmem>>
      %dma_wait3A_131 = tpu.memref_squeeze %dma_wait3A_130 : memref<1x128x128xf32, #tpu.memory_space<vmem>> -> memref<128x128xf32, #tpu.memory_space<vmem>>
      tpu.wait_dma2 semaphore(%run_scoped3A_104 : memref<!tpu.dma_semaphore, #tpu.memory_space<semaphore_mem>>) src(%dma_wait3A_131 : memref<128x128xf32, #tpu.memory_space<vmem>>) dst(%dma_wait3A_127 : memref<128x128xf32, #tpu.memory_space<hbm>>)
      tpu.yield
    }) : () -> ()
    %add3A_80 = arith.constant 128 : i32
    %add3A_81 = arith.addi %mul3A_7, %add3A_80 : i32
    %run_scoped3A_82 = arith.constant 0 : i32
    "tpu.region"() ({
      %run_scoped3A_104 = tpu.sem_alloc : memref<!tpu.dma_semaphore, #tpu.memory_space<semaphore_mem>>
      %dma_start3A_105 = arith.constant 0 : i32
      %dma_start3A_106 = arith.constant 0 : i32
      %dma_start3A_107 = tpu.memref_slice %arg6[%run_scoped3A_82, %dma_start3A_105, %dma_start3A_106] : memref<2x128x128xf32, #tpu.memory_space<vmem>> -> memref<1x128x128xf32, #tpu.memory_space<vmem>>
      %dma_start3A_108 = tpu.memref_squeeze %dma_start3A_107 : memref<1x128x128xf32, #tpu.memory_space<vmem>> -> memref<128x128xf32, #tpu.memory_space<vmem>>
      %dma_start3A_109 = arith.constant 0 : i32
      %dma_start3A_110 = tpu.memref_slice %arg7[%add3A_81, %dma_start3A_109] : memref<10112x128xf32, #tpu.memory_space<vmem_shared>> -> memref<128x128xf32, #tpu.memory_space<vmem_shared>>
      %dma_start3A_111 = arith.constant 0 : i32
      %dma_start3A_112 = arith.constant 0 : i32
      %dma_start3A_113 = tpu.memref_slice %arg6[%run_scoped3A_82, %dma_start3A_111, %dma_start3A_112] : memref<2x128x128xf32, #tpu.memory_space<vmem>> -> memref<1x128x128xf32, #tpu.memory_space<vmem>>
      %dma_start3A_114 = tpu.memref_squeeze %dma_start3A_113 : memref<1x128x128xf32, #tpu.memory_space<vmem>> -> memref<128x128xf32, #tpu.memory_space<vmem>>
      %dma_start3A_115 = arith.constant 0 : i32
      %dma_start3A_116 = tpu.memref_slice %arg7[%add3A_81, %dma_start3A_115] : memref<10112x128xf32, #tpu.memory_space<vmem_shared>> -> memref<128x128xf32, #tpu.memory_space<vmem_shared>>
      tpu.enqueue_dma source(%dma_start3A_116 : memref<128x128xf32, #tpu.memory_space<vmem_shared>>) target(%dma_start3A_114 : memref<128x128xf32, #tpu.memory_space<vmem>>) target_semaphore(%run_scoped3A_104 : memref<!tpu.dma_semaphore, #tpu.memory_space<semaphore_mem>>)
      %dma_wait3A = arith.constant 0 : i32
      %dma_wait3A_117 = arith.constant 0 : i32
      %dma_wait3A_118 = tpu.memref_slice %arg6[%run_scoped3A_82, %dma_wait3A, %dma_wait3A_117] : memref<2x128x128xf32, #tpu.memory_space<vmem>> -> memref<1x128x128xf32, #tpu.memory_space<vmem>>
      %dma_wait3A_119 = tpu.memref_squeeze %dma_wait3A_118 : memref<1x128x128xf32, #tpu.memory_space<vmem>> -> memref<128x128xf32, #tpu.memory_space<vmem>>
      %dma_wait3A_120 = arith.constant 0 : i32
      %dma_wait3A_121 = tpu.memref_slice %arg7[%add3A_81, %dma_wait3A_120] : memref<10112x128xf32, #tpu.memory_space<vmem_shared>> -> memref<128x128xf32, #tpu.memory_space<vmem_shared>>
      %dma_wait3A_122 = arith.constant 0 : i32
      %dma_wait3A_123 = arith.constant 0 : i32
      %dma_wait3A_124 = tpu.memref_slice %arg6[%run_scoped3A_82, %dma_wait3A_122, %dma_wait3A_123] : memref<2x128x128xf32, #tpu.memory_space<vmem>> -> memref<1x128x128xf32, #tpu.memory_space<vmem>>
      %dma_wait3A_125 = tpu.memref_squeeze %dma_wait3A_124 : memref<1x128x128xf32, #tpu.memory_space<vmem>> -> memref<128x128xf32, #tpu.memory_space<vmem>>
      %dma_wait3A_126 = arith.constant 0 : i32
      %dma_wait3A_127 = tpu.memref_slice %arg7[%add3A_81, %dma_wait3A_126] : memref<10112x128xf32, #tpu.memory_space<vmem_shared>> -> memref<128x128xf32, #tpu.memory_space<vmem_shared>>
      tpu.wait_dma2 semaphore(%run_scoped3A_104 : memref<!tpu.dma_semaphore, #tpu.memory_space<semaphore_mem>>) src(%dma_wait3A_127 : memref<128x128xf32, #tpu.memory_space<vmem_shared>>) dst(%dma_wait3A_125 : memref<128x128xf32, #tpu.memory_space<vmem>>)
      tpu.yield
    }) : () -> ()
    %add3A_83 = arith.constant 128 : i32
    %add3A_84 = arith.addi %mul3A_7, %add3A_83 : i32
    %run_scoped3A_85 = arith.constant 0 : i32
    "tpu.region"() ({
      %run_scoped3A_104 = tpu.sem_alloc : memref<!tpu.dma_semaphore, #tpu.memory_space<semaphore_mem>>
      %dma_start3A_105 = arith.constant 0 : i32
      %dma_start3A_106 = arith.constant 0 : i32
      %dma_start3A_107 = tpu.memref_slice %arg6[%run_scoped3A_85, %dma_start3A_105, %dma_start3A_106] : memref<2x128x128xf32, #tpu.memory_space<vmem>> -> memref<1x128x128xf32, #tpu.memory_space<vmem>>
      %dma_start3A_108 = tpu.memref_squeeze %dma_start3A_107 : memref<1x128x128xf32, #tpu.memory_space<vmem>> -> memref<128x128xf32, #tpu.memory_space<vmem>>
      %dma_start3A_109 = arith.constant 0 : i32
      %dma_start3A_110 = tpu.memref_slice %arg4[%arg0, %add3A_84, %dma_start3A_109] : memref<2x10112x128xf32, #tpu.memory_space<hbm>> -> memref<1x128x128xf32, #tpu.memory_space<hbm>>
      %dma_start3A_111 = tpu.memref_squeeze %dma_start3A_110 : memref<1x128x128xf32, #tpu.memory_space<hbm>> -> memref<128x128xf32, #tpu.memory_space<hbm>>
      %dma_start3A_112 = arith.constant 0 : i32
      %dma_start3A_113 = tpu.memref_slice %arg4[%arg0, %add3A_84, %dma_start3A_112] : memref<2x10112x128xf32, #tpu.memory_space<hbm>> -> memref<1x128x128xf32, #tpu.memory_space<hbm>>
      %dma_start3A_114 = tpu.memref_squeeze %dma_start3A_113 : memref<1x128x128xf32, #tpu.memory_space<hbm>> -> memref<128x128xf32, #tpu.memory_space<hbm>>
      %dma_start3A_115 = arith.constant 0 : i32
      %dma_start3A_116 = arith.constant 0 : i32
      %dma_start3A_117 = tpu.memref_slice %arg6[%run_scoped3A_85, %dma_start3A_115, %dma_start3A_116] : memref<2x128x128xf32, #tpu.memory_space<vmem>> -> memref<1x128x128xf32, #tpu.memory_space<vmem>>
      %dma_start3A_118 = tpu.memref_squeeze %dma_start3A_117 : memref<1x128x128xf32, #tpu.memory_space<vmem>> -> memref<128x128xf32, #tpu.memory_space<vmem>>
      tpu.enqueue_dma source(%dma_start3A_118 : memref<128x128xf32, #tpu.memory_space<vmem>>) target(%dma_start3A_114 : memref<128x128xf32, #tpu.memory_space<hbm>>) target_semaphore(%run_scoped3A_104 : memref<!tpu.dma_semaphore, #tpu.memory_space<semaphore_mem>>)
      %dma_wait3A = arith.constant 0 : i32
      %dma_wait3A_119 = arith.constant 0 : i32
      %dma_wait3A_120 = tpu.memref_slice %arg6[%run_scoped3A_85, %dma_wait3A, %dma_wait3A_119] : memref<2x128x128xf32, #tpu.memory_space<vmem>> -> memref<1x128x128xf32, #tpu.memory_space<vmem>>
      %dma_wait3A_121 = tpu.memref_squeeze %dma_wait3A_120 : memref<1x128x128xf32, #tpu.memory_space<vmem>> -> memref<128x128xf32, #tpu.memory_space<vmem>>
      %dma_wait3A_122 = arith.constant 0 : i32
      %dma_wait3A_123 = tpu.memref_slice %arg4[%arg0, %add3A_84, %dma_wait3A_122] : memref<2x10112x128xf32, #tpu.memory_space<hbm>> -> memref<1x128x128xf32, #tpu.memory_space<hbm>>
      %dma_wait3A_124 = tpu.memref_squeeze %dma_wait3A_123 : memref<1x128x128xf32, #tpu.memory_space<hbm>> -> memref<128x128xf32, #tpu.memory_space<hbm>>
      %dma_wait3A_125 = arith.constant 0 : i32
      %dma_wait3A_126 = tpu.memref_slice %arg4[%arg0, %add3A_84, %dma_wait3A_125] : memref<2x10112x128xf32, #tpu.memory_space<hbm>> -> memref<1x128x128xf32, #tpu.memory_space<hbm>>
      %dma_wait3A_127 = tpu.memref_squeeze %dma_wait3A_126 : memref<1x128x128xf32, #tpu.memory_space<hbm>> -> memref<128x128xf32, #tpu.memory_space<hbm>>
      %dma_wait3A_128 = arith.constant 0 : i32
      %dma_wait3A_129 = arith.constant 0 : i32
      %dma_wait3A_130 = tpu.memref_slice %arg6[%run_scoped3A_85, %dma_wait3A_128, %dma_wait3A_129] : memref<2x128x128xf32, #tpu.memory_space<vmem>> -> memref<1x128x128xf32, #tpu.memory_space<vmem>>
      %dma_wait3A_131 = tpu.memref_squeeze %dma_wait3A_130 : memref<1x128x128xf32, #tpu.memory_space<vmem>> -> memref<128x128xf32, #tpu.memory_space<vmem>>
      tpu.wait_dma2 semaphore(%run_scoped3A_104 : memref<!tpu.dma_semaphore, #tpu.memory_space<semaphore_mem>>) src(%dma_wait3A_131 : memref<128x128xf32, #tpu.memory_space<vmem>>) dst(%dma_wait3A_127 : memref<128x128xf32, #tpu.memory_space<hbm>>)
      tpu.yield
    }) : () -> ()
    %add3A_86 = arith.constant 256 : i32
    %add3A_87 = arith.addi %mul3A_7, %add3A_86 : i32
    %run_scoped3A_88 = arith.constant 0 : i32
    "tpu.region"() ({
      %run_scoped3A_104 = tpu.sem_alloc : memref<!tpu.dma_semaphore, #tpu.memory_space<semaphore_mem>>
      %dma_start3A_105 = arith.constant 0 : i32
      %dma_start3A_106 = arith.constant 0 : i32
      %dma_start3A_107 = tpu.memref_slice %arg6[%run_scoped3A_88, %dma_start3A_105, %dma_start3A_106] : memref<2x128x128xf32, #tpu.memory_space<vmem>> -> memref<1x128x128xf32, #tpu.memory_space<vmem>>
      %dma_start3A_108 = tpu.memref_squeeze %dma_start3A_107 : memref<1x128x128xf32, #tpu.memory_space<vmem>> -> memref<128x128xf32, #tpu.memory_space<vmem>>
      %dma_start3A_109 = arith.constant 0 : i32
      %dma_start3A_110 = tpu.memref_slice %arg7[%add3A_87, %dma_start3A_109] : memref<10112x128xf32, #tpu.memory_space<vmem_shared>> -> memref<128x128xf32, #tpu.memory_space<vmem_shared>>
      %dma_start3A_111 = arith.constant 0 : i32
      %dma_start3A_112 = arith.constant 0 : i32
      %dma_start3A_113 = tpu.memref_slice %arg6[%run_scoped3A_88, %dma_start3A_111, %dma_start3A_112] : memref<2x128x128xf32, #tpu.memory_space<vmem>> -> memref<1x128x128xf32, #tpu.memory_space<vmem>>
      %dma_start3A_114 = tpu.memref_squeeze %dma_start3A_113 : memref<1x128x128xf32, #tpu.memory_space<vmem>> -> memref<128x128xf32, #tpu.memory_space<vmem>>
      %dma_start3A_115 = arith.constant 0 : i32
      %dma_start3A_116 = tpu.memref_slice %arg7[%add3A_87, %dma_start3A_115] : memref<10112x128xf32, #tpu.memory_space<vmem_shared>> -> memref<128x128xf32, #tpu.memory_space<vmem_shared>>
      tpu.enqueue_dma source(%dma_start3A_116 : memref<128x128xf32, #tpu.memory_space<vmem_shared>>) target(%dma_start3A_114 : memref<128x128xf32, #tpu.memory_space<vmem>>) target_semaphore(%run_scoped3A_104 : memref<!tpu.dma_semaphore, #tpu.memory_space<semaphore_mem>>)
      %dma_wait3A = arith.constant 0 : i32
      %dma_wait3A_117 = arith.constant 0 : i32
      %dma_wait3A_118 = tpu.memref_slice %arg6[%run_scoped3A_88, %dma_wait3A, %dma_wait3A_117] : memref<2x128x128xf32, #tpu.memory_space<vmem>> -> memref<1x128x128xf32, #tpu.memory_space<vmem>>
      %dma_wait3A_119 = tpu.memref_squeeze %dma_wait3A_118 : memref<1x128x128xf32, #tpu.memory_space<vmem>> -> memref<128x128xf32, #tpu.memory_space<vmem>>
      %dma_wait3A_120 = arith.constant 0 : i32
      %dma_wait3A_121 = tpu.memref_slice %arg7[%add3A_87, %dma_wait3A_120] : memref<10112x128xf32, #tpu.memory_space<vmem_shared>> -> memref<128x128xf32, #tpu.memory_space<vmem_shared>>
      %dma_wait3A_122 = arith.constant 0 : i32
      %dma_wait3A_123 = arith.constant 0 : i32
      %dma_wait3A_124 = tpu.memref_slice %arg6[%run_scoped3A_88, %dma_wait3A_122, %dma_wait3A_123] : memref<2x128x128xf32, #tpu.memory_space<vmem>> -> memref<1x128x128xf32, #tpu.memory_space<vmem>>
      %dma_wait3A_125 = tpu.memref_squeeze %dma_wait3A_124 : memref<1x128x128xf32, #tpu.memory_space<vmem>> -> memref<128x128xf32, #tpu.memory_space<vmem>>
      %dma_wait3A_126 = arith.constant 0 : i32
      %dma_wait3A_127 = tpu.memref_slice %arg7[%add3A_87, %dma_wait3A_126] : memref<10112x128xf32, #tpu.memory_space<vmem_shared>> -> memref<128x128xf32, #tpu.memory_space<vmem_shared>>
      tpu.wait_dma2 semaphore(%run_scoped3A_104 : memref<!tpu.dma_semaphore, #tpu.memory_space<semaphore_mem>>) src(%dma_wait3A_127 : memref<128x128xf32, #tpu.memory_space<vmem_shared>>) dst(%dma_wait3A_125 : memref<128x128xf32, #tpu.memory_space<vmem>>)
      tpu.yield
    }) : () -> ()
    %add3A_89 = arith.constant 256 : i32
    %add3A_90 = arith.addi %mul3A_7, %add3A_89 : i32
    %run_scoped3A_91 = arith.constant 0 : i32
    "tpu.region"() ({
      %run_scoped3A_104 = tpu.sem_alloc : memref<!tpu.dma_semaphore, #tpu.memory_space<semaphore_mem>>
      %dma_start3A_105 = arith.constant 0 : i32
      %dma_start3A_106 = arith.constant 0 : i32
      %dma_start3A_107 = tpu.memref_slice %arg6[%run_scoped3A_91, %dma_start3A_105, %dma_start3A_106] : memref<2x128x128xf32, #tpu.memory_space<vmem>> -> memref<1x128x128xf32, #tpu.memory_space<vmem>>
      %dma_start3A_108 = tpu.memref_squeeze %dma_start3A_107 : memref<1x128x128xf32, #tpu.memory_space<vmem>> -> memref<128x128xf32, #tpu.memory_space<vmem>>
      %dma_start3A_109 = arith.constant 0 : i32
      %dma_start3A_110 = tpu.memref_slice %arg4[%arg0, %add3A_90, %dma_start3A_109] : memref<2x10112x128xf32, #tpu.memory_space<hbm>> -> memref<1x128x128xf32, #tpu.memory_space<hbm>>
      %dma_start3A_111 = tpu.memref_squeeze %dma_start3A_110 : memref<1x128x128xf32, #tpu.memory_space<hbm>> -> memref<128x128xf32, #tpu.memory_space<hbm>>
      %dma_start3A_112 = arith.constant 0 : i32
      %dma_start3A_113 = tpu.memref_slice %arg4[%arg0, %add3A_90, %dma_start3A_112] : memref<2x10112x128xf32, #tpu.memory_space<hbm>> -> memref<1x128x128xf32, #tpu.memory_space<hbm>>
      %dma_start3A_114 = tpu.memref_squeeze %dma_start3A_113 : memref<1x128x128xf32, #tpu.memory_space<hbm>> -> memref<128x128xf32, #tpu.memory_space<hbm>>
      %dma_start3A_115 = arith.constant 0 : i32
      %dma_start3A_116 = arith.constant 0 : i32
      %dma_start3A_117 = tpu.memref_slice %arg6[%run_scoped3A_91, %dma_start3A_115, %dma_start3A_116] : memref<2x128x128xf32, #tpu.memory_space<vmem>> -> memref<1x128x128xf32, #tpu.memory_space<vmem>>
      %dma_start3A_118 = tpu.memref_squeeze %dma_start3A_117 : memref<1x128x128xf32, #tpu.memory_space<vmem>> -> memref<128x128xf32, #tpu.memory_space<vmem>>
      tpu.enqueue_dma source(%dma_start3A_118 : memref<128x128xf32, #tpu.memory_space<vmem>>) target(%dma_start3A_114 : memref<128x128xf32, #tpu.memory_space<hbm>>) target_semaphore(%run_scoped3A_104 : memref<!tpu.dma_semaphore, #tpu.memory_space<semaphore_mem>>)
      %dma_wait3A = arith.constant 0 : i32
      %dma_wait3A_119 = arith.constant 0 : i32
      %dma_wait3A_120 = tpu.memref_slice %arg6[%run_scoped3A_91, %dma_wait3A, %dma_wait3A_119] : memref<2x128x128xf32, #tpu.memory_space<vmem>> -> memref<1x128x128xf32, #tpu.memory_space<vmem>>
      %dma_wait3A_121 = tpu.memref_squeeze %dma_wait3A_120 : memref<1x128x128xf32, #tpu.memory_space<vmem>> -> memref<128x128xf32, #tpu.memory_space<vmem>>
      %dma_wait3A_122 = arith.constant 0 : i32
      %dma_wait3A_123 = tpu.memref_slice %arg4[%arg0, %add3A_90, %dma_wait3A_122] : memref<2x10112x128xf32, #tpu.memory_space<hbm>> -> memref<1x128x128xf32, #tpu.memory_space<hbm>>
      %dma_wait3A_124 = tpu.memref_squeeze %dma_wait3A_123 : memref<1x128x128xf32, #tpu.memory_space<hbm>> -> memref<128x128xf32, #tpu.memory_space<hbm>>
      %dma_wait3A_125 = arith.constant 0 : i32
      %dma_wait3A_126 = tpu.memref_slice %arg4[%arg0, %add3A_90, %dma_wait3A_125] : memref<2x10112x128xf32, #tpu.memory_space<hbm>> -> memref<1x128x128xf32, #tpu.memory_space<hbm>>
      %dma_wait3A_127 = tpu.memref_squeeze %dma_wait3A_126 : memref<1x128x128xf32, #tpu.memory_space<hbm>> -> memref<128x128xf32, #tpu.memory_space<hbm>>
      %dma_wait3A_128 = arith.constant 0 : i32
      %dma_wait3A_129 = arith.constant 0 : i32
      %dma_wait3A_130 = tpu.memref_slice %arg6[%run_scoped3A_91, %dma_wait3A_128, %dma_wait3A_129] : memref<2x128x128xf32, #tpu.memory_space<vmem>> -> memref<1x128x128xf32, #tpu.memory_space<vmem>>
      %dma_wait3A_131 = tpu.memref_squeeze %dma_wait3A_130 : memref<1x128x128xf32, #tpu.memory_space<vmem>> -> memref<128x128xf32, #tpu.memory_space<vmem>>
      tpu.wait_dma2 semaphore(%run_scoped3A_104 : memref<!tpu.dma_semaphore, #tpu.memory_space<semaphore_mem>>) src(%dma_wait3A_131 : memref<128x128xf32, #tpu.memory_space<vmem>>) dst(%dma_wait3A_127 : memref<128x128xf32, #tpu.memory_space<hbm>>)
      tpu.yield
    }) : () -> ()
    %add3A_92 = arith.constant 384 : i32
    %add3A_93 = arith.addi %mul3A_7, %add3A_92 : i32
    %run_scoped3A_94 = arith.constant 0 : i32
    "tpu.region"() ({
      %run_scoped3A_104 = tpu.sem_alloc : memref<!tpu.dma_semaphore, #tpu.memory_space<semaphore_mem>>
      %dma_start3A_105 = arith.constant 0 : i32
      %dma_start3A_106 = arith.constant 0 : i32
      %dma_start3A_107 = tpu.memref_slice %arg6[%run_scoped3A_94, %dma_start3A_105, %dma_start3A_106] : memref<2x128x128xf32, #tpu.memory_space<vmem>> -> memref<1x128x128xf32, #tpu.memory_space<vmem>>
      %dma_start3A_108 = tpu.memref_squeeze %dma_start3A_107 : memref<1x128x128xf32, #tpu.memory_space<vmem>> -> memref<128x128xf32, #tpu.memory_space<vmem>>
      %dma_start3A_109 = arith.constant 0 : i32
      %dma_start3A_110 = tpu.memref_slice %arg7[%add3A_93, %dma_start3A_109] : memref<10112x128xf32, #tpu.memory_space<vmem_shared>> -> memref<128x128xf32, #tpu.memory_space<vmem_shared>>
      %dma_start3A_111 = arith.constant 0 : i32
      %dma_start3A_112 = arith.constant 0 : i32
      %dma_start3A_113 = tpu.memref_slice %arg6[%run_scoped3A_94, %dma_start3A_111, %dma_start3A_112] : memref<2x128x128xf32, #tpu.memory_space<vmem>> -> memref<1x128x128xf32, #tpu.memory_space<vmem>>
      %dma_start3A_114 = tpu.memref_squeeze %dma_start3A_113 : memref<1x128x128xf32, #tpu.memory_space<vmem>> -> memref<128x128xf32, #tpu.memory_space<vmem>>
      %dma_start3A_115 = arith.constant 0 : i32
      %dma_start3A_116 = tpu.memref_slice %arg7[%add3A_93, %dma_start3A_115] : memref<10112x128xf32, #tpu.memory_space<vmem_shared>> -> memref<128x128xf32, #tpu.memory_space<vmem_shared>>
      tpu.enqueue_dma source(%dma_start3A_116 : memref<128x128xf32, #tpu.memory_space<vmem_shared>>) target(%dma_start3A_114 : memref<128x128xf32, #tpu.memory_space<vmem>>) target_semaphore(%run_scoped3A_104 : memref<!tpu.dma_semaphore, #tpu.memory_space<semaphore_mem>>)
      %dma_wait3A = arith.constant 0 : i32
      %dma_wait3A_117 = arith.constant 0 : i32
      %dma_wait3A_118 = tpu.memref_slice %arg6[%run_scoped3A_94, %dma_wait3A, %dma_wait3A_117] : memref<2x128x128xf32, #tpu.memory_space<vmem>> -> memref<1x128x128xf32, #tpu.memory_space<vmem>>
      %dma_wait3A_119 = tpu.memref_squeeze %dma_wait3A_118 : memref<1x128x128xf32, #tpu.memory_space<vmem>> -> memref<128x128xf32, #tpu.memory_space<vmem>>
      %dma_wait3A_120 = arith.constant 0 : i32
      %dma_wait3A_121 = tpu.memref_slice %arg7[%add3A_93, %dma_wait3A_120] : memref<10112x128xf32, #tpu.memory_space<vmem_shared>> -> memref<128x128xf32, #tpu.memory_space<vmem_shared>>
      %dma_wait3A_122 = arith.constant 0 : i32
      %dma_wait3A_123 = arith.constant 0 : i32
      %dma_wait3A_124 = tpu.memref_slice %arg6[%run_scoped3A_94, %dma_wait3A_122, %dma_wait3A_123] : memref<2x128x128xf32, #tpu.memory_space<vmem>> -> memref<1x128x128xf32, #tpu.memory_space<vmem>>
      %dma_wait3A_125 = tpu.memref_squeeze %dma_wait3A_124 : memref<1x128x128xf32, #tpu.memory_space<vmem>> -> memref<128x128xf32, #tpu.memory_space<vmem>>
      %dma_wait3A_126 = arith.constant 0 : i32
      %dma_wait3A_127 = tpu.memref_slice %arg7[%add3A_93, %dma_wait3A_126] : memref<10112x128xf32, #tpu.memory_space<vmem_shared>> -> memref<128x128xf32, #tpu.memory_space<vmem_shared>>
      tpu.wait_dma2 semaphore(%run_scoped3A_104 : memref<!tpu.dma_semaphore, #tpu.memory_space<semaphore_mem>>) src(%dma_wait3A_127 : memref<128x128xf32, #tpu.memory_space<vmem_shared>>) dst(%dma_wait3A_125 : memref<128x128xf32, #tpu.memory_space<vmem>>)
      tpu.yield
    }) : () -> ()
    %add3A_95 = arith.constant 384 : i32
    %add3A_96 = arith.addi %mul3A_7, %add3A_95 : i32
    %run_scoped3A_97 = arith.constant 0 : i32
    "tpu.region"() ({
      %run_scoped3A_104 = tpu.sem_alloc : memref<!tpu.dma_semaphore, #tpu.memory_space<semaphore_mem>>
      %dma_start3A_105 = arith.constant 0 : i32
      %dma_start3A_106 = arith.constant 0 : i32
      %dma_start3A_107 = tpu.memref_slice %arg6[%run_scoped3A_97, %dma_start3A_105, %dma_start3A_106] : memref<2x128x128xf32, #tpu.memory_space<vmem>> -> memref<1x128x128xf32, #tpu.memory_space<vmem>>
      %dma_start3A_108 = tpu.memref_squeeze %dma_start3A_107 : memref<1x128x128xf32, #tpu.memory_space<vmem>> -> memref<128x128xf32, #tpu.memory_space<vmem>>
      %dma_start3A_109 = arith.constant 0 : i32
      %dma_start3A_110 = tpu.memref_slice %arg4[%arg0, %add3A_96, %dma_start3A_109] : memref<2x10112x128xf32, #tpu.memory_space<hbm>> -> memref<1x128x128xf32, #tpu.memory_space<hbm>>
      %dma_start3A_111 = tpu.memref_squeeze %dma_start3A_110 : memref<1x128x128xf32, #tpu.memory_space<hbm>> -> memref<128x128xf32, #tpu.memory_space<hbm>>
      %dma_start3A_112 = arith.constant 0 : i32
      %dma_start3A_113 = tpu.memref_slice %arg4[%arg0, %add3A_96, %dma_start3A_112] : memref<2x10112x128xf32, #tpu.memory_space<hbm>> -> memref<1x128x128xf32, #tpu.memory_space<hbm>>
      %dma_start3A_114 = tpu.memref_squeeze %dma_start3A_113 : memref<1x128x128xf32, #tpu.memory_space<hbm>> -> memref<128x128xf32, #tpu.memory_space<hbm>>
      %dma_start3A_115 = arith.constant 0 : i32
      %dma_start3A_116 = arith.constant 0 : i32
      %dma_start3A_117 = tpu.memref_slice %arg6[%run_scoped3A_97, %dma_start3A_115, %dma_start3A_116] : memref<2x128x128xf32, #tpu.memory_space<vmem>> -> memref<1x128x128xf32, #tpu.memory_space<vmem>>
      %dma_start3A_118 = tpu.memref_squeeze %dma_start3A_117 : memref<1x128x128xf32, #tpu.memory_space<vmem>> -> memref<128x128xf32, #tpu.memory_space<vmem>>
      tpu.enqueue_dma source(%dma_start3A_118 : memref<128x128xf32, #tpu.memory_space<vmem>>) target(%dma_start3A_114 : memref<128x128xf32, #tpu.memory_space<hbm>>) target_semaphore(%run_scoped3A_104 : memref<!tpu.dma_semaphore, #tpu.memory_space<semaphore_mem>>)
      %dma_wait3A = arith.constant 0 : i32
      %dma_wait3A_119 = arith.constant 0 : i32
      %dma_wait3A_120 = tpu.memref_slice %arg6[%run_scoped3A_97, %dma_wait3A, %dma_wait3A_119] : memref<2x128x128xf32, #tpu.memory_space<vmem>> -> memref<1x128x128xf32, #tpu.memory_space<vmem>>
      %dma_wait3A_121 = tpu.memref_squeeze %dma_wait3A_120 : memref<1x128x128xf32, #tpu.memory_space<vmem>> -> memref<128x128xf32, #tpu.memory_space<vmem>>
      %dma_wait3A_122 = arith.constant 0 : i32
      %dma_wait3A_123 = tpu.memref_slice %arg4[%arg0, %add3A_96, %dma_wait3A_122] : memref<2x10112x128xf32, #tpu.memory_space<hbm>> -> memref<1x128x128xf32, #tpu.memory_space<hbm>>
      %dma_wait3A_124 = tpu.memref_squeeze %dma_wait3A_123 : memref<1x128x128xf32, #tpu.memory_space<hbm>> -> memref<128x128xf32, #tpu.memory_space<hbm>>
      %dma_wait3A_125 = arith.constant 0 : i32
      %dma_wait3A_126 = tpu.memref_slice %arg4[%arg0, %add3A_96, %dma_wait3A_125] : memref<2x10112x128xf32, #tpu.memory_space<hbm>> -> memref<1x128x128xf32, #tpu.memory_space<hbm>>
      %dma_wait3A_127 = tpu.memref_squeeze %dma_wait3A_126 : memref<1x128x128xf32, #tpu.memory_space<hbm>> -> memref<128x128xf32, #tpu.memory_space<hbm>>
      %dma_wait3A_128 = arith.constant 0 : i32
      %dma_wait3A_129 = arith.constant 0 : i32
      %dma_wait3A_130 = tpu.memref_slice %arg6[%run_scoped3A_97, %dma_wait3A_128, %dma_wait3A_129] : memref<2x128x128xf32, #tpu.memory_space<vmem>> -> memref<1x128x128xf32, #tpu.memory_space<vmem>>
      %dma_wait3A_131 = tpu.memref_squeeze %dma_wait3A_130 : memref<1x128x128xf32, #tpu.memory_space<vmem>> -> memref<128x128xf32, #tpu.memory_space<vmem>>
      tpu.wait_dma2 semaphore(%run_scoped3A_104 : memref<!tpu.dma_semaphore, #tpu.memory_space<semaphore_mem>>) src(%dma_wait3A_131 : memref<128x128xf32, #tpu.memory_space<vmem>>) dst(%dma_wait3A_127 : memref<128x128xf32, #tpu.memory_space<hbm>>)
      tpu.yield
    }) : () -> ()
    %add3A_98 = arith.constant 512 : i32
    %add3A_99 = arith.addi %mul3A_7, %add3A_98 : i32
    %run_scoped3A_100 = arith.constant 0 : i32
    "tpu.region"() ({
      %run_scoped3A_104 = tpu.sem_alloc : memref<!tpu.dma_semaphore, #tpu.memory_space<semaphore_mem>>
      %dma_start3A_105 = arith.constant 0 : i32
      %dma_start3A_106 = arith.constant 0 : i32
      %dma_start3A_107 = tpu.memref_slice %arg6[%run_scoped3A_100, %dma_start3A_105, %dma_start3A_106] : memref<2x128x128xf32, #tpu.memory_space<vmem>> -> memref<1x120x128xf32, #tpu.memory_space<vmem>>
      %dma_start3A_108 = tpu.memref_squeeze %dma_start3A_107 : memref<1x120x128xf32, #tpu.memory_space<vmem>> -> memref<120x128xf32, #tpu.memory_space<vmem>>
      %dma_start3A_109 = arith.constant 0 : i32
      %dma_start3A_110 = tpu.memref_slice %arg7[%add3A_99, %dma_start3A_109] : memref<10112x128xf32, #tpu.memory_space<vmem_shared>> -> memref<120x128xf32, #tpu.memory_space<vmem_shared>>
      %dma_start3A_111 = arith.constant 0 : i32
      %dma_start3A_112 = arith.constant 0 : i32
      %dma_start3A_113 = tpu.memref_slice %arg6[%run_scoped3A_100, %dma_start3A_111, %dma_start3A_112] : memref<2x128x128xf32, #tpu.memory_space<vmem>> -> memref<1x120x128xf32, #tpu.memory_space<vmem>>
      %dma_start3A_114 = tpu.memref_squeeze %dma_start3A_113 : memref<1x120x128xf32, #tpu.memory_space<vmem>> -> memref<120x128xf32, #tpu.memory_space<vmem>>
      %dma_start3A_115 = arith.constant 0 : i32
      %dma_start3A_116 = tpu.memref_slice %arg7[%add3A_99, %dma_start3A_115] : memref<10112x128xf32, #tpu.memory_space<vmem_shared>> -> memref<120x128xf32, #tpu.memory_space<vmem_shared>>
      tpu.enqueue_dma source(%dma_start3A_116 : memref<120x128xf32, #tpu.memory_space<vmem_shared>>) target(%dma_start3A_114 : memref<120x128xf32, #tpu.memory_space<vmem>>) target_semaphore(%run_scoped3A_104 : memref<!tpu.dma_semaphore, #tpu.memory_space<semaphore_mem>>)
      %dma_wait3A = arith.constant 0 : i32
      %dma_wait3A_117 = arith.constant 0 : i32
      %dma_wait3A_118 = tpu.memref_slice %arg6[%run_scoped3A_100, %dma_wait3A, %dma_wait3A_117] : memref<2x128x128xf32, #tpu.memory_space<vmem>> -> memref<1x120x128xf32, #tpu.memory_space<vmem>>
      %dma_wait3A_119 = tpu.memref_squeeze %dma_wait3A_118 : memref<1x120x128xf32, #tpu.memory_space<vmem>> -> memref<120x128xf32, #tpu.memory_space<vmem>>
      %dma_wait3A_120 = arith.constant 0 : i32
      %dma_wait3A_121 = tpu.memref_slice %arg7[%add3A_99, %dma_wait3A_120] : memref<10112x128xf32, #tpu.memory_space<vmem_shared>> -> memref<120x128xf32, #tpu.memory_space<vmem_shared>>
      %dma_wait3A_122 = arith.constant 0 : i32
      %dma_wait3A_123 = arith.constant 0 : i32
      %dma_wait3A_124 = tpu.memref_slice %arg6[%run_scoped3A_100, %dma_wait3A_122, %dma_wait3A_123] : memref<2x128x128xf32, #tpu.memory_space<vmem>> -> memref<1x120x128xf32, #tpu.memory_space<vmem>>
      %dma_wait3A_125 = tpu.memref_squeeze %dma_wait3A_124 : memref<1x120x128xf32, #tpu.memory_space<vmem>> -> memref<120x128xf32, #tpu.memory_space<vmem>>
      %dma_wait3A_126 = arith.constant 0 : i32
      %dma_wait3A_127 = tpu.memref_slice %arg7[%add3A_99, %dma_wait3A_126] : memref<10112x128xf32, #tpu.memory_space<vmem_shared>> -> memref<120x128xf32, #tpu.memory_space<vmem_shared>>
      tpu.wait_dma2 semaphore(%run_scoped3A_104 : memref<!tpu.dma_semaphore, #tpu.memory_space<semaphore_mem>>) src(%dma_wait3A_127 : memref<120x128xf32, #tpu.memory_space<vmem_shared>>) dst(%dma_wait3A_125 : memref<120x128xf32, #tpu.memory_space<vmem>>)
      tpu.yield
    }) : () -> ()
    %add3A_101 = arith.constant 512 : i32
    %add3A_102 = arith.addi %mul3A_7, %add3A_101 : i32
    %run_scoped3A_103 = arith.constant 0 : i32
    "tpu.region"() ({
      %run_scoped3A_104 = tpu.sem_alloc : memref<!tpu.dma_semaphore, #tpu.memory_space<semaphore_mem>>
      %dma_start3A_105 = arith.constant 0 : i32
      %dma_start3A_106 = arith.constant 0 : i32
      %dma_start3A_107 = tpu.memref_slice %arg6[%run_scoped3A_103, %dma_start3A_105, %dma_start3A_106] : memref<2x128x128xf32, #tpu.memory_space<vmem>> -> memref<1x120x128xf32, #tpu.memory_space<vmem>>
      %dma_start3A_108 = tpu.memref_squeeze %dma_start3A_107 : memref<1x120x128xf32, #tpu.memory_space<vmem>> -> memref<120x128xf32, #tpu.memory_space<vmem>>
      %dma_start3A_109 = arith.constant 0 : i32
      %dma_start3A_110 = tpu.memref_slice %arg4[%arg0, %add3A_102, %dma_start3A_109] : memref<2x10112x128xf32, #tpu.memory_space<hbm>> -> memref<1x120x128xf32, #tpu.memory_space<hbm>>
      %dma_start3A_111 = tpu.memref_squeeze %dma_start3A_110 : memref<1x120x128xf32, #tpu.memory_space<hbm>> -> memref<120x128xf32, #tpu.memory_space<hbm>>
      %dma_start3A_112 = arith.constant 0 : i32
      %dma_start3A_113 = tpu.memref_slice %arg4[%arg0, %add3A_102, %dma_start3A_112] : memref<2x10112x128xf32, #tpu.memory_space<hbm>> -> memref<1x120x128xf32, #tpu.memory_space<hbm>>
      %dma_start3A_114 = tpu.memref_squeeze %dma_start3A_113 : memref<1x120x128xf32, #tpu.memory_space<hbm>> -> memref<120x128xf32, #tpu.memory_space<hbm>>
      %dma_start3A_115 = arith.constant 0 : i32
      %dma_start3A_116 = arith.constant 0 : i32
      %dma_start3A_117 = tpu.memref_slice %arg6[%run_scoped3A_103, %dma_start3A_115, %dma_start3A_116] : memref<2x128x128xf32, #tpu.memory_space<vmem>> -> memref<1x120x128xf32, #tpu.memory_space<vmem>>
      %dma_start3A_118 = tpu.memref_squeeze %dma_start3A_117 : memref<1x120x128xf32, #tpu.memory_space<vmem>> -> memref<120x128xf32, #tpu.memory_space<vmem>>
      tpu.enqueue_dma source(%dma_start3A_118 : memref<120x128xf32, #tpu.memory_space<vmem>>) target(%dma_start3A_114 : memref<120x128xf32, #tpu.memory_space<hbm>>) target_semaphore(%run_scoped3A_104 : memref<!tpu.dma_semaphore, #tpu.memory_space<semaphore_mem>>)
      %dma_wait3A = arith.constant 0 : i32
      %dma_wait3A_119 = arith.constant 0 : i32
      %dma_wait3A_120 = tpu.memref_slice %arg6[%run_scoped3A_103, %dma_wait3A, %dma_wait3A_119] : memref<2x128x128xf32, #tpu.memory_space<vmem>> -> memref<1x120x128xf32, #tpu.memory_space<vmem>>
      %dma_wait3A_121 = tpu.memref_squeeze %dma_wait3A_120 : memref<1x120x128xf32, #tpu.memory_space<vmem>> -> memref<120x128xf32, #tpu.memory_space<vmem>>
      %dma_wait3A_122 = arith.constant 0 : i32
      %dma_wait3A_123 = tpu.memref_slice %arg4[%arg0, %add3A_102, %dma_wait3A_122] : memref<2x10112x128xf32, #tpu.memory_space<hbm>> -> memref<1x120x128xf32, #tpu.memory_space<hbm>>
      %dma_wait3A_124 = tpu.memref_squeeze %dma_wait3A_123 : memref<1x120x128xf32, #tpu.memory_space<hbm>> -> memref<120x128xf32, #tpu.memory_space<hbm>>
      %dma_wait3A_125 = arith.constant 0 : i32
      %dma_wait3A_126 = tpu.memref_slice %arg4[%arg0, %add3A_102, %dma_wait3A_125] : memref<2x10112x128xf32, #tpu.memory_space<hbm>> -> memref<1x120x128xf32, #tpu.memory_space<hbm>>
      %dma_wait3A_127 = tpu.memref_squeeze %dma_wait3A_126 : memref<1x120x128xf32, #tpu.memory_space<hbm>> -> memref<120x128xf32, #tpu.memory_space<hbm>>
      %dma_wait3A_128 = arith.constant 0 : i32
      %dma_wait3A_129 = arith.constant 0 : i32
      %dma_wait3A_130 = tpu.memref_slice %arg6[%run_scoped3A_103, %dma_wait3A_128, %dma_wait3A_129] : memref<2x128x128xf32, #tpu.memory_space<vmem>> -> memref<1x120x128xf32, #tpu.memory_space<vmem>>
      %dma_wait3A_131 = tpu.memref_squeeze %dma_wait3A_130 : memref<1x120x128xf32, #tpu.memory_space<vmem>> -> memref<120x128xf32, #tpu.memory_space<vmem>>
      tpu.wait_dma2 semaphore(%run_scoped3A_104 : memref<!tpu.dma_semaphore, #tpu.memory_space<semaphore_mem>>) src(%dma_wait3A_131 : memref<120x128xf32, #tpu.memory_space<vmem>>) dst(%dma_wait3A_127 : memref<120x128xf32, #tpu.memory_space<hbm>>)
      tpu.yield
    }) : () -> ()
    return
  }
}

#map = affine_map<(d0, d1) -> (0, 0)>
#map1 = affine_map<(d0, d1) -> (0, 0, 0, 0)>
#map2 = affine_map<(d0, d1) -> (0, 0, 0)>
module attributes {stable_mosaic.version = 14 : i64} {
  func.func @_sc_segsum_body(%arg0: i32, %arg1: i32, %arg2: memref<10000x128xf32, #tpu.memory_space<hbm>>, %arg3: memref<32x80x2x128xi32, #tpu.memory_space<hbm>>, %arg4: memref<2x10112x128xf32, #tpu.memory_space<hbm>>, %arg5: memref<2x2x128xi32, #tpu.memory_space<vmem>>, %arg6: memref<2x128x128xf32, #tpu.memory_space<vmem>>, %arg7: memref<10112x128xf32, #tpu.memory_space<vmem_shared>>, %arg8: memref<!tpu.dma_semaphore, #tpu.memory_space<semaphore_mem>>, %arg9: memref<!tpu.dma_semaphore, #tpu.memory_space<semaphore_mem>>, %arg10: memref<!tpu.dma_semaphore, #tpu.memory_space<semaphore_mem>>, %arg11: memref<!tpu.dma_semaphore, #tpu.memory_space<semaphore_mem>>, %arg12: memref<!tpu.dma_semaphore, #tpu.memory_space<semaphore_mem>>, %arg13: memref<!tpu.dma_semaphore, #tpu.memory_space<semaphore_mem>>) attributes {dimension_semantics = [#tpu.dimension_semantics<core_parallel>, #tpu.dimension_semantics<subcore_parallel>], iteration_bounds = array<i64: 2, 16>, scalar_prefetch = 0 : i64, scratch_operands = 9 : i64, tpu.core_type = #tpu.core_type<sc_vector_subcore>, window_params = [{transform_indices = #map}, {transform_indices = #map1}, {transform_indices = #map2}]} {
    %mul3A = arith.constant 2 : i32
    %mul3A_0 = arith.muli %arg1, %mul3A : i32
    %add3A = arith.addi %mul3A_0, %arg0 : i32
    %scan3A = arith.constant 0 : i32
    %scan3A_1 = arith.constant 0 : i32
    %scan3A_2 = arith.constant 128 : i32
    %scan3A_3 = arith.addi %scan3A_1, %scan3A_2 : i32
    %scan3A_4 = arith.constant 1 : i32
    scf.for %scan3A_104 = %scan3A_1 to %scan3A_3 step %scan3A_4  : i32 {
      %broadcast_in_dim3A = arith.constant 0.000000e+00 : f32
      %broadcast_in_dim3A_105 = vector.broadcast %broadcast_in_dim3A : f32 to vector<16xf32>
      %swap3A = arith.constant 0 : i32
      %swap3A_106 = arith.index_cast %swap3A : i32 to index
      %swap3A_107 = arith.index_cast %scan3A_104 : i32 to index
      %swap3A_108 = arith.constant 0 : index
      %swap3A_109 = tpu.vector_load %arg6[%swap3A_106, %swap3A_107, %swap3A_108] {strides = array<i32>} : memref<2x128x128xf32, #tpu.memory_space<vmem>>, vector<1x1x16xf32>,
      %swap3A_110 = vector.shape_cast %swap3A_109 : vector<1x1x16xf32> to vector<16xf32>
      %swap3A_111 = vector.shape_cast %broadcast_in_dim3A_105 : vector<16xf32> to vector<1x1x16xf32>
      tpu.vector_store %arg6[%swap3A_106, %swap3A_107, %swap3A_108], %swap3A_111 {strides = array<i32>} : memref<2x128x128xf32, #tpu.memory_space<vmem>>, vector<1x1x16xf32>,
      %broadcast_in_dim3A_112 = arith.constant 0.000000e+00 : f32
      %broadcast_in_dim3A_113 = vector.broadcast %broadcast_in_dim3A_112 : f32 to vector<16xf32>
      %swap3A_114 = arith.constant 0 : i32
      %swap3A_115 = arith.index_cast %swap3A_114 : i32 to index
      %swap3A_116 = arith.index_cast %scan3A_104 : i32 to index
      %swap3A_117 = arith.constant 16 : index
      %swap3A_118 = tpu.vector_load %arg6[%swap3A_115, %swap3A_116, %swap3A_117] {strides = array<i32>} : memref<2x128x128xf32, #tpu.memory_space<vmem>>, vector<1x1x16xf32>,
      %swap3A_119 = vector.shape_cast %swap3A_118 : vector<1x1x16xf32> to vector<16xf32>
      %swap3A_120 = vector.shape_cast %broadcast_in_dim3A_113 : vector<16xf32> to vector<1x1x16xf32>
      tpu.vector_store %arg6[%swap3A_115, %swap3A_116, %swap3A_117], %swap3A_120 {strides = array<i32>} : memref<2x128x128xf32, #tpu.memory_space<vmem>>, vector<1x1x16xf32>,
      %broadcast_in_dim3A_121 = arith.constant 0.000000e+00 : f32
      %broadcast_in_dim3A_122 = vector.broadcast %broadcast_in_dim3A_121 : f32 to vector<16xf32>
      %swap3A_123 = arith.constant 0 : i32
      %swap3A_124 = arith.index_cast %swap3A_123 : i32 to index
      %swap3A_125 = arith.index_cast %scan3A_104 : i32 to index
      %swap3A_126 = arith.constant 32 : index
      %swap3A_127 = tpu.vector_load %arg6[%swap3A_124, %swap3A_125, %swap3A_126] {strides = array<i32>} : memref<2x128x128xf32, #tpu.memory_space<vmem>>, vector<1x1x16xf32>,
      %swap3A_128 = vector.shape_cast %swap3A_127 : vector<1x1x16xf32> to vector<16xf32>
      %swap3A_129 = vector.shape_cast %broadcast_in_dim3A_122 : vector<16xf32> to vector<1x1x16xf32>
      tpu.vector_store %arg6[%swap3A_124, %swap3A_125, %swap3A_126], %swap3A_129 {strides = array<i32>} : memref<2x128x128xf32, #tpu.memory_space<vmem>>, vector<1x1x16xf32>,
      %broadcast_in_dim3A_130 = arith.constant 0.000000e+00 : f32
      %broadcast_in_dim3A_131 = vector.broadcast %broadcast_in_dim3A_130 : f32 to vector<16xf32>
      %swap3A_132 = arith.constant 0 : i32
      %swap3A_133 = arith.index_cast %swap3A_132 : i32 to index
      %swap3A_134 = arith.index_cast %scan3A_104 : i32 to index
      %swap3A_135 = arith.constant 48 : index
      %swap3A_136 = tpu.vector_load %arg6[%swap3A_133, %swap3A_134, %swap3A_135] {strides = array<i32>} : memref<2x128x128xf32, #tpu.memory_space<vmem>>, vector<1x1x16xf32>,
      %swap3A_137 = vector.shape_cast %swap3A_136 : vector<1x1x16xf32> to vector<16xf32>
      %swap3A_138 = vector.shape_cast %broadcast_in_dim3A_131 : vector<16xf32> to vector<1x1x16xf32>
      tpu.vector_store %arg6[%swap3A_133, %swap3A_134, %swap3A_135], %swap3A_138 {strides = array<i32>} : memref<2x128x128xf32, #tpu.memory_space<vmem>>, vector<1x1x16xf32>,
      %broadcast_in_dim3A_139 = arith.constant 0.000000e+00 : f32
      %broadcast_in_dim3A_140 = vector.broadcast %broadcast_in_dim3A_139 : f32 to vector<16xf32>
      %swap3A_141 = arith.constant 0 : i32
      %swap3A_142 = arith.index_cast %swap3A_141 : i32 to index
      %swap3A_143 = arith.index_cast %scan3A_104 : i32 to index
      %swap3A_144 = arith.constant 64 : index
      %swap3A_145 = tpu.vector_load %arg6[%swap3A_142, %swap3A_143, %swap3A_144] {strides = array<i32>} : memref<2x128x128xf32, #tpu.memory_space<vmem>>, vector<1x1x16xf32>,
      %swap3A_146 = vector.shape_cast %swap3A_145 : vector<1x1x16xf32> to vector<16xf32>
      %swap3A_147 = vector.shape_cast %broadcast_in_dim3A_140 : vector<16xf32> to vector<1x1x16xf32>
      tpu.vector_store %arg6[%swap3A_142, %swap3A_143, %swap3A_144], %swap3A_147 {strides = array<i32>} : memref<2x128x128xf32, #tpu.memory_space<vmem>>, vector<1x1x16xf32>,
      %broadcast_in_dim3A_148 = arith.constant 0.000000e+00 : f32
      %broadcast_in_dim3A_149 = vector.broadcast %broadcast_in_dim3A_148 : f32 to vector<16xf32>
      %swap3A_150 = arith.constant 0 : i32
      %swap3A_151 = arith.index_cast %swap3A_150 : i32 to index
      %swap3A_152 = arith.index_cast %scan3A_104 : i32 to index
      %swap3A_153 = arith.constant 80 : index
      %swap3A_154 = tpu.vector_load %arg6[%swap3A_151, %swap3A_152, %swap3A_153] {strides = array<i32>} : memref<2x128x128xf32, #tpu.memory_space<vmem>>, vector<1x1x16xf32>,
      %swap3A_155 = vector.shape_cast %swap3A_154 : vector<1x1x16xf32> to vector<16xf32>
      %swap3A_156 = vector.shape_cast %broadcast_in_dim3A_149 : vector<16xf32> to vector<1x1x16xf32>
      tpu.vector_store %arg6[%swap3A_151, %swap3A_152, %swap3A_153], %swap3A_156 {strides = array<i32>} : memref<2x128x128xf32, #tpu.memory_space<vmem>>, vector<1x1x16xf32>,
      %broadcast_in_dim3A_157 = arith.constant 0.000000e+00 : f32
      %broadcast_in_dim3A_158 = vector.broadcast %broadcast_in_dim3A_157 : f32 to vector<16xf32>
      %swap3A_159 = arith.constant 0 : i32
      %swap3A_160 = arith.index_cast %swap3A_159 : i32 to index
      %swap3A_161 = arith.index_cast %scan3A_104 : i32 to index
      %swap3A_162 = arith.constant 96 : index
      %swap3A_163 = tpu.vector_load %arg6[%swap3A_160, %swap3A_161, %swap3A_162] {strides = array<i32>} : memref<2x128x128xf32, #tpu.memory_space<vmem>>, vector<1x1x16xf32>,
      %swap3A_164 = vector.shape_cast %swap3A_163 : vector<1x1x16xf32> to vector<16xf32>
      %swap3A_165 = vector.shape_cast %broadcast_in_dim3A_158 : vector<16xf32> to vector<1x1x16xf32>
      tpu.vector_store %arg6[%swap3A_160, %swap3A_161, %swap3A_162], %swap3A_165 {strides = array<i32>} : memref<2x128x128xf32, #tpu.memory_space<vmem>>, vector<1x1x16xf32>,
      %broadcast_in_dim3A_166 = arith.constant 0.000000e+00 : f32
      %broadcast_in_dim3A_167 = vector.broadcast %broadcast_in_dim3A_166 : f32 to vector<16xf32>
      %swap3A_168 = arith.constant 0 : i32
      %swap3A_169 = arith.index_cast %swap3A_168 : i32 to index
      %swap3A_170 = arith.index_cast %scan3A_104 : i32 to index
      %swap3A_171 = arith.constant 112 : index
      %swap3A_172 = tpu.vector_load %arg6[%swap3A_169, %swap3A_170, %swap3A_171] {strides = array<i32>} : memref<2x128x128xf32, #tpu.memory_space<vmem>>, vector<1x1x16xf32>,
      %swap3A_173 = vector.shape_cast %swap3A_172 : vector<1x1x16xf32> to vector<16xf32>
      %swap3A_174 = vector.shape_cast %broadcast_in_dim3A_167 : vector<16xf32> to vector<1x1x16xf32>
      tpu.vector_store %arg6[%swap3A_169, %swap3A_170, %swap3A_171], %swap3A_174 {strides = array<i32>} : memref<2x128x128xf32, #tpu.memory_space<vmem>>, vector<1x1x16xf32>,
    }
    %scan3A_5 = arith.constant 128 : i32
    %mul3A_6 = arith.constant 632 : i32
    %mul3A_7 = arith.muli %arg1, %mul3A_6 : i32
    %add3A_8 = arith.constant 0 : i32
    %add3A_9 = arith.addi %mul3A_7, %add3A_8 : i32
    %run_scoped3A = arith.constant 0 : i32
    "tpu.region"() ({
      %run_scoped3A_104 = tpu.sem_alloc : memref<!tpu.dma_semaphore, #tpu.memory_space<semaphore_mem>>
      %dma_start3A_105 = arith.constant 0 : i32
      %dma_start3A_106 = arith.constant 0 : i32
      %dma_start3A_107 = tpu.memref_slice %arg6[%run_scoped3A, %dma_start3A_105, %dma_start3A_106] : memref<2x128x128xf32, #tpu.memory_space<vmem>> -> memref<1x128x128xf32, #tpu.memory_space<vmem>>
      %dma_start3A_108 = tpu.memref_squeeze %dma_start3A_107 : memref<1x128x128xf32, #tpu.memory_space<vmem>> -> memref<128x128xf32, #tpu.memory_space<vmem>>
      %dma_start3A_109 = arith.constant 0 : i32
      %dma_start3A_110 = tpu.memref_slice %arg7[%add3A_9, %dma_start3A_109] : memref<10112x128xf32, #tpu.memory_space<vmem_shared>> -> memref<128x128xf32, #tpu.memory_space<vmem_shared>>
      %dma_start3A_111 = arith.constant 0 : i32
      %dma_start3A_112 = tpu.memref_slice %arg7[%add3A_9, %dma_start3A_111] : memref<10112x128xf32, #tpu.memory_space<vmem_shared>> -> memref<128x128xf32, #tpu.memory_space<vmem_shared>>
      %dma_start3A_113 = arith.constant 0 : i32
      %dma_start3A_114 = arith.constant 0 : i32
      %dma_start3A_115 = tpu.memref_slice %arg6[%run_scoped3A, %dma_start3A_113, %dma_start3A_114] : memref<2x128x128xf32, #tpu.memory_space<vmem>> -> memref<1x128x128xf32, #tpu.memory_space<vmem>>
      %dma_start3A_116 = tpu.memref_squeeze %dma_start3A_115 : memref<1x128x128xf32, #tpu.memory_space<vmem>> -> memref<128x128xf32, #tpu.memory_space<vmem>>
      tpu.enqueue_dma source(%dma_start3A_116 : memref<128x128xf32, #tpu.memory_space<vmem>>) target(%dma_start3A_112 : memref<128x128xf32, #tpu.memory_space<vmem_shared>>) target_semaphore(%run_scoped3A_104 : memref<!tpu.dma_semaphore, #tpu.memory_space<semaphore_mem>>)
      %dma_wait3A = arith.constant 0 : i32
      %dma_wait3A_117 = arith.constant 0 : i32
      %dma_wait3A_118 = tpu.memref_slice %arg6[%run_scoped3A, %dma_wait3A, %dma_wait3A_117] : memref<2x128x128xf32, #tpu.memory_space<vmem>> -> memref<1x128x128xf32, #tpu.memory_space<vmem>>
      %dma_wait3A_119 = tpu.memref_squeeze %dma_wait3A_118 : memref<1x128x128xf32, #tpu.memory_space<vmem>> -> memref<128x128xf32, #tpu.memory_space<vmem>>
      %dma_wait3A_120 = arith.constant 0 : i32
      %dma_wait3A_121 = tpu.memref_slice %arg7[%add3A_9, %dma_wait3A_120] : memref<10112x128xf32, #tpu.memory_space<vmem_shared>> -> memref<128x128xf32, #tpu.memory_space<vmem_shared>>
      %dma_wait3A_122 = arith.constant 0 : i32
      %dma_wait3A_123 = tpu.memref_slice %arg7[%add3A_9, %dma_wait3A_122] : memref<10112x128xf32, #tpu.memory_space<vmem_shared>> -> memref<128x128xf32, #tpu.memory_space<vmem_shared>>
      %dma_wait3A_124 = arith.constant 0 : i32
      %dma_wait3A_125 = arith.constant 0 : i32
      %dma_wait3A_126 = tpu.memref_slice %arg6[%run_scoped3A, %dma_wait3A_124, %dma_wait3A_125] : memref<2x128x128xf32, #tpu.memory_space<vmem>> -> memref<1x128x128xf32, #tpu.memory_space<vmem>>
      %dma_wait3A_127 = tpu.memref_squeeze %dma_wait3A_126 : memref<1x128x128xf32, #tpu.memory_space<vmem>> -> memref<128x128xf32, #tpu.memory_space<vmem>>
      tpu.wait_dma2 semaphore(%run_scoped3A_104 : memref<!tpu.dma_semaphore, #tpu.memory_space<semaphore_mem>>) src(%dma_wait3A_127 : memref<128x128xf32, #tpu.memory_space<vmem>>) dst(%dma_wait3A_123 : memref<128x128xf32, #tpu.memory_space<vmem_shared>>)
      tpu.yield
    }) : () -> ()
    %add3A_10 = arith.constant 128 : i32
    %add3A_11 = arith.addi %mul3A_7, %add3A_10 : i32
    %run_scoped3A_12 = arith.constant 0 : i32
    "tpu.region"() ({
      %run_scoped3A_104 = tpu.sem_alloc : memref<!tpu.dma_semaphore, #tpu.memory_space<semaphore_mem>>
      %dma_start3A_105 = arith.constant 0 : i32
      %dma_start3A_106 = arith.constant 0 : i32
      %dma_start3A_107 = tpu.memref_slice %arg6[%run_scoped3A_12, %dma_start3A_105, %dma_start3A_106] : memref<2x128x128xf32, #tpu.memory_space<vmem>> -> memref<1x128x128xf32, #tpu.memory_space<vmem>>
      %dma_start3A_108 = tpu.memref_squeeze %dma_start3A_107 : memref<1x128x128xf32, #tpu.memory_space<vmem>> -> memref<128x128xf32, #tpu.memory_space<vmem>>
      %dma_start3A_109 = arith.constant 0 : i32
      %dma_start3A_110 = tpu.memref_slice %arg7[%add3A_11, %dma_start3A_109] : memref<10112x128xf32, #tpu.memory_space<vmem_shared>> -> memref<128x128xf32, #tpu.memory_space<vmem_shared>>
      %dma_start3A_111 = arith.constant 0 : i32
      %dma_start3A_112 = tpu.memref_slice %arg7[%add3A_11, %dma_start3A_111] : memref<10112x128xf32, #tpu.memory_space<vmem_shared>> -> memref<128x128xf32, #tpu.memory_space<vmem_shared>>
      %dma_start3A_113 = arith.constant 0 : i32
      %dma_start3A_114 = arith.constant 0 : i32
      %dma_start3A_115 = tpu.memref_slice %arg6[%run_scoped3A_12, %dma_start3A_113, %dma_start3A_114] : memref<2x128x128xf32, #tpu.memory_space<vmem>> -> memref<1x128x128xf32, #tpu.memory_space<vmem>>
      %dma_start3A_116 = tpu.memref_squeeze %dma_start3A_115 : memref<1x128x128xf32, #tpu.memory_space<vmem>> -> memref<128x128xf32, #tpu.memory_space<vmem>>
      tpu.enqueue_dma source(%dma_start3A_116 : memref<128x128xf32, #tpu.memory_space<vmem>>) target(%dma_start3A_112 : memref<128x128xf32, #tpu.memory_space<vmem_shared>>) target_semaphore(%run_scoped3A_104 : memref<!tpu.dma_semaphore, #tpu.memory_space<semaphore_mem>>)
      %dma_wait3A = arith.constant 0 : i32
      %dma_wait3A_117 = arith.constant 0 : i32
      %dma_wait3A_118 = tpu.memref_slice %arg6[%run_scoped3A_12, %dma_wait3A, %dma_wait3A_117] : memref<2x128x128xf32, #tpu.memory_space<vmem>> -> memref<1x128x128xf32, #tpu.memory_space<vmem>>
      %dma_wait3A_119 = tpu.memref_squeeze %dma_wait3A_118 : memref<1x128x128xf32, #tpu.memory_space<vmem>> -> memref<128x128xf32, #tpu.memory_space<vmem>>
      %dma_wait3A_120 = arith.constant 0 : i32
      %dma_wait3A_121 = tpu.memref_slice %arg7[%add3A_11, %dma_wait3A_120] : memref<10112x128xf32, #tpu.memory_space<vmem_shared>> -> memref<128x128xf32, #tpu.memory_space<vmem_shared>>
      %dma_wait3A_122 = arith.constant 0 : i32
      %dma_wait3A_123 = tpu.memref_slice %arg7[%add3A_11, %dma_wait3A_122] : memref<10112x128xf32, #tpu.memory_space<vmem_shared>> -> memref<128x128xf32, #tpu.memory_space<vmem_shared>>
      %dma_wait3A_124 = arith.constant 0 : i32
      %dma_wait3A_125 = arith.constant 0 : i32
      %dma_wait3A_126 = tpu.memref_slice %arg6[%run_scoped3A_12, %dma_wait3A_124, %dma_wait3A_125] : memref<2x128x128xf32, #tpu.memory_space<vmem>> -> memref<1x128x128xf32, #tpu.memory_space<vmem>>
      %dma_wait3A_127 = tpu.memref_squeeze %dma_wait3A_126 : memref<1x128x128xf32, #tpu.memory_space<vmem>> -> memref<128x128xf32, #tpu.memory_space<vmem>>
      tpu.wait_dma2 semaphore(%run_scoped3A_104 : memref<!tpu.dma_semaphore, #tpu.memory_space<semaphore_mem>>) src(%dma_wait3A_127 : memref<128x128xf32, #tpu.memory_space<vmem>>) dst(%dma_wait3A_123 : memref<128x128xf32, #tpu.memory_space<vmem_shared>>)
      tpu.yield
    }) : () -> ()
    %add3A_13 = arith.constant 256 : i32
    %add3A_14 = arith.addi %mul3A_7, %add3A_13 : i32
    %run_scoped3A_15 = arith.constant 0 : i32
    "tpu.region"() ({
      %run_scoped3A_104 = tpu.sem_alloc : memref<!tpu.dma_semaphore, #tpu.memory_space<semaphore_mem>>
      %dma_start3A_105 = arith.constant 0 : i32
      %dma_start3A_106 = arith.constant 0 : i32
      %dma_start3A_107 = tpu.memref_slice %arg6[%run_scoped3A_15, %dma_start3A_105, %dma_start3A_106] : memref<2x128x128xf32, #tpu.memory_space<vmem>> -> memref<1x128x128xf32, #tpu.memory_space<vmem>>
      %dma_start3A_108 = tpu.memref_squeeze %dma_start3A_107 : memref<1x128x128xf32, #tpu.memory_space<vmem>> -> memref<128x128xf32, #tpu.memory_space<vmem>>
      %dma_start3A_109 = arith.constant 0 : i32
      %dma_start3A_110 = tpu.memref_slice %arg7[%add3A_14, %dma_start3A_109] : memref<10112x128xf32, #tpu.memory_space<vmem_shared>> -> memref<128x128xf32, #tpu.memory_space<vmem_shared>>
      %dma_start3A_111 = arith.constant 0 : i32
      %dma_start3A_112 = tpu.memref_slice %arg7[%add3A_14, %dma_start3A_111] : memref<10112x128xf32, #tpu.memory_space<vmem_shared>> -> memref<128x128xf32, #tpu.memory_space<vmem_shared>>
      %dma_start3A_113 = arith.constant 0 : i32
      %dma_start3A_114 = arith.constant 0 : i32
      %dma_start3A_115 = tpu.memref_slice %arg6[%run_scoped3A_15, %dma_start3A_113, %dma_start3A_114] : memref<2x128x128xf32, #tpu.memory_space<vmem>> -> memref<1x128x128xf32, #tpu.memory_space<vmem>>
      %dma_start3A_116 = tpu.memref_squeeze %dma_start3A_115 : memref<1x128x128xf32, #tpu.memory_space<vmem>> -> memref<128x128xf32, #tpu.memory_space<vmem>>
      tpu.enqueue_dma source(%dma_start3A_116 : memref<128x128xf32, #tpu.memory_space<vmem>>) target(%dma_start3A_112 : memref<128x128xf32, #tpu.memory_space<vmem_shared>>) target_semaphore(%run_scoped3A_104 : memref<!tpu.dma_semaphore, #tpu.memory_space<semaphore_mem>>)
      %dma_wait3A = arith.constant 0 : i32
      %dma_wait3A_117 = arith.constant 0 : i32
      %dma_wait3A_118 = tpu.memref_slice %arg6[%run_scoped3A_15, %dma_wait3A, %dma_wait3A_117] : memref<2x128x128xf32, #tpu.memory_space<vmem>> -> memref<1x128x128xf32, #tpu.memory_space<vmem>>
      %dma_wait3A_119 = tpu.memref_squeeze %dma_wait3A_118 : memref<1x128x128xf32, #tpu.memory_space<vmem>> -> memref<128x128xf32, #tpu.memory_space<vmem>>
      %dma_wait3A_120 = arith.constant 0 : i32
      %dma_wait3A_121 = tpu.memref_slice %arg7[%add3A_14, %dma_wait3A_120] : memref<10112x128xf32, #tpu.memory_space<vmem_shared>> -> memref<128x128xf32, #tpu.memory_space<vmem_shared>>
      %dma_wait3A_122 = arith.constant 0 : i32
      %dma_wait3A_123 = tpu.memref_slice %arg7[%add3A_14, %dma_wait3A_122] : memref<10112x128xf32, #tpu.memory_space<vmem_shared>> -> memref<128x128xf32, #tpu.memory_space<vmem_shared>>
      %dma_wait3A_124 = arith.constant 0 : i32
      %dma_wait3A_125 = arith.constant 0 : i32
      %dma_wait3A_126 = tpu.memref_slice %arg6[%run_scoped3A_15, %dma_wait3A_124, %dma_wait3A_125] : memref<2x128x128xf32, #tpu.memory_space<vmem>> -> memref<1x128x128xf32, #tpu.memory_space<vmem>>
      %dma_wait3A_127 = tpu.memref_squeeze %dma_wait3A_126 : memref<1x128x128xf32, #tpu.memory_space<vmem>> -> memref<128x128xf32, #tpu.memory_space<vmem>>
      tpu.wait_dma2 semaphore(%run_scoped3A_104 : memref<!tpu.dma_semaphore, #tpu.memory_space<semaphore_mem>>) src(%dma_wait3A_127 : memref<128x128xf32, #tpu.memory_space<vmem>>) dst(%dma_wait3A_123 : memref<128x128xf32, #tpu.memory_space<vmem_shared>>)
      tpu.yield
    }) : () -> ()
    %add3A_16 = arith.constant 384 : i32
    %add3A_17 = arith.addi %mul3A_7, %add3A_16 : i32
    %run_scoped3A_18 = arith.constant 0 : i32
    "tpu.region"() ({
      %run_scoped3A_104 = tpu.sem_alloc : memref<!tpu.dma_semaphore, #tpu.memory_space<semaphore_mem>>
      %dma_start3A_105 = arith.constant 0 : i32
      %dma_start3A_106 = arith.constant 0 : i32
      %dma_start3A_107 = tpu.memref_slice %arg6[%run_scoped3A_18, %dma_start3A_105, %dma_start3A_106] : memref<2x128x128xf32, #tpu.memory_space<vmem>> -> memref<1x128x128xf32, #tpu.memory_space<vmem>>
      %dma_start3A_108 = tpu.memref_squeeze %dma_start3A_107 : memref<1x128x128xf32, #tpu.memory_space<vmem>> -> memref<128x128xf32, #tpu.memory_space<vmem>>
      %dma_start3A_109 = arith.constant 0 : i32
      %dma_start3A_110 = tpu.memref_slice %arg7[%add3A_17, %dma_start3A_109] : memref<10112x128xf32, #tpu.memory_space<vmem_shared>> -> memref<128x128xf32, #tpu.memory_space<vmem_shared>>
      %dma_start3A_111 = arith.constant 0 : i32
      %dma_start3A_112 = tpu.memref_slice %arg7[%add3A_17, %dma_start3A_111] : memref<10112x128xf32, #tpu.memory_space<vmem_shared>> -> memref<128x128xf32, #tpu.memory_space<vmem_shared>>
      %dma_start3A_113 = arith.constant 0 : i32
      %dma_start3A_114 = arith.constant 0 : i32
      %dma_start3A_115 = tpu.memref_slice %arg6[%run_scoped3A_18, %dma_start3A_113, %dma_start3A_114] : memref<2x128x128xf32, #tpu.memory_space<vmem>> -> memref<1x128x128xf32, #tpu.memory_space<vmem>>
      %dma_start3A_116 = tpu.memref_squeeze %dma_start3A_115 : memref<1x128x128xf32, #tpu.memory_space<vmem>> -> memref<128x128xf32, #tpu.memory_space<vmem>>
      tpu.enqueue_dma source(%dma_start3A_116 : memref<128x128xf32, #tpu.memory_space<vmem>>) target(%dma_start3A_112 : memref<128x128xf32, #tpu.memory_space<vmem_shared>>) target_semaphore(%run_scoped3A_104 : memref<!tpu.dma_semaphore, #tpu.memory_space<semaphore_mem>>)
      %dma_wait3A = arith.constant 0 : i32
      %dma_wait3A_117 = arith.constant 0 : i32
      %dma_wait3A_118 = tpu.memref_slice %arg6[%run_scoped3A_18, %dma_wait3A, %dma_wait3A_117] : memref<2x128x128xf32, #tpu.memory_space<vmem>> -> memref<1x128x128xf32, #tpu.memory_space<vmem>>
      %dma_wait3A_119 = tpu.memref_squeeze %dma_wait3A_118 : memref<1x128x128xf32, #tpu.memory_space<vmem>> -> memref<128x128xf32, #tpu.memory_space<vmem>>
      %dma_wait3A_120 = arith.constant 0 : i32
      %dma_wait3A_121 = tpu.memref_slice %arg7[%add3A_17, %dma_wait3A_120] : memref<10112x128xf32, #tpu.memory_space<vmem_shared>> -> memref<128x128xf32, #tpu.memory_space<vmem_shared>>
      %dma_wait3A_122 = arith.constant 0 : i32
      %dma_wait3A_123 = tpu.memref_slice %arg7[%add3A_17, %dma_wait3A_122] : memref<10112x128xf32, #tpu.memory_space<vmem_shared>> -> memref<128x128xf32, #tpu.memory_space<vmem_shared>>
      %dma_wait3A_124 = arith.constant 0 : i32
      %dma_wait3A_125 = arith.constant 0 : i32
      %dma_wait3A_126 = tpu.memref_slice %arg6[%run_scoped3A_18, %dma_wait3A_124, %dma_wait3A_125] : memref<2x128x128xf32, #tpu.memory_space<vmem>> -> memref<1x128x128xf32, #tpu.memory_space<vmem>>
      %dma_wait3A_127 = tpu.memref_squeeze %dma_wait3A_126 : memref<1x128x128xf32, #tpu.memory_space<vmem>> -> memref<128x128xf32, #tpu.memory_space<vmem>>
      tpu.wait_dma2 semaphore(%run_scoped3A_104 : memref<!tpu.dma_semaphore, #tpu.memory_space<semaphore_mem>>) src(%dma_wait3A_127 : memref<128x128xf32, #tpu.memory_space<vmem>>) dst(%dma_wait3A_123 : memref<128x128xf32, #tpu.memory_space<vmem_shared>>)
      tpu.yield
    }) : () -> ()
    %add3A_19 = arith.constant 512 : i32
    %add3A_20 = arith.addi %mul3A_7, %add3A_19 : i32
    %run_scoped3A_21 = arith.constant 0 : i32
    "tpu.region"() ({
      %run_scoped3A_104 = tpu.sem_alloc : memref<!tpu.dma_semaphore, #tpu.memory_space<semaphore_mem>>
      %dma_start3A_105 = arith.constant 0 : i32
      %dma_start3A_106 = arith.constant 0 : i32
      %dma_start3A_107 = tpu.memref_slice %arg6[%run_scoped3A_21, %dma_start3A_105, %dma_start3A_106] : memref<2x128x128xf32, #tpu.memory_space<vmem>> -> memref<1x120x128xf32, #tpu.memory_space<vmem>>
      %dma_start3A_108 = tpu.memref_squeeze %dma_start3A_107 : memref<1x120x128xf32, #tpu.memory_space<vmem>> -> memref<120x128xf32, #tpu.memory_space<vmem>>
      %dma_start3A_109 = arith.constant 0 : i32
      %dma_start3A_110 = tpu.memref_slice %arg7[%add3A_20, %dma_start3A_109] : memref<10112x128xf32, #tpu.memory_space<vmem_shared>> -> memref<120x128xf32, #tpu.memory_space<vmem_shared>>
      %dma_start3A_111 = arith.constant 0 : i32
      %dma_start3A_112 = tpu.memref_slice %arg7[%add3A_20, %dma_start3A_111] : memref<10112x128xf32, #tpu.memory_space<vmem_shared>> -> memref<120x128xf32, #tpu.memory_space<vmem_shared>>
      %dma_start3A_113 = arith.constant 0 : i32
      %dma_start3A_114 = arith.constant 0 : i32
      %dma_start3A_115 = tpu.memref_slice %arg6[%run_scoped3A_21, %dma_start3A_113, %dma_start3A_114] : memref<2x128x128xf32, #tpu.memory_space<vmem>> -> memref<1x120x128xf32, #tpu.memory_space<vmem>>
      %dma_start3A_116 = tpu.memref_squeeze %dma_start3A_115 : memref<1x120x128xf32, #tpu.memory_space<vmem>> -> memref<120x128xf32, #tpu.memory_space<vmem>>
      tpu.enqueue_dma source(%dma_start3A_116 : memref<120x128xf32, #tpu.memory_space<vmem>>) target(%dma_start3A_112 : memref<120x128xf32, #tpu.memory_space<vmem_shared>>) target_semaphore(%run_scoped3A_104 : memref<!tpu.dma_semaphore, #tpu.memory_space<semaphore_mem>>)
      %dma_wait3A = arith.constant 0 : i32
      %dma_wait3A_117 = arith.constant 0 : i32
      %dma_wait3A_118 = tpu.memref_slice %arg6[%run_scoped3A_21, %dma_wait3A, %dma_wait3A_117] : memref<2x128x128xf32, #tpu.memory_space<vmem>> -> memref<1x120x128xf32, #tpu.memory_space<vmem>>
      %dma_wait3A_119 = tpu.memref_squeeze %dma_wait3A_118 : memref<1x120x128xf32, #tpu.memory_space<vmem>> -> memref<120x128xf32, #tpu.memory_space<vmem>>
      %dma_wait3A_120 = arith.constant 0 : i32
      %dma_wait3A_121 = tpu.memref_slice %arg7[%add3A_20, %dma_wait3A_120] : memref<10112x128xf32, #tpu.memory_space<vmem_shared>> -> memref<120x128xf32, #tpu.memory_space<vmem_shared>>
      %dma_wait3A_122 = arith.constant 0 : i32
      %dma_wait3A_123 = tpu.memref_slice %arg7[%add3A_20, %dma_wait3A_122] : memref<10112x128xf32, #tpu.memory_space<vmem_shared>> -> memref<120x128xf32, #tpu.memory_space<vmem_shared>>
      %dma_wait3A_124 = arith.constant 0 : i32
      %dma_wait3A_125 = arith.constant 0 : i32
      %dma_wait3A_126 = tpu.memref_slice %arg6[%run_scoped3A_21, %dma_wait3A_124, %dma_wait3A_125] : memref<2x128x128xf32, #tpu.memory_space<vmem>> -> memref<1x120x128xf32, #tpu.memory_space<vmem>>
      %dma_wait3A_127 = tpu.memref_squeeze %dma_wait3A_126 : memref<1x120x128xf32, #tpu.memory_space<vmem>> -> memref<120x128xf32, #tpu.memory_space<vmem>>
      tpu.wait_dma2 semaphore(%run_scoped3A_104 : memref<!tpu.dma_semaphore, #tpu.memory_space<semaphore_mem>>) src(%dma_wait3A_127 : memref<120x128xf32, #tpu.memory_space<vmem>>) dst(%dma_wait3A_123 : memref<120x128xf32, #tpu.memory_space<vmem_shared>>)
      tpu.yield
    }) : () -> ()
    %run_scoped3A_22 = arith.constant 0 : i32
    %run_scoped3A_23 = arith.constant 0 : i32
    "tpu.region"() ({
      %run_scoped3A_104 = tpu.sem_alloc : memref<!tpu.dma_semaphore, #tpu.memory_space<semaphore_mem>>
      %dma_start3A_105 = arith.constant 0 : i32
      %dma_start3A_106 = arith.constant 0 : i32
      %dma_start3A_107 = tpu.memref_slice %arg5[%run_scoped3A_23, %dma_start3A_105, %dma_start3A_106] : memref<2x2x128xi32, #tpu.memory_space<vmem>> -> memref<1x2x128xi32, #tpu.memory_space<vmem>>
      %dma_start3A_108 = tpu.memref_squeeze %dma_start3A_107 : memref<1x2x128xi32, #tpu.memory_space<vmem>> -> memref<2x128xi32, #tpu.memory_space<vmem>>
      %dma_start3A_109 = arith.constant 0 : i32
      %dma_start3A_110 = arith.constant 0 : i32
      %dma_start3A_111 = tpu.memref_slice %arg3[%add3A, %run_scoped3A_22, %dma_start3A_109, %dma_start3A_110] : memref<32x80x2x128xi32, #tpu.memory_space<hbm>> -> memref<1x1x2x128xi32, #tpu.memory_space<hbm>>
      %dma_start3A_112 = tpu.memref_squeeze %dma_start3A_111 : memref<1x1x2x128xi32, #tpu.memory_space<hbm>> -> memref<2x128xi32, #tpu.memory_space<hbm>>
      %dma_start3A_113 = arith.constant 0 : i32
      %dma_start3A_114 = arith.constant 0 : i32
      %dma_start3A_115 = tpu.memref_slice %arg5[%run_scoped3A_23, %dma_start3A_113, %dma_start3A_114] : memref<2x2x128xi32, #tpu.memory_space<vmem>> -> memref<1x2x128xi32, #tpu.memory_space<vmem>>
      %dma_start3A_116 = tpu.memref_squeeze %dma_start3A_115 : memref<1x2x128xi32, #tpu.memory_space<vmem>> -> memref<2x128xi32, #tpu.memory_space<vmem>>
      %dma_start3A_117 = arith.constant 0 : i32
      %dma_start3A_118 = arith.constant 0 : i32
      %dma_start3A_119 = tpu.memref_slice %arg3[%add3A, %run_scoped3A_22, %dma_start3A_117, %dma_start3A_118] : memref<32x80x2x128xi32, #tpu.memory_space<hbm>> -> memref<1x1x2x128xi32, #tpu.memory_space<hbm>>
      %dma_start3A_120 = tpu.memref_squeeze %dma_start3A_119 : memref<1x1x2x128xi32, #tpu.memory_space<hbm>> -> memref<2x128xi32, #tpu.memory_space<hbm>>
      tpu.enqueue_dma source(%dma_start3A_120 : memref<2x128xi32, #tpu.memory_space<hbm>>) target(%dma_start3A_116 : memref<2x128xi32, #tpu.memory_space<vmem>>) target_semaphore(%run_scoped3A_104 : memref<!tpu.dma_semaphore, #tpu.memory_space<semaphore_mem>>)
      %dma_wait3A = arith.constant 0 : i32
      %dma_wait3A_121 = arith.constant 0 : i32
      %dma_wait3A_122 = tpu.memref_slice %arg5[%run_scoped3A_23, %dma_wait3A, %dma_wait3A_121] : memref<2x2x128xi32, #tpu.memory_space<vmem>> -> memref<1x2x128xi32, #tpu.memory_space<vmem>>
      %dma_wait3A_123 = tpu.memref_squeeze %dma_wait3A_122 : memref<1x2x128xi32, #tpu.memory_space<vmem>> -> memref<2x128xi32, #tpu.memory_space<vmem>>
      %dma_wait3A_124 = arith.constant 0 : i32
      %dma_wait3A_125 = arith.constant 0 : i32
      %dma_wait3A_126 = tpu.memref_slice %arg3[%add3A, %run_scoped3A_22, %dma_wait3A_124, %dma_wait3A_125] : memref<32x80x2x128xi32, #tpu.memory_space<hbm>> -> memref<1x1x2x128xi32, #tpu.memory_space<hbm>>
      %dma_wait3A_127 = tpu.memref_squeeze %dma_wait3A_126 : memref<1x1x2x128xi32, #tpu.memory_space<hbm>> -> memref<2x128xi32, #tpu.memory_space<hbm>>
      %dma_wait3A_128 = arith.constant 0 : i32
      %dma_wait3A_129 = arith.constant 0 : i32
      %dma_wait3A_130 = tpu.memref_slice %arg5[%run_scoped3A_23, %dma_wait3A_128, %dma_wait3A_129] : memref<2x2x128xi32, #tpu.memory_space<vmem>> -> memref<1x2x128xi32, #tpu.memory_space<vmem>>
      %dma_wait3A_131 = tpu.memref_squeeze %dma_wait3A_130 : memref<1x2x128xi32, #tpu.memory_space<vmem>> -> memref<2x128xi32, #tpu.memory_space<vmem>>
      %dma_wait3A_132 = arith.constant 0 : i32
      %dma_wait3A_133 = arith.constant 0 : i32
      %dma_wait3A_134 = tpu.memref_slice %arg3[%add3A, %run_scoped3A_22, %dma_wait3A_132, %dma_wait3A_133] : memref<32x80x2x128xi32, #tpu.memory_space<hbm>> -> memref<1x1x2x128xi32, #tpu.memory_space<hbm>>
      %dma_wait3A_135 = tpu.memref_squeeze %dma_wait3A_134 : memref<1x1x2x128xi32, #tpu.memory_space<hbm>> -> memref<2x128xi32, #tpu.memory_space<hbm>>
      tpu.wait_dma2 semaphore(%run_scoped3A_104 : memref<!tpu.dma_semaphore, #tpu.memory_space<semaphore_mem>>) src(%dma_wait3A_135 : memref<2x128xi32, #tpu.memory_space<hbm>>) dst(%dma_wait3A_131 : memref<2x128xi32, #tpu.memory_space<vmem>>)
      tpu.yield
    }) : () -> ()
    %dma_start3A = arith.constant 0 : i32
    %dma_start3A_24 = arith.constant 0 : i32
    %dma_start3A_25 = arith.constant 0 : i32
    %dma_start3A_26 = arith.constant 0 : i32
    %dma_start3A_27 = arith.constant 0 : i32
    %dma_start3A_28 = tpu.memref_slice %arg6[%dma_start3A_25, %dma_start3A_26, %dma_start3A_27] : memref<2x128x128xf32, #tpu.memory_space<vmem>> -> memref<1x64x128xf32, #tpu.memory_space<vmem>>
    %dma_start3A_29 = tpu.memref_squeeze %dma_start3A_28 : memref<1x64x128xf32, #tpu.memory_space<vmem>> -> memref<64x128xf32, #tpu.memory_space<vmem>>
    %dma_start3A_30 = arith.constant 0 : i32
    %dma_start3A_31 = tpu.memref_slice %arg5[%dma_start3A, %dma_start3A_24, %dma_start3A_30] : memref<2x2x128xi32, #tpu.memory_space<vmem>> -> memref<1x1x64xi32, #tpu.memory_space<vmem>>
    %dma_start3A_32 = tpu.memref_squeeze %dma_start3A_31 : memref<1x1x64xi32, #tpu.memory_space<vmem>> -> memref<64xi32, #tpu.memory_space<vmem>>
    %dma_start3A_33 = arith.constant 0 : i32
    %dma_start3A_34 = arith.constant 0 : i32
    %dma_start3A_35 = tpu.memref_slice %arg2[%dma_start3A_33, %dma_start3A_34] : memref<10000x128xf32, #tpu.memory_space<hbm>> -> memref<10000x128xf32, #tpu.memory_space<hbm>>
    tpu.enqueue_indirect_dma source(%dma_start3A_35 : memref<10000x128xf32, #tpu.memory_space<hbm>>) target(%dma_start3A_29 : memref<64x128xf32, #tpu.memory_space<vmem>>) offsets(%dma_start3A_32 : memref<64xi32, #tpu.memory_space<vmem>>) semaphore(%arg8 : memref<!tpu.dma_semaphore, #tpu.memory_space<semaphore_mem>>)
    %dma_start3A_36 = arith.constant 0 : i32
    %dma_start3A_37 = arith.constant 0 : i32
    %dma_start3A_38 = arith.constant 0 : i32
    %dma_start3A_39 = arith.constant 64 : i32
    %dma_start3A_40 = arith.constant 0 : i32
    %dma_start3A_41 = tpu.memref_slice %arg6[%dma_start3A_38, %dma_start3A_39, %dma_start3A_40] : memref<2x128x128xf32, #tpu.memory_space<vmem>> -> memref<1x64x128xf32, #tpu.memory_space<vmem>>
    %dma_start3A_42 = tpu.memref_squeeze %dma_start3A_41 : memref<1x64x128xf32, #tpu.memory_space<vmem>> -> memref<64x128xf32, #tpu.memory_space<vmem>>
    %dma_start3A_43 = arith.constant 64 : i32
    %dma_start3A_44 = tpu.memref_slice %arg5[%dma_start3A_36, %dma_start3A_37, %dma_start3A_43] : memref<2x2x128xi32, #tpu.memory_space<vmem>> -> memref<1x1x64xi32, #tpu.memory_space<vmem>>
    %dma_start3A_45 = tpu.memref_squeeze %dma_start3A_44 : memref<1x1x64xi32, #tpu.memory_space<vmem>> -> memref<64xi32, #tpu.memory_space<vmem>>
    %dma_start3A_46 = arith.constant 0 : i32
    %dma_start3A_47 = arith.constant 0 : i32
    %dma_start3A_48 = tpu.memref_slice %arg2[%dma_start3A_46, %dma_start3A_47] : memref<10000x128xf32, #tpu.memory_space<hbm>> -> memref<10000x128xf32, #tpu.memory_space<hbm>>
    tpu.enqueue_indirect_dma source(%dma_start3A_48 : memref<10000x128xf32, #tpu.memory_space<hbm>>) target(%dma_start3A_42 : memref<64x128xf32, #tpu.memory_space<vmem>>) offsets(%dma_start3A_45 : memref<64xi32, #tpu.memory_space<vmem>>) semaphore(%arg10 : memref<!tpu.dma_semaphore, #tpu.memory_space<semaphore_mem>>)
    %dma_start3A_49 = arith.constant 1 : i32
    %dma_start3A_50 = arith.constant 1 : i32
    %dma_start3A_51 = arith.constant 0 : i32
    %dma_start3A_52 = arith.constant 0 : i32
    %dma_start3A_53 = tpu.memref_slice %arg5[%dma_start3A_50, %dma_start3A_51, %dma_start3A_52] : memref<2x2x128xi32, #tpu.memory_space<vmem>> -> memref<1x2x128xi32, #tpu.memory_space<vmem>>
    %dma_start3A_54 = tpu.memref_squeeze %dma_start3A_53 : memref<1x2x128xi32, #tpu.memory_space<vmem>> -> memref<2x128xi32, #tpu.memory_space<vmem>>
    %dma_start3A_55 = arith.constant 0 : i32
    %dma_start3A_56 = arith.constant 0 : i32
    %dma_start3A_57 = tpu.memref_slice %arg3[%add3A, %dma_start3A_49, %dma_start3A_55, %dma_start3A_56] : memref<32x80x2x128xi32, #tpu.memory_space<hbm>> -> memref<1x1x2x128xi32, #tpu.memory_space<hbm>>
    %dma_start3A_58 = tpu.memref_squeeze %dma_start3A_57 : memref<1x1x2x128xi32, #tpu.memory_space<hbm>> -> memref<2x128xi32, #tpu.memory_space<hbm>>
    %dma_start3A_59 = arith.constant 0 : i32
    %dma_start3A_60 = arith.constant 0 : i32
    %dma_start3A_61 = tpu.memref_slice %arg5[%dma_start3A_50, %dma_start3A_59, %dma_start3A_60] : memref<2x2x128xi32, #tpu.memory_space<vmem>> -> memref<1x2x128xi32, #tpu.memory_space<vmem>>
    %dma_start3A_62 = tpu.memref_squeeze %dma_start3A_61 : memref<1x2x128xi32, #tpu.memory_space<vmem>> -> memref<2x128xi32, #tpu.memory_space<vmem>>
    %dma_start3A_63 = arith.constant 0 : i32
    %dma_start3A_64 = arith.constant 0 : i32
    %dma_start3A_65 = tpu.memref_slice %arg3[%add3A, %dma_start3A_49, %dma_start3A_63, %dma_start3A_64] : memref<32x80x2x128xi32, #tpu.memory_space<hbm>> -> memref<1x1x2x128xi32, #tpu.memory_space<hbm>>
    %dma_start3A_66 = tpu.memref_squeeze %dma_start3A_65 : memref<1x1x2x128xi32, #tpu.memory_space<hbm>> -> memref<2x128xi32, #tpu.memory_space<hbm>>
    tpu.enqueue_dma source(%dma_start3A_66 : memref<2x128xi32, #tpu.memory_space<hbm>>) target(%dma_start3A_62 : memref<2x128xi32, #tpu.memory_space<vmem>>) target_semaphore(%arg13 : memref<!tpu.dma_semaphore, #tpu.memory_space<semaphore_mem>>)
    %barrier3A = arith.constant 0 : index
    tpu.barrier barrier_id(%barrier3A)
    %scan3A_67 = arith.constant 0 : i32
    %scan3A_68 = arith.constant 0 : i32
    %scan3A_69 = arith.constant 40 : i32
    %scan3A_70 = arith.addi %scan3A_68, %scan3A_69 : i32
    %scan3A_71 = arith.constant 1 : i32
    scf.for %scan3A_104 = %scan3A_68 to %scan3A_70 step %scan3A_71  : i32 {
      %mul3A_105 = arith.constant 2 : i32
      %mul3A_106 = arith.muli %mul3A_105, %scan3A_104 : i32
      %add3A_107 = arith.constant 0 : i32
      %add3A_108 = arith.addi %mul3A_106, %add3A_107 : i32
      %dma_wait3A = arith.constant 0 : i32
      %dma_wait3A_109 = arith.constant 0 : i32
      %dma_wait3A_110 = arith.constant 0 : i32
      %dma_wait3A_111 = arith.constant 0 : i32
      %dma_wait3A_112 = arith.constant 0 : i32
      %dma_wait3A_113 = tpu.memref_slice %arg6[%dma_wait3A_110, %dma_wait3A_111, %dma_wait3A_112] : memref<2x128x128xf32, #tpu.memory_space<vmem>> -> memref<1x64x128xf32, #tpu.memory_space<vmem>>
      %dma_wait3A_114 = tpu.memref_squeeze %dma_wait3A_113 : memref<1x64x128xf32, #tpu.memory_space<vmem>> -> memref<64x128xf32, #tpu.memory_space<vmem>>
      %dma_wait3A_115 = arith.constant 0 : i32
      %dma_wait3A_116 = tpu.memref_slice %arg5[%dma_wait3A, %dma_wait3A_109, %dma_wait3A_115] : memref<2x2x128xi32, #tpu.memory_space<vmem>> -> memref<1x1x64xi32, #tpu.memory_space<vmem>>
      %dma_wait3A_117 = tpu.memref_squeeze %dma_wait3A_116 : memref<1x1x64xi32, #tpu.memory_space<vmem>> -> memref<64xi32, #tpu.memory_space<vmem>>
      %dma_wait3A_118 = arith.constant 0 : i32
      %dma_wait3A_119 = arith.constant 0 : i32
      %dma_wait3A_120 = tpu.memref_slice %arg2[%dma_wait3A_118, %dma_wait3A_119] : memref<10000x128xf32, #tpu.memory_space<hbm>> -> memref<10000x128xf32, #tpu.memory_space<hbm>>
      tpu.wait_indirect_dma semaphore(%arg8 : memref<!tpu.dma_semaphore, #tpu.memory_space<semaphore_mem>>) src(%dma_wait3A_120 : memref<10000x128xf32, #tpu.memory_space<hbm>>) dst(%dma_wait3A_114 : memref<64x128xf32, #tpu.memory_space<vmem>>)
      %dma_wait3A_121 = arith.constant 0 : i32
      %dma_wait3A_122 = arith.constant 0 : i32
      %dma_wait3A_123 = arith.constant 0 : i32
      %dma_wait3A_124 = arith.constant 64 : i32
      %dma_wait3A_125 = arith.constant 0 : i32
      %dma_wait3A_126 = tpu.memref_slice %arg6[%dma_wait3A_123, %dma_wait3A_124, %dma_wait3A_125] : memref<2x128x128xf32, #tpu.memory_space<vmem>> -> memref<1x64x128xf32, #tpu.memory_space<vmem>>
      %dma_wait3A_127 = tpu.memref_squeeze %dma_wait3A_126 : memref<1x64x128xf32, #tpu.memory_space<vmem>> -> memref<64x128xf32, #tpu.memory_space<vmem>>
      %dma_wait3A_128 = arith.constant 64 : i32
      %dma_wait3A_129 = tpu.memref_slice %arg5[%dma_wait3A_121, %dma_wait3A_122, %dma_wait3A_128] : memref<2x2x128xi32, #tpu.memory_space<vmem>> -> memref<1x1x64xi32, #tpu.memory_space<vmem>>
      %dma_wait3A_130 = tpu.memref_squeeze %dma_wait3A_129 : memref<1x1x64xi32, #tpu.memory_space<vmem>> -> memref<64xi32, #tpu.memory_space<vmem>>
      %dma_wait3A_131 = arith.constant 0 : i32
      %dma_wait3A_132 = arith.constant 0 : i32
      %dma_wait3A_133 = tpu.memref_slice %arg2[%dma_wait3A_131, %dma_wait3A_132] : memref<10000x128xf32, #tpu.memory_space<hbm>> -> memref<10000x128xf32, #tpu.memory_space<hbm>>
      tpu.wait_indirect_dma semaphore(%arg10 : memref<!tpu.dma_semaphore, #tpu.memory_space<semaphore_mem>>) src(%dma_wait3A_133 : memref<10000x128xf32, #tpu.memory_space<hbm>>) dst(%dma_wait3A_127 : memref<64x128xf32, #tpu.memory_space<vmem>>)
      %add3A_134 = arith.constant 1 : i32
      %add3A_135 = arith.addi %add3A_108, %add3A_134 : i32
      %lt3A = arith.constant 80 : i32
      %lt3A_136 = arith.cmpi slt, %add3A_135, %lt3A : i32
      %convert_element_type3A = arith.extui %lt3A_136 : i1 to i32
      %cond3A = arith.constant 0 : i32
      %cond3A_137 = arith.cmpi ne, %convert_element_type3A, %cond3A : i32
      scf.if %cond3A_137 {
        %dma_wait3A_195 = arith.constant 0 : i32
        %dma_wait3A_196 = arith.constant 1 : i32
        %dma_wait3A_197 = arith.constant 0 : i32
        %dma_wait3A_198 = arith.constant 0 : i32
        %dma_wait3A_199 = tpu.memref_slice %arg5[%dma_wait3A_196, %dma_wait3A_197, %dma_wait3A_198] : memref<2x2x128xi32, #tpu.memory_space<vmem>> -> memref<1x2x128xi32, #tpu.memory_space<vmem>>
        %dma_wait3A_200 = tpu.memref_squeeze %dma_wait3A_199 : memref<1x2x128xi32, #tpu.memory_space<vmem>> -> memref<2x128xi32, #tpu.memory_space<vmem>>
        %dma_wait3A_201 = arith.constant 0 : i32
        %dma_wait3A_202 = arith.constant 0 : i32
        %dma_wait3A_203 = tpu.memref_slice %arg3[%add3A, %dma_wait3A_195, %dma_wait3A_201, %dma_wait3A_202] : memref<32x80x2x128xi32, #tpu.memory_space<hbm>> -> memref<1x1x2x128xi32, #tpu.memory_space<hbm>>
        %dma_wait3A_204 = tpu.memref_squeeze %dma_wait3A_203 : memref<1x1x2x128xi32, #tpu.memory_space<hbm>> -> memref<2x128xi32, #tpu.memory_space<hbm>>
        %dma_wait3A_205 = arith.constant 0 : i32
        %dma_wait3A_206 = arith.constant 0 : i32
        %dma_wait3A_207 = tpu.memref_slice %arg5[%dma_wait3A_196, %dma_wait3A_205, %dma_wait3A_206] : memref<2x2x128xi32, #tpu.memory_space<vmem>> -> memref<1x2x128xi32, #tpu.memory_space<vmem>>
        %dma_wait3A_208 = tpu.memref_squeeze %dma_wait3A_207 : memref<1x2x128xi32, #tpu.memory_space<vmem>> -> memref<2x128xi32, #tpu.memory_space<vmem>>
        %dma_wait3A_209 = arith.constant 0 : i32
        %dma_wait3A_210 = arith.constant 0 : i32
        %dma_wait3A_211 = tpu.memref_slice %arg3[%add3A, %dma_wait3A_195, %dma_wait3A_209, %dma_wait3A_210] : memref<32x80x2x128xi32, #tpu.memory_space<hbm>> -> memref<1x1x2x128xi32, #tpu.memory_space<hbm>>
        %dma_wait3A_212 = tpu.memref_squeeze %dma_wait3A_211 : memref<1x1x2x128xi32, #tpu.memory_space<hbm>> -> memref<2x128xi32, #tpu.memory_space<hbm>>
        tpu.wait_dma2 semaphore(%arg13 : memref<!tpu.dma_semaphore, #tpu.memory_space<semaphore_mem>>) src(%dma_wait3A_212 : memref<2x128xi32, #tpu.memory_space<hbm>>) dst(%dma_wait3A_208 : memref<2x128xi32, #tpu.memory_space<vmem>>)
        %dma_start3A_213 = arith.constant 1 : i32
        %dma_start3A_214 = arith.constant 0 : i32
        %dma_start3A_215 = arith.constant 1 : i32
        %dma_start3A_216 = arith.constant 0 : i32
        %dma_start3A_217 = arith.constant 0 : i32
        %dma_start3A_218 = tpu.memref_slice %arg6[%dma_start3A_215, %dma_start3A_216, %dma_start3A_217] : memref<2x128x128xf32, #tpu.memory_space<vmem>> -> memref<1x64x128xf32, #tpu.memory_space<vmem>>
        %dma_start3A_219 = tpu.memref_squeeze %dma_start3A_218 : memref<1x64x128xf32, #tpu.memory_space<vmem>> -> memref<64x128xf32, #tpu.memory_space<vmem>>
        %dma_start3A_220 = arith.constant 0 : i32
        %dma_start3A_221 = tpu.memref_slice %arg5[%dma_start3A_213, %dma_start3A_214, %dma_start3A_220] : memref<2x2x128xi32, #tpu.memory_space<vmem>> -> memref<1x1x64xi32, #tpu.memory_space<vmem>>
        %dma_start3A_222 = tpu.memref_squeeze %dma_start3A_221 : memref<1x1x64xi32, #tpu.memory_space<vmem>> -> memref<64xi32, #tpu.memory_space<vmem>>
        %dma_start3A_223 = arith.constant 0 : i32
        %dma_start3A_224 = arith.constant 0 : i32
        %dma_start3A_225 = tpu.memref_slice %arg2[%dma_start3A_223, %dma_start3A_224] : memref<10000x128xf32, #tpu.memory_space<hbm>> -> memref<10000x128xf32, #tpu.memory_space<hbm>>
        tpu.enqueue_indirect_dma source(%dma_start3A_225 : memref<10000x128xf32, #tpu.memory_space<hbm>>) target(%dma_start3A_219 : memref<64x128xf32, #tpu.memory_space<vmem>>) offsets(%dma_start3A_222 : memref<64xi32, #tpu.memory_space<vmem>>) semaphore(%arg9 : memref<!tpu.dma_semaphore, #tpu.memory_space<semaphore_mem>>)
        %dma_start3A_226 = arith.constant 1 : i32
        %dma_start3A_227 = arith.constant 0 : i32
        %dma_start3A_228 = arith.constant 1 : i32
        %dma_start3A_229 = arith.constant 64 : i32
        %dma_start3A_230 = arith.constant 0 : i32
        %dma_start3A_231 = tpu.memref_slice %arg6[%dma_start3A_228, %dma_start3A_229, %dma_start3A_230] : memref<2x128x128xf32, #tpu.memory_space<vmem>> -> memref<1x64x128xf32, #tpu.memory_space<vmem>>
        %dma_start3A_232 = tpu.memref_squeeze %dma_start3A_231 : memref<1x64x128xf32, #tpu.memory_space<vmem>> -> memref<64x128xf32, #tpu.memory_space<vmem>>
        %dma_start3A_233 = arith.constant 64 : i32
        %dma_start3A_234 = tpu.memref_slice %arg5[%dma_start3A_226, %dma_start3A_227, %dma_start3A_233] : memref<2x2x128xi32, #tpu.memory_space<vmem>> -> memref<1x1x64xi32, #tpu.memory_space<vmem>>
        %dma_start3A_235 = tpu.memref_squeeze %dma_start3A_234 : memref<1x1x64xi32, #tpu.memory_space<vmem>> -> memref<64xi32, #tpu.memory_space<vmem>>
        %dma_start3A_236 = arith.constant 0 : i32
        %dma_start3A_237 = arith.constant 0 : i32
        %dma_start3A_238 = tpu.memref_slice %arg2[%dma_start3A_236, %dma_start3A_237] : memref<10000x128xf32, #tpu.memory_space<hbm>> -> memref<10000x128xf32, #tpu.memory_space<hbm>>
        tpu.enqueue_indirect_dma source(%dma_start3A_238 : memref<10000x128xf32, #tpu.memory_space<hbm>>) target(%dma_start3A_232 : memref<64x128xf32, #tpu.memory_space<vmem>>) offsets(%dma_start3A_235 : memref<64xi32, #tpu.memory_space<vmem>>) semaphore(%arg11 : memref<!tpu.dma_semaphore, #tpu.memory_space<semaphore_mem>>)
      } else {
      }
      %run_scoped3A_138 = arith.constant 0 : i32
      %run_scoped3A_139 = arith.constant 0 : i32
      %run_scoped3A_140 = arith.constant 1 : i32
      "tpu.region"() ({
        %run_scoped3A_195 = tpu.sem_alloc : memref<!tpu.dma_semaphore, #tpu.memory_space<semaphore_mem>>
        %dma_start3A_196 = arith.constant 0 : i32
        %dma_start3A_197 = arith.constant 0 : i32
        %dma_start3A_198 = tpu.memref_slice %arg6[%run_scoped3A_138, %dma_start3A_196, %dma_start3A_197] : memref<2x128x128xf32, #tpu.memory_space<vmem>> -> memref<1x128x128xf32, #tpu.memory_space<vmem>>
        %dma_start3A_199 = tpu.memref_squeeze %dma_start3A_198 : memref<1x128x128xf32, #tpu.memory_space<vmem>> -> memref<128x128xf32, #tpu.memory_space<vmem>>
        %dma_start3A_200 = arith.constant 0 : i32
        %dma_start3A_201 = tpu.memref_slice %arg5[%run_scoped3A_139, %run_scoped3A_140, %dma_start3A_200] : memref<2x2x128xi32, #tpu.memory_space<vmem>> -> memref<1x1x128xi32, #tpu.memory_space<vmem>>
        %dma_start3A_202 = tpu.memref_squeeze %dma_start3A_201 : memref<1x1x128xi32, #tpu.memory_space<vmem>> -> memref<128xi32, #tpu.memory_space<vmem>>
        %dma_start3A_203 = arith.constant 0 : i32
        %dma_start3A_204 = arith.constant 0 : i32
        %dma_start3A_205 = tpu.memref_slice %arg7[%dma_start3A_203, %dma_start3A_204] : memref<10112x128xf32, #tpu.memory_space<vmem_shared>> -> memref<10112x128xf32, #tpu.memory_space<vmem_shared>>
        tpu.enqueue_indirect_dma source(%dma_start3A_199 : memref<128x128xf32, #tpu.memory_space<vmem>>) target(%dma_start3A_205 : memref<10112x128xf32, #tpu.memory_space<vmem_shared>>) offsets(%dma_start3A_202 : memref<128xi32, #tpu.memory_space<vmem>>) semaphore(%run_scoped3A_195 : memref<!tpu.dma_semaphore, #tpu.memory_space<semaphore_mem>>) {add = true}
        %dma_wait3A_206 = arith.constant 0 : i32
        %dma_wait3A_207 = arith.constant 0 : i32
        %dma_wait3A_208 = tpu.memref_slice %arg6[%run_scoped3A_138, %dma_wait3A_206, %dma_wait3A_207] : memref<2x128x128xf32, #tpu.memory_space<vmem>> -> memref<1x128x128xf32, #tpu.memory_space<vmem>>
        %dma_wait3A_209 = tpu.memref_squeeze %dma_wait3A_208 : memref<1x128x128xf32, #tpu.memory_space<vmem>> -> memref<128x128xf32, #tpu.memory_space<vmem>>
        %dma_wait3A_210 = arith.constant 0 : i32
        %dma_wait3A_211 = tpu.memref_slice %arg5[%run_scoped3A_139, %run_scoped3A_140, %dma_wait3A_210] : memref<2x2x128xi32, #tpu.memory_space<vmem>> -> memref<1x1x128xi32, #tpu.memory_space<vmem>>
        %dma_wait3A_212 = tpu.memref_squeeze %dma_wait3A_211 : memref<1x1x128xi32, #tpu.memory_space<vmem>> -> memref<128xi32, #tpu.memory_space<vmem>>
        %dma_wait3A_213 = arith.constant 0 : i32
        %dma_wait3A_214 = arith.constant 0 : i32
        %dma_wait3A_215 = tpu.memref_slice %arg7[%dma_wait3A_213, %dma_wait3A_214] : memref<10112x128xf32, #tpu.memory_space<vmem_shared>> -> memref<10112x128xf32, #tpu.memory_space<vmem_shared>>
        tpu.wait_indirect_dma semaphore(%run_scoped3A_195 : memref<!tpu.dma_semaphore, #tpu.memory_space<semaphore_mem>>) src(%dma_wait3A_209 : memref<128x128xf32, #tpu.memory_space<vmem>>) dst(%dma_wait3A_215 : memref<10112x128xf32, #tpu.memory_space<vmem_shared>>)
        tpu.yield
      }) : () -> ()
      %add3A_141 = arith.constant 2 : i32
      %add3A_142 = arith.addi %add3A_108, %add3A_141 : i32
      %lt3A_143 = arith.constant 80 : i32
      %lt3A_144 = arith.cmpi slt, %add3A_142, %lt3A_143 : i32
      %convert_element_type3A_145 = arith.extui %lt3A_144 : i1 to i32
      %cond3A_146 = arith.constant 0 : i32
      %cond3A_147 = arith.cmpi ne, %convert_element_type3A_145, %cond3A_146 : i32
      scf.if %cond3A_147 {
        %add3A_195 = arith.constant 2 : i32
        %add3A_196 = arith.addi %add3A_108, %add3A_195 : i32
        %dma_start3A_197 = arith.constant 0 : i32
        %dma_start3A_198 = arith.constant 0 : i32
        %dma_start3A_199 = arith.constant 0 : i32
        %dma_start3A_200 = tpu.memref_slice %arg5[%dma_start3A_197, %dma_start3A_198, %dma_start3A_199] : memref<2x2x128xi32, #tpu.memory_space<vmem>> -> memref<1x2x128xi32, #tpu.memory_space<vmem>>
        %dma_start3A_201 = tpu.memref_squeeze %dma_start3A_200 : memref<1x2x128xi32, #tpu.memory_space<vmem>> -> memref<2x128xi32, #tpu.memory_space<vmem>>
        %dma_start3A_202 = arith.constant 0 : i32
        %dma_start3A_203 = arith.constant 0 : i32
        %dma_start3A_204 = tpu.memref_slice %arg3[%add3A, %add3A_196, %dma_start3A_202, %dma_start3A_203] : memref<32x80x2x128xi32, #tpu.memory_space<hbm>> -> memref<1x1x2x128xi32, #tpu.memory_space<hbm>>
        %dma_start3A_205 = tpu.memref_squeeze %dma_start3A_204 : memref<1x1x2x128xi32, #tpu.memory_space<hbm>> -> memref<2x128xi32, #tpu.memory_space<hbm>>
        %dma_start3A_206 = arith.constant 0 : i32
        %dma_start3A_207 = arith.constant 0 : i32
        %dma_start3A_208 = tpu.memref_slice %arg5[%dma_start3A_197, %dma_start3A_206, %dma_start3A_207] : memref<2x2x128xi32, #tpu.memory_space<vmem>> -> memref<1x2x128xi32, #tpu.memory_space<vmem>>
        %dma_start3A_209 = tpu.memref_squeeze %dma_start3A_208 : memref<1x2x128xi32, #tpu.memory_space<vmem>> -> memref<2x128xi32, #tpu.memory_space<vmem>>
        %dma_start3A_210 = arith.constant 0 : i32
        %dma_start3A_211 = arith.constant 0 : i32
        %dma_start3A_212 = tpu.memref_slice %arg3[%add3A, %add3A_196, %dma_start3A_210, %dma_start3A_211] : memref<32x80x2x128xi32, #tpu.memory_space<hbm>> -> memref<1x1x2x128xi32, #tpu.memory_space<hbm>>
        %dma_start3A_213 = tpu.memref_squeeze %dma_start3A_212 : memref<1x1x2x128xi32, #tpu.memory_space<hbm>> -> memref<2x128xi32, #tpu.memory_space<hbm>>
        tpu.enqueue_dma source(%dma_start3A_213 : memref<2x128xi32, #tpu.memory_space<hbm>>) target(%dma_start3A_209 : memref<2x128xi32, #tpu.memory_space<vmem>>) target_semaphore(%arg12 : memref<!tpu.dma_semaphore, #tpu.memory_space<semaphore_mem>>)
      } else {
      }
      %mul3A_148 = arith.constant 2 : i32
      %mul3A_149 = arith.muli %mul3A_148, %scan3A_104 : i32
      %add3A_150 = arith.constant 1 : i32
      %add3A_151 = arith.addi %mul3A_149, %add3A_150 : i32
      %dma_wait3A_152 = arith.constant 1 : i32
      %dma_wait3A_153 = arith.constant 0 : i32
      %dma_wait3A_154 = arith.constant 1 : i32
      %dma_wait3A_155 = arith.constant 0 : i32
      %dma_wait3A_156 = arith.constant 0 : i32
      %dma_wait3A_157 = tpu.memref_slice %arg6[%dma_wait3A_154, %dma_wait3A_155, %dma_wait3A_156] : memref<2x128x128xf32, #tpu.memory_space<vmem>> -> memref<1x64x128xf32, #tpu.memory_space<vmem>>
      %dma_wait3A_158 = tpu.memref_squeeze %dma_wait3A_157 : memref<1x64x128xf32, #tpu.memory_space<vmem>> -> memref<64x128xf32, #tpu.memory_space<vmem>>
      %dma_wait3A_159 = arith.constant 0 : i32
      %dma_wait3A_160 = tpu.memref_slice %arg5[%dma_wait3A_152, %dma_wait3A_153, %dma_wait3A_159] : memref<2x2x128xi32, #tpu.memory_space<vmem>> -> memref<1x1x64xi32, #tpu.memory_space<vmem>>
      %dma_wait3A_161 = tpu.memref_squeeze %dma_wait3A_160 : memref<1x1x64xi32, #tpu.memory_space<vmem>> -> memref<64xi32, #tpu.memory_space<vmem>>
      %dma_wait3A_162 = arith.constant 0 : i32
      %dma_wait3A_163 = arith.constant 0 : i32
      %dma_wait3A_164 = tpu.memref_slice %arg2[%dma_wait3A_162, %dma_wait3A_163] : memref<10000x128xf32, #tpu.memory_space<hbm>> -> memref<10000x128xf32, #tpu.memory_space<hbm>>
      tpu.wait_indirect_dma semaphore(%arg9 : memref<!tpu.dma_semaphore, #tpu.memory_space<semaphore_mem>>) src(%dma_wait3A_164 : memref<10000x128xf32, #tpu.memory_space<hbm>>) dst(%dma_wait3A_158 : memref<64x128xf32, #tpu.memory_space<vmem>>)
      %dma_wait3A_165 = arith.constant 1 : i32
      %dma_wait3A_166 = arith.constant 0 : i32
      %dma_wait3A_167 = arith.constant 1 : i32
      %dma_wait3A_168 = arith.constant 64 : i32
      %dma_wait3A_169 = arith.constant 0 : i32
      %dma_wait3A_170 = tpu.memref_slice %arg6[%dma_wait3A_167, %dma_wait3A_168, %dma_wait3A_169] : memref<2x128x128xf32, #tpu.memory_space<vmem>> -> memref<1x64x128xf32, #tpu.memory_space<vmem>>
      %dma_wait3A_171 = tpu.memref_squeeze %dma_wait3A_170 : memref<1x64x128xf32, #tpu.memory_space<vmem>> -> memref<64x128xf32, #tpu.memory_space<vmem>>
      %dma_wait3A_172 = arith.constant 64 : i32
      %dma_wait3A_173 = tpu.memref_slice %arg5[%dma_wait3A_165, %dma_wait3A_166, %dma_wait3A_172] : memref<2x2x128xi32, #tpu.memory_space<vmem>> -> memref<1x1x64xi32, #tpu.memory_space<vmem>>
      %dma_wait3A_174 = tpu.memref_squeeze %dma_wait3A_173 : memref<1x1x64xi32, #tpu.memory_space<vmem>> -> memref<64xi32, #tpu.memory_space<vmem>>
      %dma_wait3A_175 = arith.constant 0 : i32
      %dma_wait3A_176 = arith.constant 0 : i32
      %dma_wait3A_177 = tpu.memref_slice %arg2[%dma_wait3A_175, %dma_wait3A_176] : memref<10000x128xf32, #tpu.memory_space<hbm>> -> memref<10000x128xf32, #tpu.memory_space<hbm>>
      tpu.wait_indirect_dma semaphore(%arg11 : memref<!tpu.dma_semaphore, #tpu.memory_space<semaphore_mem>>) src(%dma_wait3A_177 : memref<10000x128xf32, #tpu.memory_space<hbm>>) dst(%dma_wait3A_171 : memref<64x128xf32, #tpu.memory_space<vmem>>)
      %add3A_178 = arith.constant 1 : i32
      %add3A_179 = arith.addi %add3A_151, %add3A_178 : i32
      %lt3A_180 = arith.constant 80 : i32
      %lt3A_181 = arith.cmpi slt, %add3A_179, %lt3A_180 : i32
      %convert_element_type3A_182 = arith.extui %lt3A_181 : i1 to i32
      %cond3A_183 = arith.constant 0 : i32
      %cond3A_184 = arith.cmpi ne, %convert_element_type3A_182, %cond3A_183 : i32
      scf.if %cond3A_184 {
        %dma_wait3A_195 = arith.constant 0 : i32
        %dma_wait3A_196 = arith.constant 0 : i32
        %dma_wait3A_197 = arith.constant 0 : i32
        %dma_wait3A_198 = arith.constant 0 : i32
        %dma_wait3A_199 = tpu.memref_slice %arg5[%dma_wait3A_196, %dma_wait3A_197, %dma_wait3A_198] : memref<2x2x128xi32, #tpu.memory_space<vmem>> -> memref<1x2x128xi32, #tpu.memory_space<vmem>>
        %dma_wait3A_200 = tpu.memref_squeeze %dma_wait3A_199 : memref<1x2x128xi32, #tpu.memory_space<vmem>> -> memref<2x128xi32, #tpu.memory_space<vmem>>
        %dma_wait3A_201 = arith.constant 0 : i32
        %dma_wait3A_202 = arith.constant 0 : i32
        %dma_wait3A_203 = tpu.memref_slice %arg3[%add3A, %dma_wait3A_195, %dma_wait3A_201, %dma_wait3A_202] : memref<32x80x2x128xi32, #tpu.memory_space<hbm>> -> memref<1x1x2x128xi32, #tpu.memory_space<hbm>>
        %dma_wait3A_204 = tpu.memref_squeeze %dma_wait3A_203 : memref<1x1x2x128xi32, #tpu.memory_space<hbm>> -> memref<2x128xi32, #tpu.memory_space<hbm>>
        %dma_wait3A_205 = arith.constant 0 : i32
        %dma_wait3A_206 = arith.constant 0 : i32
        %dma_wait3A_207 = tpu.memref_slice %arg5[%dma_wait3A_196, %dma_wait3A_205, %dma_wait3A_206] : memref<2x2x128xi32, #tpu.memory_space<vmem>> -> memref<1x2x128xi32, #tpu.memory_space<vmem>>
        %dma_wait3A_208 = tpu.memref_squeeze %dma_wait3A_207 : memref<1x2x128xi32, #tpu.memory_space<vmem>> -> memref<2x128xi32, #tpu.memory_space<vmem>>
        %dma_wait3A_209 = arith.constant 0 : i32
        %dma_wait3A_210 = arith.constant 0 : i32
        %dma_wait3A_211 = tpu.memref_slice %arg3[%add3A, %dma_wait3A_195, %dma_wait3A_209, %dma_wait3A_210] : memref<32x80x2x128xi32, #tpu.memory_space<hbm>> -> memref<1x1x2x128xi32, #tpu.memory_space<hbm>>
        %dma_wait3A_212 = tpu.memref_squeeze %dma_wait3A_211 : memref<1x1x2x128xi32, #tpu.memory_space<hbm>> -> memref<2x128xi32, #tpu.memory_space<hbm>>
        tpu.wait_dma2 semaphore(%arg12 : memref<!tpu.dma_semaphore, #tpu.memory_space<semaphore_mem>>) src(%dma_wait3A_212 : memref<2x128xi32, #tpu.memory_space<hbm>>) dst(%dma_wait3A_208 : memref<2x128xi32, #tpu.memory_space<vmem>>)
        %dma_start3A_213 = arith.constant 0 : i32
        %dma_start3A_214 = arith.constant 0 : i32
        %dma_start3A_215 = arith.constant 0 : i32
        %dma_start3A_216 = arith.constant 0 : i32
        %dma_start3A_217 = arith.constant 0 : i32
        %dma_start3A_218 = tpu.memref_slice %arg6[%dma_start3A_215, %dma_start3A_216, %dma_start3A_217] : memref<2x128x128xf32, #tpu.memory_space<vmem>> -> memref<1x64x128xf32, #tpu.memory_space<vmem>>
        %dma_start3A_219 = tpu.memref_squeeze %dma_start3A_218 : memref<1x64x128xf32, #tpu.memory_space<vmem>> -> memref<64x128xf32, #tpu.memory_space<vmem>>
        %dma_start3A_220 = arith.constant 0 : i32
        %dma_start3A_221 = tpu.memref_slice %arg5[%dma_start3A_213, %dma_start3A_214, %dma_start3A_220] : memref<2x2x128xi32, #tpu.memory_space<vmem>> -> memref<1x1x64xi32, #tpu.memory_space<vmem>>
        %dma_start3A_222 = tpu.memref_squeeze %dma_start3A_221 : memref<1x1x64xi32, #tpu.memory_space<vmem>> -> memref<64xi32, #tpu.memory_space<vmem>>
        %dma_start3A_223 = arith.constant 0 : i32
        %dma_start3A_224 = arith.constant 0 : i32
        %dma_start3A_225 = tpu.memref_slice %arg2[%dma_start3A_223, %dma_start3A_224] : memref<10000x128xf32, #tpu.memory_space<hbm>> -> memref<10000x128xf32, #tpu.memory_space<hbm>>
        tpu.enqueue_indirect_dma source(%dma_start3A_225 : memref<10000x128xf32, #tpu.memory_space<hbm>>) target(%dma_start3A_219 : memref<64x128xf32, #tpu.memory_space<vmem>>) offsets(%dma_start3A_222 : memref<64xi32, #tpu.memory_space<vmem>>) semaphore(%arg8 : memref<!tpu.dma_semaphore, #tpu.memory_space<semaphore_mem>>)
        %dma_start3A_226 = arith.constant 0 : i32
        %dma_start3A_227 = arith.constant 0 : i32
        %dma_start3A_228 = arith.constant 0 : i32
        %dma_start3A_229 = arith.constant 64 : i32
        %dma_start3A_230 = arith.constant 0 : i32
        %dma_start3A_231 = tpu.memref_slice %arg6[%dma_start3A_228, %dma_start3A_229, %dma_start3A_230] : memref<2x128x128xf32, #tpu.memory_space<vmem>> -> memref<1x64x128xf32, #tpu.memory_space<vmem>>
        %dma_start3A_232 = tpu.memref_squeeze %dma_start3A_231 : memref<1x64x128xf32, #tpu.memory_space<vmem>> -> memref<64x128xf32, #tpu.memory_space<vmem>>
        %dma_start3A_233 = arith.constant 64 : i32
        %dma_start3A_234 = tpu.memref_slice %arg5[%dma_start3A_226, %dma_start3A_227, %dma_start3A_233] : memref<2x2x128xi32, #tpu.memory_space<vmem>> -> memref<1x1x64xi32, #tpu.memory_space<vmem>>
        %dma_start3A_235 = tpu.memref_squeeze %dma_start3A_234 : memref<1x1x64xi32, #tpu.memory_space<vmem>> -> memref<64xi32, #tpu.memory_space<vmem>>
        %dma_start3A_236 = arith.constant 0 : i32
        %dma_start3A_237 = arith.constant 0 : i32
        %dma_start3A_238 = tpu.memref_slice %arg2[%dma_start3A_236, %dma_start3A_237] : memref<10000x128xf32, #tpu.memory_space<hbm>> -> memref<10000x128xf32, #tpu.memory_space<hbm>>
        tpu.enqueue_indirect_dma source(%dma_start3A_238 : memref<10000x128xf32, #tpu.memory_space<hbm>>) target(%dma_start3A_232 : memref<64x128xf32, #tpu.memory_space<vmem>>) offsets(%dma_start3A_235 : memref<64xi32, #tpu.memory_space<vmem>>) semaphore(%arg10 : memref<!tpu.dma_semaphore, #tpu.memory_space<semaphore_mem>>)
      } else {
      }
      %run_scoped3A_185 = arith.constant 1 : i32
      %run_scoped3A_186 = arith.constant 1 : i32
      %run_scoped3A_187 = arith.constant 1 : i32
      "tpu.region"() ({
        %run_scoped3A_195 = tpu.sem_alloc : memref<!tpu.dma_semaphore, #tpu.memory_space<semaphore_mem>>
        %dma_start3A_196 = arith.constant 0 : i32
        %dma_start3A_197 = arith.constant 0 : i32
        %dma_start3A_198 = tpu.memref_slice %arg6[%run_scoped3A_185, %dma_start3A_196, %dma_start3A_197] : memref<2x128x128xf32, #tpu.memory_space<vmem>> -> memref<1x128x128xf32, #tpu.memory_space<vmem>>
        %dma_start3A_199 = tpu.memref_squeeze %dma_start3A_198 : memref<1x128x128xf32, #tpu.memory_space<vmem>> -> memref<128x128xf32, #tpu.memory_space<vmem>>
        %dma_start3A_200 = arith.constant 0 : i32
        %dma_start3A_201 = tpu.memref_slice %arg5[%run_scoped3A_186, %run_scoped3A_187, %dma_start3A_200] : memref<2x2x128xi32, #tpu.memory_space<vmem>> -> memref<1x1x128xi32, #tpu.memory_space<vmem>>
        %dma_start3A_202 = tpu.memref_squeeze %dma_start3A_201 : memref<1x1x128xi32, #tpu.memory_space<vmem>> -> memref<128xi32, #tpu.memory_space<vmem>>
        %dma_start3A_203 = arith.constant 0 : i32
        %dma_start3A_204 = arith.constant 0 : i32
        %dma_start3A_205 = tpu.memref_slice %arg7[%dma_start3A_203, %dma_start3A_204] : memref<10112x128xf32, #tpu.memory_space<vmem_shared>> -> memref<10112x128xf32, #tpu.memory_space<vmem_shared>>
        tpu.enqueue_indirect_dma source(%dma_start3A_199 : memref<128x128xf32, #tpu.memory_space<vmem>>) target(%dma_start3A_205 : memref<10112x128xf32, #tpu.memory_space<vmem_shared>>) offsets(%dma_start3A_202 : memref<128xi32, #tpu.memory_space<vmem>>) semaphore(%run_scoped3A_195 : memref<!tpu.dma_semaphore, #tpu.memory_space<semaphore_mem>>) {add = true}
        %dma_wait3A_206 = arith.constant 0 : i32
        %dma_wait3A_207 = arith.constant 0 : i32
        %dma_wait3A_208 = tpu.memref_slice %arg6[%run_scoped3A_185, %dma_wait3A_206, %dma_wait3A_207] : memref<2x128x128xf32, #tpu.memory_space<vmem>> -> memref<1x128x128xf32, #tpu.memory_space<vmem>>
        %dma_wait3A_209 = tpu.memref_squeeze %dma_wait3A_208 : memref<1x128x128xf32, #tpu.memory_space<vmem>> -> memref<128x128xf32, #tpu.memory_space<vmem>>
        %dma_wait3A_210 = arith.constant 0 : i32
        %dma_wait3A_211 = tpu.memref_slice %arg5[%run_scoped3A_186, %run_scoped3A_187, %dma_wait3A_210] : memref<2x2x128xi32, #tpu.memory_space<vmem>> -> memref<1x1x128xi32, #tpu.memory_space<vmem>>
        %dma_wait3A_212 = tpu.memref_squeeze %dma_wait3A_211 : memref<1x1x128xi32, #tpu.memory_space<vmem>> -> memref<128xi32, #tpu.memory_space<vmem>>
        %dma_wait3A_213 = arith.constant 0 : i32
        %dma_wait3A_214 = arith.constant 0 : i32
        %dma_wait3A_215 = tpu.memref_slice %arg7[%dma_wait3A_213, %dma_wait3A_214] : memref<10112x128xf32, #tpu.memory_space<vmem_shared>> -> memref<10112x128xf32, #tpu.memory_space<vmem_shared>>
        tpu.wait_indirect_dma semaphore(%run_scoped3A_195 : memref<!tpu.dma_semaphore, #tpu.memory_space<semaphore_mem>>) src(%dma_wait3A_209 : memref<128x128xf32, #tpu.memory_space<vmem>>) dst(%dma_wait3A_215 : memref<10112x128xf32, #tpu.memory_space<vmem_shared>>)
        tpu.yield
      }) : () -> ()
      %add3A_188 = arith.constant 2 : i32
      %add3A_189 = arith.addi %add3A_151, %add3A_188 : i32
      %lt3A_190 = arith.constant 80 : i32
      %lt3A_191 = arith.cmpi slt, %add3A_189, %lt3A_190 : i32
      %convert_element_type3A_192 = arith.extui %lt3A_191 : i1 to i32
      %cond3A_193 = arith.constant 0 : i32
      %cond3A_194 = arith.cmpi ne, %convert_element_type3A_192, %cond3A_193 : i32
      scf.if %cond3A_194 {
        %add3A_195 = arith.constant 2 : i32
        %add3A_196 = arith.addi %add3A_151, %add3A_195 : i32
        %dma_start3A_197 = arith.constant 1 : i32
        %dma_start3A_198 = arith.constant 0 : i32
        %dma_start3A_199 = arith.constant 0 : i32
        %dma_start3A_200 = tpu.memref_slice %arg5[%dma_start3A_197, %dma_start3A_198, %dma_start3A_199] : memref<2x2x128xi32, #tpu.memory_space<vmem>> -> memref<1x2x128xi32, #tpu.memory_space<vmem>>
        %dma_start3A_201 = tpu.memref_squeeze %dma_start3A_200 : memref<1x2x128xi32, #tpu.memory_space<vmem>> -> memref<2x128xi32, #tpu.memory_space<vmem>>
        %dma_start3A_202 = arith.constant 0 : i32
        %dma_start3A_203 = arith.constant 0 : i32
        %dma_start3A_204 = tpu.memref_slice %arg3[%add3A, %add3A_196, %dma_start3A_202, %dma_start3A_203] : memref<32x80x2x128xi32, #tpu.memory_space<hbm>> -> memref<1x1x2x128xi32, #tpu.memory_space<hbm>>
        %dma_start3A_205 = tpu.memref_squeeze %dma_start3A_204 : memref<1x1x2x128xi32, #tpu.memory_space<hbm>> -> memref<2x128xi32, #tpu.memory_space<hbm>>
        %dma_start3A_206 = arith.constant 0 : i32
        %dma_start3A_207 = arith.constant 0 : i32
        %dma_start3A_208 = tpu.memref_slice %arg5[%dma_start3A_197, %dma_start3A_206, %dma_start3A_207] : memref<2x2x128xi32, #tpu.memory_space<vmem>> -> memref<1x2x128xi32, #tpu.memory_space<vmem>>
        %dma_start3A_209 = tpu.memref_squeeze %dma_start3A_208 : memref<1x2x128xi32, #tpu.memory_space<vmem>> -> memref<2x128xi32, #tpu.memory_space<vmem>>
        %dma_start3A_210 = arith.constant 0 : i32
        %dma_start3A_211 = arith.constant 0 : i32
        %dma_start3A_212 = tpu.memref_slice %arg3[%add3A, %add3A_196, %dma_start3A_210, %dma_start3A_211] : memref<32x80x2x128xi32, #tpu.memory_space<hbm>> -> memref<1x1x2x128xi32, #tpu.memory_space<hbm>>
        %dma_start3A_213 = tpu.memref_squeeze %dma_start3A_212 : memref<1x1x2x128xi32, #tpu.memory_space<hbm>> -> memref<2x128xi32, #tpu.memory_space<hbm>>
        tpu.enqueue_dma source(%dma_start3A_213 : memref<2x128xi32, #tpu.memory_space<hbm>>) target(%dma_start3A_209 : memref<2x128xi32, #tpu.memory_space<vmem>>) target_semaphore(%arg13 : memref<!tpu.dma_semaphore, #tpu.memory_space<semaphore_mem>>)
      } else {
      }
    }
    %scan3A_72 = arith.constant 40 : i32
    %barrier3A_73 = arith.constant 0 : index
    tpu.barrier barrier_id(%barrier3A_73)
    %add3A_74 = arith.constant 0 : i32
    %add3A_75 = arith.addi %mul3A_7, %add3A_74 : i32
    %run_scoped3A_76 = arith.constant 0 : i32
    "tpu.region"() ({
      %run_scoped3A_104 = tpu.sem_alloc : memref<!tpu.dma_semaphore, #tpu.memory_space<semaphore_mem>>
      %dma_start3A_105 = arith.constant 0 : i32
      %dma_start3A_106 = arith.constant 0 : i32
      %dma_start3A_107 = tpu.memref_slice %arg6[%run_scoped3A_76, %dma_start3A_105, %dma_start3A_106] : memref<2x128x128xf32, #tpu.memory_space<vmem>> -> memref<1x128x128xf32, #tpu.memory_space<vmem>>
      %dma_start3A_108 = tpu.memref_squeeze %dma_start3A_107 : memref<1x128x128xf32, #tpu.memory_space<vmem>> -> memref<128x128xf32, #tpu.memory_space<vmem>>
      %dma_start3A_109 = arith.constant 0 : i32
      %dma_start3A_110 = tpu.memref_slice %arg7[%add3A_75, %dma_start3A_109] : memref<10112x128xf32, #tpu.memory_space<vmem_shared>> -> memref<128x128xf32, #tpu.memory_space<vmem_shared>>
      %dma_start3A_111 = arith.constant 0 : i32
      %dma_start3A_112 = arith.constant 0 : i32
      %dma_start3A_113 = tpu.memref_slice %arg6[%run_scoped3A_76, %dma_start3A_111, %dma_start3A_112] : memref<2x128x128xf32, #tpu.memory_space<vmem>> -> memref<1x128x128xf32, #tpu.memory_space<vmem>>
      %dma_start3A_114 = tpu.memref_squeeze %dma_start3A_113 : memref<1x128x128xf32, #tpu.memory_space<vmem>> -> memref<128x128xf32, #tpu.memory_space<vmem>>
      %dma_start3A_115 = arith.constant 0 : i32
      %dma_start3A_116 = tpu.memref_slice %arg7[%add3A_75, %dma_start3A_115] : memref<10112x128xf32, #tpu.memory_space<vmem_shared>> -> memref<128x128xf32, #tpu.memory_space<vmem_shared>>
      tpu.enqueue_dma source(%dma_start3A_116 : memref<128x128xf32, #tpu.memory_space<vmem_shared>>) target(%dma_start3A_114 : memref<128x128xf32, #tpu.memory_space<vmem>>) target_semaphore(%run_scoped3A_104 : memref<!tpu.dma_semaphore, #tpu.memory_space<semaphore_mem>>)
      %dma_wait3A = arith.constant 0 : i32
      %dma_wait3A_117 = arith.constant 0 : i32
      %dma_wait3A_118 = tpu.memref_slice %arg6[%run_scoped3A_76, %dma_wait3A, %dma_wait3A_117] : memref<2x128x128xf32, #tpu.memory_space<vmem>> -> memref<1x128x128xf32, #tpu.memory_space<vmem>>
      %dma_wait3A_119 = tpu.memref_squeeze %dma_wait3A_118 : memref<1x128x128xf32, #tpu.memory_space<vmem>> -> memref<128x128xf32, #tpu.memory_space<vmem>>
      %dma_wait3A_120 = arith.constant 0 : i32
      %dma_wait3A_121 = tpu.memref_slice %arg7[%add3A_75, %dma_wait3A_120] : memref<10112x128xf32, #tpu.memory_space<vmem_shared>> -> memref<128x128xf32, #tpu.memory_space<vmem_shared>>
      %dma_wait3A_122 = arith.constant 0 : i32
      %dma_wait3A_123 = arith.constant 0 : i32
      %dma_wait3A_124 = tpu.memref_slice %arg6[%run_scoped3A_76, %dma_wait3A_122, %dma_wait3A_123] : memref<2x128x128xf32, #tpu.memory_space<vmem>> -> memref<1x128x128xf32, #tpu.memory_space<vmem>>
      %dma_wait3A_125 = tpu.memref_squeeze %dma_wait3A_124 : memref<1x128x128xf32, #tpu.memory_space<vmem>> -> memref<128x128xf32, #tpu.memory_space<vmem>>
      %dma_wait3A_126 = arith.constant 0 : i32
      %dma_wait3A_127 = tpu.memref_slice %arg7[%add3A_75, %dma_wait3A_126] : memref<10112x128xf32, #tpu.memory_space<vmem_shared>> -> memref<128x128xf32, #tpu.memory_space<vmem_shared>>
      tpu.wait_dma2 semaphore(%run_scoped3A_104 : memref<!tpu.dma_semaphore, #tpu.memory_space<semaphore_mem>>) src(%dma_wait3A_127 : memref<128x128xf32, #tpu.memory_space<vmem_shared>>) dst(%dma_wait3A_125 : memref<128x128xf32, #tpu.memory_space<vmem>>)
      tpu.yield
    }) : () -> ()
    %add3A_77 = arith.constant 0 : i32
    %add3A_78 = arith.addi %mul3A_7, %add3A_77 : i32
    %run_scoped3A_79 = arith.constant 0 : i32
    "tpu.region"() ({
      %run_scoped3A_104 = tpu.sem_alloc : memref<!tpu.dma_semaphore, #tpu.memory_space<semaphore_mem>>
      %dma_start3A_105 = arith.constant 0 : i32
      %dma_start3A_106 = arith.constant 0 : i32
      %dma_start3A_107 = tpu.memref_slice %arg6[%run_scoped3A_79, %dma_start3A_105, %dma_start3A_106] : memref<2x128x128xf32, #tpu.memory_space<vmem>> -> memref<1x128x128xf32, #tpu.memory_space<vmem>>
      %dma_start3A_108 = tpu.memref_squeeze %dma_start3A_107 : memref<1x128x128xf32, #tpu.memory_space<vmem>> -> memref<128x128xf32, #tpu.memory_space<vmem>>
      %dma_start3A_109 = arith.constant 0 : i32
      %dma_start3A_110 = tpu.memref_slice %arg4[%arg0, %add3A_78, %dma_start3A_109] : memref<2x10112x128xf32, #tpu.memory_space<hbm>> -> memref<1x128x128xf32, #tpu.memory_space<hbm>>
      %dma_start3A_111 = tpu.memref_squeeze %dma_start3A_110 : memref<1x128x128xf32, #tpu.memory_space<hbm>> -> memref<128x128xf32, #tpu.memory_space<hbm>>
      %dma_start3A_112 = arith.constant 0 : i32
      %dma_start3A_113 = tpu.memref_slice %arg4[%arg0, %add3A_78, %dma_start3A_112] : memref<2x10112x128xf32, #tpu.memory_space<hbm>> -> memref<1x128x128xf32, #tpu.memory_space<hbm>>
      %dma_start3A_114 = tpu.memref_squeeze %dma_start3A_113 : memref<1x128x128xf32, #tpu.memory_space<hbm>> -> memref<128x128xf32, #tpu.memory_space<hbm>>
      %dma_start3A_115 = arith.constant 0 : i32
      %dma_start3A_116 = arith.constant 0 : i32
      %dma_start3A_117 = tpu.memref_slice %arg6[%run_scoped3A_79, %dma_start3A_115, %dma_start3A_116] : memref<2x128x128xf32, #tpu.memory_space<vmem>> -> memref<1x128x128xf32, #tpu.memory_space<vmem>>
      %dma_start3A_118 = tpu.memref_squeeze %dma_start3A_117 : memref<1x128x128xf32, #tpu.memory_space<vmem>> -> memref<128x128xf32, #tpu.memory_space<vmem>>
      tpu.enqueue_dma source(%dma_start3A_118 : memref<128x128xf32, #tpu.memory_space<vmem>>) target(%dma_start3A_114 : memref<128x128xf32, #tpu.memory_space<hbm>>) target_semaphore(%run_scoped3A_104 : memref<!tpu.dma_semaphore, #tpu.memory_space<semaphore_mem>>)
      %dma_wait3A = arith.constant 0 : i32
      %dma_wait3A_119 = arith.constant 0 : i32
      %dma_wait3A_120 = tpu.memref_slice %arg6[%run_scoped3A_79, %dma_wait3A, %dma_wait3A_119] : memref<2x128x128xf32, #tpu.memory_space<vmem>> -> memref<1x128x128xf32, #tpu.memory_space<vmem>>
      %dma_wait3A_121 = tpu.memref_squeeze %dma_wait3A_120 : memref<1x128x128xf32, #tpu.memory_space<vmem>> -> memref<128x128xf32, #tpu.memory_space<vmem>>
      %dma_wait3A_122 = arith.constant 0 : i32
      %dma_wait3A_123 = tpu.memref_slice %arg4[%arg0, %add3A_78, %dma_wait3A_122] : memref<2x10112x128xf32, #tpu.memory_space<hbm>> -> memref<1x128x128xf32, #tpu.memory_space<hbm>>
      %dma_wait3A_124 = tpu.memref_squeeze %dma_wait3A_123 : memref<1x128x128xf32, #tpu.memory_space<hbm>> -> memref<128x128xf32, #tpu.memory_space<hbm>>
      %dma_wait3A_125 = arith.constant 0 : i32
      %dma_wait3A_126 = tpu.memref_slice %arg4[%arg0, %add3A_78, %dma_wait3A_125] : memref<2x10112x128xf32, #tpu.memory_space<hbm>> -> memref<1x128x128xf32, #tpu.memory_space<hbm>>
      %dma_wait3A_127 = tpu.memref_squeeze %dma_wait3A_126 : memref<1x128x128xf32, #tpu.memory_space<hbm>> -> memref<128x128xf32, #tpu.memory_space<hbm>>
      %dma_wait3A_128 = arith.constant 0 : i32
      %dma_wait3A_129 = arith.constant 0 : i32
      %dma_wait3A_130 = tpu.memref_slice %arg6[%run_scoped3A_79, %dma_wait3A_128, %dma_wait3A_129] : memref<2x128x128xf32, #tpu.memory_space<vmem>> -> memref<1x128x128xf32, #tpu.memory_space<vmem>>
      %dma_wait3A_131 = tpu.memref_squeeze %dma_wait3A_130 : memref<1x128x128xf32, #tpu.memory_space<vmem>> -> memref<128x128xf32, #tpu.memory_space<vmem>>
      tpu.wait_dma2 semaphore(%run_scoped3A_104 : memref<!tpu.dma_semaphore, #tpu.memory_space<semaphore_mem>>) src(%dma_wait3A_131 : memref<128x128xf32, #tpu.memory_space<vmem>>) dst(%dma_wait3A_127 : memref<128x128xf32, #tpu.memory_space<hbm>>)
      tpu.yield
    }) : () -> ()
    %add3A_80 = arith.constant 128 : i32
    %add3A_81 = arith.addi %mul3A_7, %add3A_80 : i32
    %run_scoped3A_82 = arith.constant 0 : i32
    "tpu.region"() ({
      %run_scoped3A_104 = tpu.sem_alloc : memref<!tpu.dma_semaphore, #tpu.memory_space<semaphore_mem>>
      %dma_start3A_105 = arith.constant 0 : i32
      %dma_start3A_106 = arith.constant 0 : i32
      %dma_start3A_107 = tpu.memref_slice %arg6[%run_scoped3A_82, %dma_start3A_105, %dma_start3A_106] : memref<2x128x128xf32, #tpu.memory_space<vmem>> -> memref<1x128x128xf32, #tpu.memory_space<vmem>>
      %dma_start3A_108 = tpu.memref_squeeze %dma_start3A_107 : memref<1x128x128xf32, #tpu.memory_space<vmem>> -> memref<128x128xf32, #tpu.memory_space<vmem>>
      %dma_start3A_109 = arith.constant 0 : i32
      %dma_start3A_110 = tpu.memref_slice %arg7[%add3A_81, %dma_start3A_109] : memref<10112x128xf32, #tpu.memory_space<vmem_shared>> -> memref<128x128xf32, #tpu.memory_space<vmem_shared>>
      %dma_start3A_111 = arith.constant 0 : i32
      %dma_start3A_112 = arith.constant 0 : i32
      %dma_start3A_113 = tpu.memref_slice %arg6[%run_scoped3A_82, %dma_start3A_111, %dma_start3A_112] : memref<2x128x128xf32, #tpu.memory_space<vmem>> -> memref<1x128x128xf32, #tpu.memory_space<vmem>>
      %dma_start3A_114 = tpu.memref_squeeze %dma_start3A_113 : memref<1x128x128xf32, #tpu.memory_space<vmem>> -> memref<128x128xf32, #tpu.memory_space<vmem>>
      %dma_start3A_115 = arith.constant 0 : i32
      %dma_start3A_116 = tpu.memref_slice %arg7[%add3A_81, %dma_start3A_115] : memref<10112x128xf32, #tpu.memory_space<vmem_shared>> -> memref<128x128xf32, #tpu.memory_space<vmem_shared>>
      tpu.enqueue_dma source(%dma_start3A_116 : memref<128x128xf32, #tpu.memory_space<vmem_shared>>) target(%dma_start3A_114 : memref<128x128xf32, #tpu.memory_space<vmem>>) target_semaphore(%run_scoped3A_104 : memref<!tpu.dma_semaphore, #tpu.memory_space<semaphore_mem>>)
      %dma_wait3A = arith.constant 0 : i32
      %dma_wait3A_117 = arith.constant 0 : i32
      %dma_wait3A_118 = tpu.memref_slice %arg6[%run_scoped3A_82, %dma_wait3A, %dma_wait3A_117] : memref<2x128x128xf32, #tpu.memory_space<vmem>> -> memref<1x128x128xf32, #tpu.memory_space<vmem>>
      %dma_wait3A_119 = tpu.memref_squeeze %dma_wait3A_118 : memref<1x128x128xf32, #tpu.memory_space<vmem>> -> memref<128x128xf32, #tpu.memory_space<vmem>>
      %dma_wait3A_120 = arith.constant 0 : i32
      %dma_wait3A_121 = tpu.memref_slice %arg7[%add3A_81, %dma_wait3A_120] : memref<10112x128xf32, #tpu.memory_space<vmem_shared>> -> memref<128x128xf32, #tpu.memory_space<vmem_shared>>
      %dma_wait3A_122 = arith.constant 0 : i32
      %dma_wait3A_123 = arith.constant 0 : i32
      %dma_wait3A_124 = tpu.memref_slice %arg6[%run_scoped3A_82, %dma_wait3A_122, %dma_wait3A_123] : memref<2x128x128xf32, #tpu.memory_space<vmem>> -> memref<1x128x128xf32, #tpu.memory_space<vmem>>
      %dma_wait3A_125 = tpu.memref_squeeze %dma_wait3A_124 : memref<1x128x128xf32, #tpu.memory_space<vmem>> -> memref<128x128xf32, #tpu.memory_space<vmem>>
      %dma_wait3A_126 = arith.constant 0 : i32
      %dma_wait3A_127 = tpu.memref_slice %arg7[%add3A_81, %dma_wait3A_126] : memref<10112x128xf32, #tpu.memory_space<vmem_shared>> -> memref<128x128xf32, #tpu.memory_space<vmem_shared>>
      tpu.wait_dma2 semaphore(%run_scoped3A_104 : memref<!tpu.dma_semaphore, #tpu.memory_space<semaphore_mem>>) src(%dma_wait3A_127 : memref<128x128xf32, #tpu.memory_space<vmem_shared>>) dst(%dma_wait3A_125 : memref<128x128xf32, #tpu.memory_space<vmem>>)
      tpu.yield
    }) : () -> ()
    %add3A_83 = arith.constant 128 : i32
    %add3A_84 = arith.addi %mul3A_7, %add3A_83 : i32
    %run_scoped3A_85 = arith.constant 0 : i32
    "tpu.region"() ({
      %run_scoped3A_104 = tpu.sem_alloc : memref<!tpu.dma_semaphore, #tpu.memory_space<semaphore_mem>>
      %dma_start3A_105 = arith.constant 0 : i32
      %dma_start3A_106 = arith.constant 0 : i32
      %dma_start3A_107 = tpu.memref_slice %arg6[%run_scoped3A_85, %dma_start3A_105, %dma_start3A_106] : memref<2x128x128xf32, #tpu.memory_space<vmem>> -> memref<1x128x128xf32, #tpu.memory_space<vmem>>
      %dma_start3A_108 = tpu.memref_squeeze %dma_start3A_107 : memref<1x128x128xf32, #tpu.memory_space<vmem>> -> memref<128x128xf32, #tpu.memory_space<vmem>>
      %dma_start3A_109 = arith.constant 0 : i32
      %dma_start3A_110 = tpu.memref_slice %arg4[%arg0, %add3A_84, %dma_start3A_109] : memref<2x10112x128xf32, #tpu.memory_space<hbm>> -> memref<1x128x128xf32, #tpu.memory_space<hbm>>
      %dma_start3A_111 = tpu.memref_squeeze %dma_start3A_110 : memref<1x128x128xf32, #tpu.memory_space<hbm>> -> memref<128x128xf32, #tpu.memory_space<hbm>>
      %dma_start3A_112 = arith.constant 0 : i32
      %dma_start3A_113 = tpu.memref_slice %arg4[%arg0, %add3A_84, %dma_start3A_112] : memref<2x10112x128xf32, #tpu.memory_space<hbm>> -> memref<1x128x128xf32, #tpu.memory_space<hbm>>
      %dma_start3A_114 = tpu.memref_squeeze %dma_start3A_113 : memref<1x128x128xf32, #tpu.memory_space<hbm>> -> memref<128x128xf32, #tpu.memory_space<hbm>>
      %dma_start3A_115 = arith.constant 0 : i32
      %dma_start3A_116 = arith.constant 0 : i32
      %dma_start3A_117 = tpu.memref_slice %arg6[%run_scoped3A_85, %dma_start3A_115, %dma_start3A_116] : memref<2x128x128xf32, #tpu.memory_space<vmem>> -> memref<1x128x128xf32, #tpu.memory_space<vmem>>
      %dma_start3A_118 = tpu.memref_squeeze %dma_start3A_117 : memref<1x128x128xf32, #tpu.memory_space<vmem>> -> memref<128x128xf32, #tpu.memory_space<vmem>>
      tpu.enqueue_dma source(%dma_start3A_118 : memref<128x128xf32, #tpu.memory_space<vmem>>) target(%dma_start3A_114 : memref<128x128xf32, #tpu.memory_space<hbm>>) target_semaphore(%run_scoped3A_104 : memref<!tpu.dma_semaphore, #tpu.memory_space<semaphore_mem>>)
      %dma_wait3A = arith.constant 0 : i32
      %dma_wait3A_119 = arith.constant 0 : i32
      %dma_wait3A_120 = tpu.memref_slice %arg6[%run_scoped3A_85, %dma_wait3A, %dma_wait3A_119] : memref<2x128x128xf32, #tpu.memory_space<vmem>> -> memref<1x128x128xf32, #tpu.memory_space<vmem>>
      %dma_wait3A_121 = tpu.memref_squeeze %dma_wait3A_120 : memref<1x128x128xf32, #tpu.memory_space<vmem>> -> memref<128x128xf32, #tpu.memory_space<vmem>>
      %dma_wait3A_122 = arith.constant 0 : i32
      %dma_wait3A_123 = tpu.memref_slice %arg4[%arg0, %add3A_84, %dma_wait3A_122] : memref<2x10112x128xf32, #tpu.memory_space<hbm>> -> memref<1x128x128xf32, #tpu.memory_space<hbm>>
      %dma_wait3A_124 = tpu.memref_squeeze %dma_wait3A_123 : memref<1x128x128xf32, #tpu.memory_space<hbm>> -> memref<128x128xf32, #tpu.memory_space<hbm>>
      %dma_wait3A_125 = arith.constant 0 : i32
      %dma_wait3A_126 = tpu.memref_slice %arg4[%arg0, %add3A_84, %dma_wait3A_125] : memref<2x10112x128xf32, #tpu.memory_space<hbm>> -> memref<1x128x128xf32, #tpu.memory_space<hbm>>
      %dma_wait3A_127 = tpu.memref_squeeze %dma_wait3A_126 : memref<1x128x128xf32, #tpu.memory_space<hbm>> -> memref<128x128xf32, #tpu.memory_space<hbm>>
      %dma_wait3A_128 = arith.constant 0 : i32
      %dma_wait3A_129 = arith.constant 0 : i32
      %dma_wait3A_130 = tpu.memref_slice %arg6[%run_scoped3A_85, %dma_wait3A_128, %dma_wait3A_129] : memref<2x128x128xf32, #tpu.memory_space<vmem>> -> memref<1x128x128xf32, #tpu.memory_space<vmem>>
      %dma_wait3A_131 = tpu.memref_squeeze %dma_wait3A_130 : memref<1x128x128xf32, #tpu.memory_space<vmem>> -> memref<128x128xf32, #tpu.memory_space<vmem>>
      tpu.wait_dma2 semaphore(%run_scoped3A_104 : memref<!tpu.dma_semaphore, #tpu.memory_space<semaphore_mem>>) src(%dma_wait3A_131 : memref<128x128xf32, #tpu.memory_space<vmem>>) dst(%dma_wait3A_127 : memref<128x128xf32, #tpu.memory_space<hbm>>)
      tpu.yield
    }) : () -> ()
    %add3A_86 = arith.constant 256 : i32
    %add3A_87 = arith.addi %mul3A_7, %add3A_86 : i32
    %run_scoped3A_88 = arith.constant 0 : i32
    "tpu.region"() ({
      %run_scoped3A_104 = tpu.sem_alloc : memref<!tpu.dma_semaphore, #tpu.memory_space<semaphore_mem>>
      %dma_start3A_105 = arith.constant 0 : i32
      %dma_start3A_106 = arith.constant 0 : i32
      %dma_start3A_107 = tpu.memref_slice %arg6[%run_scoped3A_88, %dma_start3A_105, %dma_start3A_106] : memref<2x128x128xf32, #tpu.memory_space<vmem>> -> memref<1x128x128xf32, #tpu.memory_space<vmem>>
      %dma_start3A_108 = tpu.memref_squeeze %dma_start3A_107 : memref<1x128x128xf32, #tpu.memory_space<vmem>> -> memref<128x128xf32, #tpu.memory_space<vmem>>
      %dma_start3A_109 = arith.constant 0 : i32
      %dma_start3A_110 = tpu.memref_slice %arg7[%add3A_87, %dma_start3A_109] : memref<10112x128xf32, #tpu.memory_space<vmem_shared>> -> memref<128x128xf32, #tpu.memory_space<vmem_shared>>
      %dma_start3A_111 = arith.constant 0 : i32
      %dma_start3A_112 = arith.constant 0 : i32
      %dma_start3A_113 = tpu.memref_slice %arg6[%run_scoped3A_88, %dma_start3A_111, %dma_start3A_112] : memref<2x128x128xf32, #tpu.memory_space<vmem>> -> memref<1x128x128xf32, #tpu.memory_space<vmem>>
      %dma_start3A_114 = tpu.memref_squeeze %dma_start3A_113 : memref<1x128x128xf32, #tpu.memory_space<vmem>> -> memref<128x128xf32, #tpu.memory_space<vmem>>
      %dma_start3A_115 = arith.constant 0 : i32
      %dma_start3A_116 = tpu.memref_slice %arg7[%add3A_87, %dma_start3A_115] : memref<10112x128xf32, #tpu.memory_space<vmem_shared>> -> memref<128x128xf32, #tpu.memory_space<vmem_shared>>
      tpu.enqueue_dma source(%dma_start3A_116 : memref<128x128xf32, #tpu.memory_space<vmem_shared>>) target(%dma_start3A_114 : memref<128x128xf32, #tpu.memory_space<vmem>>) target_semaphore(%run_scoped3A_104 : memref<!tpu.dma_semaphore, #tpu.memory_space<semaphore_mem>>)
      %dma_wait3A = arith.constant 0 : i32
      %dma_wait3A_117 = arith.constant 0 : i32
      %dma_wait3A_118 = tpu.memref_slice %arg6[%run_scoped3A_88, %dma_wait3A, %dma_wait3A_117] : memref<2x128x128xf32, #tpu.memory_space<vmem>> -> memref<1x128x128xf32, #tpu.memory_space<vmem>>
      %dma_wait3A_119 = tpu.memref_squeeze %dma_wait3A_118 : memref<1x128x128xf32, #tpu.memory_space<vmem>> -> memref<128x128xf32, #tpu.memory_space<vmem>>
      %dma_wait3A_120 = arith.constant 0 : i32
      %dma_wait3A_121 = tpu.memref_slice %arg7[%add3A_87, %dma_wait3A_120] : memref<10112x128xf32, #tpu.memory_space<vmem_shared>> -> memref<128x128xf32, #tpu.memory_space<vmem_shared>>
      %dma_wait3A_122 = arith.constant 0 : i32
      %dma_wait3A_123 = arith.constant 0 : i32
      %dma_wait3A_124 = tpu.memref_slice %arg6[%run_scoped3A_88, %dma_wait3A_122, %dma_wait3A_123] : memref<2x128x128xf32, #tpu.memory_space<vmem>> -> memref<1x128x128xf32, #tpu.memory_space<vmem>>
      %dma_wait3A_125 = tpu.memref_squeeze %dma_wait3A_124 : memref<1x128x128xf32, #tpu.memory_space<vmem>> -> memref<128x128xf32, #tpu.memory_space<vmem>>
      %dma_wait3A_126 = arith.constant 0 : i32
      %dma_wait3A_127 = tpu.memref_slice %arg7[%add3A_87, %dma_wait3A_126] : memref<10112x128xf32, #tpu.memory_space<vmem_shared>> -> memref<128x128xf32, #tpu.memory_space<vmem_shared>>
      tpu.wait_dma2 semaphore(%run_scoped3A_104 : memref<!tpu.dma_semaphore, #tpu.memory_space<semaphore_mem>>) src(%dma_wait3A_127 : memref<128x128xf32, #tpu.memory_space<vmem_shared>>) dst(%dma_wait3A_125 : memref<128x128xf32, #tpu.memory_space<vmem>>)
      tpu.yield
    }) : () -> ()
    %add3A_89 = arith.constant 256 : i32
    %add3A_90 = arith.addi %mul3A_7, %add3A_89 : i32
    %run_scoped3A_91 = arith.constant 0 : i32
    "tpu.region"() ({
      %run_scoped3A_104 = tpu.sem_alloc : memref<!tpu.dma_semaphore, #tpu.memory_space<semaphore_mem>>
      %dma_start3A_105 = arith.constant 0 : i32
      %dma_start3A_106 = arith.constant 0 : i32
      %dma_start3A_107 = tpu.memref_slice %arg6[%run_scoped3A_91, %dma_start3A_105, %dma_start3A_106] : memref<2x128x128xf32, #tpu.memory_space<vmem>> -> memref<1x128x128xf32, #tpu.memory_space<vmem>>
      %dma_start3A_108 = tpu.memref_squeeze %dma_start3A_107 : memref<1x128x128xf32, #tpu.memory_space<vmem>> -> memref<128x128xf32, #tpu.memory_space<vmem>>
      %dma_start3A_109 = arith.constant 0 : i32
      %dma_start3A_110 = tpu.memref_slice %arg4[%arg0, %add3A_90, %dma_start3A_109] : memref<2x10112x128xf32, #tpu.memory_space<hbm>> -> memref<1x128x128xf32, #tpu.memory_space<hbm>>
      %dma_start3A_111 = tpu.memref_squeeze %dma_start3A_110 : memref<1x128x128xf32, #tpu.memory_space<hbm>> -> memref<128x128xf32, #tpu.memory_space<hbm>>
      %dma_start3A_112 = arith.constant 0 : i32
      %dma_start3A_113 = tpu.memref_slice %arg4[%arg0, %add3A_90, %dma_start3A_112] : memref<2x10112x128xf32, #tpu.memory_space<hbm>> -> memref<1x128x128xf32, #tpu.memory_space<hbm>>
      %dma_start3A_114 = tpu.memref_squeeze %dma_start3A_113 : memref<1x128x128xf32, #tpu.memory_space<hbm>> -> memref<128x128xf32, #tpu.memory_space<hbm>>
      %dma_start3A_115 = arith.constant 0 : i32
      %dma_start3A_116 = arith.constant 0 : i32
      %dma_start3A_117 = tpu.memref_slice %arg6[%run_scoped3A_91, %dma_start3A_115, %dma_start3A_116] : memref<2x128x128xf32, #tpu.memory_space<vmem>> -> memref<1x128x128xf32, #tpu.memory_space<vmem>>
      %dma_start3A_118 = tpu.memref_squeeze %dma_start3A_117 : memref<1x128x128xf32, #tpu.memory_space<vmem>> -> memref<128x128xf32, #tpu.memory_space<vmem>>
      tpu.enqueue_dma source(%dma_start3A_118 : memref<128x128xf32, #tpu.memory_space<vmem>>) target(%dma_start3A_114 : memref<128x128xf32, #tpu.memory_space<hbm>>) target_semaphore(%run_scoped3A_104 : memref<!tpu.dma_semaphore, #tpu.memory_space<semaphore_mem>>)
      %dma_wait3A = arith.constant 0 : i32
      %dma_wait3A_119 = arith.constant 0 : i32
      %dma_wait3A_120 = tpu.memref_slice %arg6[%run_scoped3A_91, %dma_wait3A, %dma_wait3A_119] : memref<2x128x128xf32, #tpu.memory_space<vmem>> -> memref<1x128x128xf32, #tpu.memory_space<vmem>>
      %dma_wait3A_121 = tpu.memref_squeeze %dma_wait3A_120 : memref<1x128x128xf32, #tpu.memory_space<vmem>> -> memref<128x128xf32, #tpu.memory_space<vmem>>
      %dma_wait3A_122 = arith.constant 0 : i32
      %dma_wait3A_123 = tpu.memref_slice %arg4[%arg0, %add3A_90, %dma_wait3A_122] : memref<2x10112x128xf32, #tpu.memory_space<hbm>> -> memref<1x128x128xf32, #tpu.memory_space<hbm>>
      %dma_wait3A_124 = tpu.memref_squeeze %dma_wait3A_123 : memref<1x128x128xf32, #tpu.memory_space<hbm>> -> memref<128x128xf32, #tpu.memory_space<hbm>>
      %dma_wait3A_125 = arith.constant 0 : i32
      %dma_wait3A_126 = tpu.memref_slice %arg4[%arg0, %add3A_90, %dma_wait3A_125] : memref<2x10112x128xf32, #tpu.memory_space<hbm>> -> memref<1x128x128xf32, #tpu.memory_space<hbm>>
      %dma_wait3A_127 = tpu.memref_squeeze %dma_wait3A_126 : memref<1x128x128xf32, #tpu.memory_space<hbm>> -> memref<128x128xf32, #tpu.memory_space<hbm>>
      %dma_wait3A_128 = arith.constant 0 : i32
      %dma_wait3A_129 = arith.constant 0 : i32
      %dma_wait3A_130 = tpu.memref_slice %arg6[%run_scoped3A_91, %dma_wait3A_128, %dma_wait3A_129] : memref<2x128x128xf32, #tpu.memory_space<vmem>> -> memref<1x128x128xf32, #tpu.memory_space<vmem>>
      %dma_wait3A_131 = tpu.memref_squeeze %dma_wait3A_130 : memref<1x128x128xf32, #tpu.memory_space<vmem>> -> memref<128x128xf32, #tpu.memory_space<vmem>>
      tpu.wait_dma2 semaphore(%run_scoped3A_104 : memref<!tpu.dma_semaphore, #tpu.memory_space<semaphore_mem>>) src(%dma_wait3A_131 : memref<128x128xf32, #tpu.memory_space<vmem>>) dst(%dma_wait3A_127 : memref<128x128xf32, #tpu.memory_space<hbm>>)
      tpu.yield
    }) : () -> ()
    %add3A_92 = arith.constant 384 : i32
    %add3A_93 = arith.addi %mul3A_7, %add3A_92 : i32
    %run_scoped3A_94 = arith.constant 0 : i32
    "tpu.region"() ({
      %run_scoped3A_104 = tpu.sem_alloc : memref<!tpu.dma_semaphore, #tpu.memory_space<semaphore_mem>>
      %dma_start3A_105 = arith.constant 0 : i32
      %dma_start3A_106 = arith.constant 0 : i32
      %dma_start3A_107 = tpu.memref_slice %arg6[%run_scoped3A_94, %dma_start3A_105, %dma_start3A_106] : memref<2x128x128xf32, #tpu.memory_space<vmem>> -> memref<1x128x128xf32, #tpu.memory_space<vmem>>
      %dma_start3A_108 = tpu.memref_squeeze %dma_start3A_107 : memref<1x128x128xf32, #tpu.memory_space<vmem>> -> memref<128x128xf32, #tpu.memory_space<vmem>>
      %dma_start3A_109 = arith.constant 0 : i32
      %dma_start3A_110 = tpu.memref_slice %arg7[%add3A_93, %dma_start3A_109] : memref<10112x128xf32, #tpu.memory_space<vmem_shared>> -> memref<128x128xf32, #tpu.memory_space<vmem_shared>>
      %dma_start3A_111 = arith.constant 0 : i32
      %dma_start3A_112 = arith.constant 0 : i32
      %dma_start3A_113 = tpu.memref_slice %arg6[%run_scoped3A_94, %dma_start3A_111, %dma_start3A_112] : memref<2x128x128xf32, #tpu.memory_space<vmem>> -> memref<1x128x128xf32, #tpu.memory_space<vmem>>
      %dma_start3A_114 = tpu.memref_squeeze %dma_start3A_113 : memref<1x128x128xf32, #tpu.memory_space<vmem>> -> memref<128x128xf32, #tpu.memory_space<vmem>>
      %dma_start3A_115 = arith.constant 0 : i32
      %dma_start3A_116 = tpu.memref_slice %arg7[%add3A_93, %dma_start3A_115] : memref<10112x128xf32, #tpu.memory_space<vmem_shared>> -> memref<128x128xf32, #tpu.memory_space<vmem_shared>>
      tpu.enqueue_dma source(%dma_start3A_116 : memref<128x128xf32, #tpu.memory_space<vmem_shared>>) target(%dma_start3A_114 : memref<128x128xf32, #tpu.memory_space<vmem>>) target_semaphore(%run_scoped3A_104 : memref<!tpu.dma_semaphore, #tpu.memory_space<semaphore_mem>>)
      %dma_wait3A = arith.constant 0 : i32
      %dma_wait3A_117 = arith.constant 0 : i32
      %dma_wait3A_118 = tpu.memref_slice %arg6[%run_scoped3A_94, %dma_wait3A, %dma_wait3A_117] : memref<2x128x128xf32, #tpu.memory_space<vmem>> -> memref<1x128x128xf32, #tpu.memory_space<vmem>>
      %dma_wait3A_119 = tpu.memref_squeeze %dma_wait3A_118 : memref<1x128x128xf32, #tpu.memory_space<vmem>> -> memref<128x128xf32, #tpu.memory_space<vmem>>
      %dma_wait3A_120 = arith.constant 0 : i32
      %dma_wait3A_121 = tpu.memref_slice %arg7[%add3A_93, %dma_wait3A_120] : memref<10112x128xf32, #tpu.memory_space<vmem_shared>> -> memref<128x128xf32, #tpu.memory_space<vmem_shared>>
      %dma_wait3A_122 = arith.constant 0 : i32
      %dma_wait3A_123 = arith.constant 0 : i32
      %dma_wait3A_124 = tpu.memref_slice %arg6[%run_scoped3A_94, %dma_wait3A_122, %dma_wait3A_123] : memref<2x128x128xf32, #tpu.memory_space<vmem>> -> memref<1x128x128xf32, #tpu.memory_space<vmem>>
      %dma_wait3A_125 = tpu.memref_squeeze %dma_wait3A_124 : memref<1x128x128xf32, #tpu.memory_space<vmem>> -> memref<128x128xf32, #tpu.memory_space<vmem>>
      %dma_wait3A_126 = arith.constant 0 : i32
      %dma_wait3A_127 = tpu.memref_slice %arg7[%add3A_93, %dma_wait3A_126] : memref<10112x128xf32, #tpu.memory_space<vmem_shared>> -> memref<128x128xf32, #tpu.memory_space<vmem_shared>>
      tpu.wait_dma2 semaphore(%run_scoped3A_104 : memref<!tpu.dma_semaphore, #tpu.memory_space<semaphore_mem>>) src(%dma_wait3A_127 : memref<128x128xf32, #tpu.memory_space<vmem_shared>>) dst(%dma_wait3A_125 : memref<128x128xf32, #tpu.memory_space<vmem>>)
      tpu.yield
    }) : () -> ()
    %add3A_95 = arith.constant 384 : i32
    %add3A_96 = arith.addi %mul3A_7, %add3A_95 : i32
    %run_scoped3A_97 = arith.constant 0 : i32
    "tpu.region"() ({
      %run_scoped3A_104 = tpu.sem_alloc : memref<!tpu.dma_semaphore, #tpu.memory_space<semaphore_mem>>
      %dma_start3A_105 = arith.constant 0 : i32
      %dma_start3A_106 = arith.constant 0 : i32
      %dma_start3A_107 = tpu.memref_slice %arg6[%run_scoped3A_97, %dma_start3A_105, %dma_start3A_106] : memref<2x128x128xf32, #tpu.memory_space<vmem>> -> memref<1x128x128xf32, #tpu.memory_space<vmem>>
      %dma_start3A_108 = tpu.memref_squeeze %dma_start3A_107 : memref<1x128x128xf32, #tpu.memory_space<vmem>> -> memref<128x128xf32, #tpu.memory_space<vmem>>
      %dma_start3A_109 = arith.constant 0 : i32
      %dma_start3A_110 = tpu.memref_slice %arg4[%arg0, %add3A_96, %dma_start3A_109] : memref<2x10112x128xf32, #tpu.memory_space<hbm>> -> memref<1x128x128xf32, #tpu.memory_space<hbm>>
      %dma_start3A_111 = tpu.memref_squeeze %dma_start3A_110 : memref<1x128x128xf32, #tpu.memory_space<hbm>> -> memref<128x128xf32, #tpu.memory_space<hbm>>
      %dma_start3A_112 = arith.constant 0 : i32
      %dma_start3A_113 = tpu.memref_slice %arg4[%arg0, %add3A_96, %dma_start3A_112] : memref<2x10112x128xf32, #tpu.memory_space<hbm>> -> memref<1x128x128xf32, #tpu.memory_space<hbm>>
      %dma_start3A_114 = tpu.memref_squeeze %dma_start3A_113 : memref<1x128x128xf32, #tpu.memory_space<hbm>> -> memref<128x128xf32, #tpu.memory_space<hbm>>
      %dma_start3A_115 = arith.constant 0 : i32
      %dma_start3A_116 = arith.constant 0 : i32
      %dma_start3A_117 = tpu.memref_slice %arg6[%run_scoped3A_97, %dma_start3A_115, %dma_start3A_116] : memref<2x128x128xf32, #tpu.memory_space<vmem>> -> memref<1x128x128xf32, #tpu.memory_space<vmem>>
      %dma_start3A_118 = tpu.memref_squeeze %dma_start3A_117 : memref<1x128x128xf32, #tpu.memory_space<vmem>> -> memref<128x128xf32, #tpu.memory_space<vmem>>
      tpu.enqueue_dma source(%dma_start3A_118 : memref<128x128xf32, #tpu.memory_space<vmem>>) target(%dma_start3A_114 : memref<128x128xf32, #tpu.memory_space<hbm>>) target_semaphore(%run_scoped3A_104 : memref<!tpu.dma_semaphore, #tpu.memory_space<semaphore_mem>>)
      %dma_wait3A = arith.constant 0 : i32
      %dma_wait3A_119 = arith.constant 0 : i32
      %dma_wait3A_120 = tpu.memref_slice %arg6[%run_scoped3A_97, %dma_wait3A, %dma_wait3A_119] : memref<2x128x128xf32, #tpu.memory_space<vmem>> -> memref<1x128x128xf32, #tpu.memory_space<vmem>>
      %dma_wait3A_121 = tpu.memref_squeeze %dma_wait3A_120 : memref<1x128x128xf32, #tpu.memory_space<vmem>> -> memref<128x128xf32, #tpu.memory_space<vmem>>
      %dma_wait3A_122 = arith.constant 0 : i32
      %dma_wait3A_123 = tpu.memref_slice %arg4[%arg0, %add3A_96, %dma_wait3A_122] : memref<2x10112x128xf32, #tpu.memory_space<hbm>> -> memref<1x128x128xf32, #tpu.memory_space<hbm>>
      %dma_wait3A_124 = tpu.memref_squeeze %dma_wait3A_123 : memref<1x128x128xf32, #tpu.memory_space<hbm>> -> memref<128x128xf32, #tpu.memory_space<hbm>>
      %dma_wait3A_125 = arith.constant 0 : i32
      %dma_wait3A_126 = tpu.memref_slice %arg4[%arg0, %add3A_96, %dma_wait3A_125] : memref<2x10112x128xf32, #tpu.memory_space<hbm>> -> memref<1x128x128xf32, #tpu.memory_space<hbm>>
      %dma_wait3A_127 = tpu.memref_squeeze %dma_wait3A_126 : memref<1x128x128xf32, #tpu.memory_space<hbm>> -> memref<128x128xf32, #tpu.memory_space<hbm>>
      %dma_wait3A_128 = arith.constant 0 : i32
      %dma_wait3A_129 = arith.constant 0 : i32
      %dma_wait3A_130 = tpu.memref_slice %arg6[%run_scoped3A_97, %dma_wait3A_128, %dma_wait3A_129] : memref<2x128x128xf32, #tpu.memory_space<vmem>> -> memref<1x128x128xf32, #tpu.memory_space<vmem>>
      %dma_wait3A_131 = tpu.memref_squeeze %dma_wait3A_130 : memref<1x128x128xf32, #tpu.memory_space<vmem>> -> memref<128x128xf32, #tpu.memory_space<vmem>>
      tpu.wait_dma2 semaphore(%run_scoped3A_104 : memref<!tpu.dma_semaphore, #tpu.memory_space<semaphore_mem>>) src(%dma_wait3A_131 : memref<128x128xf32, #tpu.memory_space<vmem>>) dst(%dma_wait3A_127 : memref<128x128xf32, #tpu.memory_space<hbm>>)
      tpu.yield
    }) : () -> ()
    %add3A_98 = arith.constant 512 : i32
    %add3A_99 = arith.addi %mul3A_7, %add3A_98 : i32
    %run_scoped3A_100 = arith.constant 0 : i32
    "tpu.region"() ({
      %run_scoped3A_104 = tpu.sem_alloc : memref<!tpu.dma_semaphore, #tpu.memory_space<semaphore_mem>>
      %dma_start3A_105 = arith.constant 0 : i32
      %dma_start3A_106 = arith.constant 0 : i32
      %dma_start3A_107 = tpu.memref_slice %arg6[%run_scoped3A_100, %dma_start3A_105, %dma_start3A_106] : memref<2x128x128xf32, #tpu.memory_space<vmem>> -> memref<1x120x128xf32, #tpu.memory_space<vmem>>
      %dma_start3A_108 = tpu.memref_squeeze %dma_start3A_107 : memref<1x120x128xf32, #tpu.memory_space<vmem>> -> memref<120x128xf32, #tpu.memory_space<vmem>>
      %dma_start3A_109 = arith.constant 0 : i32
      %dma_start3A_110 = tpu.memref_slice %arg7[%add3A_99, %dma_start3A_109] : memref<10112x128xf32, #tpu.memory_space<vmem_shared>> -> memref<120x128xf32, #tpu.memory_space<vmem_shared>>
      %dma_start3A_111 = arith.constant 0 : i32
      %dma_start3A_112 = arith.constant 0 : i32
      %dma_start3A_113 = tpu.memref_slice %arg6[%run_scoped3A_100, %dma_start3A_111, %dma_start3A_112] : memref<2x128x128xf32, #tpu.memory_space<vmem>> -> memref<1x120x128xf32, #tpu.memory_space<vmem>>
      %dma_start3A_114 = tpu.memref_squeeze %dma_start3A_113 : memref<1x120x128xf32, #tpu.memory_space<vmem>> -> memref<120x128xf32, #tpu.memory_space<vmem>>
      %dma_start3A_115 = arith.constant 0 : i32
      %dma_start3A_116 = tpu.memref_slice %arg7[%add3A_99, %dma_start3A_115] : memref<10112x128xf32, #tpu.memory_space<vmem_shared>> -> memref<120x128xf32, #tpu.memory_space<vmem_shared>>
      tpu.enqueue_dma source(%dma_start3A_116 : memref<120x128xf32, #tpu.memory_space<vmem_shared>>) target(%dma_start3A_114 : memref<120x128xf32, #tpu.memory_space<vmem>>) target_semaphore(%run_scoped3A_104 : memref<!tpu.dma_semaphore, #tpu.memory_space<semaphore_mem>>)
      %dma_wait3A = arith.constant 0 : i32
      %dma_wait3A_117 = arith.constant 0 : i32
      %dma_wait3A_118 = tpu.memref_slice %arg6[%run_scoped3A_100, %dma_wait3A, %dma_wait3A_117] : memref<2x128x128xf32, #tpu.memory_space<vmem>> -> memref<1x120x128xf32, #tpu.memory_space<vmem>>
      %dma_wait3A_119 = tpu.memref_squeeze %dma_wait3A_118 : memref<1x120x128xf32, #tpu.memory_space<vmem>> -> memref<120x128xf32, #tpu.memory_space<vmem>>
      %dma_wait3A_120 = arith.constant 0 : i32
      %dma_wait3A_121 = tpu.memref_slice %arg7[%add3A_99, %dma_wait3A_120] : memref<10112x128xf32, #tpu.memory_space<vmem_shared>> -> memref<120x128xf32, #tpu.memory_space<vmem_shared>>
      %dma_wait3A_122 = arith.constant 0 : i32
      %dma_wait3A_123 = arith.constant 0 : i32
      %dma_wait3A_124 = tpu.memref_slice %arg6[%run_scoped3A_100, %dma_wait3A_122, %dma_wait3A_123] : memref<2x128x128xf32, #tpu.memory_space<vmem>> -> memref<1x120x128xf32, #tpu.memory_space<vmem>>
      %dma_wait3A_125 = tpu.memref_squeeze %dma_wait3A_124 : memref<1x120x128xf32, #tpu.memory_space<vmem>> -> memref<120x128xf32, #tpu.memory_space<vmem>>
      %dma_wait3A_126 = arith.constant 0 : i32
      %dma_wait3A_127 = tpu.memref_slice %arg7[%add3A_99, %dma_wait3A_126] : memref<10112x128xf32, #tpu.memory_space<vmem_shared>> -> memref<120x128xf32, #tpu.memory_space<vmem_shared>>
      tpu.wait_dma2 semaphore(%run_scoped3A_104 : memref<!tpu.dma_semaphore, #tpu.memory_space<semaphore_mem>>) src(%dma_wait3A_127 : memref<120x128xf32, #tpu.memory_space<vmem_shared>>) dst(%dma_wait3A_125 : memref<120x128xf32, #tpu.memory_space<vmem>>)
      tpu.yield
    }) : () -> ()
    %add3A_101 = arith.constant 512 : i32
    %add3A_102 = arith.addi %mul3A_7, %add3A_101 : i32
    %run_scoped3A_103 = arith.constant 0 : i32
    "tpu.region"() ({
      %run_scoped3A_104 = tpu.sem_alloc : memref<!tpu.dma_semaphore, #tpu.memory_space<semaphore_mem>>
      %dma_start3A_105 = arith.constant 0 : i32
      %dma_start3A_106 = arith.constant 0 : i32
      %dma_start3A_107 = tpu.memref_slice %arg6[%run_scoped3A_103, %dma_start3A_105, %dma_start3A_106] : memref<2x128x128xf32, #tpu.memory_space<vmem>> -> memref<1x120x128xf32, #tpu.memory_space<vmem>>
      %dma_start3A_108 = tpu.memref_squeeze %dma_start3A_107 : memref<1x120x128xf32, #tpu.memory_space<vmem>> -> memref<120x128xf32, #tpu.memory_space<vmem>>
      %dma_start3A_109 = arith.constant 0 : i32
      %dma_start3A_110 = tpu.memref_slice %arg4[%arg0, %add3A_102, %dma_start3A_109] : memref<2x10112x128xf32, #tpu.memory_space<hbm>> -> memref<1x120x128xf32, #tpu.memory_space<hbm>>
      %dma_start3A_111 = tpu.memref_squeeze %dma_start3A_110 : memref<1x120x128xf32, #tpu.memory_space<hbm>> -> memref<120x128xf32, #tpu.memory_space<hbm>>
      %dma_start3A_112 = arith.constant 0 : i32
      %dma_start3A_113 = tpu.memref_slice %arg4[%arg0, %add3A_102, %dma_start3A_112] : memref<2x10112x128xf32, #tpu.memory_space<hbm>> -> memref<1x120x128xf32, #tpu.memory_space<hbm>>
      %dma_start3A_114 = tpu.memref_squeeze %dma_start3A_113 : memref<1x120x128xf32, #tpu.memory_space<hbm>> -> memref<120x128xf32, #tpu.memory_space<hbm>>
      %dma_start3A_115 = arith.constant 0 : i32
      %dma_start3A_116 = arith.constant 0 : i32
      %dma_start3A_117 = tpu.memref_slice %arg6[%run_scoped3A_103, %dma_start3A_115, %dma_start3A_116] : memref<2x128x128xf32, #tpu.memory_space<vmem>> -> memref<1x120x128xf32, #tpu.memory_space<vmem>>
      %dma_start3A_118 = tpu.memref_squeeze %dma_start3A_117 : memref<1x120x128xf32, #tpu.memory_space<vmem>> -> memref<120x128xf32, #tpu.memory_space<vmem>>
      tpu.enqueue_dma source(%dma_start3A_118 : memref<120x128xf32, #tpu.memory_space<vmem>>) target(%dma_start3A_114 : memref<120x128xf32, #tpu.memory_space<hbm>>) target_semaphore(%run_scoped3A_104 : memref<!tpu.dma_semaphore, #tpu.memory_space<semaphore_mem>>)
      %dma_wait3A = arith.constant 0 : i32
      %dma_wait3A_119 = arith.constant 0 : i32
      %dma_wait3A_120 = tpu.memref_slice %arg6[%run_scoped3A_103, %dma_wait3A, %dma_wait3A_119] : memref<2x128x128xf32, #tpu.memory_space<vmem>> -> memref<1x120x128xf32, #tpu.memory_space<vmem>>
      %dma_wait3A_121 = tpu.memref_squeeze %dma_wait3A_120 : memref<1x120x128xf32, #tpu.memory_space<vmem>> -> memref<120x128xf32, #tpu.memory_space<vmem>>
      %dma_wait3A_122 = arith.constant 0 : i32
      %dma_wait3A_123 = tpu.memref_slice %arg4[%arg0, %add3A_102, %dma_wait3A_122] : memref<2x10112x128xf32, #tpu.memory_space<hbm>> -> memref<1x120x128xf32, #tpu.memory_space<hbm>>
      %dma_wait3A_124 = tpu.memref_squeeze %dma_wait3A_123 : memref<1x120x128xf32, #tpu.memory_space<hbm>> -> memref<120x128xf32, #tpu.memory_space<hbm>>
      %dma_wait3A_125 = arith.constant 0 : i32
      %dma_wait3A_126 = tpu.memref_slice %arg4[%arg0, %add3A_102, %dma_wait3A_125] : memref<2x10112x128xf32, #tpu.memory_space<hbm>> -> memref<1x120x128xf32, #tpu.memory_space<hbm>>
      %dma_wait3A_127 = tpu.memref_squeeze %dma_wait3A_126 : memref<1x120x128xf32, #tpu.memory_space<hbm>> -> memref<120x128xf32, #tpu.memory_space<hbm>>
      %dma_wait3A_128 = arith.constant 0 : i32
      %dma_wait3A_129 = arith.constant 0 : i32
      %dma_wait3A_130 = tpu.memref_slice %arg6[%run_scoped3A_103, %dma_wait3A_128, %dma_wait3A_129] : memref<2x128x128xf32, #tpu.memory_space<vmem>> -> memref<1x120x128xf32, #tpu.memory_space<vmem>>
      %dma_wait3A_131 = tpu.memref_squeeze %dma_wait3A_130 : memref<1x120x128xf32, #tpu.memory_space<vmem>> -> memref<120x128xf32, #tpu.memory_space<vmem>>
      tpu.wait_dma2 semaphore(%run_scoped3A_104 : memref<!tpu.dma_semaphore, #tpu.memory_space<semaphore_mem>>) src(%dma_wait3A_131 : memref<120x128xf32, #tpu.memory_space<vmem>>) dst(%dma_wait3A_127 : memref<120x128xf32, #tpu.memory_space<hbm>>)
      tpu.yield
    }) : () -> ()
    return
  }
}

module attributes {stable_mosaic.version = 14 : i64} {
  func.func @_tc0_body(%arg0: i32, %arg1: memref<2000x128xf32, #tpu.memory_space<vmem>>, %arg2: memref<128x128xf32, #tpu.memory_space<vmem>>, %arg3: memref<1x128xf32, #tpu.memory_space<vmem>>, %arg4: memref<128x128xf32, #tpu.memory_space<vmem>>, %arg5: memref<1x128xf32, #tpu.memory_space<vmem>>, %arg6: memref<2000x128xf32, #tpu.memory_space<vmem>>) attributes {dimension_semantics = [#tpu.dimension_semantics<arbitrary>], iteration_bounds = array<i64: 5>, scalar_prefetch = 0 : i64, scratch_operands = 0 : i64, tpu.core_type = #tpu.core_type<tc>, window_params = [{transform_indices = @transform_0, window_bounds = array<i64: 2000, 128>}, {pipeline_mode = #tpu.pipeline_mode<synchronous>, transform_indices = @transform_1, window_bounds = array<i64: 128, 128>}, {pipeline_mode = #tpu.pipeline_mode<synchronous>, transform_indices = @transform_2, window_bounds = array<i64: 1, 128>}, {pipeline_mode = #tpu.pipeline_mode<synchronous>, transform_indices = @transform_3, window_bounds = array<i64: 128, 128>}, {pipeline_mode = #tpu.pipeline_mode<synchronous>, transform_indices = @transform_4, window_bounds = array<i64: 1, 128>}, {transform_indices = @transform_5, window_bounds = array<i64: 2000, 128>}]} {
    %get3A = arith.constant 0 : index
    %get3A_0 = arith.constant 0 : index
    %get3A_1 = vector.load %arg1[%get3A, %get3A_0] : memref<2000x128xf32, #tpu.memory_space<vmem>>, vector<2000x128xf32>
    %get3A_2 = arith.constant 0 : index
    %get3A_3 = arith.constant 0 : index
    %get3A_4 = vector.load %arg2[%get3A_2, %get3A_3] : memref<128x128xf32, #tpu.memory_space<vmem>>, vector<128x128xf32>
    %dot_general3A = arith.constant dense<0.000000e+00> : vector<2000x128xf32>
    %dot_general3A_5 = tpu.matmul %get3A_1, %get3A_4, %dot_general3A {dimension_numbers = #tpu.dot_dimension_numbers<[1], [0], [0], [1], [0, 0, 1, 1], [], []>, transpose_lhs_hint = false} : vector<2000x128xf32>, vector<128x128xf32>, vector<2000x128xf32> -> vector<2000x128xf32>
    %get3A_6 = arith.constant 0 : index
    %get3A_7 = arith.constant 0 : index
    %get3A_8 = vector.load %arg3[%get3A_6, %get3A_7] : memref<1x128xf32, #tpu.memory_space<vmem>>, vector<1x128xf32>
    %add3A = vector.broadcast %get3A_8 : vector<1x128xf32> to vector<2000x128xf32>
    %add3A_9 = arith.addf %dot_general3A_5, %add3A : vector<2000x128xf32>
    %max3A = arith.constant 0.000000e+00 : f32
    %max3A_10 = vector.broadcast %max3A : f32 to vector<2000x128xf32>
    %max3A_11 = arith.maximumf %add3A_9, %max3A_10 : vector<2000x128xf32>
    %get3A_12 = arith.constant 0 : index
    %get3A_13 = arith.constant 0 : index
    %get3A_14 = vector.load %arg4[%get3A_12, %get3A_13] : memref<128x128xf32, #tpu.memory_space<vmem>>, vector<128x128xf32>
    %dot_general3A_15 = arith.constant dense<0.000000e+00> : vector<2000x128xf32>
    %dot_general3A_16 = tpu.matmul %max3A_11, %get3A_14, %dot_general3A_15 {dimension_numbers = #tpu.dot_dimension_numbers<[1], [0], [0], [1], [0, 0, 1, 1], [], []>, transpose_lhs_hint = false} : vector<2000x128xf32>, vector<128x128xf32>, vector<2000x128xf32> -> vector<2000x128xf32>
    %get3A_17 = arith.constant 0 : index
    %get3A_18 = arith.constant 0 : index
    %get3A_19 = vector.load %arg5[%get3A_17, %get3A_18] : memref<1x128xf32, #tpu.memory_space<vmem>>, vector<1x128xf32>
    %add3A_20 = vector.broadcast %get3A_19 : vector<1x128xf32> to vector<2000x128xf32>
    %add3A_21 = arith.addf %dot_general3A_16, %add3A_20 : vector<2000x128xf32>
    %bitcast_convert_type3A = tpu.bitcast %add3A_21 : vector<2000x128xf32> -> vector<2000x128xi32>
    %ge3A = arith.constant 0 : i32
    %ge3A_22 = vector.broadcast %ge3A : i32 to vector<2000x128xi32>
    %ge3A_23 = arith.cmpi sge, %bitcast_convert_type3A, %ge3A_22 : vector<2000x128xi32>
    %not3A = arith.constant dense<-1> : vector<2000x128xi32>
    %not3A_24 = arith.xori %bitcast_convert_type3A, %not3A : vector<2000x128xi32>
    %xor3A = arith.constant -2147483648 : i32
    %xor3A_25 = vector.broadcast %xor3A : i32 to vector<2000x128xi32>
    %xor3A_26 = arith.xori %not3A_24, %xor3A_25 : vector<2000x128xi32>
    %select_n3A = arith.select %ge3A_23, %bitcast_convert_type3A, %xor3A_26 : vector<2000x128xi1>, vector<2000x128xi32>
    %broadcast_in_dim3A = arith.constant 1.000000e+00 : f32
    %broadcast_in_dim3A_27 = vector.broadcast %broadcast_in_dim3A : f32 to vector<128x128xf32>
    %broadcast_in_dim3A_28 = arith.constant 0 : i32
    %broadcast_in_dim3A_29 = vector.broadcast %broadcast_in_dim3A_28 : i32 to vector<2000x128xi32>
    %or3A = arith.constant -2147483648 : i32
    %or3A_30 = vector.broadcast %or3A : i32 to vector<2000x128xi32>
    %or3A_31 = arith.ori %broadcast_in_dim3A_29, %or3A_30 : vector<2000x128xi32>
    %xor3A_32 = arith.constant -2147483648 : i32
    %xor3A_33 = vector.broadcast %xor3A_32 : i32 to vector<2000x128xi32>
    %xor3A_34 = arith.xori %or3A_31, %xor3A_33 : vector<2000x128xi32>
    %ge3A_35 = arith.cmpi sge, %select_n3A, %xor3A_34 : vector<2000x128xi32>
    %jit3A = arith.constant 1.000000e+00 : f32
    %jit3A_36 = arith.constant 0.000000e+00 : f32
    %broadcast_in_dim3A_37 = vector.broadcast %jit3A : f32 to vector<2000x128xf32>
    %broadcast_in_dim3A_38 = vector.broadcast %jit3A_36 : f32 to vector<2000x128xf32>
    %select_n3A_39 = arith.select %ge3A_35, %broadcast_in_dim3A_37, %broadcast_in_dim3A_38 : vector<2000x128xi1>, vector<2000x128xf32>
    %dot_general3A_40 = arith.constant dense<0.000000e+00> : vector<2000x128xf32>
    %dot_general3A_41 = tpu.matmul %select_n3A_39, %broadcast_in_dim3A_27, %dot_general3A_40 {dimension_numbers = #tpu.dot_dimension_numbers<[1], [0], [0], [1], [0, 0, 1, 1], [], []>, transpose_lhs_hint = false} : vector<2000x128xf32>, vector<128x128xf32>, vector<2000x128xf32> -> vector<2000x128xf32>
    %ge3A_42 = arith.constant 3.200000e+01 : f32
    %ge3A_43 = vector.broadcast %ge3A_42 : f32 to vector<2000x128xf32>
    %ge3A_44 = arith.cmpf oge, %dot_general3A_41, %ge3A_43 : vector<2000x128xf32>
    %select_n3A_45 = arith.select %ge3A_44, %or3A_31, %broadcast_in_dim3A_29 : vector<2000x128xi1>, vector<2000x128xi32>
    %or3A_46 = arith.constant 1073741824 : i32
    %or3A_47 = vector.broadcast %or3A_46 : i32 to vector<2000x128xi32>
    %or3A_48 = arith.ori %select_n3A_45, %or3A_47 : vector<2000x128xi32>
    %xor3A_49 = arith.constant -2147483648 : i32
    %xor3A_50 = vector.broadcast %xor3A_49 : i32 to vector<2000x128xi32>
    %xor3A_51 = arith.xori %or3A_48, %xor3A_50 : vector<2000x128xi32>
    %ge3A_52 = arith.cmpi sge, %select_n3A, %xor3A_51 : vector<2000x128xi32>
    %jit3A_53 = arith.constant 1.000000e+00 : f32
    %jit3A_54 = arith.constant 0.000000e+00 : f32
    %broadcast_in_dim3A_55 = vector.broadcast %jit3A_53 : f32 to vector<2000x128xf32>
    %broadcast_in_dim3A_56 = vector.broadcast %jit3A_54 : f32 to vector<2000x128xf32>
    %select_n3A_57 = arith.select %ge3A_52, %broadcast_in_dim3A_55, %broadcast_in_dim3A_56 : vector<2000x128xi1>, vector<2000x128xf32>
    %dot_general3A_58 = arith.constant dense<0.000000e+00> : vector<2000x128xf32>
    %dot_general3A_59 = tpu.matmul %select_n3A_57, %broadcast_in_dim3A_27, %dot_general3A_58 {dimension_numbers = #tpu.dot_dimension_numbers<[1], [0], [0], [1], [0, 0, 1, 1], [], []>, transpose_lhs_hint = false} : vector<2000x128xf32>, vector<128x128xf32>, vector<2000x128xf32> -> vector<2000x128xf32>
    %ge3A_60 = arith.constant 3.200000e+01 : f32
    %ge3A_61 = vector.broadcast %ge3A_60 : f32 to vector<2000x128xf32>
    %ge3A_62 = arith.cmpf oge, %dot_general3A_59, %ge3A_61 : vector<2000x128xf32>
    %select_n3A_63 = arith.select %ge3A_62, %or3A_48, %select_n3A_45 : vector<2000x128xi1>, vector<2000x128xi32>
    %or3A_64 = arith.constant 536870912 : i32
    %or3A_65 = vector.broadcast %or3A_64 : i32 to vector<2000x128xi32>
    %or3A_66 = arith.ori %select_n3A_63, %or3A_65 : vector<2000x128xi32>
    %xor3A_67 = arith.constant -2147483648 : i32
    %xor3A_68 = vector.broadcast %xor3A_67 : i32 to vector<2000x128xi32>
    %xor3A_69 = arith.xori %or3A_66, %xor3A_68 : vector<2000x128xi32>
    %ge3A_70 = arith.cmpi sge, %select_n3A, %xor3A_69 : vector<2000x128xi32>
    %jit3A_71 = arith.constant 1.000000e+00 : f32
    %jit3A_72 = arith.constant 0.000000e+00 : f32
    %broadcast_in_dim3A_73 = vector.broadcast %jit3A_71 : f32 to vector<2000x128xf32>
    %broadcast_in_dim3A_74 = vector.broadcast %jit3A_72 : f32 to vector<2000x128xf32>
    %select_n3A_75 = arith.select %ge3A_70, %broadcast_in_dim3A_73, %broadcast_in_dim3A_74 : vector<2000x128xi1>, vector<2000x128xf32>
    %dot_general3A_76 = arith.constant dense<0.000000e+00> : vector<2000x128xf32>
    %dot_general3A_77 = tpu.matmul %select_n3A_75, %broadcast_in_dim3A_27, %dot_general3A_76 {dimension_numbers = #tpu.dot_dimension_numbers<[1], [0], [0], [1], [0, 0, 1, 1], [], []>, transpose_lhs_hint = false} : vector<2000x128xf32>, vector<128x128xf32>, vector<2000x128xf32> -> vector<2000x128xf32>
    %ge3A_78 = arith.constant 3.200000e+01 : f32
    %ge3A_79 = vector.broadcast %ge3A_78 : f32 to vector<2000x128xf32>
    %ge3A_80 = arith.cmpf oge, %dot_general3A_77, %ge3A_79 : vector<2000x128xf32>
    %select_n3A_81 = arith.select %ge3A_80, %or3A_66, %select_n3A_63 : vector<2000x128xi1>, vector<2000x128xi32>
    %or3A_82 = arith.constant 268435456 : i32
    %or3A_83 = vector.broadcast %or3A_82 : i32 to vector<2000x128xi32>
    %or3A_84 = arith.ori %select_n3A_81, %or3A_83 : vector<2000x128xi32>
    %xor3A_85 = arith.constant -2147483648 : i32
    %xor3A_86 = vector.broadcast %xor3A_85 : i32 to vector<2000x128xi32>
    %xor3A_87 = arith.xori %or3A_84, %xor3A_86 : vector<2000x128xi32>
    %ge3A_88 = arith.cmpi sge, %select_n3A, %xor3A_87 : vector<2000x128xi32>
    %jit3A_89 = arith.constant 1.000000e+00 : f32
    %jit3A_90 = arith.constant 0.000000e+00 : f32
    %broadcast_in_dim3A_91 = vector.broadcast %jit3A_89 : f32 to vector<2000x128xf32>
    %broadcast_in_dim3A_92 = vector.broadcast %jit3A_90 : f32 to vector<2000x128xf32>
    %select_n3A_93 = arith.select %ge3A_88, %broadcast_in_dim3A_91, %broadcast_in_dim3A_92 : vector<2000x128xi1>, vector<2000x128xf32>
    %dot_general3A_94 = arith.constant dense<0.000000e+00> : vector<2000x128xf32>
    %dot_general3A_95 = tpu.matmul %select_n3A_93, %broadcast_in_dim3A_27, %dot_general3A_94 {dimension_numbers = #tpu.dot_dimension_numbers<[1], [0], [0], [1], [0, 0, 1, 1], [], []>, transpose_lhs_hint = false} : vector<2000x128xf32>, vector<128x128xf32>, vector<2000x128xf32> -> vector<2000x128xf32>
    %ge3A_96 = arith.constant 3.200000e+01 : f32
    %ge3A_97 = vector.broadcast %ge3A_96 : f32 to vector<2000x128xf32>
    %ge3A_98 = arith.cmpf oge, %dot_general3A_95, %ge3A_97 : vector<2000x128xf32>
    %select_n3A_99 = arith.select %ge3A_98, %or3A_84, %select_n3A_81 : vector<2000x128xi1>, vector<2000x128xi32>
    %or3A_100 = arith.constant 134217728 : i32
    %or3A_101 = vector.broadcast %or3A_100 : i32 to vector<2000x128xi32>
    %or3A_102 = arith.ori %select_n3A_99, %or3A_101 : vector<2000x128xi32>
    %xor3A_103 = arith.constant -2147483648 : i32
    %xor3A_104 = vector.broadcast %xor3A_103 : i32 to vector<2000x128xi32>
    %xor3A_105 = arith.xori %or3A_102, %xor3A_104 : vector<2000x128xi32>
    %ge3A_106 = arith.cmpi sge, %select_n3A, %xor3A_105 : vector<2000x128xi32>
    %jit3A_107 = arith.constant 1.000000e+00 : f32
    %jit3A_108 = arith.constant 0.000000e+00 : f32
    %broadcast_in_dim3A_109 = vector.broadcast %jit3A_107 : f32 to vector<2000x128xf32>
    %broadcast_in_dim3A_110 = vector.broadcast %jit3A_108 : f32 to vector<2000x128xf32>
    %select_n3A_111 = arith.select %ge3A_106, %broadcast_in_dim3A_109, %broadcast_in_dim3A_110 : vector<2000x128xi1>, vector<2000x128xf32>
    %dot_general3A_112 = arith.constant dense<0.000000e+00> : vector<2000x128xf32>
    %dot_general3A_113 = tpu.matmul %select_n3A_111, %broadcast_in_dim3A_27, %dot_general3A_112 {dimension_numbers = #tpu.dot_dimension_numbers<[1], [0], [0], [1], [0, 0, 1, 1], [], []>, transpose_lhs_hint = false} : vector<2000x128xf32>, vector<128x128xf32>, vector<2000x128xf32> -> vector<2000x128xf32>
    %ge3A_114 = arith.constant 3.200000e+01 : f32
    %ge3A_115 = vector.broadcast %ge3A_114 : f32 to vector<2000x128xf32>
    %ge3A_116 = arith.cmpf oge, %dot_general3A_113, %ge3A_115 : vector<2000x128xf32>
    %select_n3A_117 = arith.select %ge3A_116, %or3A_102, %select_n3A_99 : vector<2000x128xi1>, vector<2000x128xi32>
    %or3A_118 = arith.constant 67108864 : i32
    %or3A_119 = vector.broadcast %or3A_118 : i32 to vector<2000x128xi32>
    %or3A_120 = arith.ori %select_n3A_117, %or3A_119 : vector<2000x128xi32>
    %xor3A_121 = arith.constant -2147483648 : i32
    %xor3A_122 = vector.broadcast %xor3A_121 : i32 to vector<2000x128xi32>
    %xor3A_123 = arith.xori %or3A_120, %xor3A_122 : vector<2000x128xi32>
    %ge3A_124 = arith.cmpi sge, %select_n3A, %xor3A_123 : vector<2000x128xi32>
    %jit3A_125 = arith.constant 1.000000e+00 : f32
    %jit3A_126 = arith.constant 0.000000e+00 : f32
    %broadcast_in_dim3A_127 = vector.broadcast %jit3A_125 : f32 to vector<2000x128xf32>
    %broadcast_in_dim3A_128 = vector.broadcast %jit3A_126 : f32 to vector<2000x128xf32>
    %select_n3A_129 = arith.select %ge3A_124, %broadcast_in_dim3A_127, %broadcast_in_dim3A_128 : vector<2000x128xi1>, vector<2000x128xf32>
    %dot_general3A_130 = arith.constant dense<0.000000e+00> : vector<2000x128xf32>
    %dot_general3A_131 = tpu.matmul %select_n3A_129, %broadcast_in_dim3A_27, %dot_general3A_130 {dimension_numbers = #tpu.dot_dimension_numbers<[1], [0], [0], [1], [0, 0, 1, 1], [], []>, transpose_lhs_hint = false} : vector<2000x128xf32>, vector<128x128xf32>, vector<2000x128xf32> -> vector<2000x128xf32>
    %ge3A_132 = arith.constant 3.200000e+01 : f32
    %ge3A_133 = vector.broadcast %ge3A_132 : f32 to vector<2000x128xf32>
    %ge3A_134 = arith.cmpf oge, %dot_general3A_131, %ge3A_133 : vector<2000x128xf32>
    %select_n3A_135 = arith.select %ge3A_134, %or3A_120, %select_n3A_117 : vector<2000x128xi1>, vector<2000x128xi32>
    %or3A_136 = arith.constant 33554432 : i32
    %or3A_137 = vector.broadcast %or3A_136 : i32 to vector<2000x128xi32>
    %or3A_138 = arith.ori %select_n3A_135, %or3A_137 : vector<2000x128xi32>
    %xor3A_139 = arith.constant -2147483648 : i32
    %xor3A_140 = vector.broadcast %xor3A_139 : i32 to vector<2000x128xi32>
    %xor3A_141 = arith.xori %or3A_138, %xor3A_140 : vector<2000x128xi32>
    %ge3A_142 = arith.cmpi sge, %select_n3A, %xor3A_141 : vector<2000x128xi32>
    %jit3A_143 = arith.constant 1.000000e+00 : f32
    %jit3A_144 = arith.constant 0.000000e+00 : f32
    %broadcast_in_dim3A_145 = vector.broadcast %jit3A_143 : f32 to vector<2000x128xf32>
    %broadcast_in_dim3A_146 = vector.broadcast %jit3A_144 : f32 to vector<2000x128xf32>
    %select_n3A_147 = arith.select %ge3A_142, %broadcast_in_dim3A_145, %broadcast_in_dim3A_146 : vector<2000x128xi1>, vector<2000x128xf32>
    %dot_general3A_148 = arith.constant dense<0.000000e+00> : vector<2000x128xf32>
    %dot_general3A_149 = tpu.matmul %select_n3A_147, %broadcast_in_dim3A_27, %dot_general3A_148 {dimension_numbers = #tpu.dot_dimension_numbers<[1], [0], [0], [1], [0, 0, 1, 1], [], []>, transpose_lhs_hint = false} : vector<2000x128xf32>, vector<128x128xf32>, vector<2000x128xf32> -> vector<2000x128xf32>
    %ge3A_150 = arith.constant 3.200000e+01 : f32
    %ge3A_151 = vector.broadcast %ge3A_150 : f32 to vector<2000x128xf32>
    %ge3A_152 = arith.cmpf oge, %dot_general3A_149, %ge3A_151 : vector<2000x128xf32>
    %select_n3A_153 = arith.select %ge3A_152, %or3A_138, %select_n3A_135 : vector<2000x128xi1>, vector<2000x128xi32>
    %or3A_154 = arith.constant 16777216 : i32
    %or3A_155 = vector.broadcast %or3A_154 : i32 to vector<2000x128xi32>
    %or3A_156 = arith.ori %select_n3A_153, %or3A_155 : vector<2000x128xi32>
    %xor3A_157 = arith.constant -2147483648 : i32
    %xor3A_158 = vector.broadcast %xor3A_157 : i32 to vector<2000x128xi32>
    %xor3A_159 = arith.xori %or3A_156, %xor3A_158 : vector<2000x128xi32>
    %ge3A_160 = arith.cmpi sge, %select_n3A, %xor3A_159 : vector<2000x128xi32>
    %jit3A_161 = arith.constant 1.000000e+00 : f32
    %jit3A_162 = arith.constant 0.000000e+00 : f32
    %broadcast_in_dim3A_163 = vector.broadcast %jit3A_161 : f32 to vector<2000x128xf32>
    %broadcast_in_dim3A_164 = vector.broadcast %jit3A_162 : f32 to vector<2000x128xf32>
    %select_n3A_165 = arith.select %ge3A_160, %broadcast_in_dim3A_163, %broadcast_in_dim3A_164 : vector<2000x128xi1>, vector<2000x128xf32>
    %dot_general3A_166 = arith.constant dense<0.000000e+00> : vector<2000x128xf32>
    %dot_general3A_167 = tpu.matmul %select_n3A_165, %broadcast_in_dim3A_27, %dot_general3A_166 {dimension_numbers = #tpu.dot_dimension_numbers<[1], [0], [0], [1], [0, 0, 1, 1], [], []>, transpose_lhs_hint = false} : vector<2000x128xf32>, vector<128x128xf32>, vector<2000x128xf32> -> vector<2000x128xf32>
    %ge3A_168 = arith.constant 3.200000e+01 : f32
    %ge3A_169 = vector.broadcast %ge3A_168 : f32 to vector<2000x128xf32>
    %ge3A_170 = arith.cmpf oge, %dot_general3A_167, %ge3A_169 : vector<2000x128xf32>
    %select_n3A_171 = arith.select %ge3A_170, %or3A_156, %select_n3A_153 : vector<2000x128xi1>, vector<2000x128xi32>
    %or3A_172 = arith.constant 8388608 : i32
    %or3A_173 = vector.broadcast %or3A_172 : i32 to vector<2000x128xi32>
    %or3A_174 = arith.ori %select_n3A_171, %or3A_173 : vector<2000x128xi32>
    %xor3A_175 = arith.constant -2147483648 : i32
    %xor3A_176 = vector.broadcast %xor3A_175 : i32 to vector<2000x128xi32>
    %xor3A_177 = arith.xori %or3A_174, %xor3A_176 : vector<2000x128xi32>
    %ge3A_178 = arith.cmpi sge, %select_n3A, %xor3A_177 : vector<2000x128xi32>
    %jit3A_179 = arith.constant 1.000000e+00 : f32
    %jit3A_180 = arith.constant 0.000000e+00 : f32
    %broadcast_in_dim3A_181 = vector.broadcast %jit3A_179 : f32 to vector<2000x128xf32>
    %broadcast_in_dim3A_182 = vector.broadcast %jit3A_180 : f32 to vector<2000x128xf32>
    %select_n3A_183 = arith.select %ge3A_178, %broadcast_in_dim3A_181, %broadcast_in_dim3A_182 : vector<2000x128xi1>, vector<2000x128xf32>
    %dot_general3A_184 = arith.constant dense<0.000000e+00> : vector<2000x128xf32>
    %dot_general3A_185 = tpu.matmul %select_n3A_183, %broadcast_in_dim3A_27, %dot_general3A_184 {dimension_numbers = #tpu.dot_dimension_numbers<[1], [0], [0], [1], [0, 0, 1, 1], [], []>, transpose_lhs_hint = false} : vector<2000x128xf32>, vector<128x128xf32>, vector<2000x128xf32> -> vector<2000x128xf32>
    %ge3A_186 = arith.constant 3.200000e+01 : f32
    %ge3A_187 = vector.broadcast %ge3A_186 : f32 to vector<2000x128xf32>
    %ge3A_188 = arith.cmpf oge, %dot_general3A_185, %ge3A_187 : vector<2000x128xf32>
    %select_n3A_189 = arith.select %ge3A_188, %or3A_174, %select_n3A_171 : vector<2000x128xi1>, vector<2000x128xi32>
    %or3A_190 = arith.constant 4194304 : i32
    %or3A_191 = vector.broadcast %or3A_190 : i32 to vector<2000x128xi32>
    %or3A_192 = arith.ori %select_n3A_189, %or3A_191 : vector<2000x128xi32>
    %xor3A_193 = arith.constant -2147483648 : i32
    %xor3A_194 = vector.broadcast %xor3A_193 : i32 to vector<2000x128xi32>
    %xor3A_195 = arith.xori %or3A_192, %xor3A_194 : vector<2000x128xi32>
    %ge3A_196 = arith.cmpi sge, %select_n3A, %xor3A_195 : vector<2000x128xi32>
    %jit3A_197 = arith.constant 1.000000e+00 : f32
    %jit3A_198 = arith.constant 0.000000e+00 : f32
    %broadcast_in_dim3A_199 = vector.broadcast %jit3A_197 : f32 to vector<2000x128xf32>
    %broadcast_in_dim3A_200 = vector.broadcast %jit3A_198 : f32 to vector<2000x128xf32>
    %select_n3A_201 = arith.select %ge3A_196, %broadcast_in_dim3A_199, %broadcast_in_dim3A_200 : vector<2000x128xi1>, vector<2000x128xf32>
    %dot_general3A_202 = arith.constant dense<0.000000e+00> : vector<2000x128xf32>
    %dot_general3A_203 = tpu.matmul %select_n3A_201, %broadcast_in_dim3A_27, %dot_general3A_202 {dimension_numbers = #tpu.dot_dimension_numbers<[1], [0], [0], [1], [0, 0, 1, 1], [], []>, transpose_lhs_hint = false} : vector<2000x128xf32>, vector<128x128xf32>, vector<2000x128xf32> -> vector<2000x128xf32>
    %ge3A_204 = arith.constant 3.200000e+01 : f32
    %ge3A_205 = vector.broadcast %ge3A_204 : f32 to vector<2000x128xf32>
    %ge3A_206 = arith.cmpf oge, %dot_general3A_203, %ge3A_205 : vector<2000x128xf32>
    %select_n3A_207 = arith.select %ge3A_206, %or3A_192, %select_n3A_189 : vector<2000x128xi1>, vector<2000x128xi32>
    %or3A_208 = arith.constant 2097152 : i32
    %or3A_209 = vector.broadcast %or3A_208 : i32 to vector<2000x128xi32>
    %or3A_210 = arith.ori %select_n3A_207, %or3A_209 : vector<2000x128xi32>
    %xor3A_211 = arith.constant -2147483648 : i32
    %xor3A_212 = vector.broadcast %xor3A_211 : i32 to vector<2000x128xi32>
    %xor3A_213 = arith.xori %or3A_210, %xor3A_212 : vector<2000x128xi32>
    %ge3A_214 = arith.cmpi sge, %select_n3A, %xor3A_213 : vector<2000x128xi32>
    %jit3A_215 = arith.constant 1.000000e+00 : f32
    %jit3A_216 = arith.constant 0.000000e+00 : f32
    %broadcast_in_dim3A_217 = vector.broadcast %jit3A_215 : f32 to vector<2000x128xf32>
    %broadcast_in_dim3A_218 = vector.broadcast %jit3A_216 : f32 to vector<2000x128xf32>
    %select_n3A_219 = arith.select %ge3A_214, %broadcast_in_dim3A_217, %broadcast_in_dim3A_218 : vector<2000x128xi1>, vector<2000x128xf32>
    %dot_general3A_220 = arith.constant dense<0.000000e+00> : vector<2000x128xf32>
    %dot_general3A_221 = tpu.matmul %select_n3A_219, %broadcast_in_dim3A_27, %dot_general3A_220 {dimension_numbers = #tpu.dot_dimension_numbers<[1], [0], [0], [1], [0, 0, 1, 1], [], []>, transpose_lhs_hint = false} : vector<2000x128xf32>, vector<128x128xf32>, vector<2000x128xf32> -> vector<2000x128xf32>
    %ge3A_222 = arith.constant 3.200000e+01 : f32
    %ge3A_223 = vector.broadcast %ge3A_222 : f32 to vector<2000x128xf32>
    %ge3A_224 = arith.cmpf oge, %dot_general3A_221, %ge3A_223 : vector<2000x128xf32>
    %select_n3A_225 = arith.select %ge3A_224, %or3A_210, %select_n3A_207 : vector<2000x128xi1>, vector<2000x128xi32>
    %or3A_226 = arith.constant 1048576 : i32
    %or3A_227 = vector.broadcast %or3A_226 : i32 to vector<2000x128xi32>
    %or3A_228 = arith.ori %select_n3A_225, %or3A_227 : vector<2000x128xi32>
    %xor3A_229 = arith.constant -2147483648 : i32
    %xor3A_230 = vector.broadcast %xor3A_229 : i32 to vector<2000x128xi32>
    %xor3A_231 = arith.xori %or3A_228, %xor3A_230 : vector<2000x128xi32>
    %ge3A_232 = arith.cmpi sge, %select_n3A, %xor3A_231 : vector<2000x128xi32>
    %jit3A_233 = arith.constant 1.000000e+00 : f32
    %jit3A_234 = arith.constant 0.000000e+00 : f32
    %broadcast_in_dim3A_235 = vector.broadcast %jit3A_233 : f32 to vector<2000x128xf32>
    %broadcast_in_dim3A_236 = vector.broadcast %jit3A_234 : f32 to vector<2000x128xf32>
    %select_n3A_237 = arith.select %ge3A_232, %broadcast_in_dim3A_235, %broadcast_in_dim3A_236 : vector<2000x128xi1>, vector<2000x128xf32>
    %dot_general3A_238 = arith.constant dense<0.000000e+00> : vector<2000x128xf32>
    %dot_general3A_239 = tpu.matmul %select_n3A_237, %broadcast_in_dim3A_27, %dot_general3A_238 {dimension_numbers = #tpu.dot_dimension_numbers<[1], [0], [0], [1], [0, 0, 1, 1], [], []>, transpose_lhs_hint = false} : vector<2000x128xf32>, vector<128x128xf32>, vector<2000x128xf32> -> vector<2000x128xf32>
    %ge3A_240 = arith.constant 3.200000e+01 : f32
    %ge3A_241 = vector.broadcast %ge3A_240 : f32 to vector<2000x128xf32>
    %ge3A_242 = arith.cmpf oge, %dot_general3A_239, %ge3A_241 : vector<2000x128xf32>
    %select_n3A_243 = arith.select %ge3A_242, %or3A_228, %select_n3A_225 : vector<2000x128xi1>, vector<2000x128xi32>
    %or3A_244 = arith.constant 524288 : i32
    %or3A_245 = vector.broadcast %or3A_244 : i32 to vector<2000x128xi32>
    %or3A_246 = arith.ori %select_n3A_243, %or3A_245 : vector<2000x128xi32>
    %xor3A_247 = arith.constant -2147483648 : i32
    %xor3A_248 = vector.broadcast %xor3A_247 : i32 to vector<2000x128xi32>
    %xor3A_249 = arith.xori %or3A_246, %xor3A_248 : vector<2000x128xi32>
    %ge3A_250 = arith.cmpi sge, %select_n3A, %xor3A_249 : vector<2000x128xi32>
    %jit3A_251 = arith.constant 1.000000e+00 : f32
    %jit3A_252 = arith.constant 0.000000e+00 : f32
    %broadcast_in_dim3A_253 = vector.broadcast %jit3A_251 : f32 to vector<2000x128xf32>
    %broadcast_in_dim3A_254 = vector.broadcast %jit3A_252 : f32 to vector<2000x128xf32>
    %select_n3A_255 = arith.select %ge3A_250, %broadcast_in_dim3A_253, %broadcast_in_dim3A_254 : vector<2000x128xi1>, vector<2000x128xf32>
    %dot_general3A_256 = arith.constant dense<0.000000e+00> : vector<2000x128xf32>
    %dot_general3A_257 = tpu.matmul %select_n3A_255, %broadcast_in_dim3A_27, %dot_general3A_256 {dimension_numbers = #tpu.dot_dimension_numbers<[1], [0], [0], [1], [0, 0, 1, 1], [], []>, transpose_lhs_hint = false} : vector<2000x128xf32>, vector<128x128xf32>, vector<2000x128xf32> -> vector<2000x128xf32>
    %ge3A_258 = arith.constant 3.200000e+01 : f32
    %ge3A_259 = vector.broadcast %ge3A_258 : f32 to vector<2000x128xf32>
    %ge3A_260 = arith.cmpf oge, %dot_general3A_257, %ge3A_259 : vector<2000x128xf32>
    %select_n3A_261 = arith.select %ge3A_260, %or3A_246, %select_n3A_243 : vector<2000x128xi1>, vector<2000x128xi32>
    %or3A_262 = arith.constant 262144 : i32
    %or3A_263 = vector.broadcast %or3A_262 : i32 to vector<2000x128xi32>
    %or3A_264 = arith.ori %select_n3A_261, %or3A_263 : vector<2000x128xi32>
    %xor3A_265 = arith.constant -2147483648 : i32
    %xor3A_266 = vector.broadcast %xor3A_265 : i32 to vector<2000x128xi32>
    %xor3A_267 = arith.xori %or3A_264, %xor3A_266 : vector<2000x128xi32>
    %ge3A_268 = arith.cmpi sge, %select_n3A, %xor3A_267 : vector<2000x128xi32>
    %jit3A_269 = arith.constant 1.000000e+00 : f32
    %jit3A_270 = arith.constant 0.000000e+00 : f32
    %broadcast_in_dim3A_271 = vector.broadcast %jit3A_269 : f32 to vector<2000x128xf32>
    %broadcast_in_dim3A_272 = vector.broadcast %jit3A_270 : f32 to vector<2000x128xf32>
    %select_n3A_273 = arith.select %ge3A_268, %broadcast_in_dim3A_271, %broadcast_in_dim3A_272 : vector<2000x128xi1>, vector<2000x128xf32>
    %dot_general3A_274 = arith.constant dense<0.000000e+00> : vector<2000x128xf32>
    %dot_general3A_275 = tpu.matmul %select_n3A_273, %broadcast_in_dim3A_27, %dot_general3A_274 {dimension_numbers = #tpu.dot_dimension_numbers<[1], [0], [0], [1], [0, 0, 1, 1], [], []>, transpose_lhs_hint = false} : vector<2000x128xf32>, vector<128x128xf32>, vector<2000x128xf32> -> vector<2000x128xf32>
    %ge3A_276 = arith.constant 3.200000e+01 : f32
    %ge3A_277 = vector.broadcast %ge3A_276 : f32 to vector<2000x128xf32>
    %ge3A_278 = arith.cmpf oge, %dot_general3A_275, %ge3A_277 : vector<2000x128xf32>
    %select_n3A_279 = arith.select %ge3A_278, %or3A_264, %select_n3A_261 : vector<2000x128xi1>, vector<2000x128xi32>
    %or3A_280 = arith.constant 131072 : i32
    %or3A_281 = vector.broadcast %or3A_280 : i32 to vector<2000x128xi32>
    %or3A_282 = arith.ori %select_n3A_279, %or3A_281 : vector<2000x128xi32>
    %xor3A_283 = arith.constant -2147483648 : i32
    %xor3A_284 = vector.broadcast %xor3A_283 : i32 to vector<2000x128xi32>
    %xor3A_285 = arith.xori %or3A_282, %xor3A_284 : vector<2000x128xi32>
    %ge3A_286 = arith.cmpi sge, %select_n3A, %xor3A_285 : vector<2000x128xi32>
    %jit3A_287 = arith.constant 1.000000e+00 : f32
    %jit3A_288 = arith.constant 0.000000e+00 : f32
    %broadcast_in_dim3A_289 = vector.broadcast %jit3A_287 : f32 to vector<2000x128xf32>
    %broadcast_in_dim3A_290 = vector.broadcast %jit3A_288 : f32 to vector<2000x128xf32>
    %select_n3A_291 = arith.select %ge3A_286, %broadcast_in_dim3A_289, %broadcast_in_dim3A_290 : vector<2000x128xi1>, vector<2000x128xf32>
    %dot_general3A_292 = arith.constant dense<0.000000e+00> : vector<2000x128xf32>
    %dot_general3A_293 = tpu.matmul %select_n3A_291, %broadcast_in_dim3A_27, %dot_general3A_292 {dimension_numbers = #tpu.dot_dimension_numbers<[1], [0], [0], [1], [0, 0, 1, 1], [], []>, transpose_lhs_hint = false} : vector<2000x128xf32>, vector<128x128xf32>, vector<2000x128xf32> -> vector<2000x128xf32>
    %ge3A_294 = arith.constant 3.200000e+01 : f32
    %ge3A_295 = vector.broadcast %ge3A_294 : f32 to vector<2000x128xf32>
    %ge3A_296 = arith.cmpf oge, %dot_general3A_293, %ge3A_295 : vector<2000x128xf32>
    %select_n3A_297 = arith.select %ge3A_296, %or3A_282, %select_n3A_279 : vector<2000x128xi1>, vector<2000x128xi32>
    %or3A_298 = arith.constant 65536 : i32
    %or3A_299 = vector.broadcast %or3A_298 : i32 to vector<2000x128xi32>
    %or3A_300 = arith.ori %select_n3A_297, %or3A_299 : vector<2000x128xi32>
    %xor3A_301 = arith.constant -2147483648 : i32
    %xor3A_302 = vector.broadcast %xor3A_301 : i32 to vector<2000x128xi32>
    %xor3A_303 = arith.xori %or3A_300, %xor3A_302 : vector<2000x128xi32>
    %ge3A_304 = arith.cmpi sge, %select_n3A, %xor3A_303 : vector<2000x128xi32>
    %jit3A_305 = arith.constant 1.000000e+00 : f32
    %jit3A_306 = arith.constant 0.000000e+00 : f32
    %broadcast_in_dim3A_307 = vector.broadcast %jit3A_305 : f32 to vector<2000x128xf32>
    %broadcast_in_dim3A_308 = vector.broadcast %jit3A_306 : f32 to vector<2000x128xf32>
    %select_n3A_309 = arith.select %ge3A_304, %broadcast_in_dim3A_307, %broadcast_in_dim3A_308 : vector<2000x128xi1>, vector<2000x128xf32>
    %dot_general3A_310 = arith.constant dense<0.000000e+00> : vector<2000x128xf32>
    %dot_general3A_311 = tpu.matmul %select_n3A_309, %broadcast_in_dim3A_27, %dot_general3A_310 {dimension_numbers = #tpu.dot_dimension_numbers<[1], [0], [0], [1], [0, 0, 1, 1], [], []>, transpose_lhs_hint = false} : vector<2000x128xf32>, vector<128x128xf32>, vector<2000x128xf32> -> vector<2000x128xf32>
    %ge3A_312 = arith.constant 3.200000e+01 : f32
    %ge3A_313 = vector.broadcast %ge3A_312 : f32 to vector<2000x128xf32>
    %ge3A_314 = arith.cmpf oge, %dot_general3A_311, %ge3A_313 : vector<2000x128xf32>
    %select_n3A_315 = arith.select %ge3A_314, %or3A_300, %select_n3A_297 : vector<2000x128xi1>, vector<2000x128xi32>
    %or3A_316 = arith.constant 32768 : i32
    %or3A_317 = vector.broadcast %or3A_316 : i32 to vector<2000x128xi32>
    %or3A_318 = arith.ori %select_n3A_315, %or3A_317 : vector<2000x128xi32>
    %xor3A_319 = arith.constant -2147483648 : i32
    %xor3A_320 = vector.broadcast %xor3A_319 : i32 to vector<2000x128xi32>
    %xor3A_321 = arith.xori %or3A_318, %xor3A_320 : vector<2000x128xi32>
    %ge3A_322 = arith.cmpi sge, %select_n3A, %xor3A_321 : vector<2000x128xi32>
    %jit3A_323 = arith.constant 1.000000e+00 : f32
    %jit3A_324 = arith.constant 0.000000e+00 : f32
    %broadcast_in_dim3A_325 = vector.broadcast %jit3A_323 : f32 to vector<2000x128xf32>
    %broadcast_in_dim3A_326 = vector.broadcast %jit3A_324 : f32 to vector<2000x128xf32>
    %select_n3A_327 = arith.select %ge3A_322, %broadcast_in_dim3A_325, %broadcast_in_dim3A_326 : vector<2000x128xi1>, vector<2000x128xf32>
    %dot_general3A_328 = arith.constant dense<0.000000e+00> : vector<2000x128xf32>
    %dot_general3A_329 = tpu.matmul %select_n3A_327, %broadcast_in_dim3A_27, %dot_general3A_328 {dimension_numbers = #tpu.dot_dimension_numbers<[1], [0], [0], [1], [0, 0, 1, 1], [], []>, transpose_lhs_hint = false} : vector<2000x128xf32>, vector<128x128xf32>, vector<2000x128xf32> -> vector<2000x128xf32>
    %ge3A_330 = arith.constant 3.200000e+01 : f32
    %ge3A_331 = vector.broadcast %ge3A_330 : f32 to vector<2000x128xf32>
    %ge3A_332 = arith.cmpf oge, %dot_general3A_329, %ge3A_331 : vector<2000x128xf32>
    %select_n3A_333 = arith.select %ge3A_332, %or3A_318, %select_n3A_315 : vector<2000x128xi1>, vector<2000x128xi32>
    %or3A_334 = arith.constant 16384 : i32
    %or3A_335 = vector.broadcast %or3A_334 : i32 to vector<2000x128xi32>
    %or3A_336 = arith.ori %select_n3A_333, %or3A_335 : vector<2000x128xi32>
    %xor3A_337 = arith.constant -2147483648 : i32
    %xor3A_338 = vector.broadcast %xor3A_337 : i32 to vector<2000x128xi32>
    %xor3A_339 = arith.xori %or3A_336, %xor3A_338 : vector<2000x128xi32>
    %ge3A_340 = arith.cmpi sge, %select_n3A, %xor3A_339 : vector<2000x128xi32>
    %jit3A_341 = arith.constant 1.000000e+00 : f32
    %jit3A_342 = arith.constant 0.000000e+00 : f32
    %broadcast_in_dim3A_343 = vector.broadcast %jit3A_341 : f32 to vector<2000x128xf32>
    %broadcast_in_dim3A_344 = vector.broadcast %jit3A_342 : f32 to vector<2000x128xf32>
    %select_n3A_345 = arith.select %ge3A_340, %broadcast_in_dim3A_343, %broadcast_in_dim3A_344 : vector<2000x128xi1>, vector<2000x128xf32>
    %dot_general3A_346 = arith.constant dense<0.000000e+00> : vector<2000x128xf32>
    %dot_general3A_347 = tpu.matmul %select_n3A_345, %broadcast_in_dim3A_27, %dot_general3A_346 {dimension_numbers = #tpu.dot_dimension_numbers<[1], [0], [0], [1], [0, 0, 1, 1], [], []>, transpose_lhs_hint = false} : vector<2000x128xf32>, vector<128x128xf32>, vector<2000x128xf32> -> vector<2000x128xf32>
    %ge3A_348 = arith.constant 3.200000e+01 : f32
    %ge3A_349 = vector.broadcast %ge3A_348 : f32 to vector<2000x128xf32>
    %ge3A_350 = arith.cmpf oge, %dot_general3A_347, %ge3A_349 : vector<2000x128xf32>
    %select_n3A_351 = arith.select %ge3A_350, %or3A_336, %select_n3A_333 : vector<2000x128xi1>, vector<2000x128xi32>
    %or3A_352 = arith.constant 8192 : i32
    %or3A_353 = vector.broadcast %or3A_352 : i32 to vector<2000x128xi32>
    %or3A_354 = arith.ori %select_n3A_351, %or3A_353 : vector<2000x128xi32>
    %xor3A_355 = arith.constant -2147483648 : i32
    %xor3A_356 = vector.broadcast %xor3A_355 : i32 to vector<2000x128xi32>
    %xor3A_357 = arith.xori %or3A_354, %xor3A_356 : vector<2000x128xi32>
    %ge3A_358 = arith.cmpi sge, %select_n3A, %xor3A_357 : vector<2000x128xi32>
    %jit3A_359 = arith.constant 1.000000e+00 : f32
    %jit3A_360 = arith.constant 0.000000e+00 : f32
    %broadcast_in_dim3A_361 = vector.broadcast %jit3A_359 : f32 to vector<2000x128xf32>
    %broadcast_in_dim3A_362 = vector.broadcast %jit3A_360 : f32 to vector<2000x128xf32>
    %select_n3A_363 = arith.select %ge3A_358, %broadcast_in_dim3A_361, %broadcast_in_dim3A_362 : vector<2000x128xi1>, vector<2000x128xf32>
    %dot_general3A_364 = arith.constant dense<0.000000e+00> : vector<2000x128xf32>
    %dot_general3A_365 = tpu.matmul %select_n3A_363, %broadcast_in_dim3A_27, %dot_general3A_364 {dimension_numbers = #tpu.dot_dimension_numbers<[1], [0], [0], [1], [0, 0, 1, 1], [], []>, transpose_lhs_hint = false} : vector<2000x128xf32>, vector<128x128xf32>, vector<2000x128xf32> -> vector<2000x128xf32>
    %ge3A_366 = arith.constant 3.200000e+01 : f32
    %ge3A_367 = vector.broadcast %ge3A_366 : f32 to vector<2000x128xf32>
    %ge3A_368 = arith.cmpf oge, %dot_general3A_365, %ge3A_367 : vector<2000x128xf32>
    %select_n3A_369 = arith.select %ge3A_368, %or3A_354, %select_n3A_351 : vector<2000x128xi1>, vector<2000x128xi32>
    %or3A_370 = arith.constant 4096 : i32
    %or3A_371 = vector.broadcast %or3A_370 : i32 to vector<2000x128xi32>
    %or3A_372 = arith.ori %select_n3A_369, %or3A_371 : vector<2000x128xi32>
    %xor3A_373 = arith.constant -2147483648 : i32
    %xor3A_374 = vector.broadcast %xor3A_373 : i32 to vector<2000x128xi32>
    %xor3A_375 = arith.xori %or3A_372, %xor3A_374 : vector<2000x128xi32>
    %ge3A_376 = arith.cmpi sge, %select_n3A, %xor3A_375 : vector<2000x128xi32>
    %jit3A_377 = arith.constant 1.000000e+00 : f32
    %jit3A_378 = arith.constant 0.000000e+00 : f32
    %broadcast_in_dim3A_379 = vector.broadcast %jit3A_377 : f32 to vector<2000x128xf32>
    %broadcast_in_dim3A_380 = vector.broadcast %jit3A_378 : f32 to vector<2000x128xf32>
    %select_n3A_381 = arith.select %ge3A_376, %broadcast_in_dim3A_379, %broadcast_in_dim3A_380 : vector<2000x128xi1>, vector<2000x128xf32>
    %dot_general3A_382 = arith.constant dense<0.000000e+00> : vector<2000x128xf32>
    %dot_general3A_383 = tpu.matmul %select_n3A_381, %broadcast_in_dim3A_27, %dot_general3A_382 {dimension_numbers = #tpu.dot_dimension_numbers<[1], [0], [0], [1], [0, 0, 1, 1], [], []>, transpose_lhs_hint = false} : vector<2000x128xf32>, vector<128x128xf32>, vector<2000x128xf32> -> vector<2000x128xf32>
    %ge3A_384 = arith.constant 3.200000e+01 : f32
    %ge3A_385 = vector.broadcast %ge3A_384 : f32 to vector<2000x128xf32>
    %ge3A_386 = arith.cmpf oge, %dot_general3A_383, %ge3A_385 : vector<2000x128xf32>
    %select_n3A_387 = arith.select %ge3A_386, %or3A_372, %select_n3A_369 : vector<2000x128xi1>, vector<2000x128xi32>
    %or3A_388 = arith.constant 2048 : i32
    %or3A_389 = vector.broadcast %or3A_388 : i32 to vector<2000x128xi32>
    %or3A_390 = arith.ori %select_n3A_387, %or3A_389 : vector<2000x128xi32>
    %xor3A_391 = arith.constant -2147483648 : i32
    %xor3A_392 = vector.broadcast %xor3A_391 : i32 to vector<2000x128xi32>
    %xor3A_393 = arith.xori %or3A_390, %xor3A_392 : vector<2000x128xi32>
    %ge3A_394 = arith.cmpi sge, %select_n3A, %xor3A_393 : vector<2000x128xi32>
    %jit3A_395 = arith.constant 1.000000e+00 : f32
    %jit3A_396 = arith.constant 0.000000e+00 : f32
    %broadcast_in_dim3A_397 = vector.broadcast %jit3A_395 : f32 to vector<2000x128xf32>
    %broadcast_in_dim3A_398 = vector.broadcast %jit3A_396 : f32 to vector<2000x128xf32>
    %select_n3A_399 = arith.select %ge3A_394, %broadcast_in_dim3A_397, %broadcast_in_dim3A_398 : vector<2000x128xi1>, vector<2000x128xf32>
    %dot_general3A_400 = arith.constant dense<0.000000e+00> : vector<2000x128xf32>
    %dot_general3A_401 = tpu.matmul %select_n3A_399, %broadcast_in_dim3A_27, %dot_general3A_400 {dimension_numbers = #tpu.dot_dimension_numbers<[1], [0], [0], [1], [0, 0, 1, 1], [], []>, transpose_lhs_hint = false} : vector<2000x128xf32>, vector<128x128xf32>, vector<2000x128xf32> -> vector<2000x128xf32>
    %ge3A_402 = arith.constant 3.200000e+01 : f32
    %ge3A_403 = vector.broadcast %ge3A_402 : f32 to vector<2000x128xf32>
    %ge3A_404 = arith.cmpf oge, %dot_general3A_401, %ge3A_403 : vector<2000x128xf32>
    %select_n3A_405 = arith.select %ge3A_404, %or3A_390, %select_n3A_387 : vector<2000x128xi1>, vector<2000x128xi32>
    %or3A_406 = arith.constant 1024 : i32
    %or3A_407 = vector.broadcast %or3A_406 : i32 to vector<2000x128xi32>
    %or3A_408 = arith.ori %select_n3A_405, %or3A_407 : vector<2000x128xi32>
    %xor3A_409 = arith.constant -2147483648 : i32
    %xor3A_410 = vector.broadcast %xor3A_409 : i32 to vector<2000x128xi32>
    %xor3A_411 = arith.xori %or3A_408, %xor3A_410 : vector<2000x128xi32>
    %ge3A_412 = arith.cmpi sge, %select_n3A, %xor3A_411 : vector<2000x128xi32>
    %jit3A_413 = arith.constant 1.000000e+00 : f32
    %jit3A_414 = arith.constant 0.000000e+00 : f32
    %broadcast_in_dim3A_415 = vector.broadcast %jit3A_413 : f32 to vector<2000x128xf32>
    %broadcast_in_dim3A_416 = vector.broadcast %jit3A_414 : f32 to vector<2000x128xf32>
    %select_n3A_417 = arith.select %ge3A_412, %broadcast_in_dim3A_415, %broadcast_in_dim3A_416 : vector<2000x128xi1>, vector<2000x128xf32>
    %dot_general3A_418 = arith.constant dense<0.000000e+00> : vector<2000x128xf32>
    %dot_general3A_419 = tpu.matmul %select_n3A_417, %broadcast_in_dim3A_27, %dot_general3A_418 {dimension_numbers = #tpu.dot_dimension_numbers<[1], [0], [0], [1], [0, 0, 1, 1], [], []>, transpose_lhs_hint = false} : vector<2000x128xf32>, vector<128x128xf32>, vector<2000x128xf32> -> vector<2000x128xf32>
    %ge3A_420 = arith.constant 3.200000e+01 : f32
    %ge3A_421 = vector.broadcast %ge3A_420 : f32 to vector<2000x128xf32>
    %ge3A_422 = arith.cmpf oge, %dot_general3A_419, %ge3A_421 : vector<2000x128xf32>
    %select_n3A_423 = arith.select %ge3A_422, %or3A_408, %select_n3A_405 : vector<2000x128xi1>, vector<2000x128xi32>
    %or3A_424 = arith.constant 512 : i32
    %or3A_425 = vector.broadcast %or3A_424 : i32 to vector<2000x128xi32>
    %or3A_426 = arith.ori %select_n3A_423, %or3A_425 : vector<2000x128xi32>
    %xor3A_427 = arith.constant -2147483648 : i32
    %xor3A_428 = vector.broadcast %xor3A_427 : i32 to vector<2000x128xi32>
    %xor3A_429 = arith.xori %or3A_426, %xor3A_428 : vector<2000x128xi32>
    %ge3A_430 = arith.cmpi sge, %select_n3A, %xor3A_429 : vector<2000x128xi32>
    %jit3A_431 = arith.constant 1.000000e+00 : f32
    %jit3A_432 = arith.constant 0.000000e+00 : f32
    %broadcast_in_dim3A_433 = vector.broadcast %jit3A_431 : f32 to vector<2000x128xf32>
    %broadcast_in_dim3A_434 = vector.broadcast %jit3A_432 : f32 to vector<2000x128xf32>
    %select_n3A_435 = arith.select %ge3A_430, %broadcast_in_dim3A_433, %broadcast_in_dim3A_434 : vector<2000x128xi1>, vector<2000x128xf32>
    %dot_general3A_436 = arith.constant dense<0.000000e+00> : vector<2000x128xf32>
    %dot_general3A_437 = tpu.matmul %select_n3A_435, %broadcast_in_dim3A_27, %dot_general3A_436 {dimension_numbers = #tpu.dot_dimension_numbers<[1], [0], [0], [1], [0, 0, 1, 1], [], []>, transpose_lhs_hint = false} : vector<2000x128xf32>, vector<128x128xf32>, vector<2000x128xf32> -> vector<2000x128xf32>
    %ge3A_438 = arith.constant 3.200000e+01 : f32
    %ge3A_439 = vector.broadcast %ge3A_438 : f32 to vector<2000x128xf32>
    %ge3A_440 = arith.cmpf oge, %dot_general3A_437, %ge3A_439 : vector<2000x128xf32>
    %select_n3A_441 = arith.select %ge3A_440, %or3A_426, %select_n3A_423 : vector<2000x128xi1>, vector<2000x128xi32>
    %or3A_442 = arith.constant 256 : i32
    %or3A_443 = vector.broadcast %or3A_442 : i32 to vector<2000x128xi32>
    %or3A_444 = arith.ori %select_n3A_441, %or3A_443 : vector<2000x128xi32>
    %xor3A_445 = arith.constant -2147483648 : i32
    %xor3A_446 = vector.broadcast %xor3A_445 : i32 to vector<2000x128xi32>
    %xor3A_447 = arith.xori %or3A_444, %xor3A_446 : vector<2000x128xi32>
    %ge3A_448 = arith.cmpi sge, %select_n3A, %xor3A_447 : vector<2000x128xi32>
    %jit3A_449 = arith.constant 1.000000e+00 : f32
    %jit3A_450 = arith.constant 0.000000e+00 : f32
    %broadcast_in_dim3A_451 = vector.broadcast %jit3A_449 : f32 to vector<2000x128xf32>
    %broadcast_in_dim3A_452 = vector.broadcast %jit3A_450 : f32 to vector<2000x128xf32>
    %select_n3A_453 = arith.select %ge3A_448, %broadcast_in_dim3A_451, %broadcast_in_dim3A_452 : vector<2000x128xi1>, vector<2000x128xf32>
    %dot_general3A_454 = arith.constant dense<0.000000e+00> : vector<2000x128xf32>
    %dot_general3A_455 = tpu.matmul %select_n3A_453, %broadcast_in_dim3A_27, %dot_general3A_454 {dimension_numbers = #tpu.dot_dimension_numbers<[1], [0], [0], [1], [0, 0, 1, 1], [], []>, transpose_lhs_hint = false} : vector<2000x128xf32>, vector<128x128xf32>, vector<2000x128xf32> -> vector<2000x128xf32>
    %ge3A_456 = arith.constant 3.200000e+01 : f32
    %ge3A_457 = vector.broadcast %ge3A_456 : f32 to vector<2000x128xf32>
    %ge3A_458 = arith.cmpf oge, %dot_general3A_455, %ge3A_457 : vector<2000x128xf32>
    %select_n3A_459 = arith.select %ge3A_458, %or3A_444, %select_n3A_441 : vector<2000x128xi1>, vector<2000x128xi32>
    %or3A_460 = arith.constant 128 : i32
    %or3A_461 = vector.broadcast %or3A_460 : i32 to vector<2000x128xi32>
    %or3A_462 = arith.ori %select_n3A_459, %or3A_461 : vector<2000x128xi32>
    %xor3A_463 = arith.constant -2147483648 : i32
    %xor3A_464 = vector.broadcast %xor3A_463 : i32 to vector<2000x128xi32>
    %xor3A_465 = arith.xori %or3A_462, %xor3A_464 : vector<2000x128xi32>
    %ge3A_466 = arith.cmpi sge, %select_n3A, %xor3A_465 : vector<2000x128xi32>
    %jit3A_467 = arith.constant 1.000000e+00 : f32
    %jit3A_468 = arith.constant 0.000000e+00 : f32
    %broadcast_in_dim3A_469 = vector.broadcast %jit3A_467 : f32 to vector<2000x128xf32>
    %broadcast_in_dim3A_470 = vector.broadcast %jit3A_468 : f32 to vector<2000x128xf32>
    %select_n3A_471 = arith.select %ge3A_466, %broadcast_in_dim3A_469, %broadcast_in_dim3A_470 : vector<2000x128xi1>, vector<2000x128xf32>
    %dot_general3A_472 = arith.constant dense<0.000000e+00> : vector<2000x128xf32>
    %dot_general3A_473 = tpu.matmul %select_n3A_471, %broadcast_in_dim3A_27, %dot_general3A_472 {dimension_numbers = #tpu.dot_dimension_numbers<[1], [0], [0], [1], [0, 0, 1, 1], [], []>, transpose_lhs_hint = false} : vector<2000x128xf32>, vector<128x128xf32>, vector<2000x128xf32> -> vector<2000x128xf32>
    %ge3A_474 = arith.constant 3.200000e+01 : f32
    %ge3A_475 = vector.broadcast %ge3A_474 : f32 to vector<2000x128xf32>
    %ge3A_476 = arith.cmpf oge, %dot_general3A_473, %ge3A_475 : vector<2000x128xf32>
    %select_n3A_477 = arith.select %ge3A_476, %or3A_462, %select_n3A_459 : vector<2000x128xi1>, vector<2000x128xi32>
    %or3A_478 = arith.constant 64 : i32
    %or3A_479 = vector.broadcast %or3A_478 : i32 to vector<2000x128xi32>
    %or3A_480 = arith.ori %select_n3A_477, %or3A_479 : vector<2000x128xi32>
    %xor3A_481 = arith.constant -2147483648 : i32
    %xor3A_482 = vector.broadcast %xor3A_481 : i32 to vector<2000x128xi32>
    %xor3A_483 = arith.xori %or3A_480, %xor3A_482 : vector<2000x128xi32>
    %ge3A_484 = arith.cmpi sge, %select_n3A, %xor3A_483 : vector<2000x128xi32>
    %jit3A_485 = arith.constant 1.000000e+00 : f32
    %jit3A_486 = arith.constant 0.000000e+00 : f32
    %broadcast_in_dim3A_487 = vector.broadcast %jit3A_485 : f32 to vector<2000x128xf32>
    %broadcast_in_dim3A_488 = vector.broadcast %jit3A_486 : f32 to vector<2000x128xf32>
    %select_n3A_489 = arith.select %ge3A_484, %broadcast_in_dim3A_487, %broadcast_in_dim3A_488 : vector<2000x128xi1>, vector<2000x128xf32>
    %dot_general3A_490 = arith.constant dense<0.000000e+00> : vector<2000x128xf32>
    %dot_general3A_491 = tpu.matmul %select_n3A_489, %broadcast_in_dim3A_27, %dot_general3A_490 {dimension_numbers = #tpu.dot_dimension_numbers<[1], [0], [0], [1], [0, 0, 1, 1], [], []>, transpose_lhs_hint = false} : vector<2000x128xf32>, vector<128x128xf32>, vector<2000x128xf32> -> vector<2000x128xf32>
    %ge3A_492 = arith.constant 3.200000e+01 : f32
    %ge3A_493 = vector.broadcast %ge3A_492 : f32 to vector<2000x128xf32>
    %ge3A_494 = arith.cmpf oge, %dot_general3A_491, %ge3A_493 : vector<2000x128xf32>
    %select_n3A_495 = arith.select %ge3A_494, %or3A_480, %select_n3A_477 : vector<2000x128xi1>, vector<2000x128xi32>
    %or3A_496 = arith.constant 32 : i32
    %or3A_497 = vector.broadcast %or3A_496 : i32 to vector<2000x128xi32>
    %or3A_498 = arith.ori %select_n3A_495, %or3A_497 : vector<2000x128xi32>
    %xor3A_499 = arith.constant -2147483648 : i32
    %xor3A_500 = vector.broadcast %xor3A_499 : i32 to vector<2000x128xi32>
    %xor3A_501 = arith.xori %or3A_498, %xor3A_500 : vector<2000x128xi32>
    %ge3A_502 = arith.cmpi sge, %select_n3A, %xor3A_501 : vector<2000x128xi32>
    %jit3A_503 = arith.constant 1.000000e+00 : f32
    %jit3A_504 = arith.constant 0.000000e+00 : f32
    %broadcast_in_dim3A_505 = vector.broadcast %jit3A_503 : f32 to vector<2000x128xf32>
    %broadcast_in_dim3A_506 = vector.broadcast %jit3A_504 : f32 to vector<2000x128xf32>
    %select_n3A_507 = arith.select %ge3A_502, %broadcast_in_dim3A_505, %broadcast_in_dim3A_506 : vector<2000x128xi1>, vector<2000x128xf32>
    %dot_general3A_508 = arith.constant dense<0.000000e+00> : vector<2000x128xf32>
    %dot_general3A_509 = tpu.matmul %select_n3A_507, %broadcast_in_dim3A_27, %dot_general3A_508 {dimension_numbers = #tpu.dot_dimension_numbers<[1], [0], [0], [1], [0, 0, 1, 1], [], []>, transpose_lhs_hint = false} : vector<2000x128xf32>, vector<128x128xf32>, vector<2000x128xf32> -> vector<2000x128xf32>
    %ge3A_510 = arith.constant 3.200000e+01 : f32
    %ge3A_511 = vector.broadcast %ge3A_510 : f32 to vector<2000x128xf32>
    %ge3A_512 = arith.cmpf oge, %dot_general3A_509, %ge3A_511 : vector<2000x128xf32>
    %select_n3A_513 = arith.select %ge3A_512, %or3A_498, %select_n3A_495 : vector<2000x128xi1>, vector<2000x128xi32>
    %or3A_514 = arith.constant 16 : i32
    %or3A_515 = vector.broadcast %or3A_514 : i32 to vector<2000x128xi32>
    %or3A_516 = arith.ori %select_n3A_513, %or3A_515 : vector<2000x128xi32>
    %xor3A_517 = arith.constant -2147483648 : i32
    %xor3A_518 = vector.broadcast %xor3A_517 : i32 to vector<2000x128xi32>
    %xor3A_519 = arith.xori %or3A_516, %xor3A_518 : vector<2000x128xi32>
    %ge3A_520 = arith.cmpi sge, %select_n3A, %xor3A_519 : vector<2000x128xi32>
    %jit3A_521 = arith.constant 1.000000e+00 : f32
    %jit3A_522 = arith.constant 0.000000e+00 : f32
    %broadcast_in_dim3A_523 = vector.broadcast %jit3A_521 : f32 to vector<2000x128xf32>
    %broadcast_in_dim3A_524 = vector.broadcast %jit3A_522 : f32 to vector<2000x128xf32>
    %select_n3A_525 = arith.select %ge3A_520, %broadcast_in_dim3A_523, %broadcast_in_dim3A_524 : vector<2000x128xi1>, vector<2000x128xf32>
    %dot_general3A_526 = arith.constant dense<0.000000e+00> : vector<2000x128xf32>
    %dot_general3A_527 = tpu.matmul %select_n3A_525, %broadcast_in_dim3A_27, %dot_general3A_526 {dimension_numbers = #tpu.dot_dimension_numbers<[1], [0], [0], [1], [0, 0, 1, 1], [], []>, transpose_lhs_hint = false} : vector<2000x128xf32>, vector<128x128xf32>, vector<2000x128xf32> -> vector<2000x128xf32>
    %ge3A_528 = arith.constant 3.200000e+01 : f32
    %ge3A_529 = vector.broadcast %ge3A_528 : f32 to vector<2000x128xf32>
    %ge3A_530 = arith.cmpf oge, %dot_general3A_527, %ge3A_529 : vector<2000x128xf32>
    %select_n3A_531 = arith.select %ge3A_530, %or3A_516, %select_n3A_513 : vector<2000x128xi1>, vector<2000x128xi32>
    %or3A_532 = arith.constant 8 : i32
    %or3A_533 = vector.broadcast %or3A_532 : i32 to vector<2000x128xi32>
    %or3A_534 = arith.ori %select_n3A_531, %or3A_533 : vector<2000x128xi32>
    %xor3A_535 = arith.constant -2147483648 : i32
    %xor3A_536 = vector.broadcast %xor3A_535 : i32 to vector<2000x128xi32>
    %xor3A_537 = arith.xori %or3A_534, %xor3A_536 : vector<2000x128xi32>
    %ge3A_538 = arith.cmpi sge, %select_n3A, %xor3A_537 : vector<2000x128xi32>
    %jit3A_539 = arith.constant 1.000000e+00 : f32
    %jit3A_540 = arith.constant 0.000000e+00 : f32
    %broadcast_in_dim3A_541 = vector.broadcast %jit3A_539 : f32 to vector<2000x128xf32>
    %broadcast_in_dim3A_542 = vector.broadcast %jit3A_540 : f32 to vector<2000x128xf32>
    %select_n3A_543 = arith.select %ge3A_538, %broadcast_in_dim3A_541, %broadcast_in_dim3A_542 : vector<2000x128xi1>, vector<2000x128xf32>
    %dot_general3A_544 = arith.constant dense<0.000000e+00> : vector<2000x128xf32>
    %dot_general3A_545 = tpu.matmul %select_n3A_543, %broadcast_in_dim3A_27, %dot_general3A_544 {dimension_numbers = #tpu.dot_dimension_numbers<[1], [0], [0], [1], [0, 0, 1, 1], [], []>, transpose_lhs_hint = false} : vector<2000x128xf32>, vector<128x128xf32>, vector<2000x128xf32> -> vector<2000x128xf32>
    %ge3A_546 = arith.constant 3.200000e+01 : f32
    %ge3A_547 = vector.broadcast %ge3A_546 : f32 to vector<2000x128xf32>
    %ge3A_548 = arith.cmpf oge, %dot_general3A_545, %ge3A_547 : vector<2000x128xf32>
    %select_n3A_549 = arith.select %ge3A_548, %or3A_534, %select_n3A_531 : vector<2000x128xi1>, vector<2000x128xi32>
    %or3A_550 = arith.constant 4 : i32
    %or3A_551 = vector.broadcast %or3A_550 : i32 to vector<2000x128xi32>
    %or3A_552 = arith.ori %select_n3A_549, %or3A_551 : vector<2000x128xi32>
    %xor3A_553 = arith.constant -2147483648 : i32
    %xor3A_554 = vector.broadcast %xor3A_553 : i32 to vector<2000x128xi32>
    %xor3A_555 = arith.xori %or3A_552, %xor3A_554 : vector<2000x128xi32>
    %ge3A_556 = arith.cmpi sge, %select_n3A, %xor3A_555 : vector<2000x128xi32>
    %jit3A_557 = arith.constant 1.000000e+00 : f32
    %jit3A_558 = arith.constant 0.000000e+00 : f32
    %broadcast_in_dim3A_559 = vector.broadcast %jit3A_557 : f32 to vector<2000x128xf32>
    %broadcast_in_dim3A_560 = vector.broadcast %jit3A_558 : f32 to vector<2000x128xf32>
    %select_n3A_561 = arith.select %ge3A_556, %broadcast_in_dim3A_559, %broadcast_in_dim3A_560 : vector<2000x128xi1>, vector<2000x128xf32>
    %dot_general3A_562 = arith.constant dense<0.000000e+00> : vector<2000x128xf32>
    %dot_general3A_563 = tpu.matmul %select_n3A_561, %broadcast_in_dim3A_27, %dot_general3A_562 {dimension_numbers = #tpu.dot_dimension_numbers<[1], [0], [0], [1], [0, 0, 1, 1], [], []>, transpose_lhs_hint = false} : vector<2000x128xf32>, vector<128x128xf32>, vector<2000x128xf32> -> vector<2000x128xf32>
    %ge3A_564 = arith.constant 3.200000e+01 : f32
    %ge3A_565 = vector.broadcast %ge3A_564 : f32 to vector<2000x128xf32>
    %ge3A_566 = arith.cmpf oge, %dot_general3A_563, %ge3A_565 : vector<2000x128xf32>
    %select_n3A_567 = arith.select %ge3A_566, %or3A_552, %select_n3A_549 : vector<2000x128xi1>, vector<2000x128xi32>
    %or3A_568 = arith.constant 2 : i32
    %or3A_569 = vector.broadcast %or3A_568 : i32 to vector<2000x128xi32>
    %or3A_570 = arith.ori %select_n3A_567, %or3A_569 : vector<2000x128xi32>
    %xor3A_571 = arith.constant -2147483648 : i32
    %xor3A_572 = vector.broadcast %xor3A_571 : i32 to vector<2000x128xi32>
    %xor3A_573 = arith.xori %or3A_570, %xor3A_572 : vector<2000x128xi32>
    %ge3A_574 = arith.cmpi sge, %select_n3A, %xor3A_573 : vector<2000x128xi32>
    %jit3A_575 = arith.constant 1.000000e+00 : f32
    %jit3A_576 = arith.constant 0.000000e+00 : f32
    %broadcast_in_dim3A_577 = vector.broadcast %jit3A_575 : f32 to vector<2000x128xf32>
    %broadcast_in_dim3A_578 = vector.broadcast %jit3A_576 : f32 to vector<2000x128xf32>
    %select_n3A_579 = arith.select %ge3A_574, %broadcast_in_dim3A_577, %broadcast_in_dim3A_578 : vector<2000x128xi1>, vector<2000x128xf32>
    %dot_general3A_580 = arith.constant dense<0.000000e+00> : vector<2000x128xf32>
    %dot_general3A_581 = tpu.matmul %select_n3A_579, %broadcast_in_dim3A_27, %dot_general3A_580 {dimension_numbers = #tpu.dot_dimension_numbers<[1], [0], [0], [1], [0, 0, 1, 1], [], []>, transpose_lhs_hint = false} : vector<2000x128xf32>, vector<128x128xf32>, vector<2000x128xf32> -> vector<2000x128xf32>
    %ge3A_582 = arith.constant 3.200000e+01 : f32
    %ge3A_583 = vector.broadcast %ge3A_582 : f32 to vector<2000x128xf32>
    %ge3A_584 = arith.cmpf oge, %dot_general3A_581, %ge3A_583 : vector<2000x128xf32>
    %select_n3A_585 = arith.select %ge3A_584, %or3A_570, %select_n3A_567 : vector<2000x128xi1>, vector<2000x128xi32>
    %or3A_586 = arith.constant 1 : i32
    %or3A_587 = vector.broadcast %or3A_586 : i32 to vector<2000x128xi32>
    %or3A_588 = arith.ori %select_n3A_585, %or3A_587 : vector<2000x128xi32>
    %xor3A_589 = arith.constant -2147483648 : i32
    %xor3A_590 = vector.broadcast %xor3A_589 : i32 to vector<2000x128xi32>
    %xor3A_591 = arith.xori %or3A_588, %xor3A_590 : vector<2000x128xi32>
    %ge3A_592 = arith.cmpi sge, %select_n3A, %xor3A_591 : vector<2000x128xi32>
    %jit3A_593 = arith.constant 1.000000e+00 : f32
    %jit3A_594 = arith.constant 0.000000e+00 : f32
    %broadcast_in_dim3A_595 = vector.broadcast %jit3A_593 : f32 to vector<2000x128xf32>
    %broadcast_in_dim3A_596 = vector.broadcast %jit3A_594 : f32 to vector<2000x128xf32>
    %select_n3A_597 = arith.select %ge3A_592, %broadcast_in_dim3A_595, %broadcast_in_dim3A_596 : vector<2000x128xi1>, vector<2000x128xf32>
    %dot_general3A_598 = arith.constant dense<0.000000e+00> : vector<2000x128xf32>
    %dot_general3A_599 = tpu.matmul %select_n3A_597, %broadcast_in_dim3A_27, %dot_general3A_598 {dimension_numbers = #tpu.dot_dimension_numbers<[1], [0], [0], [1], [0, 0, 1, 1], [], []>, transpose_lhs_hint = false} : vector<2000x128xf32>, vector<128x128xf32>, vector<2000x128xf32> -> vector<2000x128xf32>
    %ge3A_600 = arith.constant 3.200000e+01 : f32
    %ge3A_601 = vector.broadcast %ge3A_600 : f32 to vector<2000x128xf32>
    %ge3A_602 = arith.cmpf oge, %dot_general3A_599, %ge3A_601 : vector<2000x128xf32>
    %select_n3A_603 = arith.select %ge3A_602, %or3A_588, %select_n3A_585 : vector<2000x128xi1>, vector<2000x128xi32>
    %xor3A_604 = arith.constant -2147483648 : i32
    %xor3A_605 = vector.broadcast %xor3A_604 : i32 to vector<2000x128xi32>
    %xor3A_606 = arith.xori %select_n3A_603, %xor3A_605 : vector<2000x128xi32>
    %gt3A = arith.cmpi sgt, %select_n3A, %xor3A_606 : vector<2000x128xi32>
    %eq3A = arith.cmpi eq, %select_n3A, %xor3A_606 : vector<2000x128xi32>
    %jit3A_607 = arith.constant 1.000000e+00 : f32
    %jit3A_608 = arith.constant 0.000000e+00 : f32
    %broadcast_in_dim3A_609 = vector.broadcast %jit3A_607 : f32 to vector<2000x128xf32>
    %broadcast_in_dim3A_610 = vector.broadcast %jit3A_608 : f32 to vector<2000x128xf32>
    %select_n3A_611 = arith.select %gt3A, %broadcast_in_dim3A_609, %broadcast_in_dim3A_610 : vector<2000x128xi1>, vector<2000x128xf32>
    %jit3A_612 = arith.constant 1.000000e+00 : f32
    %jit3A_613 = arith.constant 0.000000e+00 : f32
    %broadcast_in_dim3A_614 = vector.broadcast %jit3A_612 : f32 to vector<2000x128xf32>
    %broadcast_in_dim3A_615 = vector.broadcast %jit3A_613 : f32 to vector<2000x128xf32>
    %select_n3A_616 = arith.select %eq3A, %broadcast_in_dim3A_614, %broadcast_in_dim3A_615 : vector<2000x128xi1>, vector<2000x128xf32>
    %dot_general3A_617 = arith.constant dense<0.000000e+00> : vector<2000x128xf32>
    %dot_general3A_618 = tpu.matmul %select_n3A_611, %broadcast_in_dim3A_27, %dot_general3A_617 {dimension_numbers = #tpu.dot_dimension_numbers<[1], [0], [0], [1], [0, 0, 1, 1], [], []>, transpose_lhs_hint = false} : vector<2000x128xf32>, vector<128x128xf32>, vector<2000x128xf32> -> vector<2000x128xf32>
    %iota3A = tpu.iota {dimensions = array<i32: 0>} : vector<128x128xi32>
    %iota3A_619 = tpu.iota {dimensions = array<i32: 1>} : vector<128x128xi32>
    %le3A = arith.cmpi sle, %iota3A, %iota3A_619 : vector<128x128xi32>
    %jit3A_620 = arith.constant 1.000000e+00 : f32
    %jit3A_621 = arith.constant 0.000000e+00 : f32
    %broadcast_in_dim3A_622 = vector.broadcast %jit3A_620 : f32 to vector<128x128xf32>
    %broadcast_in_dim3A_623 = vector.broadcast %jit3A_621 : f32 to vector<128x128xf32>
    %select_n3A_624 = arith.select %le3A, %broadcast_in_dim3A_622, %broadcast_in_dim3A_623 : vector<128x128xi1>, vector<128x128xf32>
    %dot_general3A_625 = arith.constant dense<0.000000e+00> : vector<2000x128xf32>
    %dot_general3A_626 = tpu.matmul %select_n3A_616, %select_n3A_624, %dot_general3A_625 {dimension_numbers = #tpu.dot_dimension_numbers<[1], [0], [0], [1], [0, 0, 1, 1], [], []>, transpose_lhs_hint = false} : vector<2000x128xf32>, vector<128x128xf32>, vector<2000x128xf32> -> vector<2000x128xf32>
    %sub3A = arith.constant 3.200000e+01 : f32
    %sub3A_627 = vector.broadcast %sub3A : f32 to vector<2000x128xf32>
    %sub3A_628 = arith.subf %sub3A_627, %dot_general3A_618 : vector<2000x128xf32>
    %le3A_629 = arith.cmpf ole, %dot_general3A_626, %sub3A_628 : vector<2000x128xf32>
    %and3A = arith.andi %eq3A, %le3A_629 : vector<2000x128xi1>
    %or3A_630 = arith.ori %gt3A, %and3A : vector<2000x128xi1>
    %jit3A_631 = arith.constant 0.000000e+00 : f32
    %broadcast_in_dim3A_632 = vector.broadcast %jit3A_631 : f32 to vector<2000x128xf32>
    %select_n3A_633 = arith.select %or3A_630, %add3A_21, %broadcast_in_dim3A_632 : vector<2000x128xi1>, vector<2000x128xf32>
    %swap3A = arith.constant 0 : index
    %swap3A_634 = arith.constant 0 : index
    %swap3A_635 = vector.load %arg6[%swap3A, %swap3A_634] : memref<2000x128xf32, #tpu.memory_space<vmem>>, vector<2000x128xf32>
    tpu.vector_store %arg6[%swap3A, %swap3A_634], %select_n3A_633 {strides = array<i32>} : memref<2000x128xf32, #tpu.memory_space<vmem>>, vector<2000x128xf32>,
    return
  }
  func.func @transform_0(%arg0: i32) -> (i32, i32) {
    %c0_i32 = arith.constant 0 : i32
    %c0_i32_0 = arith.constant 0 : i32
    return %arg0, %c0_i32 : i32, i32
  }
  func.func @transform_1(%arg0: i32) -> (i32, i32) {
    %c0_i32 = arith.constant 0 : i32
    %c0_i32_0 = arith.constant 0 : i32
    %c0_i32_1 = arith.constant 0 : i32
    return %c0_i32, %c0_i32_0 : i32, i32
  }
  func.func @transform_2(%arg0: i32) -> (i32, i32) {
    %c0_i32 = arith.constant 0 : i32
    %c0_i32_0 = arith.constant 0 : i32
    %c0_i32_1 = arith.constant 0 : i32
    return %c0_i32, %c0_i32_0 : i32, i32
  }
  func.func @transform_3(%arg0: i32) -> (i32, i32) {
    %c0_i32 = arith.constant 0 : i32
    %c0_i32_0 = arith.constant 0 : i32
    %c0_i32_1 = arith.constant 0 : i32
    return %c0_i32, %c0_i32_0 : i32, i32
  }
  func.func @transform_4(%arg0: i32) -> (i32, i32) {
    %c0_i32 = arith.constant 0 : i32
    %c0_i32_0 = arith.constant 0 : i32
    %c0_i32_1 = arith.constant 0 : i32
    return %c0_i32, %c0_i32_0 : i32, i32
  }
  func.func @transform_5(%arg0: i32) -> (i32, i32) {
    %c0_i32 = arith.constant 0 : i32
    %c0_i32_0 = arith.constant 0 : i32
    return %arg0, %c0_i32 : i32, i32
  }
}

module attributes {stable_mosaic.version = 14 : i64} {
  func.func @_tc_layer_body(%arg0: i32, %arg1: memref<2000x128xf32, #tpu.memory_space<vmem>>, %arg2: memref<2x2000x128xf32, #tpu.memory_space<vmem>>, %arg3: memref<1x1xf32, #tpu.memory_space<vmem>>, %arg4: memref<128x128xf32, #tpu.memory_space<vmem>>, %arg5: memref<1x128xf32, #tpu.memory_space<vmem>>, %arg6: memref<2000x128xf32, #tpu.memory_space<vmem>>) attributes {dimension_semantics = [#tpu.dimension_semantics<arbitrary>], iteration_bounds = array<i64: 5>, scalar_prefetch = 0 : i64, scratch_operands = 0 : i64, tpu.core_type = #tpu.core_type<tc>, window_params = [{transform_indices = @transform_0, window_bounds = array<i64: 2000, 128>}, {transform_indices = @transform_1, window_bounds = array<i64: 2, 2000, 128>}, {pipeline_mode = #tpu.pipeline_mode<synchronous>, transform_indices = @transform_2, window_bounds = array<i64: 1, 1>}, {pipeline_mode = #tpu.pipeline_mode<synchronous>, transform_indices = @transform_3, window_bounds = array<i64: 128, 128>}, {pipeline_mode = #tpu.pipeline_mode<synchronous>, transform_indices = @transform_4, window_bounds = array<i64: 1, 128>}, {transform_indices = @transform_5, window_bounds = array<i64: 2000, 128>}]} {
    %get3A = arith.constant 0 : index
    %get3A_0 = arith.constant 0 : index
    %get3A_1 = vector.load %arg3[%get3A, %get3A_0] : memref<1x1xf32, #tpu.memory_space<vmem>>, vector<1x1xf32>
    %get3A_2 = vector.extract %get3A_1[0, 0] : f32 from vector<1x1xf32>
    %add3A = arith.constant 1.000000e+00 : f32
    %add3A_3 = arith.addf %add3A, %get3A_2 : f32
    %get3A_4 = arith.constant 0 : index
    %get3A_5 = arith.constant 0 : index
    %get3A_6 = vector.load %arg1[%get3A_4, %get3A_5] : memref<2000x128xf32, #tpu.memory_space<vmem>>, vector<2000x128xf32>
    %mul3A = vector.broadcast %add3A_3 : f32 to vector<2000x128xf32>
    %mul3A_7 = arith.mulf %mul3A, %get3A_6 : vector<2000x128xf32>
    %get3A_8 = arith.constant 0 : index
    %get3A_9 = arith.constant 0 : index
    %get3A_10 = arith.constant 0 : index
    %get3A_11 = vector.load %arg2[%get3A_8, %get3A_9, %get3A_10] : memref<2x2000x128xf32, #tpu.memory_space<vmem>>, vector<1x2000x128xf32>
    %get3A_12 = vector.shape_cast %get3A_11 : vector<1x2000x128xf32> to vector<2000x128xf32>
    %add3A_13 = arith.addf %mul3A_7, %get3A_12 : vector<2000x128xf32>
    %get3A_14 = arith.constant 1 : index
    %get3A_15 = arith.constant 0 : index
    %get3A_16 = arith.constant 0 : index
    %get3A_17 = vector.load %arg2[%get3A_14, %get3A_15, %get3A_16] : memref<2x2000x128xf32, #tpu.memory_space<vmem>>, vector<1x2000x128xf32>
    %get3A_18 = vector.shape_cast %get3A_17 : vector<1x2000x128xf32> to vector<2000x128xf32>
    %add3A_19 = arith.addf %add3A_13, %get3A_18 : vector<2000x128xf32>
    %get3A_20 = arith.constant 0 : index
    %get3A_21 = arith.constant 0 : index
    %get3A_22 = vector.load %arg4[%get3A_20, %get3A_21] : memref<128x128xf32, #tpu.memory_space<vmem>>, vector<128x128xf32>
    %dot_general3A = arith.constant dense<0.000000e+00> : vector<2000x128xf32>
    %dot_general3A_23 = tpu.matmul %add3A_19, %get3A_22, %dot_general3A {dimension_numbers = #tpu.dot_dimension_numbers<[1], [0], [0], [1], [0, 0, 1, 1], [], []>, transpose_lhs_hint = false} : vector<2000x128xf32>, vector<128x128xf32>, vector<2000x128xf32> -> vector<2000x128xf32>
    %get3A_24 = arith.constant 0 : index
    %get3A_25 = arith.constant 0 : index
    %get3A_26 = vector.load %arg5[%get3A_24, %get3A_25] : memref<1x128xf32, #tpu.memory_space<vmem>>, vector<1x128xf32>
    %add3A_27 = vector.broadcast %get3A_26 : vector<1x128xf32> to vector<2000x128xf32>
    %add3A_28 = arith.addf %dot_general3A_23, %add3A_27 : vector<2000x128xf32>
    %bitcast_convert_type3A = tpu.bitcast %add3A_28 : vector<2000x128xf32> -> vector<2000x128xi32>
    %ge3A = arith.constant 0 : i32
    %ge3A_29 = vector.broadcast %ge3A : i32 to vector<2000x128xi32>
    %ge3A_30 = arith.cmpi sge, %bitcast_convert_type3A, %ge3A_29 : vector<2000x128xi32>
    %not3A = arith.constant dense<-1> : vector<2000x128xi32>
    %not3A_31 = arith.xori %bitcast_convert_type3A, %not3A : vector<2000x128xi32>
    %xor3A = arith.constant -2147483648 : i32
    %xor3A_32 = vector.broadcast %xor3A : i32 to vector<2000x128xi32>
    %xor3A_33 = arith.xori %not3A_31, %xor3A_32 : vector<2000x128xi32>
    %select_n3A = arith.select %ge3A_30, %bitcast_convert_type3A, %xor3A_33 : vector<2000x128xi1>, vector<2000x128xi32>
    %broadcast_in_dim3A = arith.constant 1.000000e+00 : f32
    %broadcast_in_dim3A_34 = vector.broadcast %broadcast_in_dim3A : f32 to vector<128x128xf32>
    %broadcast_in_dim3A_35 = arith.constant 0 : i32
    %broadcast_in_dim3A_36 = vector.broadcast %broadcast_in_dim3A_35 : i32 to vector<2000x128xi32>
    %or3A = arith.constant -2147483648 : i32
    %or3A_37 = vector.broadcast %or3A : i32 to vector<2000x128xi32>
    %or3A_38 = arith.ori %broadcast_in_dim3A_36, %or3A_37 : vector<2000x128xi32>
    %xor3A_39 = arith.constant -2147483648 : i32
    %xor3A_40 = vector.broadcast %xor3A_39 : i32 to vector<2000x128xi32>
    %xor3A_41 = arith.xori %or3A_38, %xor3A_40 : vector<2000x128xi32>
    %ge3A_42 = arith.cmpi sge, %select_n3A, %xor3A_41 : vector<2000x128xi32>
    %jit3A = arith.constant 1.000000e+00 : f32
    %jit3A_43 = arith.constant 0.000000e+00 : f32
    %broadcast_in_dim3A_44 = vector.broadcast %jit3A : f32 to vector<2000x128xf32>
    %broadcast_in_dim3A_45 = vector.broadcast %jit3A_43 : f32 to vector<2000x128xf32>
    %select_n3A_46 = arith.select %ge3A_42, %broadcast_in_dim3A_44, %broadcast_in_dim3A_45 : vector<2000x128xi1>, vector<2000x128xf32>
    %dot_general3A_47 = arith.constant dense<0.000000e+00> : vector<2000x128xf32>
    %dot_general3A_48 = tpu.matmul %select_n3A_46, %broadcast_in_dim3A_34, %dot_general3A_47 {dimension_numbers = #tpu.dot_dimension_numbers<[1], [0], [0], [1], [0, 0, 1, 1], [], []>, transpose_lhs_hint = false} : vector<2000x128xf32>, vector<128x128xf32>, vector<2000x128xf32> -> vector<2000x128xf32>
    %ge3A_49 = arith.constant 3.200000e+01 : f32
    %ge3A_50 = vector.broadcast %ge3A_49 : f32 to vector<2000x128xf32>
    %ge3A_51 = arith.cmpf oge, %dot_general3A_48, %ge3A_50 : vector<2000x128xf32>
    %select_n3A_52 = arith.select %ge3A_51, %or3A_38, %broadcast_in_dim3A_36 : vector<2000x128xi1>, vector<2000x128xi32>
    %or3A_53 = arith.constant 1073741824 : i32
    %or3A_54 = vector.broadcast %or3A_53 : i32 to vector<2000x128xi32>
    %or3A_55 = arith.ori %select_n3A_52, %or3A_54 : vector<2000x128xi32>
    %xor3A_56 = arith.constant -2147483648 : i32
    %xor3A_57 = vector.broadcast %xor3A_56 : i32 to vector<2000x128xi32>
    %xor3A_58 = arith.xori %or3A_55, %xor3A_57 : vector<2000x128xi32>
    %ge3A_59 = arith.cmpi sge, %select_n3A, %xor3A_58 : vector<2000x128xi32>
    %jit3A_60 = arith.constant 1.000000e+00 : f32
    %jit3A_61 = arith.constant 0.000000e+00 : f32
    %broadcast_in_dim3A_62 = vector.broadcast %jit3A_60 : f32 to vector<2000x128xf32>
    %broadcast_in_dim3A_63 = vector.broadcast %jit3A_61 : f32 to vector<2000x128xf32>
    %select_n3A_64 = arith.select %ge3A_59, %broadcast_in_dim3A_62, %broadcast_in_dim3A_63 : vector<2000x128xi1>, vector<2000x128xf32>
    %dot_general3A_65 = arith.constant dense<0.000000e+00> : vector<2000x128xf32>
    %dot_general3A_66 = tpu.matmul %select_n3A_64, %broadcast_in_dim3A_34, %dot_general3A_65 {dimension_numbers = #tpu.dot_dimension_numbers<[1], [0], [0], [1], [0, 0, 1, 1], [], []>, transpose_lhs_hint = false} : vector<2000x128xf32>, vector<128x128xf32>, vector<2000x128xf32> -> vector<2000x128xf32>
    %ge3A_67 = arith.constant 3.200000e+01 : f32
    %ge3A_68 = vector.broadcast %ge3A_67 : f32 to vector<2000x128xf32>
    %ge3A_69 = arith.cmpf oge, %dot_general3A_66, %ge3A_68 : vector<2000x128xf32>
    %select_n3A_70 = arith.select %ge3A_69, %or3A_55, %select_n3A_52 : vector<2000x128xi1>, vector<2000x128xi32>
    %or3A_71 = arith.constant 536870912 : i32
    %or3A_72 = vector.broadcast %or3A_71 : i32 to vector<2000x128xi32>
    %or3A_73 = arith.ori %select_n3A_70, %or3A_72 : vector<2000x128xi32>
    %xor3A_74 = arith.constant -2147483648 : i32
    %xor3A_75 = vector.broadcast %xor3A_74 : i32 to vector<2000x128xi32>
    %xor3A_76 = arith.xori %or3A_73, %xor3A_75 : vector<2000x128xi32>
    %ge3A_77 = arith.cmpi sge, %select_n3A, %xor3A_76 : vector<2000x128xi32>
    %jit3A_78 = arith.constant 1.000000e+00 : f32
    %jit3A_79 = arith.constant 0.000000e+00 : f32
    %broadcast_in_dim3A_80 = vector.broadcast %jit3A_78 : f32 to vector<2000x128xf32>
    %broadcast_in_dim3A_81 = vector.broadcast %jit3A_79 : f32 to vector<2000x128xf32>
    %select_n3A_82 = arith.select %ge3A_77, %broadcast_in_dim3A_80, %broadcast_in_dim3A_81 : vector<2000x128xi1>, vector<2000x128xf32>
    %dot_general3A_83 = arith.constant dense<0.000000e+00> : vector<2000x128xf32>
    %dot_general3A_84 = tpu.matmul %select_n3A_82, %broadcast_in_dim3A_34, %dot_general3A_83 {dimension_numbers = #tpu.dot_dimension_numbers<[1], [0], [0], [1], [0, 0, 1, 1], [], []>, transpose_lhs_hint = false} : vector<2000x128xf32>, vector<128x128xf32>, vector<2000x128xf32> -> vector<2000x128xf32>
    %ge3A_85 = arith.constant 3.200000e+01 : f32
    %ge3A_86 = vector.broadcast %ge3A_85 : f32 to vector<2000x128xf32>
    %ge3A_87 = arith.cmpf oge, %dot_general3A_84, %ge3A_86 : vector<2000x128xf32>
    %select_n3A_88 = arith.select %ge3A_87, %or3A_73, %select_n3A_70 : vector<2000x128xi1>, vector<2000x128xi32>
    %or3A_89 = arith.constant 268435456 : i32
    %or3A_90 = vector.broadcast %or3A_89 : i32 to vector<2000x128xi32>
    %or3A_91 = arith.ori %select_n3A_88, %or3A_90 : vector<2000x128xi32>
    %xor3A_92 = arith.constant -2147483648 : i32
    %xor3A_93 = vector.broadcast %xor3A_92 : i32 to vector<2000x128xi32>
    %xor3A_94 = arith.xori %or3A_91, %xor3A_93 : vector<2000x128xi32>
    %ge3A_95 = arith.cmpi sge, %select_n3A, %xor3A_94 : vector<2000x128xi32>
    %jit3A_96 = arith.constant 1.000000e+00 : f32
    %jit3A_97 = arith.constant 0.000000e+00 : f32
    %broadcast_in_dim3A_98 = vector.broadcast %jit3A_96 : f32 to vector<2000x128xf32>
    %broadcast_in_dim3A_99 = vector.broadcast %jit3A_97 : f32 to vector<2000x128xf32>
    %select_n3A_100 = arith.select %ge3A_95, %broadcast_in_dim3A_98, %broadcast_in_dim3A_99 : vector<2000x128xi1>, vector<2000x128xf32>
    %dot_general3A_101 = arith.constant dense<0.000000e+00> : vector<2000x128xf32>
    %dot_general3A_102 = tpu.matmul %select_n3A_100, %broadcast_in_dim3A_34, %dot_general3A_101 {dimension_numbers = #tpu.dot_dimension_numbers<[1], [0], [0], [1], [0, 0, 1, 1], [], []>, transpose_lhs_hint = false} : vector<2000x128xf32>, vector<128x128xf32>, vector<2000x128xf32> -> vector<2000x128xf32>
    %ge3A_103 = arith.constant 3.200000e+01 : f32
    %ge3A_104 = vector.broadcast %ge3A_103 : f32 to vector<2000x128xf32>
    %ge3A_105 = arith.cmpf oge, %dot_general3A_102, %ge3A_104 : vector<2000x128xf32>
    %select_n3A_106 = arith.select %ge3A_105, %or3A_91, %select_n3A_88 : vector<2000x128xi1>, vector<2000x128xi32>
    %or3A_107 = arith.constant 134217728 : i32
    %or3A_108 = vector.broadcast %or3A_107 : i32 to vector<2000x128xi32>
    %or3A_109 = arith.ori %select_n3A_106, %or3A_108 : vector<2000x128xi32>
    %xor3A_110 = arith.constant -2147483648 : i32
    %xor3A_111 = vector.broadcast %xor3A_110 : i32 to vector<2000x128xi32>
    %xor3A_112 = arith.xori %or3A_109, %xor3A_111 : vector<2000x128xi32>
    %ge3A_113 = arith.cmpi sge, %select_n3A, %xor3A_112 : vector<2000x128xi32>
    %jit3A_114 = arith.constant 1.000000e+00 : f32
    %jit3A_115 = arith.constant 0.000000e+00 : f32
    %broadcast_in_dim3A_116 = vector.broadcast %jit3A_114 : f32 to vector<2000x128xf32>
    %broadcast_in_dim3A_117 = vector.broadcast %jit3A_115 : f32 to vector<2000x128xf32>
    %select_n3A_118 = arith.select %ge3A_113, %broadcast_in_dim3A_116, %broadcast_in_dim3A_117 : vector<2000x128xi1>, vector<2000x128xf32>
    %dot_general3A_119 = arith.constant dense<0.000000e+00> : vector<2000x128xf32>
    %dot_general3A_120 = tpu.matmul %select_n3A_118, %broadcast_in_dim3A_34, %dot_general3A_119 {dimension_numbers = #tpu.dot_dimension_numbers<[1], [0], [0], [1], [0, 0, 1, 1], [], []>, transpose_lhs_hint = false} : vector<2000x128xf32>, vector<128x128xf32>, vector<2000x128xf32> -> vector<2000x128xf32>
    %ge3A_121 = arith.constant 3.200000e+01 : f32
    %ge3A_122 = vector.broadcast %ge3A_121 : f32 to vector<2000x128xf32>
    %ge3A_123 = arith.cmpf oge, %dot_general3A_120, %ge3A_122 : vector<2000x128xf32>
    %select_n3A_124 = arith.select %ge3A_123, %or3A_109, %select_n3A_106 : vector<2000x128xi1>, vector<2000x128xi32>
    %or3A_125 = arith.constant 67108864 : i32
    %or3A_126 = vector.broadcast %or3A_125 : i32 to vector<2000x128xi32>
    %or3A_127 = arith.ori %select_n3A_124, %or3A_126 : vector<2000x128xi32>
    %xor3A_128 = arith.constant -2147483648 : i32
    %xor3A_129 = vector.broadcast %xor3A_128 : i32 to vector<2000x128xi32>
    %xor3A_130 = arith.xori %or3A_127, %xor3A_129 : vector<2000x128xi32>
    %ge3A_131 = arith.cmpi sge, %select_n3A, %xor3A_130 : vector<2000x128xi32>
    %jit3A_132 = arith.constant 1.000000e+00 : f32
    %jit3A_133 = arith.constant 0.000000e+00 : f32
    %broadcast_in_dim3A_134 = vector.broadcast %jit3A_132 : f32 to vector<2000x128xf32>
    %broadcast_in_dim3A_135 = vector.broadcast %jit3A_133 : f32 to vector<2000x128xf32>
    %select_n3A_136 = arith.select %ge3A_131, %broadcast_in_dim3A_134, %broadcast_in_dim3A_135 : vector<2000x128xi1>, vector<2000x128xf32>
    %dot_general3A_137 = arith.constant dense<0.000000e+00> : vector<2000x128xf32>
    %dot_general3A_138 = tpu.matmul %select_n3A_136, %broadcast_in_dim3A_34, %dot_general3A_137 {dimension_numbers = #tpu.dot_dimension_numbers<[1], [0], [0], [1], [0, 0, 1, 1], [], []>, transpose_lhs_hint = false} : vector<2000x128xf32>, vector<128x128xf32>, vector<2000x128xf32> -> vector<2000x128xf32>
    %ge3A_139 = arith.constant 3.200000e+01 : f32
    %ge3A_140 = vector.broadcast %ge3A_139 : f32 to vector<2000x128xf32>
    %ge3A_141 = arith.cmpf oge, %dot_general3A_138, %ge3A_140 : vector<2000x128xf32>
    %select_n3A_142 = arith.select %ge3A_141, %or3A_127, %select_n3A_124 : vector<2000x128xi1>, vector<2000x128xi32>
    %or3A_143 = arith.constant 33554432 : i32
    %or3A_144 = vector.broadcast %or3A_143 : i32 to vector<2000x128xi32>
    %or3A_145 = arith.ori %select_n3A_142, %or3A_144 : vector<2000x128xi32>
    %xor3A_146 = arith.constant -2147483648 : i32
    %xor3A_147 = vector.broadcast %xor3A_146 : i32 to vector<2000x128xi32>
    %xor3A_148 = arith.xori %or3A_145, %xor3A_147 : vector<2000x128xi32>
    %ge3A_149 = arith.cmpi sge, %select_n3A, %xor3A_148 : vector<2000x128xi32>
    %jit3A_150 = arith.constant 1.000000e+00 : f32
    %jit3A_151 = arith.constant 0.000000e+00 : f32
    %broadcast_in_dim3A_152 = vector.broadcast %jit3A_150 : f32 to vector<2000x128xf32>
    %broadcast_in_dim3A_153 = vector.broadcast %jit3A_151 : f32 to vector<2000x128xf32>
    %select_n3A_154 = arith.select %ge3A_149, %broadcast_in_dim3A_152, %broadcast_in_dim3A_153 : vector<2000x128xi1>, vector<2000x128xf32>
    %dot_general3A_155 = arith.constant dense<0.000000e+00> : vector<2000x128xf32>
    %dot_general3A_156 = tpu.matmul %select_n3A_154, %broadcast_in_dim3A_34, %dot_general3A_155 {dimension_numbers = #tpu.dot_dimension_numbers<[1], [0], [0], [1], [0, 0, 1, 1], [], []>, transpose_lhs_hint = false} : vector<2000x128xf32>, vector<128x128xf32>, vector<2000x128xf32> -> vector<2000x128xf32>
    %ge3A_157 = arith.constant 3.200000e+01 : f32
    %ge3A_158 = vector.broadcast %ge3A_157 : f32 to vector<2000x128xf32>
    %ge3A_159 = arith.cmpf oge, %dot_general3A_156, %ge3A_158 : vector<2000x128xf32>
    %select_n3A_160 = arith.select %ge3A_159, %or3A_145, %select_n3A_142 : vector<2000x128xi1>, vector<2000x128xi32>
    %or3A_161 = arith.constant 16777216 : i32
    %or3A_162 = vector.broadcast %or3A_161 : i32 to vector<2000x128xi32>
    %or3A_163 = arith.ori %select_n3A_160, %or3A_162 : vector<2000x128xi32>
    %xor3A_164 = arith.constant -2147483648 : i32
    %xor3A_165 = vector.broadcast %xor3A_164 : i32 to vector<2000x128xi32>
    %xor3A_166 = arith.xori %or3A_163, %xor3A_165 : vector<2000x128xi32>
    %ge3A_167 = arith.cmpi sge, %select_n3A, %xor3A_166 : vector<2000x128xi32>
    %jit3A_168 = arith.constant 1.000000e+00 : f32
    %jit3A_169 = arith.constant 0.000000e+00 : f32
    %broadcast_in_dim3A_170 = vector.broadcast %jit3A_168 : f32 to vector<2000x128xf32>
    %broadcast_in_dim3A_171 = vector.broadcast %jit3A_169 : f32 to vector<2000x128xf32>
    %select_n3A_172 = arith.select %ge3A_167, %broadcast_in_dim3A_170, %broadcast_in_dim3A_171 : vector<2000x128xi1>, vector<2000x128xf32>
    %dot_general3A_173 = arith.constant dense<0.000000e+00> : vector<2000x128xf32>
    %dot_general3A_174 = tpu.matmul %select_n3A_172, %broadcast_in_dim3A_34, %dot_general3A_173 {dimension_numbers = #tpu.dot_dimension_numbers<[1], [0], [0], [1], [0, 0, 1, 1], [], []>, transpose_lhs_hint = false} : vector<2000x128xf32>, vector<128x128xf32>, vector<2000x128xf32> -> vector<2000x128xf32>
    %ge3A_175 = arith.constant 3.200000e+01 : f32
    %ge3A_176 = vector.broadcast %ge3A_175 : f32 to vector<2000x128xf32>
    %ge3A_177 = arith.cmpf oge, %dot_general3A_174, %ge3A_176 : vector<2000x128xf32>
    %select_n3A_178 = arith.select %ge3A_177, %or3A_163, %select_n3A_160 : vector<2000x128xi1>, vector<2000x128xi32>
    %or3A_179 = arith.constant 8388608 : i32
    %or3A_180 = vector.broadcast %or3A_179 : i32 to vector<2000x128xi32>
    %or3A_181 = arith.ori %select_n3A_178, %or3A_180 : vector<2000x128xi32>
    %xor3A_182 = arith.constant -2147483648 : i32
    %xor3A_183 = vector.broadcast %xor3A_182 : i32 to vector<2000x128xi32>
    %xor3A_184 = arith.xori %or3A_181, %xor3A_183 : vector<2000x128xi32>
    %ge3A_185 = arith.cmpi sge, %select_n3A, %xor3A_184 : vector<2000x128xi32>
    %jit3A_186 = arith.constant 1.000000e+00 : f32
    %jit3A_187 = arith.constant 0.000000e+00 : f32
    %broadcast_in_dim3A_188 = vector.broadcast %jit3A_186 : f32 to vector<2000x128xf32>
    %broadcast_in_dim3A_189 = vector.broadcast %jit3A_187 : f32 to vector<2000x128xf32>
    %select_n3A_190 = arith.select %ge3A_185, %broadcast_in_dim3A_188, %broadcast_in_dim3A_189 : vector<2000x128xi1>, vector<2000x128xf32>
    %dot_general3A_191 = arith.constant dense<0.000000e+00> : vector<2000x128xf32>
    %dot_general3A_192 = tpu.matmul %select_n3A_190, %broadcast_in_dim3A_34, %dot_general3A_191 {dimension_numbers = #tpu.dot_dimension_numbers<[1], [0], [0], [1], [0, 0, 1, 1], [], []>, transpose_lhs_hint = false} : vector<2000x128xf32>, vector<128x128xf32>, vector<2000x128xf32> -> vector<2000x128xf32>
    %ge3A_193 = arith.constant 3.200000e+01 : f32
    %ge3A_194 = vector.broadcast %ge3A_193 : f32 to vector<2000x128xf32>
    %ge3A_195 = arith.cmpf oge, %dot_general3A_192, %ge3A_194 : vector<2000x128xf32>
    %select_n3A_196 = arith.select %ge3A_195, %or3A_181, %select_n3A_178 : vector<2000x128xi1>, vector<2000x128xi32>
    %or3A_197 = arith.constant 4194304 : i32
    %or3A_198 = vector.broadcast %or3A_197 : i32 to vector<2000x128xi32>
    %or3A_199 = arith.ori %select_n3A_196, %or3A_198 : vector<2000x128xi32>
    %xor3A_200 = arith.constant -2147483648 : i32
    %xor3A_201 = vector.broadcast %xor3A_200 : i32 to vector<2000x128xi32>
    %xor3A_202 = arith.xori %or3A_199, %xor3A_201 : vector<2000x128xi32>
    %ge3A_203 = arith.cmpi sge, %select_n3A, %xor3A_202 : vector<2000x128xi32>
    %jit3A_204 = arith.constant 1.000000e+00 : f32
    %jit3A_205 = arith.constant 0.000000e+00 : f32
    %broadcast_in_dim3A_206 = vector.broadcast %jit3A_204 : f32 to vector<2000x128xf32>
    %broadcast_in_dim3A_207 = vector.broadcast %jit3A_205 : f32 to vector<2000x128xf32>
    %select_n3A_208 = arith.select %ge3A_203, %broadcast_in_dim3A_206, %broadcast_in_dim3A_207 : vector<2000x128xi1>, vector<2000x128xf32>
    %dot_general3A_209 = arith.constant dense<0.000000e+00> : vector<2000x128xf32>
    %dot_general3A_210 = tpu.matmul %select_n3A_208, %broadcast_in_dim3A_34, %dot_general3A_209 {dimension_numbers = #tpu.dot_dimension_numbers<[1], [0], [0], [1], [0, 0, 1, 1], [], []>, transpose_lhs_hint = false} : vector<2000x128xf32>, vector<128x128xf32>, vector<2000x128xf32> -> vector<2000x128xf32>
    %ge3A_211 = arith.constant 3.200000e+01 : f32
    %ge3A_212 = vector.broadcast %ge3A_211 : f32 to vector<2000x128xf32>
    %ge3A_213 = arith.cmpf oge, %dot_general3A_210, %ge3A_212 : vector<2000x128xf32>
    %select_n3A_214 = arith.select %ge3A_213, %or3A_199, %select_n3A_196 : vector<2000x128xi1>, vector<2000x128xi32>
    %or3A_215 = arith.constant 2097152 : i32
    %or3A_216 = vector.broadcast %or3A_215 : i32 to vector<2000x128xi32>
    %or3A_217 = arith.ori %select_n3A_214, %or3A_216 : vector<2000x128xi32>
    %xor3A_218 = arith.constant -2147483648 : i32
    %xor3A_219 = vector.broadcast %xor3A_218 : i32 to vector<2000x128xi32>
    %xor3A_220 = arith.xori %or3A_217, %xor3A_219 : vector<2000x128xi32>
    %ge3A_221 = arith.cmpi sge, %select_n3A, %xor3A_220 : vector<2000x128xi32>
    %jit3A_222 = arith.constant 1.000000e+00 : f32
    %jit3A_223 = arith.constant 0.000000e+00 : f32
    %broadcast_in_dim3A_224 = vector.broadcast %jit3A_222 : f32 to vector<2000x128xf32>
    %broadcast_in_dim3A_225 = vector.broadcast %jit3A_223 : f32 to vector<2000x128xf32>
    %select_n3A_226 = arith.select %ge3A_221, %broadcast_in_dim3A_224, %broadcast_in_dim3A_225 : vector<2000x128xi1>, vector<2000x128xf32>
    %dot_general3A_227 = arith.constant dense<0.000000e+00> : vector<2000x128xf32>
    %dot_general3A_228 = tpu.matmul %select_n3A_226, %broadcast_in_dim3A_34, %dot_general3A_227 {dimension_numbers = #tpu.dot_dimension_numbers<[1], [0], [0], [1], [0, 0, 1, 1], [], []>, transpose_lhs_hint = false} : vector<2000x128xf32>, vector<128x128xf32>, vector<2000x128xf32> -> vector<2000x128xf32>
    %ge3A_229 = arith.constant 3.200000e+01 : f32
    %ge3A_230 = vector.broadcast %ge3A_229 : f32 to vector<2000x128xf32>
    %ge3A_231 = arith.cmpf oge, %dot_general3A_228, %ge3A_230 : vector<2000x128xf32>
    %select_n3A_232 = arith.select %ge3A_231, %or3A_217, %select_n3A_214 : vector<2000x128xi1>, vector<2000x128xi32>
    %or3A_233 = arith.constant 1048576 : i32
    %or3A_234 = vector.broadcast %or3A_233 : i32 to vector<2000x128xi32>
    %or3A_235 = arith.ori %select_n3A_232, %or3A_234 : vector<2000x128xi32>
    %xor3A_236 = arith.constant -2147483648 : i32
    %xor3A_237 = vector.broadcast %xor3A_236 : i32 to vector<2000x128xi32>
    %xor3A_238 = arith.xori %or3A_235, %xor3A_237 : vector<2000x128xi32>
    %ge3A_239 = arith.cmpi sge, %select_n3A, %xor3A_238 : vector<2000x128xi32>
    %jit3A_240 = arith.constant 1.000000e+00 : f32
    %jit3A_241 = arith.constant 0.000000e+00 : f32
    %broadcast_in_dim3A_242 = vector.broadcast %jit3A_240 : f32 to vector<2000x128xf32>
    %broadcast_in_dim3A_243 = vector.broadcast %jit3A_241 : f32 to vector<2000x128xf32>
    %select_n3A_244 = arith.select %ge3A_239, %broadcast_in_dim3A_242, %broadcast_in_dim3A_243 : vector<2000x128xi1>, vector<2000x128xf32>
    %dot_general3A_245 = arith.constant dense<0.000000e+00> : vector<2000x128xf32>
    %dot_general3A_246 = tpu.matmul %select_n3A_244, %broadcast_in_dim3A_34, %dot_general3A_245 {dimension_numbers = #tpu.dot_dimension_numbers<[1], [0], [0], [1], [0, 0, 1, 1], [], []>, transpose_lhs_hint = false} : vector<2000x128xf32>, vector<128x128xf32>, vector<2000x128xf32> -> vector<2000x128xf32>
    %ge3A_247 = arith.constant 3.200000e+01 : f32
    %ge3A_248 = vector.broadcast %ge3A_247 : f32 to vector<2000x128xf32>
    %ge3A_249 = arith.cmpf oge, %dot_general3A_246, %ge3A_248 : vector<2000x128xf32>
    %select_n3A_250 = arith.select %ge3A_249, %or3A_235, %select_n3A_232 : vector<2000x128xi1>, vector<2000x128xi32>
    %or3A_251 = arith.constant 524288 : i32
    %or3A_252 = vector.broadcast %or3A_251 : i32 to vector<2000x128xi32>
    %or3A_253 = arith.ori %select_n3A_250, %or3A_252 : vector<2000x128xi32>
    %xor3A_254 = arith.constant -2147483648 : i32
    %xor3A_255 = vector.broadcast %xor3A_254 : i32 to vector<2000x128xi32>
    %xor3A_256 = arith.xori %or3A_253, %xor3A_255 : vector<2000x128xi32>
    %ge3A_257 = arith.cmpi sge, %select_n3A, %xor3A_256 : vector<2000x128xi32>
    %jit3A_258 = arith.constant 1.000000e+00 : f32
    %jit3A_259 = arith.constant 0.000000e+00 : f32
    %broadcast_in_dim3A_260 = vector.broadcast %jit3A_258 : f32 to vector<2000x128xf32>
    %broadcast_in_dim3A_261 = vector.broadcast %jit3A_259 : f32 to vector<2000x128xf32>
    %select_n3A_262 = arith.select %ge3A_257, %broadcast_in_dim3A_260, %broadcast_in_dim3A_261 : vector<2000x128xi1>, vector<2000x128xf32>
    %dot_general3A_263 = arith.constant dense<0.000000e+00> : vector<2000x128xf32>
    %dot_general3A_264 = tpu.matmul %select_n3A_262, %broadcast_in_dim3A_34, %dot_general3A_263 {dimension_numbers = #tpu.dot_dimension_numbers<[1], [0], [0], [1], [0, 0, 1, 1], [], []>, transpose_lhs_hint = false} : vector<2000x128xf32>, vector<128x128xf32>, vector<2000x128xf32> -> vector<2000x128xf32>
    %ge3A_265 = arith.constant 3.200000e+01 : f32
    %ge3A_266 = vector.broadcast %ge3A_265 : f32 to vector<2000x128xf32>
    %ge3A_267 = arith.cmpf oge, %dot_general3A_264, %ge3A_266 : vector<2000x128xf32>
    %select_n3A_268 = arith.select %ge3A_267, %or3A_253, %select_n3A_250 : vector<2000x128xi1>, vector<2000x128xi32>
    %or3A_269 = arith.constant 262144 : i32
    %or3A_270 = vector.broadcast %or3A_269 : i32 to vector<2000x128xi32>
    %or3A_271 = arith.ori %select_n3A_268, %or3A_270 : vector<2000x128xi32>
    %xor3A_272 = arith.constant -2147483648 : i32
    %xor3A_273 = vector.broadcast %xor3A_272 : i32 to vector<2000x128xi32>
    %xor3A_274 = arith.xori %or3A_271, %xor3A_273 : vector<2000x128xi32>
    %ge3A_275 = arith.cmpi sge, %select_n3A, %xor3A_274 : vector<2000x128xi32>
    %jit3A_276 = arith.constant 1.000000e+00 : f32
    %jit3A_277 = arith.constant 0.000000e+00 : f32
    %broadcast_in_dim3A_278 = vector.broadcast %jit3A_276 : f32 to vector<2000x128xf32>
    %broadcast_in_dim3A_279 = vector.broadcast %jit3A_277 : f32 to vector<2000x128xf32>
    %select_n3A_280 = arith.select %ge3A_275, %broadcast_in_dim3A_278, %broadcast_in_dim3A_279 : vector<2000x128xi1>, vector<2000x128xf32>
    %dot_general3A_281 = arith.constant dense<0.000000e+00> : vector<2000x128xf32>
    %dot_general3A_282 = tpu.matmul %select_n3A_280, %broadcast_in_dim3A_34, %dot_general3A_281 {dimension_numbers = #tpu.dot_dimension_numbers<[1], [0], [0], [1], [0, 0, 1, 1], [], []>, transpose_lhs_hint = false} : vector<2000x128xf32>, vector<128x128xf32>, vector<2000x128xf32> -> vector<2000x128xf32>
    %ge3A_283 = arith.constant 3.200000e+01 : f32
    %ge3A_284 = vector.broadcast %ge3A_283 : f32 to vector<2000x128xf32>
    %ge3A_285 = arith.cmpf oge, %dot_general3A_282, %ge3A_284 : vector<2000x128xf32>
    %select_n3A_286 = arith.select %ge3A_285, %or3A_271, %select_n3A_268 : vector<2000x128xi1>, vector<2000x128xi32>
    %or3A_287 = arith.constant 131072 : i32
    %or3A_288 = vector.broadcast %or3A_287 : i32 to vector<2000x128xi32>
    %or3A_289 = arith.ori %select_n3A_286, %or3A_288 : vector<2000x128xi32>
    %xor3A_290 = arith.constant -2147483648 : i32
    %xor3A_291 = vector.broadcast %xor3A_290 : i32 to vector<2000x128xi32>
    %xor3A_292 = arith.xori %or3A_289, %xor3A_291 : vector<2000x128xi32>
    %ge3A_293 = arith.cmpi sge, %select_n3A, %xor3A_292 : vector<2000x128xi32>
    %jit3A_294 = arith.constant 1.000000e+00 : f32
    %jit3A_295 = arith.constant 0.000000e+00 : f32
    %broadcast_in_dim3A_296 = vector.broadcast %jit3A_294 : f32 to vector<2000x128xf32>
    %broadcast_in_dim3A_297 = vector.broadcast %jit3A_295 : f32 to vector<2000x128xf32>
    %select_n3A_298 = arith.select %ge3A_293, %broadcast_in_dim3A_296, %broadcast_in_dim3A_297 : vector<2000x128xi1>, vector<2000x128xf32>
    %dot_general3A_299 = arith.constant dense<0.000000e+00> : vector<2000x128xf32>
    %dot_general3A_300 = tpu.matmul %select_n3A_298, %broadcast_in_dim3A_34, %dot_general3A_299 {dimension_numbers = #tpu.dot_dimension_numbers<[1], [0], [0], [1], [0, 0, 1, 1], [], []>, transpose_lhs_hint = false} : vector<2000x128xf32>, vector<128x128xf32>, vector<2000x128xf32> -> vector<2000x128xf32>
    %ge3A_301 = arith.constant 3.200000e+01 : f32
    %ge3A_302 = vector.broadcast %ge3A_301 : f32 to vector<2000x128xf32>
    %ge3A_303 = arith.cmpf oge, %dot_general3A_300, %ge3A_302 : vector<2000x128xf32>
    %select_n3A_304 = arith.select %ge3A_303, %or3A_289, %select_n3A_286 : vector<2000x128xi1>, vector<2000x128xi32>
    %or3A_305 = arith.constant 65536 : i32
    %or3A_306 = vector.broadcast %or3A_305 : i32 to vector<2000x128xi32>
    %or3A_307 = arith.ori %select_n3A_304, %or3A_306 : vector<2000x128xi32>
    %xor3A_308 = arith.constant -2147483648 : i32
    %xor3A_309 = vector.broadcast %xor3A_308 : i32 to vector<2000x128xi32>
    %xor3A_310 = arith.xori %or3A_307, %xor3A_309 : vector<2000x128xi32>
    %ge3A_311 = arith.cmpi sge, %select_n3A, %xor3A_310 : vector<2000x128xi32>
    %jit3A_312 = arith.constant 1.000000e+00 : f32
    %jit3A_313 = arith.constant 0.000000e+00 : f32
    %broadcast_in_dim3A_314 = vector.broadcast %jit3A_312 : f32 to vector<2000x128xf32>
    %broadcast_in_dim3A_315 = vector.broadcast %jit3A_313 : f32 to vector<2000x128xf32>
    %select_n3A_316 = arith.select %ge3A_311, %broadcast_in_dim3A_314, %broadcast_in_dim3A_315 : vector<2000x128xi1>, vector<2000x128xf32>
    %dot_general3A_317 = arith.constant dense<0.000000e+00> : vector<2000x128xf32>
    %dot_general3A_318 = tpu.matmul %select_n3A_316, %broadcast_in_dim3A_34, %dot_general3A_317 {dimension_numbers = #tpu.dot_dimension_numbers<[1], [0], [0], [1], [0, 0, 1, 1], [], []>, transpose_lhs_hint = false} : vector<2000x128xf32>, vector<128x128xf32>, vector<2000x128xf32> -> vector<2000x128xf32>
    %ge3A_319 = arith.constant 3.200000e+01 : f32
    %ge3A_320 = vector.broadcast %ge3A_319 : f32 to vector<2000x128xf32>
    %ge3A_321 = arith.cmpf oge, %dot_general3A_318, %ge3A_320 : vector<2000x128xf32>
    %select_n3A_322 = arith.select %ge3A_321, %or3A_307, %select_n3A_304 : vector<2000x128xi1>, vector<2000x128xi32>
    %or3A_323 = arith.constant 32768 : i32
    %or3A_324 = vector.broadcast %or3A_323 : i32 to vector<2000x128xi32>
    %or3A_325 = arith.ori %select_n3A_322, %or3A_324 : vector<2000x128xi32>
    %xor3A_326 = arith.constant -2147483648 : i32
    %xor3A_327 = vector.broadcast %xor3A_326 : i32 to vector<2000x128xi32>
    %xor3A_328 = arith.xori %or3A_325, %xor3A_327 : vector<2000x128xi32>
    %ge3A_329 = arith.cmpi sge, %select_n3A, %xor3A_328 : vector<2000x128xi32>
    %jit3A_330 = arith.constant 1.000000e+00 : f32
    %jit3A_331 = arith.constant 0.000000e+00 : f32
    %broadcast_in_dim3A_332 = vector.broadcast %jit3A_330 : f32 to vector<2000x128xf32>
    %broadcast_in_dim3A_333 = vector.broadcast %jit3A_331 : f32 to vector<2000x128xf32>
    %select_n3A_334 = arith.select %ge3A_329, %broadcast_in_dim3A_332, %broadcast_in_dim3A_333 : vector<2000x128xi1>, vector<2000x128xf32>
    %dot_general3A_335 = arith.constant dense<0.000000e+00> : vector<2000x128xf32>
    %dot_general3A_336 = tpu.matmul %select_n3A_334, %broadcast_in_dim3A_34, %dot_general3A_335 {dimension_numbers = #tpu.dot_dimension_numbers<[1], [0], [0], [1], [0, 0, 1, 1], [], []>, transpose_lhs_hint = false} : vector<2000x128xf32>, vector<128x128xf32>, vector<2000x128xf32> -> vector<2000x128xf32>
    %ge3A_337 = arith.constant 3.200000e+01 : f32
    %ge3A_338 = vector.broadcast %ge3A_337 : f32 to vector<2000x128xf32>
    %ge3A_339 = arith.cmpf oge, %dot_general3A_336, %ge3A_338 : vector<2000x128xf32>
    %select_n3A_340 = arith.select %ge3A_339, %or3A_325, %select_n3A_322 : vector<2000x128xi1>, vector<2000x128xi32>
    %or3A_341 = arith.constant 16384 : i32
    %or3A_342 = vector.broadcast %or3A_341 : i32 to vector<2000x128xi32>
    %or3A_343 = arith.ori %select_n3A_340, %or3A_342 : vector<2000x128xi32>
    %xor3A_344 = arith.constant -2147483648 : i32
    %xor3A_345 = vector.broadcast %xor3A_344 : i32 to vector<2000x128xi32>
    %xor3A_346 = arith.xori %or3A_343, %xor3A_345 : vector<2000x128xi32>
    %ge3A_347 = arith.cmpi sge, %select_n3A, %xor3A_346 : vector<2000x128xi32>
    %jit3A_348 = arith.constant 1.000000e+00 : f32
    %jit3A_349 = arith.constant 0.000000e+00 : f32
    %broadcast_in_dim3A_350 = vector.broadcast %jit3A_348 : f32 to vector<2000x128xf32>
    %broadcast_in_dim3A_351 = vector.broadcast %jit3A_349 : f32 to vector<2000x128xf32>
    %select_n3A_352 = arith.select %ge3A_347, %broadcast_in_dim3A_350, %broadcast_in_dim3A_351 : vector<2000x128xi1>, vector<2000x128xf32>
    %dot_general3A_353 = arith.constant dense<0.000000e+00> : vector<2000x128xf32>
    %dot_general3A_354 = tpu.matmul %select_n3A_352, %broadcast_in_dim3A_34, %dot_general3A_353 {dimension_numbers = #tpu.dot_dimension_numbers<[1], [0], [0], [1], [0, 0, 1, 1], [], []>, transpose_lhs_hint = false} : vector<2000x128xf32>, vector<128x128xf32>, vector<2000x128xf32> -> vector<2000x128xf32>
    %ge3A_355 = arith.constant 3.200000e+01 : f32
    %ge3A_356 = vector.broadcast %ge3A_355 : f32 to vector<2000x128xf32>
    %ge3A_357 = arith.cmpf oge, %dot_general3A_354, %ge3A_356 : vector<2000x128xf32>
    %select_n3A_358 = arith.select %ge3A_357, %or3A_343, %select_n3A_340 : vector<2000x128xi1>, vector<2000x128xi32>
    %or3A_359 = arith.constant 8192 : i32
    %or3A_360 = vector.broadcast %or3A_359 : i32 to vector<2000x128xi32>
    %or3A_361 = arith.ori %select_n3A_358, %or3A_360 : vector<2000x128xi32>
    %xor3A_362 = arith.constant -2147483648 : i32
    %xor3A_363 = vector.broadcast %xor3A_362 : i32 to vector<2000x128xi32>
    %xor3A_364 = arith.xori %or3A_361, %xor3A_363 : vector<2000x128xi32>
    %ge3A_365 = arith.cmpi sge, %select_n3A, %xor3A_364 : vector<2000x128xi32>
    %jit3A_366 = arith.constant 1.000000e+00 : f32
    %jit3A_367 = arith.constant 0.000000e+00 : f32
    %broadcast_in_dim3A_368 = vector.broadcast %jit3A_366 : f32 to vector<2000x128xf32>
    %broadcast_in_dim3A_369 = vector.broadcast %jit3A_367 : f32 to vector<2000x128xf32>
    %select_n3A_370 = arith.select %ge3A_365, %broadcast_in_dim3A_368, %broadcast_in_dim3A_369 : vector<2000x128xi1>, vector<2000x128xf32>
    %dot_general3A_371 = arith.constant dense<0.000000e+00> : vector<2000x128xf32>
    %dot_general3A_372 = tpu.matmul %select_n3A_370, %broadcast_in_dim3A_34, %dot_general3A_371 {dimension_numbers = #tpu.dot_dimension_numbers<[1], [0], [0], [1], [0, 0, 1, 1], [], []>, transpose_lhs_hint = false} : vector<2000x128xf32>, vector<128x128xf32>, vector<2000x128xf32> -> vector<2000x128xf32>
    %ge3A_373 = arith.constant 3.200000e+01 : f32
    %ge3A_374 = vector.broadcast %ge3A_373 : f32 to vector<2000x128xf32>
    %ge3A_375 = arith.cmpf oge, %dot_general3A_372, %ge3A_374 : vector<2000x128xf32>
    %select_n3A_376 = arith.select %ge3A_375, %or3A_361, %select_n3A_358 : vector<2000x128xi1>, vector<2000x128xi32>
    %or3A_377 = arith.constant 4096 : i32
    %or3A_378 = vector.broadcast %or3A_377 : i32 to vector<2000x128xi32>
    %or3A_379 = arith.ori %select_n3A_376, %or3A_378 : vector<2000x128xi32>
    %xor3A_380 = arith.constant -2147483648 : i32
    %xor3A_381 = vector.broadcast %xor3A_380 : i32 to vector<2000x128xi32>
    %xor3A_382 = arith.xori %or3A_379, %xor3A_381 : vector<2000x128xi32>
    %ge3A_383 = arith.cmpi sge, %select_n3A, %xor3A_382 : vector<2000x128xi32>
    %jit3A_384 = arith.constant 1.000000e+00 : f32
    %jit3A_385 = arith.constant 0.000000e+00 : f32
    %broadcast_in_dim3A_386 = vector.broadcast %jit3A_384 : f32 to vector<2000x128xf32>
    %broadcast_in_dim3A_387 = vector.broadcast %jit3A_385 : f32 to vector<2000x128xf32>
    %select_n3A_388 = arith.select %ge3A_383, %broadcast_in_dim3A_386, %broadcast_in_dim3A_387 : vector<2000x128xi1>, vector<2000x128xf32>
    %dot_general3A_389 = arith.constant dense<0.000000e+00> : vector<2000x128xf32>
    %dot_general3A_390 = tpu.matmul %select_n3A_388, %broadcast_in_dim3A_34, %dot_general3A_389 {dimension_numbers = #tpu.dot_dimension_numbers<[1], [0], [0], [1], [0, 0, 1, 1], [], []>, transpose_lhs_hint = false} : vector<2000x128xf32>, vector<128x128xf32>, vector<2000x128xf32> -> vector<2000x128xf32>
    %ge3A_391 = arith.constant 3.200000e+01 : f32
    %ge3A_392 = vector.broadcast %ge3A_391 : f32 to vector<2000x128xf32>
    %ge3A_393 = arith.cmpf oge, %dot_general3A_390, %ge3A_392 : vector<2000x128xf32>
    %select_n3A_394 = arith.select %ge3A_393, %or3A_379, %select_n3A_376 : vector<2000x128xi1>, vector<2000x128xi32>
    %or3A_395 = arith.constant 2048 : i32
    %or3A_396 = vector.broadcast %or3A_395 : i32 to vector<2000x128xi32>
    %or3A_397 = arith.ori %select_n3A_394, %or3A_396 : vector<2000x128xi32>
    %xor3A_398 = arith.constant -2147483648 : i32
    %xor3A_399 = vector.broadcast %xor3A_398 : i32 to vector<2000x128xi32>
    %xor3A_400 = arith.xori %or3A_397, %xor3A_399 : vector<2000x128xi32>
    %ge3A_401 = arith.cmpi sge, %select_n3A, %xor3A_400 : vector<2000x128xi32>
    %jit3A_402 = arith.constant 1.000000e+00 : f32
    %jit3A_403 = arith.constant 0.000000e+00 : f32
    %broadcast_in_dim3A_404 = vector.broadcast %jit3A_402 : f32 to vector<2000x128xf32>
    %broadcast_in_dim3A_405 = vector.broadcast %jit3A_403 : f32 to vector<2000x128xf32>
    %select_n3A_406 = arith.select %ge3A_401, %broadcast_in_dim3A_404, %broadcast_in_dim3A_405 : vector<2000x128xi1>, vector<2000x128xf32>
    %dot_general3A_407 = arith.constant dense<0.000000e+00> : vector<2000x128xf32>
    %dot_general3A_408 = tpu.matmul %select_n3A_406, %broadcast_in_dim3A_34, %dot_general3A_407 {dimension_numbers = #tpu.dot_dimension_numbers<[1], [0], [0], [1], [0, 0, 1, 1], [], []>, transpose_lhs_hint = false} : vector<2000x128xf32>, vector<128x128xf32>, vector<2000x128xf32> -> vector<2000x128xf32>
    %ge3A_409 = arith.constant 3.200000e+01 : f32
    %ge3A_410 = vector.broadcast %ge3A_409 : f32 to vector<2000x128xf32>
    %ge3A_411 = arith.cmpf oge, %dot_general3A_408, %ge3A_410 : vector<2000x128xf32>
    %select_n3A_412 = arith.select %ge3A_411, %or3A_397, %select_n3A_394 : vector<2000x128xi1>, vector<2000x128xi32>
    %or3A_413 = arith.constant 1024 : i32
    %or3A_414 = vector.broadcast %or3A_413 : i32 to vector<2000x128xi32>
    %or3A_415 = arith.ori %select_n3A_412, %or3A_414 : vector<2000x128xi32>
    %xor3A_416 = arith.constant -2147483648 : i32
    %xor3A_417 = vector.broadcast %xor3A_416 : i32 to vector<2000x128xi32>
    %xor3A_418 = arith.xori %or3A_415, %xor3A_417 : vector<2000x128xi32>
    %ge3A_419 = arith.cmpi sge, %select_n3A, %xor3A_418 : vector<2000x128xi32>
    %jit3A_420 = arith.constant 1.000000e+00 : f32
    %jit3A_421 = arith.constant 0.000000e+00 : f32
    %broadcast_in_dim3A_422 = vector.broadcast %jit3A_420 : f32 to vector<2000x128xf32>
    %broadcast_in_dim3A_423 = vector.broadcast %jit3A_421 : f32 to vector<2000x128xf32>
    %select_n3A_424 = arith.select %ge3A_419, %broadcast_in_dim3A_422, %broadcast_in_dim3A_423 : vector<2000x128xi1>, vector<2000x128xf32>
    %dot_general3A_425 = arith.constant dense<0.000000e+00> : vector<2000x128xf32>
    %dot_general3A_426 = tpu.matmul %select_n3A_424, %broadcast_in_dim3A_34, %dot_general3A_425 {dimension_numbers = #tpu.dot_dimension_numbers<[1], [0], [0], [1], [0, 0, 1, 1], [], []>, transpose_lhs_hint = false} : vector<2000x128xf32>, vector<128x128xf32>, vector<2000x128xf32> -> vector<2000x128xf32>
    %ge3A_427 = arith.constant 3.200000e+01 : f32
    %ge3A_428 = vector.broadcast %ge3A_427 : f32 to vector<2000x128xf32>
    %ge3A_429 = arith.cmpf oge, %dot_general3A_426, %ge3A_428 : vector<2000x128xf32>
    %select_n3A_430 = arith.select %ge3A_429, %or3A_415, %select_n3A_412 : vector<2000x128xi1>, vector<2000x128xi32>
    %or3A_431 = arith.constant 512 : i32
    %or3A_432 = vector.broadcast %or3A_431 : i32 to vector<2000x128xi32>
    %or3A_433 = arith.ori %select_n3A_430, %or3A_432 : vector<2000x128xi32>
    %xor3A_434 = arith.constant -2147483648 : i32
    %xor3A_435 = vector.broadcast %xor3A_434 : i32 to vector<2000x128xi32>
    %xor3A_436 = arith.xori %or3A_433, %xor3A_435 : vector<2000x128xi32>
    %ge3A_437 = arith.cmpi sge, %select_n3A, %xor3A_436 : vector<2000x128xi32>
    %jit3A_438 = arith.constant 1.000000e+00 : f32
    %jit3A_439 = arith.constant 0.000000e+00 : f32
    %broadcast_in_dim3A_440 = vector.broadcast %jit3A_438 : f32 to vector<2000x128xf32>
    %broadcast_in_dim3A_441 = vector.broadcast %jit3A_439 : f32 to vector<2000x128xf32>
    %select_n3A_442 = arith.select %ge3A_437, %broadcast_in_dim3A_440, %broadcast_in_dim3A_441 : vector<2000x128xi1>, vector<2000x128xf32>
    %dot_general3A_443 = arith.constant dense<0.000000e+00> : vector<2000x128xf32>
    %dot_general3A_444 = tpu.matmul %select_n3A_442, %broadcast_in_dim3A_34, %dot_general3A_443 {dimension_numbers = #tpu.dot_dimension_numbers<[1], [0], [0], [1], [0, 0, 1, 1], [], []>, transpose_lhs_hint = false} : vector<2000x128xf32>, vector<128x128xf32>, vector<2000x128xf32> -> vector<2000x128xf32>
    %ge3A_445 = arith.constant 3.200000e+01 : f32
    %ge3A_446 = vector.broadcast %ge3A_445 : f32 to vector<2000x128xf32>
    %ge3A_447 = arith.cmpf oge, %dot_general3A_444, %ge3A_446 : vector<2000x128xf32>
    %select_n3A_448 = arith.select %ge3A_447, %or3A_433, %select_n3A_430 : vector<2000x128xi1>, vector<2000x128xi32>
    %or3A_449 = arith.constant 256 : i32
    %or3A_450 = vector.broadcast %or3A_449 : i32 to vector<2000x128xi32>
    %or3A_451 = arith.ori %select_n3A_448, %or3A_450 : vector<2000x128xi32>
    %xor3A_452 = arith.constant -2147483648 : i32
    %xor3A_453 = vector.broadcast %xor3A_452 : i32 to vector<2000x128xi32>
    %xor3A_454 = arith.xori %or3A_451, %xor3A_453 : vector<2000x128xi32>
    %ge3A_455 = arith.cmpi sge, %select_n3A, %xor3A_454 : vector<2000x128xi32>
    %jit3A_456 = arith.constant 1.000000e+00 : f32
    %jit3A_457 = arith.constant 0.000000e+00 : f32
    %broadcast_in_dim3A_458 = vector.broadcast %jit3A_456 : f32 to vector<2000x128xf32>
    %broadcast_in_dim3A_459 = vector.broadcast %jit3A_457 : f32 to vector<2000x128xf32>
    %select_n3A_460 = arith.select %ge3A_455, %broadcast_in_dim3A_458, %broadcast_in_dim3A_459 : vector<2000x128xi1>, vector<2000x128xf32>
    %dot_general3A_461 = arith.constant dense<0.000000e+00> : vector<2000x128xf32>
    %dot_general3A_462 = tpu.matmul %select_n3A_460, %broadcast_in_dim3A_34, %dot_general3A_461 {dimension_numbers = #tpu.dot_dimension_numbers<[1], [0], [0], [1], [0, 0, 1, 1], [], []>, transpose_lhs_hint = false} : vector<2000x128xf32>, vector<128x128xf32>, vector<2000x128xf32> -> vector<2000x128xf32>
    %ge3A_463 = arith.constant 3.200000e+01 : f32
    %ge3A_464 = vector.broadcast %ge3A_463 : f32 to vector<2000x128xf32>
    %ge3A_465 = arith.cmpf oge, %dot_general3A_462, %ge3A_464 : vector<2000x128xf32>
    %select_n3A_466 = arith.select %ge3A_465, %or3A_451, %select_n3A_448 : vector<2000x128xi1>, vector<2000x128xi32>
    %or3A_467 = arith.constant 128 : i32
    %or3A_468 = vector.broadcast %or3A_467 : i32 to vector<2000x128xi32>
    %or3A_469 = arith.ori %select_n3A_466, %or3A_468 : vector<2000x128xi32>
    %xor3A_470 = arith.constant -2147483648 : i32
    %xor3A_471 = vector.broadcast %xor3A_470 : i32 to vector<2000x128xi32>
    %xor3A_472 = arith.xori %or3A_469, %xor3A_471 : vector<2000x128xi32>
    %ge3A_473 = arith.cmpi sge, %select_n3A, %xor3A_472 : vector<2000x128xi32>
    %jit3A_474 = arith.constant 1.000000e+00 : f32
    %jit3A_475 = arith.constant 0.000000e+00 : f32
    %broadcast_in_dim3A_476 = vector.broadcast %jit3A_474 : f32 to vector<2000x128xf32>
    %broadcast_in_dim3A_477 = vector.broadcast %jit3A_475 : f32 to vector<2000x128xf32>
    %select_n3A_478 = arith.select %ge3A_473, %broadcast_in_dim3A_476, %broadcast_in_dim3A_477 : vector<2000x128xi1>, vector<2000x128xf32>
    %dot_general3A_479 = arith.constant dense<0.000000e+00> : vector<2000x128xf32>
    %dot_general3A_480 = tpu.matmul %select_n3A_478, %broadcast_in_dim3A_34, %dot_general3A_479 {dimension_numbers = #tpu.dot_dimension_numbers<[1], [0], [0], [1], [0, 0, 1, 1], [], []>, transpose_lhs_hint = false} : vector<2000x128xf32>, vector<128x128xf32>, vector<2000x128xf32> -> vector<2000x128xf32>
    %ge3A_481 = arith.constant 3.200000e+01 : f32
    %ge3A_482 = vector.broadcast %ge3A_481 : f32 to vector<2000x128xf32>
    %ge3A_483 = arith.cmpf oge, %dot_general3A_480, %ge3A_482 : vector<2000x128xf32>
    %select_n3A_484 = arith.select %ge3A_483, %or3A_469, %select_n3A_466 : vector<2000x128xi1>, vector<2000x128xi32>
    %or3A_485 = arith.constant 64 : i32
    %or3A_486 = vector.broadcast %or3A_485 : i32 to vector<2000x128xi32>
    %or3A_487 = arith.ori %select_n3A_484, %or3A_486 : vector<2000x128xi32>
    %xor3A_488 = arith.constant -2147483648 : i32
    %xor3A_489 = vector.broadcast %xor3A_488 : i32 to vector<2000x128xi32>
    %xor3A_490 = arith.xori %or3A_487, %xor3A_489 : vector<2000x128xi32>
    %ge3A_491 = arith.cmpi sge, %select_n3A, %xor3A_490 : vector<2000x128xi32>
    %jit3A_492 = arith.constant 1.000000e+00 : f32
    %jit3A_493 = arith.constant 0.000000e+00 : f32
    %broadcast_in_dim3A_494 = vector.broadcast %jit3A_492 : f32 to vector<2000x128xf32>
    %broadcast_in_dim3A_495 = vector.broadcast %jit3A_493 : f32 to vector<2000x128xf32>
    %select_n3A_496 = arith.select %ge3A_491, %broadcast_in_dim3A_494, %broadcast_in_dim3A_495 : vector<2000x128xi1>, vector<2000x128xf32>
    %dot_general3A_497 = arith.constant dense<0.000000e+00> : vector<2000x128xf32>
    %dot_general3A_498 = tpu.matmul %select_n3A_496, %broadcast_in_dim3A_34, %dot_general3A_497 {dimension_numbers = #tpu.dot_dimension_numbers<[1], [0], [0], [1], [0, 0, 1, 1], [], []>, transpose_lhs_hint = false} : vector<2000x128xf32>, vector<128x128xf32>, vector<2000x128xf32> -> vector<2000x128xf32>
    %ge3A_499 = arith.constant 3.200000e+01 : f32
    %ge3A_500 = vector.broadcast %ge3A_499 : f32 to vector<2000x128xf32>
    %ge3A_501 = arith.cmpf oge, %dot_general3A_498, %ge3A_500 : vector<2000x128xf32>
    %select_n3A_502 = arith.select %ge3A_501, %or3A_487, %select_n3A_484 : vector<2000x128xi1>, vector<2000x128xi32>
    %or3A_503 = arith.constant 32 : i32
    %or3A_504 = vector.broadcast %or3A_503 : i32 to vector<2000x128xi32>
    %or3A_505 = arith.ori %select_n3A_502, %or3A_504 : vector<2000x128xi32>
    %xor3A_506 = arith.constant -2147483648 : i32
    %xor3A_507 = vector.broadcast %xor3A_506 : i32 to vector<2000x128xi32>
    %xor3A_508 = arith.xori %or3A_505, %xor3A_507 : vector<2000x128xi32>
    %ge3A_509 = arith.cmpi sge, %select_n3A, %xor3A_508 : vector<2000x128xi32>
    %jit3A_510 = arith.constant 1.000000e+00 : f32
    %jit3A_511 = arith.constant 0.000000e+00 : f32
    %broadcast_in_dim3A_512 = vector.broadcast %jit3A_510 : f32 to vector<2000x128xf32>
    %broadcast_in_dim3A_513 = vector.broadcast %jit3A_511 : f32 to vector<2000x128xf32>
    %select_n3A_514 = arith.select %ge3A_509, %broadcast_in_dim3A_512, %broadcast_in_dim3A_513 : vector<2000x128xi1>, vector<2000x128xf32>
    %dot_general3A_515 = arith.constant dense<0.000000e+00> : vector<2000x128xf32>
    %dot_general3A_516 = tpu.matmul %select_n3A_514, %broadcast_in_dim3A_34, %dot_general3A_515 {dimension_numbers = #tpu.dot_dimension_numbers<[1], [0], [0], [1], [0, 0, 1, 1], [], []>, transpose_lhs_hint = false} : vector<2000x128xf32>, vector<128x128xf32>, vector<2000x128xf32> -> vector<2000x128xf32>
    %ge3A_517 = arith.constant 3.200000e+01 : f32
    %ge3A_518 = vector.broadcast %ge3A_517 : f32 to vector<2000x128xf32>
    %ge3A_519 = arith.cmpf oge, %dot_general3A_516, %ge3A_518 : vector<2000x128xf32>
    %select_n3A_520 = arith.select %ge3A_519, %or3A_505, %select_n3A_502 : vector<2000x128xi1>, vector<2000x128xi32>
    %or3A_521 = arith.constant 16 : i32
    %or3A_522 = vector.broadcast %or3A_521 : i32 to vector<2000x128xi32>
    %or3A_523 = arith.ori %select_n3A_520, %or3A_522 : vector<2000x128xi32>
    %xor3A_524 = arith.constant -2147483648 : i32
    %xor3A_525 = vector.broadcast %xor3A_524 : i32 to vector<2000x128xi32>
    %xor3A_526 = arith.xori %or3A_523, %xor3A_525 : vector<2000x128xi32>
    %ge3A_527 = arith.cmpi sge, %select_n3A, %xor3A_526 : vector<2000x128xi32>
    %jit3A_528 = arith.constant 1.000000e+00 : f32
    %jit3A_529 = arith.constant 0.000000e+00 : f32
    %broadcast_in_dim3A_530 = vector.broadcast %jit3A_528 : f32 to vector<2000x128xf32>
    %broadcast_in_dim3A_531 = vector.broadcast %jit3A_529 : f32 to vector<2000x128xf32>
    %select_n3A_532 = arith.select %ge3A_527, %broadcast_in_dim3A_530, %broadcast_in_dim3A_531 : vector<2000x128xi1>, vector<2000x128xf32>
    %dot_general3A_533 = arith.constant dense<0.000000e+00> : vector<2000x128xf32>
    %dot_general3A_534 = tpu.matmul %select_n3A_532, %broadcast_in_dim3A_34, %dot_general3A_533 {dimension_numbers = #tpu.dot_dimension_numbers<[1], [0], [0], [1], [0, 0, 1, 1], [], []>, transpose_lhs_hint = false} : vector<2000x128xf32>, vector<128x128xf32>, vector<2000x128xf32> -> vector<2000x128xf32>
    %ge3A_535 = arith.constant 3.200000e+01 : f32
    %ge3A_536 = vector.broadcast %ge3A_535 : f32 to vector<2000x128xf32>
    %ge3A_537 = arith.cmpf oge, %dot_general3A_534, %ge3A_536 : vector<2000x128xf32>
    %select_n3A_538 = arith.select %ge3A_537, %or3A_523, %select_n3A_520 : vector<2000x128xi1>, vector<2000x128xi32>
    %or3A_539 = arith.constant 8 : i32
    %or3A_540 = vector.broadcast %or3A_539 : i32 to vector<2000x128xi32>
    %or3A_541 = arith.ori %select_n3A_538, %or3A_540 : vector<2000x128xi32>
    %xor3A_542 = arith.constant -2147483648 : i32
    %xor3A_543 = vector.broadcast %xor3A_542 : i32 to vector<2000x128xi32>
    %xor3A_544 = arith.xori %or3A_541, %xor3A_543 : vector<2000x128xi32>
    %ge3A_545 = arith.cmpi sge, %select_n3A, %xor3A_544 : vector<2000x128xi32>
    %jit3A_546 = arith.constant 1.000000e+00 : f32
    %jit3A_547 = arith.constant 0.000000e+00 : f32
    %broadcast_in_dim3A_548 = vector.broadcast %jit3A_546 : f32 to vector<2000x128xf32>
    %broadcast_in_dim3A_549 = vector.broadcast %jit3A_547 : f32 to vector<2000x128xf32>
    %select_n3A_550 = arith.select %ge3A_545, %broadcast_in_dim3A_548, %broadcast_in_dim3A_549 : vector<2000x128xi1>, vector<2000x128xf32>
    %dot_general3A_551 = arith.constant dense<0.000000e+00> : vector<2000x128xf32>
    %dot_general3A_552 = tpu.matmul %select_n3A_550, %broadcast_in_dim3A_34, %dot_general3A_551 {dimension_numbers = #tpu.dot_dimension_numbers<[1], [0], [0], [1], [0, 0, 1, 1], [], []>, transpose_lhs_hint = false} : vector<2000x128xf32>, vector<128x128xf32>, vector<2000x128xf32> -> vector<2000x128xf32>
    %ge3A_553 = arith.constant 3.200000e+01 : f32
    %ge3A_554 = vector.broadcast %ge3A_553 : f32 to vector<2000x128xf32>
    %ge3A_555 = arith.cmpf oge, %dot_general3A_552, %ge3A_554 : vector<2000x128xf32>
    %select_n3A_556 = arith.select %ge3A_555, %or3A_541, %select_n3A_538 : vector<2000x128xi1>, vector<2000x128xi32>
    %or3A_557 = arith.constant 4 : i32
    %or3A_558 = vector.broadcast %or3A_557 : i32 to vector<2000x128xi32>
    %or3A_559 = arith.ori %select_n3A_556, %or3A_558 : vector<2000x128xi32>
    %xor3A_560 = arith.constant -2147483648 : i32
    %xor3A_561 = vector.broadcast %xor3A_560 : i32 to vector<2000x128xi32>
    %xor3A_562 = arith.xori %or3A_559, %xor3A_561 : vector<2000x128xi32>
    %ge3A_563 = arith.cmpi sge, %select_n3A, %xor3A_562 : vector<2000x128xi32>
    %jit3A_564 = arith.constant 1.000000e+00 : f32
    %jit3A_565 = arith.constant 0.000000e+00 : f32
    %broadcast_in_dim3A_566 = vector.broadcast %jit3A_564 : f32 to vector<2000x128xf32>
    %broadcast_in_dim3A_567 = vector.broadcast %jit3A_565 : f32 to vector<2000x128xf32>
    %select_n3A_568 = arith.select %ge3A_563, %broadcast_in_dim3A_566, %broadcast_in_dim3A_567 : vector<2000x128xi1>, vector<2000x128xf32>
    %dot_general3A_569 = arith.constant dense<0.000000e+00> : vector<2000x128xf32>
    %dot_general3A_570 = tpu.matmul %select_n3A_568, %broadcast_in_dim3A_34, %dot_general3A_569 {dimension_numbers = #tpu.dot_dimension_numbers<[1], [0], [0], [1], [0, 0, 1, 1], [], []>, transpose_lhs_hint = false} : vector<2000x128xf32>, vector<128x128xf32>, vector<2000x128xf32> -> vector<2000x128xf32>
    %ge3A_571 = arith.constant 3.200000e+01 : f32
    %ge3A_572 = vector.broadcast %ge3A_571 : f32 to vector<2000x128xf32>
    %ge3A_573 = arith.cmpf oge, %dot_general3A_570, %ge3A_572 : vector<2000x128xf32>
    %select_n3A_574 = arith.select %ge3A_573, %or3A_559, %select_n3A_556 : vector<2000x128xi1>, vector<2000x128xi32>
    %or3A_575 = arith.constant 2 : i32
    %or3A_576 = vector.broadcast %or3A_575 : i32 to vector<2000x128xi32>
    %or3A_577 = arith.ori %select_n3A_574, %or3A_576 : vector<2000x128xi32>
    %xor3A_578 = arith.constant -2147483648 : i32
    %xor3A_579 = vector.broadcast %xor3A_578 : i32 to vector<2000x128xi32>
    %xor3A_580 = arith.xori %or3A_577, %xor3A_579 : vector<2000x128xi32>
    %ge3A_581 = arith.cmpi sge, %select_n3A, %xor3A_580 : vector<2000x128xi32>
    %jit3A_582 = arith.constant 1.000000e+00 : f32
    %jit3A_583 = arith.constant 0.000000e+00 : f32
    %broadcast_in_dim3A_584 = vector.broadcast %jit3A_582 : f32 to vector<2000x128xf32>
    %broadcast_in_dim3A_585 = vector.broadcast %jit3A_583 : f32 to vector<2000x128xf32>
    %select_n3A_586 = arith.select %ge3A_581, %broadcast_in_dim3A_584, %broadcast_in_dim3A_585 : vector<2000x128xi1>, vector<2000x128xf32>
    %dot_general3A_587 = arith.constant dense<0.000000e+00> : vector<2000x128xf32>
    %dot_general3A_588 = tpu.matmul %select_n3A_586, %broadcast_in_dim3A_34, %dot_general3A_587 {dimension_numbers = #tpu.dot_dimension_numbers<[1], [0], [0], [1], [0, 0, 1, 1], [], []>, transpose_lhs_hint = false} : vector<2000x128xf32>, vector<128x128xf32>, vector<2000x128xf32> -> vector<2000x128xf32>
    %ge3A_589 = arith.constant 3.200000e+01 : f32
    %ge3A_590 = vector.broadcast %ge3A_589 : f32 to vector<2000x128xf32>
    %ge3A_591 = arith.cmpf oge, %dot_general3A_588, %ge3A_590 : vector<2000x128xf32>
    %select_n3A_592 = arith.select %ge3A_591, %or3A_577, %select_n3A_574 : vector<2000x128xi1>, vector<2000x128xi32>
    %or3A_593 = arith.constant 1 : i32
    %or3A_594 = vector.broadcast %or3A_593 : i32 to vector<2000x128xi32>
    %or3A_595 = arith.ori %select_n3A_592, %or3A_594 : vector<2000x128xi32>
    %xor3A_596 = arith.constant -2147483648 : i32
    %xor3A_597 = vector.broadcast %xor3A_596 : i32 to vector<2000x128xi32>
    %xor3A_598 = arith.xori %or3A_595, %xor3A_597 : vector<2000x128xi32>
    %ge3A_599 = arith.cmpi sge, %select_n3A, %xor3A_598 : vector<2000x128xi32>
    %jit3A_600 = arith.constant 1.000000e+00 : f32
    %jit3A_601 = arith.constant 0.000000e+00 : f32
    %broadcast_in_dim3A_602 = vector.broadcast %jit3A_600 : f32 to vector<2000x128xf32>
    %broadcast_in_dim3A_603 = vector.broadcast %jit3A_601 : f32 to vector<2000x128xf32>
    %select_n3A_604 = arith.select %ge3A_599, %broadcast_in_dim3A_602, %broadcast_in_dim3A_603 : vector<2000x128xi1>, vector<2000x128xf32>
    %dot_general3A_605 = arith.constant dense<0.000000e+00> : vector<2000x128xf32>
    %dot_general3A_606 = tpu.matmul %select_n3A_604, %broadcast_in_dim3A_34, %dot_general3A_605 {dimension_numbers = #tpu.dot_dimension_numbers<[1], [0], [0], [1], [0, 0, 1, 1], [], []>, transpose_lhs_hint = false} : vector<2000x128xf32>, vector<128x128xf32>, vector<2000x128xf32> -> vector<2000x128xf32>
    %ge3A_607 = arith.constant 3.200000e+01 : f32
    %ge3A_608 = vector.broadcast %ge3A_607 : f32 to vector<2000x128xf32>
    %ge3A_609 = arith.cmpf oge, %dot_general3A_606, %ge3A_608 : vector<2000x128xf32>
    %select_n3A_610 = arith.select %ge3A_609, %or3A_595, %select_n3A_592 : vector<2000x128xi1>, vector<2000x128xi32>
    %xor3A_611 = arith.constant -2147483648 : i32
    %xor3A_612 = vector.broadcast %xor3A_611 : i32 to vector<2000x128xi32>
    %xor3A_613 = arith.xori %select_n3A_610, %xor3A_612 : vector<2000x128xi32>
    %gt3A = arith.cmpi sgt, %select_n3A, %xor3A_613 : vector<2000x128xi32>
    %eq3A = arith.cmpi eq, %select_n3A, %xor3A_613 : vector<2000x128xi32>
    %jit3A_614 = arith.constant 1.000000e+00 : f32
    %jit3A_615 = arith.constant 0.000000e+00 : f32
    %broadcast_in_dim3A_616 = vector.broadcast %jit3A_614 : f32 to vector<2000x128xf32>
    %broadcast_in_dim3A_617 = vector.broadcast %jit3A_615 : f32 to vector<2000x128xf32>
    %select_n3A_618 = arith.select %gt3A, %broadcast_in_dim3A_616, %broadcast_in_dim3A_617 : vector<2000x128xi1>, vector<2000x128xf32>
    %jit3A_619 = arith.constant 1.000000e+00 : f32
    %jit3A_620 = arith.constant 0.000000e+00 : f32
    %broadcast_in_dim3A_621 = vector.broadcast %jit3A_619 : f32 to vector<2000x128xf32>
    %broadcast_in_dim3A_622 = vector.broadcast %jit3A_620 : f32 to vector<2000x128xf32>
    %select_n3A_623 = arith.select %eq3A, %broadcast_in_dim3A_621, %broadcast_in_dim3A_622 : vector<2000x128xi1>, vector<2000x128xf32>
    %dot_general3A_624 = arith.constant dense<0.000000e+00> : vector<2000x128xf32>
    %dot_general3A_625 = tpu.matmul %select_n3A_618, %broadcast_in_dim3A_34, %dot_general3A_624 {dimension_numbers = #tpu.dot_dimension_numbers<[1], [0], [0], [1], [0, 0, 1, 1], [], []>, transpose_lhs_hint = false} : vector<2000x128xf32>, vector<128x128xf32>, vector<2000x128xf32> -> vector<2000x128xf32>
    %iota3A = tpu.iota {dimensions = array<i32: 0>} : vector<128x128xi32>
    %iota3A_626 = tpu.iota {dimensions = array<i32: 1>} : vector<128x128xi32>
    %le3A = arith.cmpi sle, %iota3A, %iota3A_626 : vector<128x128xi32>
    %jit3A_627 = arith.constant 1.000000e+00 : f32
    %jit3A_628 = arith.constant 0.000000e+00 : f32
    %broadcast_in_dim3A_629 = vector.broadcast %jit3A_627 : f32 to vector<128x128xf32>
    %broadcast_in_dim3A_630 = vector.broadcast %jit3A_628 : f32 to vector<128x128xf32>
    %select_n3A_631 = arith.select %le3A, %broadcast_in_dim3A_629, %broadcast_in_dim3A_630 : vector<128x128xi1>, vector<128x128xf32>
    %dot_general3A_632 = arith.constant dense<0.000000e+00> : vector<2000x128xf32>
    %dot_general3A_633 = tpu.matmul %select_n3A_623, %select_n3A_631, %dot_general3A_632 {dimension_numbers = #tpu.dot_dimension_numbers<[1], [0], [0], [1], [0, 0, 1, 1], [], []>, transpose_lhs_hint = false} : vector<2000x128xf32>, vector<128x128xf32>, vector<2000x128xf32> -> vector<2000x128xf32>
    %sub3A = arith.constant 3.200000e+01 : f32
    %sub3A_634 = vector.broadcast %sub3A : f32 to vector<2000x128xf32>
    %sub3A_635 = arith.subf %sub3A_634, %dot_general3A_625 : vector<2000x128xf32>
    %le3A_636 = arith.cmpf ole, %dot_general3A_633, %sub3A_635 : vector<2000x128xf32>
    %and3A = arith.andi %eq3A, %le3A_636 : vector<2000x128xi1>
    %or3A_637 = arith.ori %gt3A, %and3A : vector<2000x128xi1>
    %jit3A_638 = arith.constant 0.000000e+00 : f32
    %broadcast_in_dim3A_639 = vector.broadcast %jit3A_638 : f32 to vector<2000x128xf32>
    %select_n3A_640 = arith.select %or3A_637, %add3A_28, %broadcast_in_dim3A_639 : vector<2000x128xi1>, vector<2000x128xf32>
    %swap3A = arith.constant 0 : index
    %swap3A_641 = arith.constant 0 : index
    %swap3A_642 = vector.load %arg6[%swap3A, %swap3A_641] : memref<2000x128xf32, #tpu.memory_space<vmem>>, vector<2000x128xf32>
    tpu.vector_store %arg6[%swap3A, %swap3A_641], %select_n3A_640 {strides = array<i32>} : memref<2000x128xf32, #tpu.memory_space<vmem>>, vector<2000x128xf32>,
    return
  }
  func.func @transform_0(%arg0: i32) -> (i32, i32) {
    %c0_i32 = arith.constant 0 : i32
    %c0_i32_0 = arith.constant 0 : i32
    return %arg0, %c0_i32 : i32, i32
  }
  func.func @transform_1(%arg0: i32) -> (i32, i32, i32) {
    %c0_i32 = arith.constant 0 : i32
    %c0_i32_0 = arith.constant 0 : i32
    %c0_i32_1 = arith.constant 0 : i32
    return %c0_i32, %arg0, %c0_i32_0 : i32, i32, i32
  }
  func.func @transform_2(%arg0: i32) -> (i32, i32) {
    %c0_i32 = arith.constant 0 : i32
    %c0_i32_0 = arith.constant 0 : i32
    %c0_i32_1 = arith.constant 0 : i32
    return %c0_i32, %c0_i32_0 : i32, i32
  }
  func.func @transform_3(%arg0: i32) -> (i32, i32) {
    %c0_i32 = arith.constant 0 : i32
    %c0_i32_0 = arith.constant 0 : i32
    %c0_i32_1 = arith.constant 0 : i32
    return %c0_i32, %c0_i32_0 : i32, i32
  }
  func.func @transform_4(%arg0: i32) -> (i32, i32) {
    %c0_i32 = arith.constant 0 : i32
    %c0_i32_0 = arith.constant 0 : i32
    %c0_i32_1 = arith.constant 0 : i32
    return %c0_i32, %c0_i32_0 : i32, i32
  }
  func.func @transform_5(%arg0: i32) -> (i32, i32) {
    %c0_i32 = arith.constant 0 : i32
    %c0_i32_0 = arith.constant 0 : i32
    return %arg0, %c0_i32 : i32, i32
  }
}

module attributes {stable_mosaic.version = 14 : i64} {
  func.func @_tc_out_body(%arg0: i32, %arg1: memref<2000x128xf32, #tpu.memory_space<vmem>>, %arg2: memref<2x2000x128xf32, #tpu.memory_space<vmem>>, %arg3: memref<1x1xf32, #tpu.memory_space<vmem>>, %arg4: memref<128x128xf32, #tpu.memory_space<vmem>>, %arg5: memref<1x128xf32, #tpu.memory_space<vmem>>, %arg6: memref<2000x128xf32, #tpu.memory_space<vmem>>) attributes {dimension_semantics = [#tpu.dimension_semantics<arbitrary>], iteration_bounds = array<i64: 5>, scalar_prefetch = 0 : i64, scratch_operands = 0 : i64, tpu.core_type = #tpu.core_type<tc>, window_params = [{transform_indices = @transform_0, window_bounds = array<i64: 2000, 128>}, {transform_indices = @transform_1, window_bounds = array<i64: 2, 2000, 128>}, {pipeline_mode = #tpu.pipeline_mode<synchronous>, transform_indices = @transform_2, window_bounds = array<i64: 1, 1>}, {pipeline_mode = #tpu.pipeline_mode<synchronous>, transform_indices = @transform_3, window_bounds = array<i64: 128, 128>}, {pipeline_mode = #tpu.pipeline_mode<synchronous>, transform_indices = @transform_4, window_bounds = array<i64: 1, 128>}, {transform_indices = @transform_5, window_bounds = array<i64: 2000, 128>}]} {
    %get3A = arith.constant 0 : index
    %get3A_0 = arith.constant 0 : index
    %get3A_1 = vector.load %arg3[%get3A, %get3A_0] : memref<1x1xf32, #tpu.memory_space<vmem>>, vector<1x1xf32>
    %get3A_2 = vector.extract %get3A_1[0, 0] : f32 from vector<1x1xf32>
    %add3A = arith.constant 1.000000e+00 : f32
    %add3A_3 = arith.addf %add3A, %get3A_2 : f32
    %get3A_4 = arith.constant 0 : index
    %get3A_5 = arith.constant 0 : index
    %get3A_6 = vector.load %arg1[%get3A_4, %get3A_5] : memref<2000x128xf32, #tpu.memory_space<vmem>>, vector<2000x128xf32>
    %mul3A = vector.broadcast %add3A_3 : f32 to vector<2000x128xf32>
    %mul3A_7 = arith.mulf %mul3A, %get3A_6 : vector<2000x128xf32>
    %get3A_8 = arith.constant 0 : index
    %get3A_9 = arith.constant 0 : index
    %get3A_10 = arith.constant 0 : index
    %get3A_11 = vector.load %arg2[%get3A_8, %get3A_9, %get3A_10] : memref<2x2000x128xf32, #tpu.memory_space<vmem>>, vector<1x2000x128xf32>
    %get3A_12 = vector.shape_cast %get3A_11 : vector<1x2000x128xf32> to vector<2000x128xf32>
    %add3A_13 = arith.addf %mul3A_7, %get3A_12 : vector<2000x128xf32>
    %get3A_14 = arith.constant 1 : index
    %get3A_15 = arith.constant 0 : index
    %get3A_16 = arith.constant 0 : index
    %get3A_17 = vector.load %arg2[%get3A_14, %get3A_15, %get3A_16] : memref<2x2000x128xf32, #tpu.memory_space<vmem>>, vector<1x2000x128xf32>
    %get3A_18 = vector.shape_cast %get3A_17 : vector<1x2000x128xf32> to vector<2000x128xf32>
    %add3A_19 = arith.addf %add3A_13, %get3A_18 : vector<2000x128xf32>
    %get3A_20 = arith.constant 0 : index
    %get3A_21 = arith.constant 0 : index
    %get3A_22 = vector.load %arg4[%get3A_20, %get3A_21] : memref<128x128xf32, #tpu.memory_space<vmem>>, vector<128x128xf32>
    %dot_general3A = arith.constant dense<0.000000e+00> : vector<2000x128xf32>
    %dot_general3A_23 = tpu.matmul %add3A_19, %get3A_22, %dot_general3A {dimension_numbers = #tpu.dot_dimension_numbers<[1], [0], [0], [1], [0, 0, 1, 1], [], []>, transpose_lhs_hint = false} : vector<2000x128xf32>, vector<128x128xf32>, vector<2000x128xf32> -> vector<2000x128xf32>
    %get3A_24 = arith.constant 0 : index
    %get3A_25 = arith.constant 0 : index
    %get3A_26 = vector.load %arg5[%get3A_24, %get3A_25] : memref<1x128xf32, #tpu.memory_space<vmem>>, vector<1x128xf32>
    %add3A_27 = vector.broadcast %get3A_26 : vector<1x128xf32> to vector<2000x128xf32>
    %add3A_28 = arith.addf %dot_general3A_23, %add3A_27 : vector<2000x128xf32>
    %swap3A = arith.constant 0 : index
    %swap3A_29 = arith.constant 0 : index
    %swap3A_30 = vector.load %arg6[%swap3A, %swap3A_29] : memref<2000x128xf32, #tpu.memory_space<vmem>>, vector<2000x128xf32>
    tpu.vector_store %arg6[%swap3A, %swap3A_29], %add3A_28 {strides = array<i32>} : memref<2000x128xf32, #tpu.memory_space<vmem>>, vector<2000x128xf32>,
    return
  }
  func.func @transform_0(%arg0: i32) -> (i32, i32) {
    %c0_i32 = arith.constant 0 : i32
    %c0_i32_0 = arith.constant 0 : i32
    return %arg0, %c0_i32 : i32, i32
  }
  func.func @transform_1(%arg0: i32) -> (i32, i32, i32) {
    %c0_i32 = arith.constant 0 : i32
    %c0_i32_0 = arith.constant 0 : i32
    %c0_i32_1 = arith.constant 0 : i32
    return %c0_i32, %arg0, %c0_i32_0 : i32, i32, i32
  }
  func.func @transform_2(%arg0: i32) -> (i32, i32) {
    %c0_i32 = arith.constant 0 : i32
    %c0_i32_0 = arith.constant 0 : i32
    %c0_i32_1 = arith.constant 0 : i32
    return %c0_i32, %c0_i32_0 : i32, i32
  }
  func.func @transform_3(%arg0: i32) -> (i32, i32) {
    %c0_i32 = arith.constant 0 : i32
    %c0_i32_0 = arith.constant 0 : i32
    %c0_i32_1 = arith.constant 0 : i32
    return %c0_i32, %c0_i32_0 : i32, i32
  }
  func.func @transform_4(%arg0: i32) -> (i32, i32) {
    %c0_i32 = arith.constant 0 : i32
    %c0_i32_0 = arith.constant 0 : i32
    %c0_i32_1 = arith.constant 0 : i32
    return %c0_i32, %c0_i32_0 : i32, i32
  }
  func.func @transform_5(%arg0: i32) -> (i32, i32) {
    %c0_i32 = arith.constant 0 : i32
    %c0_i32_0 = arith.constant 0 : i32
    return %arg0, %c0_i32 : i32, i32
  }
}

</mosaic_0001>

<sc_bundles>
// kernel: kernel.12.cloned.1.call-start
scs
__scs_entry_jumppad:
0x0: {  	(pc) =	sbr.rel $0x88, $3  }
0x1: {  	(tag) =	ssettag $0x0;
	lr =	simm.s32 $0x1  }
0x2: {  	[smem:$0x3F92] =	sst lr;
	_ =	strace $0xD0000000  }
0x3: {  	_ = 	snop  }
0x4: {  	_ = 	snop  }
0x5: {  	_ = 	snop  }
0x6: {  	_ = 	snop  }
0x7: {  	_ = 	snop  }
__scs_overlays_trampoline_lowered:
0x8: {  	[smem:$0x3FA1] =	sst s0  }
0x9: {  	[smem:$0x3FA2] =	sst s1  }
0xa: {  	[smem:$0x3FA3] =	sst s2  }
0xb: {  	[smem:$0x3FA4] =	sst s3  }
0xc: {  	[smem:$0x3FA5] =	sst s4  }
0xd: {  	[smem:$0x3FA6] =	sst s5  }
0xe: {  	[smem:$0x3FA7] =	sst s6  }
0xf: {  	[smem:$0x3FA8] =	sst s7  }
0x10: {  	[smem:$0x3FA9] =	sst s8  }
0x11: {  	[smem:$0x3FAA] =	sst s9;
	s0 =	simm.s32 @!p0 $0x0  }
0x12: {  	s1 =	sld [smem:$0x3F90];
	s0 =	simm.s32 @p0 $0x1  }
0x13: {  	[smem:$0x3FAB] =	sst s0;
	s0 =	simm.s32 @!p1 $0x0  }
0x14: {  	s2 =	sld [smem:$0x3F8F];
	s0 =	simm.s32 @p1 $0x1  }
0x15: {  	[smem:$0x3FAC] =	sst s0;
	s0 =	simm.s32 @!p2 $0x0  }
0x16: {  	s3 =	sld [smem:$0x3FDB];
	s0 =	simm.s32 @p2 $0x1  }
0x17: {  	s4 =	simm.s32 $0x1BF5;
	[smem:$0x3FAE] =	sst s0  }
0x18: {  	s0 =	sld [smem:$0x3F91];
	_ =	swait.ge [sflag:s4], $0x0  }
0x19: {  	s7 =	sld [smem:$0x3F92]  }
0x1a: {  	s8 =	sadd.s32 $0xFFFFE003, lr  }
0x1b: {  	s9 =	sadd.s32 $0xFFFFFEF7, lr;
	s5 =	simm.s32 $0xFFFFFFFF;
	p2 =	slt.u32 s8, $0xFFFFF086  }
0x1c: {  	p1 =	slt.u32 s9, $0xF7A;
	s5 =	simm.s32 @!p2 $0x0  }
0x1d: {  	s5 =	simm.s32 @p1 $0x1;
	p0 =	seq.s32 s7, s2  }
0x1e: {  	s7 =	smul.u32 @!p0 $0xF7A, s2;
	p2 =	seq.s32 @!p0 s5, $0x0  }
0x1f: {  	s9 =	smul.u32 $0xF7A, s1;
	s8 =	simm.s32 @!p0 $0x1BF5;
	p2 =	por !p2, p0  }
0x20: {  	[sflag:s8] =	ssyncset.s32 @!p0 $0xFFFFF086;
	s6 =	sadd.s32 @!p0 s3, s7;
	s7 =	simm.s32 @!p0 $0x108  }
0x21: {  	s3 =	sadd.s32 s3, s9;
	s6 =	sadd.s32 @!p0 $0x88, s6;
	s7 =	simm.s32 @p2 $0x1082  }
0x22: {  	[simem:s7], [sflag:s8] =	dma.local @!p0 [hbm:s6], $0xF7A  }
0x23: {  	s9 =	sor.u32 $0xD0000000, s2;
	s6 =	simm.s32 $0x108;
	_ =	swait.ge @!p0 [sflag:s8], $0x0  }
0x24: {  	s3 =	sadd.s32 $0x88, s3;
	s6 =	simm.s32 @!p1 $0x1082;
	[sflag:s4] =	ssyncset.s32 $0xFFFFF086  }
0x25: {  	[simem:s6], [sflag:s4] =	dma.local [hbm:s3], $0xF7A  }
0x26: {  	[smem:$0x3F92] =	sst s1;
	(tag) =	ssettag s2;
	_ =	strace s9  }
0x27: {  	s1 =	sld [smem:$0x3FA2]  }
0x28: {  	s2 =	sld [smem:$0x3FA3]  }
0x29: {  	s4 =	sld [smem:$0x3FA5]  }
0x2a: {  	p0 =	seq.s32 s5, $0x0;
	s5 =	sld [smem:$0x3FA6]  }
0x2b: {  	s6 =	sld [smem:$0x3FA7]  }
0x2c: {  	s7 =	sld [smem:$0x3FA8]  }
0x2d: {  	s3 =	simm.s32 $0x108;
	s8 =	sld [smem:$0x3FA9]  }
0x2e: {  	s3 =	simm.s32 @!p0 $0x1082;
	s9 =	sld [smem:$0x3FAA]  }
0x2f: {  	lr =	sadd.s32 s0, s3;
	s0 =	sld [smem:$0x3FA1]  }
0x30: {  	s3 =	sld [smem:$0x3FA4]  }
0x31: {  	[smem:$0x3FAD] =	sst s10  }
0x32: {  	s10 =	sld [smem:$0x3FAB];
	_ =	sdelay $0x3  }
0x33: {  	p0 =	seq.s32 s10, $0x1;
	s10 =	sld [smem:$0x3FAD];
	_ =	sdelay $0x3  }
0x34: {  	[smem:$0x3FAD] =	sst s10  }
0x35: {  	s10 =	sld [smem:$0x3FAC];
	_ =	sdelay $0x3  }
0x36: {  	p1 =	seq.s32 s10, $0x1;
	s10 =	sld [smem:$0x3FAD];
	_ =	sdelay $0x3  }
0x37: {  	[smem:$0x3FAD] =	sst s10  }
0x38: {  	s10 =	sld [smem:$0x3FAE]  }
0x39: {  	_ = 	snop;
	(pc) =	sbr.ind lr, $3  }
0x3a: {  	_ = 	snop  }
0x3b: {  	_ = 	snop  }
0x3c: {  	p2 =	seq.s32 s10, $0x1;
	s10 =	sld [smem:$0x3FAD]  }
0x3d: {  	_ =	shalt  }
0x3e: {  	_ =	shalt  }
0x3f: {  	_ =	shalt  }
0x40: {  	_ =	shalt  }
0x41: {  	_ =	shalt  }
0x42: {  	_ =	shalt  }
0x43: {  	_ =	shalt  }
0x44: {  	_ =	shalt  }
0x45: {  	_ =	shalt  }
0x46: {  	_ =	shalt  }
0x47: {  	_ =	shalt  }
0x48: {  	_ =	shalt  }
0x49: {  	_ =	shalt  }
0x4a: {  	_ =	shalt  }
0x4b: {  	_ =	shalt  }
0x4c: {  	_ =	shalt  }
0x4d: {  	_ =	shalt  }
0x4e: {  	_ =	shalt  }
0x4f: {  	_ =	shalt  }
0x50: {  	_ =	shalt  }
0x51: {  	_ =	shalt  }
0x52: {  	_ =	shalt  }
0x53: {  	_ =	shalt  }
0x54: {  	_ =	shalt  }
0x55: {  	_ =	shalt  }
0x56: {  	_ =	shalt  }
0x57: {  	_ =	shalt  }
0x58: {  	_ =	shalt  }
0x59: {  	_ =	shalt  }
0x5a: {  	_ =	shalt  }
0x5b: {  	_ =	shalt  }
0x5c: {  	_ =	shalt  }
0x5d: {  	_ =	shalt  }
0x5e: {  	_ =	shalt  }
0x5f: {  	_ =	shalt  }
0x60: {  	_ =	shalt  }
0x61: {  	_ =	shalt  }
0x62: {  	_ =	shalt  }
0x63: {  	_ =	shalt  }
0x64: {  	_ =	shalt  }
0x65: {  	_ =	shalt  }
0x66: {  	_ =	shalt  }
0x67: {  	_ =	shalt  }
0x68: {  	_ =	shalt  }
0x69: {  	_ =	shalt  }
0x6a: {  	_ =	shalt  }
0x6b: {  	_ =	shalt  }
0x6c: {  	_ =	shalt  }
0x6d: {  	_ =	shalt  }
0x6e: {  	_ =	shalt  }
0x6f: {  	_ =	shalt  }
0x70: {  	_ =	shalt  }
0x71: {  	_ =	shalt  }
0x72: {  	_ =	shalt  }
0x73: {  	_ =	shalt  }
0x74: {  	_ =	shalt  }
0x75: {  	_ =	shalt  }
0x76: {  	_ =	shalt  }
0x77: {  	_ =	shalt  }
0x78: {  	_ =	shalt  }
0x79: {  	_ =	shalt  }
0x7a: {  	_ =	shalt  }
0x7b: {  	_ =	shalt  }
0x7c: {  	_ =	shalt  }
0x7d: {  	_ =	shalt  }
0x7e: {  	_ =	shalt  }
0x7f: {  	_ =	shalt  }
0x80: {  	_ =	shalt  }
0x81: {  	_ =	shalt  }
0x82: {  	_ =	shalt  }
0x83: {  	_ =	shalt  }
0x84: {  	_ =	shalt  }
0x85: {  	_ =	shalt  }
0x86: {  	_ =	shalt  }
0x87: {  	_ =	shalt  }
.Lfunc_end0:
.L_simem_size_0:
called_computation.1_lowered:
.L_overlay_start_0:
0x88: {  	s2 =	sld [smem:$0x3FD9]  }
0x89: {  	s3 =	sld [smem:$0x3FFE];
	_ =	sdelay $0x1  }
0x8a: {  	s1 =	srdreg.scid  }
0x8b: {  	s0 =	sand.u32 $0x1, s1  }
0x8c: {  	s16 =	sshll.u32 s0, $0xA;
	s2 =	sadd.s32 s3, s2  }
0x8d: {  	s2 =	sadd.s32 s2, s16  }
0x8e: {  	[smem:$0x3FB9] =	sst s2  }
0x8f: {  	_ = 	snop  }
0x90: {  	(tm) =	ssettm $0x1  }
0x91: {  	s17 =	sld [smem:$0x3FFB];
	_ =	sdelay $0x3  }
0x92: {  	_ =	strace s17  }
0x93: {  	s2 =	sld [smem:$0x3FFC];
	_ =	sdelay $0x3  }
0x94: {  	_ =	strace s2  }
0x95: {  	s2 =	sld [smem:$0x3FFD];
	_ =	sdelay $0x3  }
0x96: {  	_ =	strace s2  }
0x97: {  	_ =	strace $0x8FFFFFFF  }
0x98: {  	s18 =	sld [smem:$0x3FDB];
	_ =	sdelay $0x1  }
0x99: {  	s19 =	simm.s32 $_scs_section_size  }
0x9a: {  	s4 =	simm.s32 $_size__tile_overlayer_lowered;
	s5 =	simm.s32 $_tile_overlayer_lowered  }
0x9b: {  	s22 =	simm.s32 $0x1BFF;
	s21 =	sshll.u32 s5, $0x1;
	s2 =	sadd.s32 s19, s18  }
0x9c: {  	s6 =	simm.s32 $0x0;
	s20 =	sshll.u32 s4, $0x1;
	s4 =	sadd.s32 s21, s2  }
0x9d: {  	[timem:s6], [sflag:s22] =	dma.local [hbm:s4], s20  }
0x9e: {  	_ =	swait.ge [sflag:s22], s20  }
0x9f: {  	s3 =	ssub.s32 $0x0, s20;
	[sflag:s22] =	ssyncset.done $0x0  }
0xa0: {  	[sflag:s22] =	ssyncadd.s32 s3;
	_ =	sdelay $0x1  }
0xa1: {  	s23 =	simm.s32 $0x1B8B  }
0xa2: {  	_ =	swait.ge [sflag:s23], $0x1  }
0xa3: {  	[sflag:s23] =	ssyncset.done $0x0  }
0xa4: {  	s25 =	simm.s32 $0x1B8E;
	s24 =	sld [smem:$0x3FFE];
	[sflag:s23] =	ssyncadd.s32 $0xFFFFFFFF  }
0xa5: {  	s26 =	simm.s32 $execute0_lowered;
	[smem:$0x3FD2] =	sst s25  }
0xa6: {  	s4 =	sshll.u32 s26, $0x1;
	_ =	strace $0x80000049;
	[dreg:$0x1] =	wrdreg $0xFFFFFFFF  }
0xa7: {  	s28 =	simm.s32 $_size_execute0_lowered;
	s2 =	sadd.s32 s2, s4;
	[dreg:$0x0] =	wrdreg $0x0  }
0xa8: {  	s4 =	sshll.u32 s28, $0x1;
	[dreg:$0x2] =	wrdreg s2  }
0xa9: {  	[dreg:$0x3] =	wrdreg s4  }
0xaa: {  	[dreg:$0x4] =	wrdreg $0xC0  }
0xab: {  	_ =	task [dreg:s6], $0x5FFFF  }
0xac: {  	[dreg:$0x1] =	wrdreg $0xFFFFFFFF  }
0xad: {  	[dreg:$0x0] =	wrdreg $0x60  }
0xae: {  	[dreg:$0x2] =	wrdreg s24  }
0xaf: {  	[dreg:$0x3] =	wrdreg $0x82000  }
0xb0: {  	[dreg:$0x4] =	wrdreg $0x9  }
0xb1: {  	_ =	task.clear_ibuf [dreg:s6], $0x5FFFF;
	_ =	strace $0x90000049  }
0xb2: {  	s29 =	simm.s32 $0x9;
	_ =	strace $0x8000004B  }
0xb3: {  	_ =	swait.ge [sflag:s29], $0x1  }
0xb4: {  	[sflag:s29] =	ssyncadd.s32 $0xFFFFFFFF  }
0xb5: {  	_ =	strace $0x9000004B  }
0xb6: {  	_ =	sfence  }
0xb7: {  	s30 =	sld [smem:$0x0];
	_ =	sdelay $0x2  }
0xb8: {  	s31 =	sshll.u32 s1, $0xD;
	s1 =	sshrl.u32 s1, $0x2  }
0xb9: {  	s3 =	sand.u32 $0x4000, s31;
	s1 =	sadd.s32 s1, s30  }
0xba: {  	s0 =	sor.u32 s3, s0;
	s1 =	sshll.u32 s1, $0x11  }
0xbb: {  	s0 =	sor.u32 s1, s0  }
0xbc: {  	s0 =	sadd.s32 $0x8F2B, s0  }
0xbd: {  	[sflag:s0] =	ssyncadd.remote.s32 $0x1  }
0xbe: {  	_ =	sfence.sel $0xFFFF  }
0xbf: {  	[dreg:$0x0] =	wrdreg $0xFFFFFFFF;
	(pc) =	sbr.abs _section_cstart, $3  }
0xc0: {  	[dreg:$0x1] =	wrdreg $0xFFFFFFFF  }
0xc1: {  	_ =	task.clear_ibuf [dreg:s6], $0x2FFFF;
	_ =	strace $0x9FFFFFFF  }
0xc2: {  	(tm) =	ssettm $0x7FFFFFFF  }
0xc3: {  	_ =	shalt  }
tec
execute0_lowered:
.L_overlay_start_1:
0x0: {  	(tag) =	ssettag $0x1  }
0x1: {  	s0 =	rddreg [dreg:$0x0]  }
0x2: {  	s1 =	rddreg [dreg:$0x1];
	s2 =	simm.s32 $0x0;
	s3 =	srdreg.scid  }
0x3: {  	s19 =	stileid.u32;
	s28 =	simm.s32 $0x6;
	s29 =	simm.s32 $0x4200  }
0x4: {  	s30 =	simm.s32 $0x140;
	s31 =	simm.s32 $0x6200;
	[smem:$0x7FF] =	sst s2  }
0x5: {  	s4 =	sadd.s32 $0x16C00, s0;
	s3 =	sand.u32 $0x1, s3;
	s6 =	smul.u32 $0x4F000, s19  }
0x6: {  	s9 =	sadd.s32 $0x2C00, s0;
	s0 =	sadd.s32 $0x3DE00, s0;
	s10 =	smul.u32 $0x13C00, s19  }
0x7: {  	s8 =	sshll.u32 s19, $0x1;
	s19 =	smul.u32 $0xA000, s19;
	_ =	strace $0x8000004A  }
0x8: {  	s5 =	ssub.s32 $0x2, s3;
	s8 =	sor.u32 s3, s8;
	s15 =	smul.u32 $0x13C000, s3  }
0x9: {  	s3 =	smul.u32 $0x5000, s3;
	s7 =	sshrl.u32 s5, $0x1;
	s6 =	sshrl.u32 s6, $0x2  }
0xa: {  	s12 =	smul.u32 $0x5000, s8;
	s13 =	sadd.s32 $0x4000, s10;
	s14 =	sadd.s32 $0x8000, s10  }
0xb: {  	s16 =	sadd.s32 $0xC000, s10;
	s18 =	sadd.s32 $0x10000, s10;
	s11 =	ssub.s32 s5, s7  }
0xc: {  	s5 =	sadd.s32 s6, s1;
	s6 =	sadd.s32 s13, s1;
	s7 =	sadd.s32 s14, s1  }
0xd: {  	s8 =	sadd.s32 s16, s1;
	s17 =	sadd.s32 s10, s15;
	s10 =	sadd.s32 s18, s1  }
0xe: {  	s13 =	sadd.s32 s15, s13;
	s21 =	sadd.s32 s15, s16;
	s22 =	sadd.s32 s15, s18  }
0xf: {  	s3 =	sadd.s32 s3, s19;
	s12 =	sshrl.u32 s12, $0x3;
	s25 =	sshrl.u32 s17, $0x3  }
0x10: {  	s17 =	sadd.s32 s15, s14;
	s23 =	sshrl.u32 s22, $0x3;
	s24 =	sor.u32 $0x300, s3  }
0x11: {  	s3 =	sor.u32 $0x200, s3;
	s22 =	simm.s32 $0x40;
	s20 =	sadd.s32 s9, s12  }
0x12: {  	s12 =	sadd.s32 s0, s25;
	s25 =	sshrl.u32 s24, $0x3;
	[dreg:$0x3] =	wrdreg s20  }
0x13: {  	s24 =	simm.s32 $0x100;
	s26 =	sadd.s32 $0x20, s20;
	[dreg:$0x5] =	wrdreg s12  }
0x14: {  	s12 =	sshrl.u32 s13, $0x3;
	s13 =	sshrl.u32 s17, $0x3;
	s17 =	smax.u32 s11, $0x1  }
0x15: {  	s18 =	sadd.s32 s25, s9;
	s25 =	simm.s32 $0x1;
	s11 =	simm.s32 $0x4  }
0x16: {  	[dreg:$0x4] =	wrdreg s26;
	s12 =	sadd.s32 s0, s12;
	s20 =	sadd.s32 s0, s13  }
0x17: {  	s26 =	sshrl.u32 s3, $0x3;
	s3 =	simm.s32 $0x2;
	[dreg:$0x6] =	wrdreg s12  }
0x18: {  	s13 =	simm.s32 $0x0;
	[dreg:$0x7] =	wrdreg s20;
	s12 =	sshrl.u32 s21, $0x3  }
0x19: {  	s19 =	sadd.s32 s26, s9;
	s20 =	simm.s32 $0x200;
	s21 =	simm.s32 $0x7  }
0x1a: {  	s26 =	simm.s32 $0x3;
	s9 =	simm.s32 $0x180;
	s12 =	sadd.s32 s0, s12  }
0x1b: {  	s0 =	sadd.s32 s0, s23;
	s23 =	simm.s32 $0x2200;
	[dreg:$0x8] =	wrdreg s12  }
0x1c: {  	v0 =	vimm.f32 $0.0e+00;
	[dreg:$0x9] =	wrdreg s0;
	s0 =	simm.s32 $0x80;
	s12 =	simm.s32 $0x5  }
.LBB2_1:
0x1d: {  	s14 =	simm.s32 $0x0;
	s15 =	simm.s32 $0x200  }
.LBB2_2:
0x1e: {  	p0 =	sne.s32 s15, $0xFE00;
	[tilespmem:s14+$0x270] =	vst v0  }
0x1f: {  	[tilespmem:s14+$0x200] =	vst v0  }
0x20: {  	[tilespmem:s14+$0x210] =	vst v0  }
.Ltmp0:
0x21: {  	[tilespmem:s14+$0x220] =	vst v0;
	(pc) =	sbr.rel @p0 .LBB2_2-.Ltmp0, $4  }
0x22: {  	[tilespmem:s14+$0x230] =	vst v0  }
0x23: {  	[tilespmem:s14+$0x240] =	vst v0  }
0x24: {  	[tilespmem:s14+$0x250] =	vst v0  }
0x25: {  	[tilespmem:s14+$0x260] =	vst v0;
	s14 =	sshra.s32 s15, $0x2;
	s15 =	sadd.s32 $0x200, s15  }
0x26: {  	[tilespmem:s14+$0x270] =	vst v0  }
0x27: {  	[tilespmem:s14+$0x200] =	vst v0  }
0x28: {  	[tilespmem:s14+$0x210] =	vst v0  }
0x29: {  	[tilespmem:s14+$0x220] =	vst v0  }
0x2a: {  	[tilespmem:s14+$0x230] =	vst v0  }
0x2b: {  	[tilespmem:s14+$0x240] =	vst v0  }
0x2c: {  	[tilespmem:s14+$0x250] =	vst v0  }
0x2d: {  	[tilespmem:s14+$0x260] =	vst v0  }
0x2e: {  	[spmem:s5] =	stream.linear.scatter [tilespmem:s20], [sflag:$0x7], $0x4000, $0x38;
	[tilespmem:$0x1BE00] =	vst v63  }
0x2f: {  	_ =	swait.ge [sflag:s21], $0x4000  }
0x30: {  	[sflag:s21] =	ssyncset.done $0x0  }
0x31: {  	[sflag:s21] =	ssyncadd.s32 $0xFFFFC000  }
0x32: {  	[spmem:s6] =	stream.linear.scatter [tilespmem:s20], [sflag:$0x7], $0x4000, $0x38;
	[tilespmem:$0x1BE00] =	vst v63  }
0x33: {  	_ =	swait.ge [sflag:s21], $0x4000  }
0x34: {  	[sflag:s21] =	ssyncset.done $0x0  }
0x35: {  	[sflag:s21] =	ssyncadd.s32 $0xFFFFC000  }
0x36: {  	[spmem:s7] =	stream.linear.scatter [tilespmem:s20], [sflag:$0x7], $0x4000, $0x38;
	[tilespmem:$0x1BE00] =	vst v63  }
0x37: {  	_ =	swait.ge [sflag:s21], $0x4000  }
0x38: {  	[sflag:s21] =	ssyncset.done $0x0  }
0x39: {  	[sflag:s21] =	ssyncadd.s32 $0xFFFFC000  }
0x3a: {  	[spmem:s8] =	stream.linear.scatter [tilespmem:s20], [sflag:$0x7], $0x4000, $0x38;
	[tilespmem:$0x1BE00] =	vst v63  }
0x3b: {  	_ =	swait.ge [sflag:s21], $0x4000  }
0x3c: {  	[sflag:s21] =	ssyncset.done $0x0  }
0x3d: {  	[sflag:s21] =	ssyncadd.s32 $0xFFFFC000  }
0x3e: {  	[spmem:s10] =	stream.linear.scatter [tilespmem:s20], [sflag:$0x7], $0x3C00, $0x38;
	[tilespmem:$0x1BE00] =	vst v63  }
0x3f: {  	_ =	swait.ge [sflag:s21], $0x3C00  }
0x40: {  	[sflag:s21] =	ssyncset.done $0x0  }
0x41: {  	s14 =	simm.s32 $0x0;
	s15 =	rddreg [dreg:$0x3];
	[sflag:s21] =	ssyncadd.s32 $0xFFFFC400  }
0x42: {  	[tilespmem:s14], [sflag:$0x7] =	stream.linear.gather [hbm4b:s15+s14], $0x100, $0x38;
	[tilespmem:$0x1BE00] =	vst v63  }
0x43: {  	_ =	swait.ge [sflag:s21], $0x100  }
0x44: {  	[sflag:s21] =	ssyncset.done $0x0  }
0x45: {  	[sflag:s21] =	ssyncadd.s32 $0xFFFFFF00  }
0x46: {  	[tilespmem:s20], [sflag:$0x1] =	stream.indirect.gather [hbm4b:s4+s22], $0x80, s14, s22, $0xb8;
	[tilespmem:$0x1BE00] =	vst v63  }
0x47: {  	_ = 	snop  }
0x48: {  	[tilespmem:s23], [sflag:$0x3] =	stream.indirect.gather [hbm4b:s4+s22], $0x80, s22, s22, $0xb8;
	[tilespmem:$0x1BE00] =	vst v63  }
0x49: {  	s16 =	rddreg [dreg:$0x4]  }
0x4a: {  	[tilespmem:s24], [sflag:$0x6] =	stream.linear.gather [hbm4b:s16+s14], $0x100, $0x38;
	[tilespmem:$0x1BE00] =	vst v63  }
0x4b: {  	[bflag:$0x0] =	sbarrier.arrive $0xFFFF  }
0x4c: {  	_ =	swait.ge [sflag:s25], $0x2000  }
0x4d: {  	[sflag:s25] =	ssyncset.done $0x0  }
0x4e: {  	[sflag:s25] =	ssyncadd.s32 $0xFFFFE000  }
0x4f: {  	_ =	swait.ge [sflag:s26], $0x2000  }
0x50: {  	[sflag:s26] =	ssyncset.done $0x0  }
0x51: {  	[sflag:s26] =	ssyncadd.s32 $0xFFFFE000  }
0x52: {  	_ =	swait.ge [sflag:s28], $0x100  }
0x53: {  	[sflag:s28] =	ssyncset.done $0x0  }
0x54: {  	[sflag:s28] =	ssyncadd.s32 $0xFFFFFF00  }
0x55: {  	[tilespmem:s29], [sflag:$0x2] =	stream.indirect.gather [hbm4b:s4+s22], $0x80, s24, s22, $0xb8;
	[tilespmem:$0x1BE00] =	vst v63  }
0x56: {  	_ = 	snop  }
0x57: {  	[tilespmem:s31], [sflag:$0x4] =	stream.indirect.gather [hbm4b:s4+s22], $0x80, s30, s22, $0xb8;
	[tilespmem:$0x1BE00] =	vst v63  }
0x58: {  	_ = 	snop  }
0x59: {  	[spmem:s1] =	stream.indirect.scatter.add.f32 [tilespmem:s20], [sflag:$0x7], $0x80, s0, s0, $0xb8;
	[tilespmem:$0x1BE00] =	vst v63  }
0x5a: {  	_ =	swait.ge [sflag:s21], $0x4000  }
0x5b: {  	[sflag:s21] =	ssyncset.done $0x0  }
0x5c: {  	s16 =	sadd.s32 $0x0, s19;
	[sflag:s21] =	ssyncadd.s32 $0xFFFFC000  }
0x5d: {  	[tilespmem:s2], [sflag:$0x5] =	stream.linear.gather [hbm4b:s16+s2], $0x100, $0x38;
	[tilespmem:$0x1BE00] =	vst v63  }
0x5e: {  	_ =	swait.ge [sflag:s3], $0x2000  }
0x5f: {  	[sflag:s3] =	ssyncset.done $0x0  }
0x60: {  	[sflag:s3] =	ssyncadd.s32 $0xFFFFE000  }
0x61: {  	_ =	swait.ge [sflag:s11], $0x2000  }
0x62: {  	[sflag:s11] =	ssyncset.done $0x0  }
0x63: {  	[sflag:s11] =	ssyncadd.s32 $0xFFFFE000  }
0x64: {  	_ =	swait.ge [sflag:s12], $0x100  }
0x65: {  	[sflag:s12] =	ssyncset.done $0x0  }
0x66: {  	[sflag:s12] =	ssyncadd.s32 $0xFFFFFF00  }
0x67: {  	[tilespmem:s20], [sflag:$0x1] =	stream.indirect.gather [hbm4b:s4+s22], $0x80, s2, s22, $0xb8;
	[tilespmem:$0x1BE00] =	vst v63  }
0x68: {  	_ = 	snop  }
0x69: {  	[tilespmem:s23], [sflag:$0x3] =	stream.indirect.gather [hbm4b:s4+s22], $0x80, s22, s22, $0xb8;
	[tilespmem:$0x1BE00] =	vst v63  }
0x6a: {  	_ = 	snop  }
0x6b: {  	[spmem:s1] =	stream.indirect.scatter.add.f32 [tilespmem:s29], [sflag:$0x7], $0x80, s9, s0, $0xb8;
	[tilespmem:$0x1BE00] =	vst v63  }
0x6c: {  	_ =	swait.ge [sflag:s21], $0x4000  }
0x6d: {  	[sflag:s21] =	ssyncset.done $0x0  }
0x6e: {  	s15 =	sadd.s32 $0x0, s18;
	s14 =	simm.s32 $0x40;
	[sflag:s21] =	ssyncadd.s32 $0xFFFFC000  }
.LBB2_4:
0x6f: {  	[tilespmem:s24], [sflag:$0x6] =	stream.linear.gather [hbm4b:s15+s2], $0x100, $0x38;
	[tilespmem:$0x1BE00] =	vst v63  }
0x70: {  	s15 =	smov.u32 s14  }
0x71: {  	p0 =	sne.s32 s14, $0x980;
	s14 =	sadd.s32 $0x40, s14;
	_ =	swait.ge [sflag:s25], $0x2000  }
0x72: {  	[sflag:s25] =	ssyncset.done $0x0  }
0x73: {  	[sflag:s25] =	ssyncadd.s32 $0xFFFFE000  }
0x74: {  	_ =	swait.ge [sflag:s26], $0x2000  }
0x75: {  	[sflag:s26] =	ssyncset.done $0x0  }
0x76: {  	[sflag:s26] =	ssyncadd.s32 $0xFFFFE000  }
0x77: {  	_ =	swait.ge [sflag:s28], $0x100  }
0x78: {  	[sflag:s28] =	ssyncset.done $0x0  }
0x79: {  	[sflag:s28] =	ssyncadd.s32 $0xFFFFFF00  }
0x7a: {  	[tilespmem:s29], [sflag:$0x2] =	stream.indirect.gather [hbm4b:s4+s22], $0x80, s24, s22, $0xb8;
	[tilespmem:$0x1BE00] =	vst v63  }
0x7b: {  	_ = 	snop  }
0x7c: {  	[tilespmem:s31], [sflag:$0x4] =	stream.indirect.gather [hbm4b:s4+s22], $0x80, s30, s22, $0xb8;
	[tilespmem:$0x1BE00] =	vst v63  }
0x7d: {  	_ = 	snop  }
0x7e: {  	[spmem:s1] =	stream.indirect.scatter.add.f32 [tilespmem:s20], [sflag:$0x7], $0x80, s0, s0, $0xb8;
	[tilespmem:$0x1BE00] =	vst v63  }
0x7f: {  	_ =	swait.ge [sflag:s21], $0x4000  }
0x80: {  	[sflag:s21] =	ssyncset.done $0x0  }
0x81: {  	s16 =	sadd.s32 s15, s19;
	[sflag:s21] =	ssyncadd.s32 $0xFFFFC000  }
0x82: {  	[tilespmem:s2], [sflag:$0x5] =	stream.linear.gather [hbm4b:s16+s2], $0x100, $0x38;
	[tilespmem:$0x1BE00] =	vst v63  }
0x83: {  	_ =	swait.ge [sflag:s3], $0x2000  }
0x84: {  	[sflag:s3] =	ssyncset.done $0x0  }
0x85: {  	[sflag:s3] =	ssyncadd.s32 $0xFFFFE000  }
0x86: {  	_ =	swait.ge [sflag:s11], $0x2000  }
0x87: {  	[sflag:s11] =	ssyncset.done $0x0  }
0x88: {  	[sflag:s11] =	ssyncadd.s32 $0xFFFFE000  }
0x89: {  	_ =	swait.ge [sflag:s12], $0x100  }
0x8a: {  	[sflag:s12] =	ssyncset.done $0x0  }
0x8b: {  	[sflag:s12] =	ssyncadd.s32 $0xFFFFFF00  }
0x8c: {  	[tilespmem:s20], [sflag:$0x1] =	stream.indirect.gather [hbm4b:s4+s22], $0x80, s2, s22, $0xb8;
	[tilespmem:$0x1BE00] =	vst v63  }
0x8d: {  	_ = 	snop  }
0x8e: {  	[tilespmem:s23], [sflag:$0x3] =	stream.indirect.gather [hbm4b:s4+s22], $0x80, s22, s22, $0xb8;
	[tilespmem:$0x1BE00] =	vst v63  }
.Ltmp1:
0x8f: {  	(pc) =	sbr.rel @p0 .LBB2_4-.Ltmp1, $4  }
0x90: {  	[spmem:s1] =	stream.indirect.scatter.add.f32 [tilespmem:s29], [sflag:$0x7], $0x80, s9, s0, $0xb8;
	[tilespmem:$0x1BE00] =	vst v63  }
0x91: {  	_ =	swait.ge [sflag:s21], $0x4000  }
0x92: {  	[sflag:s21] =	ssyncset.done $0x0  }
0x93: {  	s15 =	sadd.s32 s15, s18;
	[sflag:s21] =	ssyncadd.s32 $0xFFFFC000  }
0x94: {  	[tilespmem:s24], [sflag:$0x6] =	stream.linear.gather [hbm4b:s15+s2], $0x100, $0x38;
	[tilespmem:$0x1BE00] =	vst v63  }
0x95: {  	_ =	swait.ge [sflag:s25], $0x2000  }
0x96: {  	[sflag:s25] =	ssyncset.done $0x0  }
0x97: {  	[sflag:s25] =	ssyncadd.s32 $0xFFFFE000  }
0x98: {  	_ =	swait.ge [sflag:s26], $0x2000  }
0x99: {  	[sflag:s26] =	ssyncset.done $0x0  }
0x9a: {  	[sflag:s26] =	ssyncadd.s32 $0xFFFFE000  }
0x9b: {  	_ =	swait.ge [sflag:s28], $0x100  }
0x9c: {  	[sflag:s28] =	ssyncset.done $0x0  }
0x9d: {  	[sflag:s28] =	ssyncadd.s32 $0xFFFFFF00  }
0x9e: {  	[tilespmem:s29], [sflag:$0x2] =	stream.indirect.gather [hbm4b:s4+s22], $0x80, s24, s22, $0xb8;
	[tilespmem:$0x1BE00] =	vst v63  }
0x9f: {  	_ = 	snop  }
0xa0: {  	[tilespmem:s31], [sflag:$0x4] =	stream.indirect.gather [hbm4b:s4+s22], $0x80, s30, s22, $0xb8;
	[tilespmem:$0x1BE00] =	vst v63  }
0xa1: {  	_ = 	snop  }
0xa2: {  	[spmem:s1] =	stream.indirect.scatter.add.f32 [tilespmem:s20], [sflag:$0x7], $0x80, s0, s0, $0xb8;
	[tilespmem:$0x1BE00] =	vst v63  }
0xa3: {  	_ =	swait.ge [sflag:s21], $0x4000  }
0xa4: {  	[sflag:s21] =	ssyncset.done $0x0  }
0xa5: {  	[sflag:s21] =	ssyncadd.s32 $0xFFFFC000  }
0xa6: {  	_ =	swait.ge [sflag:s3], $0x2000  }
0xa7: {  	[sflag:s3] =	ssyncset.done $0x0  }
0xa8: {  	[sflag:s3] =	ssyncadd.s32 $0xFFFFE000  }
0xa9: {  	_ =	swait.ge [sflag:s11], $0x2000  }
0xaa: {  	[sflag:s11] =	ssyncset.done $0x0  }
0xab: {  	[sflag:s11] =	ssyncadd.s32 $0xFFFFE000  }
0xac: {  	[spmem:s1] =	stream.indirect.scatter.add.f32 [tilespmem:s29], [sflag:$0x7], $0x80, s9, s0, $0xb8;
	[tilespmem:$0x1BE00] =	vst v63  }
0xad: {  	_ =	swait.ge [sflag:s21], $0x4000  }
0xae: {  	[sflag:s21] =	ssyncset.done $0x0  }
0xaf: {  	[sflag:s21] =	ssyncadd.s32 $0xFFFFC000  }
0xb0: {  	[bflag:$0x0] =	sbarrier.arrive $0xFFFF  }
0xb1: {  	[tilespmem:s20], [sflag:$0x7] =	stream.linear.gather [spmem:s5], $0x4000, $0x38;
	[tilespmem:$0x1BE00] =	vst v63  }
0xb2: {  	_ =	swait.ge [sflag:s21], $0x4000  }
0xb3: {  	[sflag:s21] =	ssyncset.done $0x0  }
0xb4: {  	s14 =	rddreg [dreg:$0x5];
	[sflag:s21] =	ssyncadd.s32 $0xFFFFC000  }
0xb5: {  	[hbm4b:s14+s2] =	stream.linear.scatter [tilespmem:s20], [sflag:$0x7], $0x4000, $0x38;
	[tilespmem:$0x1BE00] =	vst v63  }
0xb6: {  	_ =	swait.ge [sflag:s21], $0x4000  }
0xb7: {  	[sflag:s21] =	ssyncset.done $0x0  }
0xb8: {  	[sflag:s21] =	ssyncadd.s32 $0xFFFFC000  }
0xb9: {  	[tilespmem:s20], [sflag:$0x7] =	stream.linear.gather [spmem:s6], $0x4000, $0x38;
	[tilespmem:$0x1BE00] =	vst v63  }
0xba: {  	_ =	swait.ge [sflag:s21], $0x4000  }
0xbb: {  	[sflag:s21] =	ssyncset.done $0x0  }
0xbc: {  	s15 =	rddreg [dreg:$0x6];
	[sflag:s21] =	ssyncadd.s32 $0xFFFFC000  }
0xbd: {  	[hbm4b:s15+s2] =	stream.linear.scatter [tilespmem:s20], [sflag:$0x7], $0x4000, $0x38;
	[tilespmem:$0x1BE00] =	vst v63  }
0xbe: {  	_ =	swait.ge [sflag:s21], $0x4000  }
0xbf: {  	[sflag:s21] =	ssyncset.done $0x0  }
0xc0: {  	[sflag:s21] =	ssyncadd.s32 $0xFFFFC000  }
0xc1: {  	[tilespmem:s20], [sflag:$0x7] =	stream.linear.gather [spmem:s7], $0x4000, $0x38;
	[tilespmem:$0x1BE00] =	vst v63  }
0xc2: {  	_ =	swait.ge [sflag:s21], $0x4000  }
0xc3: {  	[sflag:s21] =	ssyncset.done $0x0  }
0xc4: {  	s16 =	rddreg [dreg:$0x7];
	[sflag:s21] =	ssyncadd.s32 $0xFFFFC000  }
0xc5: {  	[hbm4b:s16+s2] =	stream.linear.scatter [tilespmem:s20], [sflag:$0x7], $0x4000, $0x38;
	[tilespmem:$0x1BE00] =	vst v63  }
0xc6: {  	_ =	swait.ge [sflag:s21], $0x4000  }
0xc7: {  	[sflag:s21] =	ssyncset.done $0x0  }
0xc8: {  	[sflag:s21] =	ssyncadd.s32 $0xFFFFC000  }
0xc9: {  	[tilespmem:s20], [sflag:$0x7] =	stream.linear.gather [spmem:s8], $0x4000, $0x38;
	[tilespmem:$0x1BE00] =	vst v63  }
0xca: {  	_ =	swait.ge [sflag:s21], $0x4000  }
0xcb: {  	[sflag:s21] =	ssyncset.done $0x0  }
0xcc: {  	s15 =	rddreg [dreg:$0x8];
	[sflag:s21] =	ssyncadd.s32 $0xFFFFC000  }
0xcd: {  	[hbm4b:s15+s2] =	stream.linear.scatter [tilespmem:s20], [sflag:$0x7], $0x4000, $0x38;
	[tilespmem:$0x1BE00] =	vst v63  }
0xce: {  	_ =	swait.ge [sflag:s21], $0x4000  }
0xcf: {  	[sflag:s21] =	ssyncset.done $0x0  }
0xd0: {  	[sflag:s21] =	ssyncadd.s32 $0xFFFFC000  }
0xd1: {  	[tilespmem:s20], [sflag:$0x7] =	stream.linear.gather [spmem:s10], $0x3C00, $0x38;
	[tilespmem:$0x1BE00] =	vst v63  }
0xd2: {  	s13 =	sadd.s32 $0x1, s13;
	_ =	swait.ge [sflag:s21], $0x3C00  }
0xd3: {  	p0 =	sne.s32 s13, s17;
	[sflag:s21] =	ssyncset.done $0x0  }
.Ltmp2:
0xd4: {  	s16 =	rddreg [dreg:$0x9];
	[sflag:s21] =	ssyncadd.s32 $0xFFFFC400;
	(pc) =	sbr.rel @p0 .LBB2_1-.Ltmp2, $4  }
0xd5: {  	[hbm4b:s16+s2] =	stream.linear.scatter [tilespmem:s20], [sflag:$0x7], $0x3C00, $0x38;
	[tilespmem:$0x1BE00] =	vst v63  }
0xd6: {  	_ =	swait.ge [sflag:s21], $0x3C00  }
0xd7: {  	[sflag:s21] =	ssyncset.done $0x0  }
0xd8: {  	[sflag:s21] =	ssyncadd.s32 $0xFFFFC400  }
0xd9: {  	_ =	sfence.sel $0x180000  }
0xda: {  	[bflag:$0x0] =	sbarrier.arrive $0xFFFF  }
0xdb: {  	_ =	strace $0x9000004A  }
0xdc: {  	s0 =	stileid.u32;
	[bflag:$0x2] =	sbarrier.arrive $0xFFFF  }
0xdd: {  	p0 =	sne.s32 s0, $0x0;
	s0 =	rddreg [dreg:$0x2]  }
0xde: {  	s0 =	sadd.s32 @!p0 $0x100000, s0  }
0xdf: {  	[sflag:s0] =	ssyncadd.tile.s32 @!p0 $0x1;
	_ =	shalt  }
.Lfunc_end2:
_tile_overlayer_lowered:
.L_overlay_start_2:
0xe0: {  	(tag) =	ssettag $0x2  }
0xe1: {  	s0 =	rddreg [dreg:$0x0];
	s2 =	stileid.u32  }
0xe2: {  	s1 =	rddreg [dreg:$0x1];
	p0 =	sne.s32 s2, $0x0  }
0xe3: {  	s3 =	rddreg [dreg:$0x2];
	[bflag:$0x3] =	sbarrier.arrive $0xFFFF;
	s2 =	simm.s32 @!p0 $0x1C07  }
0xe4: {  	[timem:s3], [sflag:s2] =	dma.local @!p0 [hbm:s0], s1  }
0xe5: {  	s0 =	simm.s32 @!p0 $0x7  }
0xe6: {  	_ =	swait.ge @!p0 [sflag:s0], s1  }
0xe7: {  	s1 =	ssub.s32 @!p0 $0x0, s1;
	[sflag:s0] =	ssyncset.done @!p0 $0x0  }
0xe8: {  	[sflag:s0] =	ssyncadd.s32 @!p0 s1  }
0xe9: {  	[bflag:$0x3] =	sbarrier.arrive $0xFFFF  }
0xea: {  	_ =	shalt  }

// kernel: kernel.15.cloned.1.call-start
scs
__scs_entry_jumppad:
0x0: {  	(pc) =	sbr.rel $0x88, $3  }
0x1: {  	(tag) =	ssettag $0x0;
	lr =	simm.s32 $0x1  }
0x2: {  	[smem:$0x3F92] =	sst lr;
	_ =	strace $0xD0000000  }
0x3: {  	_ = 	snop  }
0x4: {  	_ = 	snop  }
0x5: {  	_ = 	snop  }
0x6: {  	_ = 	snop  }
0x7: {  	_ = 	snop  }
__scs_overlays_trampoline_lowered:
0x8: {  	[smem:$0x3FA1] =	sst s0  }
0x9: {  	[smem:$0x3FA2] =	sst s1  }
0xa: {  	[smem:$0x3FA3] =	sst s2  }
0xb: {  	[smem:$0x3FA4] =	sst s3  }
0xc: {  	[smem:$0x3FA5] =	sst s4  }
0xd: {  	[smem:$0x3FA6] =	sst s5  }
0xe: {  	[smem:$0x3FA7] =	sst s6  }
0xf: {  	[smem:$0x3FA8] =	sst s7  }
0x10: {  	[smem:$0x3FA9] =	sst s8  }
0x11: {  	[smem:$0x3FAA] =	sst s9;
	s0 =	simm.s32 @!p0 $0x0  }
0x12: {  	s1 =	sld [smem:$0x3F90];
	s0 =	simm.s32 @p0 $0x1  }
0x13: {  	[smem:$0x3FAB] =	sst s0;
	s0 =	simm.s32 @!p1 $0x0  }
0x14: {  	s2 =	sld [smem:$0x3F8F];
	s0 =	simm.s32 @p1 $0x1  }
0x15: {  	[smem:$0x3FAC] =	sst s0;
	s0 =	simm.s32 @!p2 $0x0  }
0x16: {  	s3 =	sld [smem:$0x3FDB];
	s0 =	simm.s32 @p2 $0x1  }
0x17: {  	s4 =	simm.s32 $0x1BF5;
	[smem:$0x3FAE] =	sst s0  }
0x18: {  	s0 =	sld [smem:$0x3F91];
	_ =	swait.ge [sflag:s4], $0x0  }
0x19: {  	s7 =	sld [smem:$0x3F92]  }
0x1a: {  	s8 =	sadd.s32 $0xFFFFE003, lr  }
0x1b: {  	s9 =	sadd.s32 $0xFFFFFEF7, lr;
	s5 =	simm.s32 $0xFFFFFFFF;
	p2 =	slt.u32 s8, $0xFFFFF086  }
0x1c: {  	p1 =	slt.u32 s9, $0xF7A;
	s5 =	simm.s32 @!p2 $0x0  }
0x1d: {  	s5 =	simm.s32 @p1 $0x1;
	p0 =	seq.s32 s7, s2  }
0x1e: {  	s7 =	smul.u32 @!p0 $0xF7A, s2;
	p2 =	seq.s32 @!p0 s5, $0x0  }
0x1f: {  	s9 =	smul.u32 $0xF7A, s1;
	s8 =	simm.s32 @!p0 $0x1BF5;
	p2 =	por !p2, p0  }
0x20: {  	[sflag:s8] =	ssyncset.s32 @!p0 $0xFFFFF086;
	s6 =	sadd.s32 @!p0 s3, s7;
	s7 =	simm.s32 @!p0 $0x108  }
0x21: {  	s3 =	sadd.s32 s3, s9;
	s6 =	sadd.s32 @!p0 $0x88, s6;
	s7 =	simm.s32 @p2 $0x1082  }
0x22: {  	[simem:s7], [sflag:s8] =	dma.local @!p0 [hbm:s6], $0xF7A  }
0x23: {  	s9 =	sor.u32 $0xD0000000, s2;
	s6 =	simm.s32 $0x108;
	_ =	swait.ge @!p0 [sflag:s8], $0x0  }
0x24: {  	s3 =	sadd.s32 $0x88, s3;
	s6 =	simm.s32 @!p1 $0x1082;
	[sflag:s4] =	ssyncset.s32 $0xFFFFF086  }
0x25: {  	[simem:s6], [sflag:s4] =	dma.local [hbm:s3], $0xF7A  }
0x26: {  	[smem:$0x3F92] =	sst s1;
	(tag) =	ssettag s2;
	_ =	strace s9  }
0x27: {  	s1 =	sld [smem:$0x3FA2]  }
0x28: {  	s2 =	sld [smem:$0x3FA3]  }
0x29: {  	s4 =	sld [smem:$0x3FA5]  }
0x2a: {  	p0 =	seq.s32 s5, $0x0;
	s5 =	sld [smem:$0x3FA6]  }
0x2b: {  	s6 =	sld [smem:$0x3FA7]  }
0x2c: {  	s7 =	sld [smem:$0x3FA8]  }
0x2d: {  	s3 =	simm.s32 $0x108;
	s8 =	sld [smem:$0x3FA9]  }
0x2e: {  	s3 =	simm.s32 @!p0 $0x1082;
	s9 =	sld [smem:$0x3FAA]  }
0x2f: {  	lr =	sadd.s32 s0, s3;
	s0 =	sld [smem:$0x3FA1]  }
0x30: {  	s3 =	sld [smem:$0x3FA4]  }
0x31: {  	[smem:$0x3FAD] =	sst s10  }
0x32: {  	s10 =	sld [smem:$0x3FAB];
	_ =	sdelay $0x3  }
0x33: {  	p0 =	seq.s32 s10, $0x1;
	s10 =	sld [smem:$0x3FAD];
	_ =	sdelay $0x3  }
0x34: {  	[smem:$0x3FAD] =	sst s10  }
0x35: {  	s10 =	sld [smem:$0x3FAC];
	_ =	sdelay $0x3  }
0x36: {  	p1 =	seq.s32 s10, $0x1;
	s10 =	sld [smem:$0x3FAD];
	_ =	sdelay $0x3  }
0x37: {  	[smem:$0x3FAD] =	sst s10  }
0x38: {  	s10 =	sld [smem:$0x3FAE]  }
0x39: {  	_ = 	snop;
	(pc) =	sbr.ind lr, $3  }
0x3a: {  	_ = 	snop  }
0x3b: {  	_ = 	snop  }
0x3c: {  	p2 =	seq.s32 s10, $0x1;
	s10 =	sld [smem:$0x3FAD]  }
0x3d: {  	_ =	shalt  }
0x3e: {  	_ =	shalt  }
0x3f: {  	_ =	shalt  }
0x40: {  	_ =	shalt  }
0x41: {  	_ =	shalt  }
0x42: {  	_ =	shalt  }
0x43: {  	_ =	shalt  }
0x44: {  	_ =	shalt  }
0x45: {  	_ =	shalt  }
0x46: {  	_ =	shalt  }
0x47: {  	_ =	shalt  }
0x48: {  	_ =	shalt  }
0x49: {  	_ =	shalt  }
0x4a: {  	_ =	shalt  }
0x4b: {  	_ =	shalt  }
0x4c: {  	_ =	shalt  }
0x4d: {  	_ =	shalt  }
0x4e: {  	_ =	shalt  }
0x4f: {  	_ =	shalt  }
0x50: {  	_ =	shalt  }
0x51: {  	_ =	shalt  }
0x52: {  	_ =	shalt  }
0x53: {  	_ =	shalt  }
0x54: {  	_ =	shalt  }
0x55: {  	_ =	shalt  }
0x56: {  	_ =	shalt  }
0x57: {  	_ =	shalt  }
0x58: {  	_ =	shalt  }
0x59: {  	_ =	shalt  }
0x5a: {  	_ =	shalt  }
0x5b: {  	_ =	shalt  }
0x5c: {  	_ =	shalt  }
0x5d: {  	_ =	shalt  }
0x5e: {  	_ =	shalt  }
0x5f: {  	_ =	shalt  }
0x60: {  	_ =	shalt  }
0x61: {  	_ =	shalt  }
0x62: {  	_ =	shalt  }
0x63: {  	_ =	shalt  }
0x64: {  	_ =	shalt  }
0x65: {  	_ =	shalt  }
0x66: {  	_ =	shalt  }
0x67: {  	_ =	shalt  }
0x68: {  	_ =	shalt  }
0x69: {  	_ =	shalt  }
0x6a: {  	_ =	shalt  }
0x6b: {  	_ =	shalt  }
0x6c: {  	_ =	shalt  }
0x6d: {  	_ =	shalt  }
0x6e: {  	_ =	shalt  }
0x6f: {  	_ =	shalt  }
0x70: {  	_ =	shalt  }
0x71: {  	_ =	shalt  }
0x72: {  	_ =	shalt  }
0x73: {  	_ =	shalt  }
0x74: {  	_ =	shalt  }
0x75: {  	_ =	shalt  }
0x76: {  	_ =	shalt  }
0x77: {  	_ =	shalt  }
0x78: {  	_ =	shalt  }
0x79: {  	_ =	shalt  }
0x7a: {  	_ =	shalt  }
0x7b: {  	_ =	shalt  }
0x7c: {  	_ =	shalt  }
0x7d: {  	_ =	shalt  }
0x7e: {  	_ =	shalt  }
0x7f: {  	_ =	shalt  }
0x80: {  	_ =	shalt  }
0x81: {  	_ =	shalt  }
0x82: {  	_ =	shalt  }
0x83: {  	_ =	shalt  }
0x84: {  	_ =	shalt  }
0x85: {  	_ =	shalt  }
0x86: {  	_ =	shalt  }
0x87: {  	_ =	shalt  }
.Lfunc_end0:
.L_simem_size_0:
called_computation.2_lowered:
.L_overlay_start_0:
0x88: {  	s2 =	sld [smem:$0x3FD9]  }
0x89: {  	s3 =	sld [smem:$0x3FFE];
	_ =	sdelay $0x1  }
0x8a: {  	s1 =	srdreg.scid  }
0x8b: {  	s0 =	sand.u32 $0x1, s1  }
0x8c: {  	s16 =	sshll.u32 s0, $0xA;
	s2 =	sadd.s32 s3, s2  }
0x8d: {  	s2 =	sadd.s32 s2, s16  }
0x8e: {  	[smem:$0x3FB9] =	sst s2  }
0x8f: {  	_ = 	snop  }
0x90: {  	(tm) =	ssettm $0x1  }
0x91: {  	s17 =	sld [smem:$0x3FFB];
	_ =	sdelay $0x3  }
0x92: {  	_ =	strace s17  }
0x93: {  	s2 =	sld [smem:$0x3FFC];
	_ =	sdelay $0x3  }
0x94: {  	_ =	strace s2  }
0x95: {  	s2 =	sld [smem:$0x3FFD];
	_ =	sdelay $0x3  }
0x96: {  	_ =	strace s2  }
0x97: {  	_ =	strace $0x8FFFFFFF  }
0x98: {  	s18 =	sld [smem:$0x3FDB];
	_ =	sdelay $0x1  }
0x99: {  	s19 =	simm.s32 $_scs_section_size  }
0x9a: {  	s4 =	simm.s32 $_size__tile_overlayer_lowered;
	s5 =	simm.s32 $_tile_overlayer_lowered  }
0x9b: {  	s22 =	simm.s32 $0x1BFF;
	s21 =	sshll.u32 s5, $0x1;
	s2 =	sadd.s32 s19, s18  }
0x9c: {  	s6 =	simm.s32 $0x0;
	s20 =	sshll.u32 s4, $0x1;
	s4 =	sadd.s32 s21, s2  }
0x9d: {  	[timem:s6], [sflag:s22] =	dma.local [hbm:s4], s20  }
0x9e: {  	_ =	swait.ge [sflag:s22], s20  }
0x9f: {  	s3 =	ssub.s32 $0x0, s20;
	[sflag:s22] =	ssyncset.done $0x0  }
0xa0: {  	[sflag:s22] =	ssyncadd.s32 s3;
	_ =	sdelay $0x1  }
0xa1: {  	s23 =	simm.s32 $0x1B8B  }
0xa2: {  	_ =	swait.ge [sflag:s23], $0x1  }
0xa3: {  	[sflag:s23] =	ssyncset.done $0x0  }
0xa4: {  	s25 =	simm.s32 $0x1B8E;
	s24 =	sld [smem:$0x3FFE];
	[sflag:s23] =	ssyncadd.s32 $0xFFFFFFFF  }
0xa5: {  	s26 =	simm.s32 $execute0_lowered;
	[smem:$0x3FD2] =	sst s25  }
0xa6: {  	s4 =	sshll.u32 s26, $0x1;
	_ =	strace $0x8000004C;
	[dreg:$0x1] =	wrdreg $0xFFFFFFFF  }
0xa7: {  	s28 =	simm.s32 $_size_execute0_lowered;
	s2 =	sadd.s32 s2, s4;
	[dreg:$0x0] =	wrdreg $0x0  }
0xa8: {  	s4 =	sshll.u32 s28, $0x1;
	[dreg:$0x2] =	wrdreg s2  }
0xa9: {  	[dreg:$0x3] =	wrdreg s4  }
0xaa: {  	[dreg:$0x4] =	wrdreg $0xC0  }
0xab: {  	_ =	task [dreg:s6], $0x5FFFF  }
0xac: {  	[dreg:$0x1] =	wrdreg $0xFFFFFFFF  }
0xad: {  	[dreg:$0x0] =	wrdreg $0x60  }
0xae: {  	[dreg:$0x2] =	wrdreg s24  }
0xaf: {  	[dreg:$0x3] =	wrdreg $0x82000  }
0xb0: {  	[dreg:$0x4] =	wrdreg $0x9  }
0xb1: {  	_ =	task.clear_ibuf [dreg:s6], $0x5FFFF;
	_ =	strace $0x9000004C  }
0xb2: {  	s29 =	simm.s32 $0x9;
	_ =	strace $0x8000004E  }
0xb3: {  	_ =	swait.ge [sflag:s29], $0x1  }
0xb4: {  	[sflag:s29] =	ssyncadd.s32 $0xFFFFFFFF  }
0xb5: {  	_ =	strace $0x9000004E  }
0xb6: {  	_ =	sfence  }
0xb7: {  	s30 =	sld [smem:$0x0];
	_ =	sdelay $0x2  }
0xb8: {  	s31 =	sshll.u32 s1, $0xD;
	s1 =	sshrl.u32 s1, $0x2  }
0xb9: {  	s3 =	sand.u32 $0x4000, s31;
	s1 =	sadd.s32 s1, s30  }
0xba: {  	s0 =	sor.u32 s3, s0;
	s1 =	sshll.u32 s1, $0x11  }
0xbb: {  	s0 =	sor.u32 s1, s0  }
0xbc: {  	s0 =	sadd.s32 $0x8F2B, s0  }
0xbd: {  	[sflag:s0] =	ssyncadd.remote.s32 $0x1  }
0xbe: {  	_ =	sfence.sel $0xFFFF  }
0xbf: {  	[dreg:$0x0] =	wrdreg $0xFFFFFFFF;
	(pc) =	sbr.abs _section_cstart, $3  }
0xc0: {  	[dreg:$0x1] =	wrdreg $0xFFFFFFFF  }
0xc1: {  	_ =	task.clear_ibuf [dreg:s6], $0x2FFFF;
	_ =	strace $0x9FFFFFFF  }
0xc2: {  	(tm) =	ssettm $0x7FFFFFFF  }
0xc3: {  	_ =	shalt  }
tec
execute0_lowered:
.L_overlay_start_1:
0x0: {  	(tag) =	ssettag $0x1  }
0x1: {  	s0 =	rddreg [dreg:$0x0]  }
0x2: {  	s1 =	rddreg [dreg:$0x1];
	s2 =	simm.s32 $0x0;
	s3 =	srdreg.scid  }
0x3: {  	s19 =	stileid.u32;
	s28 =	simm.s32 $0x6;
	s29 =	simm.s32 $0x4200  }
0x4: {  	s30 =	simm.s32 $0x140;
	s31 =	simm.s32 $0x6200;
	[smem:$0x7FF] =	sst s2  }
0x5: {  	s4 =	sadd.s32 $0x16C00, s0;
	s3 =	sand.u32 $0x1, s3;
	s6 =	smul.u32 $0x4F000, s19  }
0x6: {  	s9 =	sadd.s32 $0x2C00, s0;
	s0 =	sadd.s32 $0x3DE00, s0;
	s10 =	smul.u32 $0x13C00, s19  }
0x7: {  	s8 =	sshll.u32 s19, $0x1;
	s19 =	smul.u32 $0xA000, s19;
	_ =	strace $0x8000004D  }
0x8: {  	s5 =	ssub.s32 $0x2, s3;
	s8 =	sor.u32 s3, s8;
	s15 =	smul.u32 $0x13C000, s3  }
0x9: {  	s3 =	smul.u32 $0x5000, s3;
	s7 =	sshrl.u32 s5, $0x1;
	s6 =	sshrl.u32 s6, $0x2  }
0xa: {  	s12 =	smul.u32 $0x5000, s8;
	s13 =	sadd.s32 $0x4000, s10;
	s14 =	sadd.s32 $0x8000, s10  }
0xb: {  	s16 =	sadd.s32 $0xC000, s10;
	s18 =	sadd.s32 $0x10000, s10;
	s11 =	ssub.s32 s5, s7  }
0xc: {  	s5 =	sadd.s32 s6, s1;
	s6 =	sadd.s32 s13, s1;
	s7 =	sadd.s32 s14, s1  }
0xd: {  	s8 =	sadd.s32 s16, s1;
	s17 =	sadd.s32 s10, s15;
	s10 =	sadd.s32 s18, s1  }
0xe: {  	s13 =	sadd.s32 s15, s13;
	s21 =	sadd.s32 s15, s16;
	s22 =	sadd.s32 s15, s18  }
0xf: {  	s3 =	sadd.s32 s3, s19;
	s12 =	sshrl.u32 s12, $0x3;
	s25 =	sshrl.u32 s17, $0x3  }
0x10: {  	s17 =	sadd.s32 s15, s14;
	s23 =	sshrl.u32 s22, $0x3;
	s24 =	sor.u32 $0x300, s3  }
0x11: {  	s3 =	sor.u32 $0x200, s3;
	s22 =	simm.s32 $0x40;
	s20 =	sadd.s32 s9, s12  }
0x12: {  	s12 =	sadd.s32 s0, s25;
	s25 =	sshrl.u32 s24, $0x3;
	[dreg:$0x3] =	wrdreg s20  }
0x13: {  	s24 =	simm.s32 $0x100;
	s26 =	sadd.s32 $0x20, s20;
	[dreg:$0x5] =	wrdreg s12  }
0x14: {  	s12 =	sshrl.u32 s13, $0x3;
	s13 =	sshrl.u32 s17, $0x3;
	s17 =	smax.u32 s11, $0x1  }
0x15: {  	s18 =	sadd.s32 s25, s9;
	s25 =	simm.s32 $0x1;
	s11 =	simm.s32 $0x4  }
0x16: {  	[dreg:$0x4] =	wrdreg s26;
	s12 =	sadd.s32 s0, s12;
	s20 =	sadd.s32 s0, s13  }
0x17: {  	s26 =	sshrl.u32 s3, $0x3;
	s3 =	simm.s32 $0x2;
	[dreg:$0x6] =	wrdreg s12  }
0x18: {  	s13 =	simm.s32 $0x0;
	[dreg:$0x7] =	wrdreg s20;
	s12 =	sshrl.u32 s21, $0x3  }
0x19: {  	s19 =	sadd.s32 s26, s9;
	s20 =	simm.s32 $0x200;
	s21 =	simm.s32 $0x7  }
0x1a: {  	s26 =	simm.s32 $0x3;
	s9 =	simm.s32 $0x180;
	s12 =	sadd.s32 s0, s12  }
0x1b: {  	s0 =	sadd.s32 s0, s23;
	s23 =	simm.s32 $0x2200;
	[dreg:$0x8] =	wrdreg s12  }
0x1c: {  	v0 =	vimm.f32 $0.0e+00;
	[dreg:$0x9] =	wrdreg s0;
	s0 =	simm.s32 $0x80;
	s12 =	simm.s32 $0x5  }
.LBB2_1:
0x1d: {  	s14 =	simm.s32 $0x0;
	s15 =	simm.s32 $0x200  }
.LBB2_2:
0x1e: {  	p0 =	sne.s32 s15, $0xFE00;
	[tilespmem:s14+$0x270] =	vst v0  }
0x1f: {  	[tilespmem:s14+$0x200] =	vst v0  }
0x20: {  	[tilespmem:s14+$0x210] =	vst v0  }
.Ltmp0:
0x21: {  	[tilespmem:s14+$0x220] =	vst v0;
	(pc) =	sbr.rel @p0 .LBB2_2-.Ltmp0, $4  }
0x22: {  	[tilespmem:s14+$0x230] =	vst v0  }
0x23: {  	[tilespmem:s14+$0x240] =	vst v0  }
0x24: {  	[tilespmem:s14+$0x250] =	vst v0  }
0x25: {  	[tilespmem:s14+$0x260] =	vst v0;
	s14 =	sshra.s32 s15, $0x2;
	s15 =	sadd.s32 $0x200, s15  }
0x26: {  	[tilespmem:s14+$0x270] =	vst v0  }
0x27: {  	[tilespmem:s14+$0x200] =	vst v0  }
0x28: {  	[tilespmem:s14+$0x210] =	vst v0  }
0x29: {  	[tilespmem:s14+$0x220] =	vst v0  }
0x2a: {  	[tilespmem:s14+$0x230] =	vst v0  }
0x2b: {  	[tilespmem:s14+$0x240] =	vst v0  }
0x2c: {  	[tilespmem:s14+$0x250] =	vst v0  }
0x2d: {  	[tilespmem:s14+$0x260] =	vst v0  }
0x2e: {  	[spmem:s5] =	stream.linear.scatter [tilespmem:s20], [sflag:$0x7], $0x4000, $0x38;
	[tilespmem:$0x1BE00] =	vst v63  }
0x2f: {  	_ =	swait.ge [sflag:s21], $0x4000  }
0x30: {  	[sflag:s21] =	ssyncset.done $0x0  }
0x31: {  	[sflag:s21] =	ssyncadd.s32 $0xFFFFC000  }
0x32: {  	[spmem:s6] =	stream.linear.scatter [tilespmem:s20], [sflag:$0x7], $0x4000, $0x38;
	[tilespmem:$0x1BE00] =	vst v63  }
0x33: {  	_ =	swait.ge [sflag:s21], $0x4000  }
0x34: {  	[sflag:s21] =	ssyncset.done $0x0  }
0x35: {  	[sflag:s21] =	ssyncadd.s32 $0xFFFFC000  }
0x36: {  	[spmem:s7] =	stream.linear.scatter [tilespmem:s20], [sflag:$0x7], $0x4000, $0x38;
	[tilespmem:$0x1BE00] =	vst v63  }
0x37: {  	_ =	swait.ge [sflag:s21], $0x4000  }
0x38: {  	[sflag:s21] =	ssyncset.done $0x0  }
0x39: {  	[sflag:s21] =	ssyncadd.s32 $0xFFFFC000  }
0x3a: {  	[spmem:s8] =	stream.linear.scatter [tilespmem:s20], [sflag:$0x7], $0x4000, $0x38;
	[tilespmem:$0x1BE00] =	vst v63  }
0x3b: {  	_ =	swait.ge [sflag:s21], $0x4000  }
0x3c: {  	[sflag:s21] =	ssyncset.done $0x0  }
0x3d: {  	[sflag:s21] =	ssyncadd.s32 $0xFFFFC000  }
0x3e: {  	[spmem:s10] =	stream.linear.scatter [tilespmem:s20], [sflag:$0x7], $0x3C00, $0x38;
	[tilespmem:$0x1BE00] =	vst v63  }
0x3f: {  	_ =	swait.ge [sflag:s21], $0x3C00  }
0x40: {  	[sflag:s21] =	ssyncset.done $0x0  }
0x41: {  	s14 =	simm.s32 $0x0;
	s15 =	rddreg [dreg:$0x3];
	[sflag:s21] =	ssyncadd.s32 $0xFFFFC400  }
0x42: {  	[tilespmem:s14], [sflag:$0x7] =	stream.linear.gather [hbm4b:s15+s14], $0x100, $0x38;
	[tilespmem:$0x1BE00] =	vst v63  }
0x43: {  	_ =	swait.ge [sflag:s21], $0x100  }
0x44: {  	[sflag:s21] =	ssyncset.done $0x0  }
0x45: {  	[sflag:s21] =	ssyncadd.s32 $0xFFFFFF00  }
0x46: {  	[tilespmem:s20], [sflag:$0x1] =	stream.indirect.gather [hbm4b:s4+s22], $0x80, s14, s22, $0xb8;
	[tilespmem:$0x1BE00] =	vst v63  }
0x47: {  	_ = 	snop  }
0x48: {  	[tilespmem:s23], [sflag:$0x3] =	stream.indirect.gather [hbm4b:s4+s22], $0x80, s22, s22, $0xb8;
	[tilespmem:$0x1BE00] =	vst v63  }
0x49: {  	s16 =	rddreg [dreg:$0x4]  }
0x4a: {  	[tilespmem:s24], [sflag:$0x6] =	stream.linear.gather [hbm4b:s16+s14], $0x100, $0x38;
	[tilespmem:$0x1BE00] =	vst v63  }
0x4b: {  	[bflag:$0x0] =	sbarrier.arrive $0xFFFF  }
0x4c: {  	_ =	swait.ge [sflag:s25], $0x2000  }
0x4d: {  	[sflag:s25] =	ssyncset.done $0x0  }
0x4e: {  	[sflag:s25] =	ssyncadd.s32 $0xFFFFE000  }
0x4f: {  	_ =	swait.ge [sflag:s26], $0x2000  }
0x50: {  	[sflag:s26] =	ssyncset.done $0x0  }
0x51: {  	[sflag:s26] =	ssyncadd.s32 $0xFFFFE000  }
0x52: {  	_ =	swait.ge [sflag:s28], $0x100  }
0x53: {  	[sflag:s28] =	ssyncset.done $0x0  }
0x54: {  	[sflag:s28] =	ssyncadd.s32 $0xFFFFFF00  }
0x55: {  	[tilespmem:s29], [sflag:$0x2] =	stream.indirect.gather [hbm4b:s4+s22], $0x80, s24, s22, $0xb8;
	[tilespmem:$0x1BE00] =	vst v63  }
0x56: {  	_ = 	snop  }
0x57: {  	[tilespmem:s31], [sflag:$0x4] =	stream.indirect.gather [hbm4b:s4+s22], $0x80, s30, s22, $0xb8;
	[tilespmem:$0x1BE00] =	vst v63  }
0x58: {  	_ = 	snop  }
0x59: {  	[spmem:s1] =	stream.indirect.scatter.add.f32 [tilespmem:s20], [sflag:$0x7], $0x80, s0, s0, $0xb8;
	[tilespmem:$0x1BE00] =	vst v63  }
0x5a: {  	_ =	swait.ge [sflag:s21], $0x4000  }
0x5b: {  	[sflag:s21] =	ssyncset.done $0x0  }
0x5c: {  	s16 =	sadd.s32 $0x0, s19;
	[sflag:s21] =	ssyncadd.s32 $0xFFFFC000  }
0x5d: {  	[tilespmem:s2], [sflag:$0x5] =	stream.linear.gather [hbm4b:s16+s2], $0x100, $0x38;
	[tilespmem:$0x1BE00] =	vst v63  }
0x5e: {  	_ =	swait.ge [sflag:s3], $0x2000  }
0x5f: {  	[sflag:s3] =	ssyncset.done $0x0  }
0x60: {  	[sflag:s3] =	ssyncadd.s32 $0xFFFFE000  }
0x61: {  	_ =	swait.ge [sflag:s11], $0x2000  }
0x62: {  	[sflag:s11] =	ssyncset.done $0x0  }
0x63: {  	[sflag:s11] =	ssyncadd.s32 $0xFFFFE000  }
0x64: {  	_ =	swait.ge [sflag:s12], $0x100  }
0x65: {  	[sflag:s12] =	ssyncset.done $0x0  }
0x66: {  	[sflag:s12] =	ssyncadd.s32 $0xFFFFFF00  }
0x67: {  	[tilespmem:s20], [sflag:$0x1] =	stream.indirect.gather [hbm4b:s4+s22], $0x80, s2, s22, $0xb8;
	[tilespmem:$0x1BE00] =	vst v63  }
0x68: {  	_ = 	snop  }
0x69: {  	[tilespmem:s23], [sflag:$0x3] =	stream.indirect.gather [hbm4b:s4+s22], $0x80, s22, s22, $0xb8;
	[tilespmem:$0x1BE00] =	vst v63  }
0x6a: {  	_ = 	snop  }
0x6b: {  	[spmem:s1] =	stream.indirect.scatter.add.f32 [tilespmem:s29], [sflag:$0x7], $0x80, s9, s0, $0xb8;
	[tilespmem:$0x1BE00] =	vst v63  }
0x6c: {  	_ =	swait.ge [sflag:s21], $0x4000  }
0x6d: {  	[sflag:s21] =	ssyncset.done $0x0  }
0x6e: {  	s15 =	sadd.s32 $0x0, s18;
	s14 =	simm.s32 $0x40;
	[sflag:s21] =	ssyncadd.s32 $0xFFFFC000  }
.LBB2_4:
0x6f: {  	[tilespmem:s24], [sflag:$0x6] =	stream.linear.gather [hbm4b:s15+s2], $0x100, $0x38;
	[tilespmem:$0x1BE00] =	vst v63  }
0x70: {  	s15 =	smov.u32 s14  }
0x71: {  	p0 =	sne.s32 s14, $0x980;
	s14 =	sadd.s32 $0x40, s14;
	_ =	swait.ge [sflag:s25], $0x2000  }
0x72: {  	[sflag:s25] =	ssyncset.done $0x0  }
0x73: {  	[sflag:s25] =	ssyncadd.s32 $0xFFFFE000  }
0x74: {  	_ =	swait.ge [sflag:s26], $0x2000  }
0x75: {  	[sflag:s26] =	ssyncset.done $0x0  }
0x76: {  	[sflag:s26] =	ssyncadd.s32 $0xFFFFE000  }
0x77: {  	_ =	swait.ge [sflag:s28], $0x100  }
0x78: {  	[sflag:s28] =	ssyncset.done $0x0  }
0x79: {  	[sflag:s28] =	ssyncadd.s32 $0xFFFFFF00  }
0x7a: {  	[tilespmem:s29], [sflag:$0x2] =	stream.indirect.gather [hbm4b:s4+s22], $0x80, s24, s22, $0xb8;
	[tilespmem:$0x1BE00] =	vst v63  }
0x7b: {  	_ = 	snop  }
0x7c: {  	[tilespmem:s31], [sflag:$0x4] =	stream.indirect.gather [hbm4b:s4+s22], $0x80, s30, s22, $0xb8;
	[tilespmem:$0x1BE00] =	vst v63  }
0x7d: {  	_ = 	snop  }
0x7e: {  	[spmem:s1] =	stream.indirect.scatter.add.f32 [tilespmem:s20], [sflag:$0x7], $0x80, s0, s0, $0xb8;
	[tilespmem:$0x1BE00] =	vst v63  }
0x7f: {  	_ =	swait.ge [sflag:s21], $0x4000  }
0x80: {  	[sflag:s21] =	ssyncset.done $0x0  }
0x81: {  	s16 =	sadd.s32 s15, s19;
	[sflag:s21] =	ssyncadd.s32 $0xFFFFC000  }
0x82: {  	[tilespmem:s2], [sflag:$0x5] =	stream.linear.gather [hbm4b:s16+s2], $0x100, $0x38;
	[tilespmem:$0x1BE00] =	vst v63  }
0x83: {  	_ =	swait.ge [sflag:s3], $0x2000  }
0x84: {  	[sflag:s3] =	ssyncset.done $0x0  }
0x85: {  	[sflag:s3] =	ssyncadd.s32 $0xFFFFE000  }
0x86: {  	_ =	swait.ge [sflag:s11], $0x2000  }
0x87: {  	[sflag:s11] =	ssyncset.done $0x0  }
0x88: {  	[sflag:s11] =	ssyncadd.s32 $0xFFFFE000  }
0x89: {  	_ =	swait.ge [sflag:s12], $0x100  }
0x8a: {  	[sflag:s12] =	ssyncset.done $0x0  }
0x8b: {  	[sflag:s12] =	ssyncadd.s32 $0xFFFFFF00  }
0x8c: {  	[tilespmem:s20], [sflag:$0x1] =	stream.indirect.gather [hbm4b:s4+s22], $0x80, s2, s22, $0xb8;
	[tilespmem:$0x1BE00] =	vst v63  }
0x8d: {  	_ = 	snop  }
0x8e: {  	[tilespmem:s23], [sflag:$0x3] =	stream.indirect.gather [hbm4b:s4+s22], $0x80, s22, s22, $0xb8;
	[tilespmem:$0x1BE00] =	vst v63  }
.Ltmp1:
0x8f: {  	(pc) =	sbr.rel @p0 .LBB2_4-.Ltmp1, $4  }
0x90: {  	[spmem:s1] =	stream.indirect.scatter.add.f32 [tilespmem:s29], [sflag:$0x7], $0x80, s9, s0, $0xb8;
	[tilespmem:$0x1BE00] =	vst v63  }
0x91: {  	_ =	swait.ge [sflag:s21], $0x4000  }
0x92: {  	[sflag:s21] =	ssyncset.done $0x0  }
0x93: {  	s15 =	sadd.s32 s15, s18;
	[sflag:s21] =	ssyncadd.s32 $0xFFFFC000  }
0x94: {  	[tilespmem:s24], [sflag:$0x6] =	stream.linear.gather [hbm4b:s15+s2], $0x100, $0x38;
	[tilespmem:$0x1BE00] =	vst v63  }
0x95: {  	_ =	swait.ge [sflag:s25], $0x2000  }
0x96: {  	[sflag:s25] =	ssyncset.done $0x0  }
0x97: {  	[sflag:s25] =	ssyncadd.s32 $0xFFFFE000  }
0x98: {  	_ =	swait.ge [sflag:s26], $0x2000  }
0x99: {  	[sflag:s26] =	ssyncset.done $0x0  }
0x9a: {  	[sflag:s26] =	ssyncadd.s32 $0xFFFFE000  }
0x9b: {  	_ =	swait.ge [sflag:s28], $0x100  }
0x9c: {  	[sflag:s28] =	ssyncset.done $0x0  }
0x9d: {  	[sflag:s28] =	ssyncadd.s32 $0xFFFFFF00  }
0x9e: {  	[tilespmem:s29], [sflag:$0x2] =	stream.indirect.gather [hbm4b:s4+s22], $0x80, s24, s22, $0xb8;
	[tilespmem:$0x1BE00] =	vst v63  }
0x9f: {  	_ = 	snop  }
0xa0: {  	[tilespmem:s31], [sflag:$0x4] =	stream.indirect.gather [hbm4b:s4+s22], $0x80, s30, s22, $0xb8;
	[tilespmem:$0x1BE00] =	vst v63  }
0xa1: {  	_ = 	snop  }
0xa2: {  	[spmem:s1] =	stream.indirect.scatter.add.f32 [tilespmem:s20], [sflag:$0x7], $0x80, s0, s0, $0xb8;
	[tilespmem:$0x1BE00] =	vst v63  }
0xa3: {  	_ =	swait.ge [sflag:s21], $0x4000  }
0xa4: {  	[sflag:s21] =	ssyncset.done $0x0  }
0xa5: {  	[sflag:s21] =	ssyncadd.s32 $0xFFFFC000  }
0xa6: {  	_ =	swait.ge [sflag:s3], $0x2000  }
0xa7: {  	[sflag:s3] =	ssyncset.done $0x0  }
0xa8: {  	[sflag:s3] =	ssyncadd.s32 $0xFFFFE000  }
0xa9: {  	_ =	swait.ge [sflag:s11], $0x2000  }
0xaa: {  	[sflag:s11] =	ssyncset.done $0x0  }
0xab: {  	[sflag:s11] =	ssyncadd.s32 $0xFFFFE000  }
0xac: {  	[spmem:s1] =	stream.indirect.scatter.add.f32 [tilespmem:s29], [sflag:$0x7], $0x80, s9, s0, $0xb8;
	[tilespmem:$0x1BE00] =	vst v63  }
0xad: {  	_ =	swait.ge [sflag:s21], $0x4000  }
0xae: {  	[sflag:s21] =	ssyncset.done $0x0  }
0xaf: {  	[sflag:s21] =	ssyncadd.s32 $0xFFFFC000  }
0xb0: {  	[bflag:$0x0] =	sbarrier.arrive $0xFFFF  }
0xb1: {  	[tilespmem:s20], [sflag:$0x7] =	stream.linear.gather [spmem:s5], $0x4000, $0x38;
	[tilespmem:$0x1BE00] =	vst v63  }
0xb2: {  	_ =	swait.ge [sflag:s21], $0x4000  }
0xb3: {  	[sflag:s21] =	ssyncset.done $0x0  }
0xb4: {  	s14 =	rddreg [dreg:$0x5];
	[sflag:s21] =	ssyncadd.s32 $0xFFFFC000  }
0xb5: {  	[hbm4b:s14+s2] =	stream.linear.scatter [tilespmem:s20], [sflag:$0x7], $0x4000, $0x38;
	[tilespmem:$0x1BE00] =	vst v63  }
0xb6: {  	_ =	swait.ge [sflag:s21], $0x4000  }
0xb7: {  	[sflag:s21] =	ssyncset.done $0x0  }
0xb8: {  	[sflag:s21] =	ssyncadd.s32 $0xFFFFC000  }
0xb9: {  	[tilespmem:s20], [sflag:$0x7] =	stream.linear.gather [spmem:s6], $0x4000, $0x38;
	[tilespmem:$0x1BE00] =	vst v63  }
0xba: {  	_ =	swait.ge [sflag:s21], $0x4000  }
0xbb: {  	[sflag:s21] =	ssyncset.done $0x0  }
0xbc: {  	s15 =	rddreg [dreg:$0x6];
	[sflag:s21] =	ssyncadd.s32 $0xFFFFC000  }
0xbd: {  	[hbm4b:s15+s2] =	stream.linear.scatter [tilespmem:s20], [sflag:$0x7], $0x4000, $0x38;
	[tilespmem:$0x1BE00] =	vst v63  }
0xbe: {  	_ =	swait.ge [sflag:s21], $0x4000  }
0xbf: {  	[sflag:s21] =	ssyncset.done $0x0  }
0xc0: {  	[sflag:s21] =	ssyncadd.s32 $0xFFFFC000  }
0xc1: {  	[tilespmem:s20], [sflag:$0x7] =	stream.linear.gather [spmem:s7], $0x4000, $0x38;
	[tilespmem:$0x1BE00] =	vst v63  }
0xc2: {  	_ =	swait.ge [sflag:s21], $0x4000  }
0xc3: {  	[sflag:s21] =	ssyncset.done $0x0  }
0xc4: {  	s16 =	rddreg [dreg:$0x7];
	[sflag:s21] =	ssyncadd.s32 $0xFFFFC000  }
0xc5: {  	[hbm4b:s16+s2] =	stream.linear.scatter [tilespmem:s20], [sflag:$0x7], $0x4000, $0x38;
	[tilespmem:$0x1BE00] =	vst v63  }
0xc6: {  	_ =	swait.ge [sflag:s21], $0x4000  }
0xc7: {  	[sflag:s21] =	ssyncset.done $0x0  }
0xc8: {  	[sflag:s21] =	ssyncadd.s32 $0xFFFFC000  }
0xc9: {  	[tilespmem:s20], [sflag:$0x7] =	stream.linear.gather [spmem:s8], $0x4000, $0x38;
	[tilespmem:$0x1BE00] =	vst v63  }
0xca: {  	_ =	swait.ge [sflag:s21], $0x4000  }
0xcb: {  	[sflag:s21] =	ssyncset.done $0x0  }
0xcc: {  	s15 =	rddreg [dreg:$0x8];
	[sflag:s21] =	ssyncadd.s32 $0xFFFFC000  }
0xcd: {  	[hbm4b:s15+s2] =	stream.linear.scatter [tilespmem:s20], [sflag:$0x7], $0x4000, $0x38;
	[tilespmem:$0x1BE00] =	vst v63  }
0xce: {  	_ =	swait.ge [sflag:s21], $0x4000  }
0xcf: {  	[sflag:s21] =	ssyncset.done $0x0  }
0xd0: {  	[sflag:s21] =	ssyncadd.s32 $0xFFFFC000  }
0xd1: {  	[tilespmem:s20], [sflag:$0x7] =	stream.linear.gather [spmem:s10], $0x3C00, $0x38;
	[tilespmem:$0x1BE00] =	vst v63  }
0xd2: {  	s13 =	sadd.s32 $0x1, s13;
	_ =	swait.ge [sflag:s21], $0x3C00  }
0xd3: {  	p0 =	sne.s32 s13, s17;
	[sflag:s21] =	ssyncset.done $0x0  }
.Ltmp2:
0xd4: {  	s16 =	rddreg [dreg:$0x9];
	[sflag:s21] =	ssyncadd.s32 $0xFFFFC400;
	(pc) =	sbr.rel @p0 .LBB2_1-.Ltmp2, $4  }
0xd5: {  	[hbm4b:s16+s2] =	stream.linear.scatter [tilespmem:s20], [sflag:$0x7], $0x3C00, $0x38;
	[tilespmem:$0x1BE00] =	vst v63  }
0xd6: {  	_ =	swait.ge [sflag:s21], $0x3C00  }
0xd7: {  	[sflag:s21] =	ssyncset.done $0x0  }
0xd8: {  	[sflag:s21] =	ssyncadd.s32 $0xFFFFC400  }
0xd9: {  	_ =	sfence.sel $0x180000  }
0xda: {  	[bflag:$0x0] =	sbarrier.arrive $0xFFFF  }
0xdb: {  	_ =	strace $0x9000004D  }
0xdc: {  	s0 =	stileid.u32;
	[bflag:$0x2] =	sbarrier.arrive $0xFFFF  }
0xdd: {  	p0 =	sne.s32 s0, $0x0;
	s0 =	rddreg [dreg:$0x2]  }
0xde: {  	s0 =	sadd.s32 @!p0 $0x100000, s0  }
0xdf: {  	[sflag:s0] =	ssyncadd.tile.s32 @!p0 $0x1;
	_ =	shalt  }
.Lfunc_end2:
_tile_overlayer_lowered:
.L_overlay_start_2:
0xe0: {  	(tag) =	ssettag $0x2  }
0xe1: {  	s0 =	rddreg [dreg:$0x0];
	s2 =	stileid.u32  }
0xe2: {  	s1 =	rddreg [dreg:$0x1];
	p0 =	sne.s32 s2, $0x0  }
0xe3: {  	s3 =	rddreg [dreg:$0x2];
	[bflag:$0x3] =	sbarrier.arrive $0xFFFF;
	s2 =	simm.s32 @!p0 $0x1C07  }
0xe4: {  	[timem:s3], [sflag:s2] =	dma.local @!p0 [hbm:s0], s1  }
0xe5: {  	s0 =	simm.s32 @!p0 $0x7  }
0xe6: {  	_ =	swait.ge @!p0 [sflag:s0], s1  }
0xe7: {  	s1 =	ssub.s32 @!p0 $0x0, s1;
	[sflag:s0] =	ssyncset.done @!p0 $0x0  }
0xe8: {  	[sflag:s0] =	ssyncadd.s32 @!p0 s1  }
0xe9: {  	[bflag:$0x3] =	sbarrier.arrive $0xFFFF  }
0xea: {  	_ =	shalt  }

// kernel: kernel.9.cloned.1.call-start
scs
__scs_entry_jumppad:
0x0: {  	(pc) =	sbr.rel $0x88, $3  }
0x1: {  	(tag) =	ssettag $0x0;
	lr =	simm.s32 $0x1  }
0x2: {  	[smem:$0x3F92] =	sst lr;
	_ =	strace $0xD0000000  }
0x3: {  	_ = 	snop  }
0x4: {  	_ = 	snop  }
0x5: {  	_ = 	snop  }
0x6: {  	_ = 	snop  }
0x7: {  	_ = 	snop  }
__scs_overlays_trampoline_lowered:
0x8: {  	[smem:$0x3FA1] =	sst s0  }
0x9: {  	[smem:$0x3FA2] =	sst s1  }
0xa: {  	[smem:$0x3FA3] =	sst s2  }
0xb: {  	[smem:$0x3FA4] =	sst s3  }
0xc: {  	[smem:$0x3FA5] =	sst s4  }
0xd: {  	[smem:$0x3FA6] =	sst s5  }
0xe: {  	[smem:$0x3FA7] =	sst s6  }
0xf: {  	[smem:$0x3FA8] =	sst s7  }
0x10: {  	[smem:$0x3FA9] =	sst s8  }
0x11: {  	[smem:$0x3FAA] =	sst s9;
	s0 =	simm.s32 @!p0 $0x0  }
0x12: {  	s1 =	sld [smem:$0x3F90];
	s0 =	simm.s32 @p0 $0x1  }
0x13: {  	[smem:$0x3FAB] =	sst s0;
	s0 =	simm.s32 @!p1 $0x0  }
0x14: {  	s2 =	sld [smem:$0x3F8F];
	s0 =	simm.s32 @p1 $0x1  }
0x15: {  	[smem:$0x3FAC] =	sst s0;
	s0 =	simm.s32 @!p2 $0x0  }
0x16: {  	s3 =	sld [smem:$0x3FDB];
	s0 =	simm.s32 @p2 $0x1  }
0x17: {  	s4 =	simm.s32 $0x1BF5;
	[smem:$0x3FAE] =	sst s0  }
0x18: {  	s0 =	sld [smem:$0x3F91];
	_ =	swait.ge [sflag:s4], $0x0  }
0x19: {  	s7 =	sld [smem:$0x3F92]  }
0x1a: {  	s8 =	sadd.s32 $0xFFFFE003, lr  }
0x1b: {  	s9 =	sadd.s32 $0xFFFFFEF7, lr;
	s5 =	simm.s32 $0xFFFFFFFF;
	p2 =	slt.u32 s8, $0xFFFFF086  }
0x1c: {  	p1 =	slt.u32 s9, $0xF7A;
	s5 =	simm.s32 @!p2 $0x0  }
0x1d: {  	s5 =	simm.s32 @p1 $0x1;
	p0 =	seq.s32 s7, s2  }
0x1e: {  	s7 =	smul.u32 @!p0 $0xF7A, s2;
	p2 =	seq.s32 @!p0 s5, $0x0  }
0x1f: {  	s9 =	smul.u32 $0xF7A, s1;
	s8 =	simm.s32 @!p0 $0x1BF5;
	p2 =	por !p2, p0  }
0x20: {  	[sflag:s8] =	ssyncset.s32 @!p0 $0xFFFFF086;
	s6 =	sadd.s32 @!p0 s3, s7;
	s7 =	simm.s32 @!p0 $0x108  }
0x21: {  	s3 =	sadd.s32 s3, s9;
	s6 =	sadd.s32 @!p0 $0x88, s6;
	s7 =	simm.s32 @p2 $0x1082  }
0x22: {  	[simem:s7], [sflag:s8] =	dma.local @!p0 [hbm:s6], $0xF7A  }
0x23: {  	s9 =	sor.u32 $0xD0000000, s2;
	s6 =	simm.s32 $0x108;
	_ =	swait.ge @!p0 [sflag:s8], $0x0  }
0x24: {  	s3 =	sadd.s32 $0x88, s3;
	s6 =	simm.s32 @!p1 $0x1082;
	[sflag:s4] =	ssyncset.s32 $0xFFFFF086  }
0x25: {  	[simem:s6], [sflag:s4] =	dma.local [hbm:s3], $0xF7A  }
0x26: {  	[smem:$0x3F92] =	sst s1;
	(tag) =	ssettag s2;
	_ =	strace s9  }
0x27: {  	s1 =	sld [smem:$0x3FA2]  }
0x28: {  	s2 =	sld [smem:$0x3FA3]  }
0x29: {  	s4 =	sld [smem:$0x3FA5]  }
0x2a: {  	p0 =	seq.s32 s5, $0x0;
	s5 =	sld [smem:$0x3FA6]  }
0x2b: {  	s6 =	sld [smem:$0x3FA7]  }
0x2c: {  	s7 =	sld [smem:$0x3FA8]  }
0x2d: {  	s3 =	simm.s32 $0x108;
	s8 =	sld [smem:$0x3FA9]  }
0x2e: {  	s3 =	simm.s32 @!p0 $0x1082;
	s9 =	sld [smem:$0x3FAA]  }
0x2f: {  	lr =	sadd.s32 s0, s3;
	s0 =	sld [smem:$0x3FA1]  }
0x30: {  	s3 =	sld [smem:$0x3FA4]  }
0x31: {  	[smem:$0x3FAD] =	sst s10  }
0x32: {  	s10 =	sld [smem:$0x3FAB];
	_ =	sdelay $0x3  }
0x33: {  	p0 =	seq.s32 s10, $0x1;
	s10 =	sld [smem:$0x3FAD];
	_ =	sdelay $0x3  }
0x34: {  	[smem:$0x3FAD] =	sst s10  }
0x35: {  	s10 =	sld [smem:$0x3FAC];
	_ =	sdelay $0x3  }
0x36: {  	p1 =	seq.s32 s10, $0x1;
	s10 =	sld [smem:$0x3FAD];
	_ =	sdelay $0x3  }
0x37: {  	[smem:$0x3FAD] =	sst s10  }
0x38: {  	s10 =	sld [smem:$0x3FAE]  }
0x39: {  	_ = 	snop;
	(pc) =	sbr.ind lr, $3  }
0x3a: {  	_ = 	snop  }
0x3b: {  	_ = 	snop  }
0x3c: {  	p2 =	seq.s32 s10, $0x1;
	s10 =	sld [smem:$0x3FAD]  }
0x3d: {  	_ =	shalt  }
0x3e: {  	_ =	shalt  }
0x3f: {  	_ =	shalt  }
0x40: {  	_ =	shalt  }
0x41: {  	_ =	shalt  }
0x42: {  	_ =	shalt  }
0x43: {  	_ =	shalt  }
0x44: {  	_ =	shalt  }
0x45: {  	_ =	shalt  }
0x46: {  	_ =	shalt  }
0x47: {  	_ =	shalt  }
0x48: {  	_ =	shalt  }
0x49: {  	_ =	shalt  }
0x4a: {  	_ =	shalt  }
0x4b: {  	_ =	shalt  }
0x4c: {  	_ =	shalt  }
0x4d: {  	_ =	shalt  }
0x4e: {  	_ =	shalt  }
0x4f: {  	_ =	shalt  }
0x50: {  	_ =	shalt  }
0x51: {  	_ =	shalt  }
0x52: {  	_ =	shalt  }
0x53: {  	_ =	shalt  }
0x54: {  	_ =	shalt  }
0x55: {  	_ =	shalt  }
0x56: {  	_ =	shalt  }
0x57: {  	_ =	shalt  }
0x58: {  	_ =	shalt  }
0x59: {  	_ =	shalt  }
0x5a: {  	_ =	shalt  }
0x5b: {  	_ =	shalt  }
0x5c: {  	_ =	shalt  }
0x5d: {  	_ =	shalt  }
0x5e: {  	_ =	shalt  }
0x5f: {  	_ =	shalt  }
0x60: {  	_ =	shalt  }
0x61: {  	_ =	shalt  }
0x62: {  	_ =	shalt  }
0x63: {  	_ =	shalt  }
0x64: {  	_ =	shalt  }
0x65: {  	_ =	shalt  }
0x66: {  	_ =	shalt  }
0x67: {  	_ =	shalt  }
0x68: {  	_ =	shalt  }
0x69: {  	_ =	shalt  }
0x6a: {  	_ =	shalt  }
0x6b: {  	_ =	shalt  }
0x6c: {  	_ =	shalt  }
0x6d: {  	_ =	shalt  }
0x6e: {  	_ =	shalt  }
0x6f: {  	_ =	shalt  }
0x70: {  	_ =	shalt  }
0x71: {  	_ =	shalt  }
0x72: {  	_ =	shalt  }
0x73: {  	_ =	shalt  }
0x74: {  	_ =	shalt  }
0x75: {  	_ =	shalt  }
0x76: {  	_ =	shalt  }
0x77: {  	_ =	shalt  }
0x78: {  	_ =	shalt  }
0x79: {  	_ =	shalt  }
0x7a: {  	_ =	shalt  }
0x7b: {  	_ =	shalt  }
0x7c: {  	_ =	shalt  }
0x7d: {  	_ =	shalt  }
0x7e: {  	_ =	shalt  }
0x7f: {  	_ =	shalt  }
0x80: {  	_ =	shalt  }
0x81: {  	_ =	shalt  }
0x82: {  	_ =	shalt  }
0x83: {  	_ =	shalt  }
0x84: {  	_ =	shalt  }
0x85: {  	_ =	shalt  }
0x86: {  	_ =	shalt  }
0x87: {  	_ =	shalt  }
.Lfunc_end0:
.L_simem_size_0:
called_computation_lowered:
.L_overlay_start_0:
0x88: {  	s2 =	sld [smem:$0x3FD9]  }
0x89: {  	s3 =	sld [smem:$0x3FFE];
	_ =	sdelay $0x1  }
0x8a: {  	s1 =	srdreg.scid  }
0x8b: {  	s0 =	sand.u32 $0x1, s1  }
0x8c: {  	s16 =	sshll.u32 s0, $0xA;
	s2 =	sadd.s32 s3, s2  }
0x8d: {  	s2 =	sadd.s32 s2, s16  }
0x8e: {  	[smem:$0x3FB9] =	sst s2  }
0x8f: {  	_ = 	snop  }
0x90: {  	(tm) =	ssettm $0x1  }
0x91: {  	s17 =	sld [smem:$0x3FFB];
	_ =	sdelay $0x3  }
0x92: {  	_ =	strace s17  }
0x93: {  	s2 =	sld [smem:$0x3FFC];
	_ =	sdelay $0x3  }
0x94: {  	_ =	strace s2  }
0x95: {  	s2 =	sld [smem:$0x3FFD];
	_ =	sdelay $0x3  }
0x96: {  	_ =	strace s2  }
0x97: {  	_ =	strace $0x8FFFFFFF  }
0x98: {  	s18 =	sld [smem:$0x3FDB];
	_ =	sdelay $0x1  }
0x99: {  	s19 =	simm.s32 $_scs_section_size  }
0x9a: {  	s4 =	simm.s32 $_size__tile_overlayer_lowered;
	s5 =	simm.s32 $_tile_overlayer_lowered  }
0x9b: {  	s22 =	simm.s32 $0x1BFF;
	s21 =	sshll.u32 s5, $0x1;
	s2 =	sadd.s32 s19, s18  }
0x9c: {  	s6 =	simm.s32 $0x0;
	s20 =	sshll.u32 s4, $0x1;
	s4 =	sadd.s32 s21, s2  }
0x9d: {  	[timem:s6], [sflag:s22] =	dma.local [hbm:s4], s20  }
0x9e: {  	_ =	swait.ge [sflag:s22], s20  }
0x9f: {  	s3 =	ssub.s32 $0x0, s20;
	[sflag:s22] =	ssyncset.done $0x0  }
0xa0: {  	[sflag:s22] =	ssyncadd.s32 s3;
	_ =	sdelay $0x1  }
0xa1: {  	s23 =	simm.s32 $0x1B8B  }
0xa2: {  	_ =	swait.ge [sflag:s23], $0x1  }
0xa3: {  	[sflag:s23] =	ssyncset.done $0x0  }
0xa4: {  	s25 =	simm.s32 $0x1B8E;
	s24 =	sld [smem:$0x3FFE];
	[sflag:s23] =	ssyncadd.s32 $0xFFFFFFFF  }
0xa5: {  	s26 =	simm.s32 $execute0_lowered;
	[smem:$0x3FD2] =	sst s25  }
0xa6: {  	s4 =	sshll.u32 s26, $0x1;
	_ =	strace $0x80000046;
	[dreg:$0x1] =	wrdreg $0xFFFFFFFF  }
0xa7: {  	s28 =	simm.s32 $_size_execute0_lowered;
	s2 =	sadd.s32 s2, s4;
	[dreg:$0x0] =	wrdreg $0x0  }
0xa8: {  	s4 =	sshll.u32 s28, $0x1;
	[dreg:$0x2] =	wrdreg s2  }
0xa9: {  	[dreg:$0x3] =	wrdreg s4  }
0xaa: {  	[dreg:$0x4] =	wrdreg $0xC0  }
0xab: {  	_ =	task [dreg:s6], $0x5FFFF  }
0xac: {  	[dreg:$0x1] =	wrdreg $0xFFFFFFFF  }
0xad: {  	[dreg:$0x0] =	wrdreg $0x60  }
0xae: {  	[dreg:$0x2] =	wrdreg s24  }
0xaf: {  	[dreg:$0x3] =	wrdreg $0x82000  }
0xb0: {  	[dreg:$0x4] =	wrdreg $0x9  }
0xb1: {  	_ =	task.clear_ibuf [dreg:s6], $0x5FFFF;
	_ =	strace $0x90000046  }
0xb2: {  	s29 =	simm.s32 $0x9;
	_ =	strace $0x80000048  }
0xb3: {  	_ =	swait.ge [sflag:s29], $0x1  }
0xb4: {  	[sflag:s29] =	ssyncadd.s32 $0xFFFFFFFF  }
0xb5: {  	_ =	strace $0x90000048  }
0xb6: {  	_ =	sfence  }
0xb7: {  	s30 =	sld [smem:$0x0];
	_ =	sdelay $0x2  }
0xb8: {  	s31 =	sshll.u32 s1, $0xD;
	s1 =	sshrl.u32 s1, $0x2  }
0xb9: {  	s3 =	sand.u32 $0x4000, s31;
	s1 =	sadd.s32 s1, s30  }
0xba: {  	s0 =	sor.u32 s3, s0;
	s1 =	sshll.u32 s1, $0x11  }
0xbb: {  	s0 =	sor.u32 s1, s0  }
0xbc: {  	s0 =	sadd.s32 $0x8F2B, s0  }
0xbd: {  	[sflag:s0] =	ssyncadd.remote.s32 $0x1  }
0xbe: {  	_ =	sfence.sel $0xFFFF  }
0xbf: {  	[dreg:$0x0] =	wrdreg $0xFFFFFFFF;
	(pc) =	sbr.abs _section_cstart, $3  }
0xc0: {  	[dreg:$0x1] =	wrdreg $0xFFFFFFFF  }
0xc1: {  	_ =	task.clear_ibuf [dreg:s6], $0x2FFFF;
	_ =	strace $0x9FFFFFFF  }
0xc2: {  	(tm) =	ssettm $0x7FFFFFFF  }
0xc3: {  	_ =	shalt  }
tec
execute0_lowered:
.L_overlay_start_1:
0x0: {  	(tag) =	ssettag $0x1  }
0x1: {  	s0 =	rddreg [dreg:$0x0]  }
0x2: {  	s1 =	rddreg [dreg:$0x1];
	s2 =	simm.s32 $0x0;
	s3 =	srdreg.scid  }
0x3: {  	s19 =	stileid.u32;
	s28 =	simm.s32 $0x6;
	s29 =	simm.s32 $0x4200  }
0x4: {  	s30 =	simm.s32 $0x140;
	s31 =	simm.s32 $0x6200;
	[smem:$0x7FF] =	sst s2  }
0x5: {  	s4 =	sadd.s32 $0x16C00, s0;
	s3 =	sand.u32 $0x1, s3;
	s6 =	smul.u32 $0x4F000, s19  }
0x6: {  	s9 =	sadd.s32 $0x2C00, s0;
	s0 =	sadd.s32 $0x3DE00, s0;
	s10 =	smul.u32 $0x13C00, s19  }
0x7: {  	s8 =	sshll.u32 s19, $0x1;
	s19 =	smul.u32 $0xA000, s19;
	_ =	strace $0x80000047  }
0x8: {  	s5 =	ssub.s32 $0x2, s3;
	s8 =	sor.u32 s3, s8;
	s15 =	smul.u32 $0x13C000, s3  }
0x9: {  	s3 =	smul.u32 $0x5000, s3;
	s7 =	sshrl.u32 s5, $0x1;
	s6 =	sshrl.u32 s6, $0x2  }
0xa: {  	s12 =	smul.u32 $0x5000, s8;
	s13 =	sadd.s32 $0x4000, s10;
	s14 =	sadd.s32 $0x8000, s10  }
0xb: {  	s16 =	sadd.s32 $0xC000, s10;
	s18 =	sadd.s32 $0x10000, s10;
	s11 =	ssub.s32 s5, s7  }
0xc: {  	s5 =	sadd.s32 s6, s1;
	s6 =	sadd.s32 s13, s1;
	s7 =	sadd.s32 s14, s1  }
0xd: {  	s8 =	sadd.s32 s16, s1;
	s17 =	sadd.s32 s10, s15;
	s10 =	sadd.s32 s18, s1  }
0xe: {  	s13 =	sadd.s32 s15, s13;
	s21 =	sadd.s32 s15, s16;
	s22 =	sadd.s32 s15, s18  }
0xf: {  	s3 =	sadd.s32 s3, s19;
	s12 =	sshrl.u32 s12, $0x3;
	s25 =	sshrl.u32 s17, $0x3  }
0x10: {  	s17 =	sadd.s32 s15, s14;
	s23 =	sshrl.u32 s22, $0x3;
	s24 =	sor.u32 $0x300, s3  }
0x11: {  	s3 =	sor.u32 $0x200, s3;
	s22 =	simm.s32 $0x40;
	s20 =	sadd.s32 s9, s12  }
0x12: {  	s12 =	sadd.s32 s0, s25;
	s25 =	sshrl.u32 s24, $0x3;
	[dreg:$0x3] =	wrdreg s20  }
0x13: {  	s24 =	simm.s32 $0x100;
	s26 =	sadd.s32 $0x20, s20;
	[dreg:$0x5] =	wrdreg s12  }
0x14: {  	s12 =	sshrl.u32 s13, $0x3;
	s13 =	sshrl.u32 s17, $0x3;
	s17 =	smax.u32 s11, $0x1  }
0x15: {  	s18 =	sadd.s32 s25, s9;
	s25 =	simm.s32 $0x1;
	s11 =	simm.s32 $0x4  }
0x16: {  	[dreg:$0x4] =	wrdreg s26;
	s12 =	sadd.s32 s0, s12;
	s20 =	sadd.s32 s0, s13  }
0x17: {  	s26 =	sshrl.u32 s3, $0x3;
	s3 =	simm.s32 $0x2;
	[dreg:$0x6] =	wrdreg s12  }
0x18: {  	s13 =	simm.s32 $0x0;
	[dreg:$0x7] =	wrdreg s20;
	s12 =	sshrl.u32 s21, $0x3  }
0x19: {  	s19 =	sadd.s32 s26, s9;
	s20 =	simm.s32 $0x200;
	s21 =	simm.s32 $0x7  }
0x1a: {  	s26 =	simm.s32 $0x3;
	s9 =	simm.s32 $0x180;
	s12 =	sadd.s32 s0, s12  }
0x1b: {  	s0 =	sadd.s32 s0, s23;
	s23 =	simm.s32 $0x2200;
	[dreg:$0x8] =	wrdreg s12  }
0x1c: {  	v0 =	vimm.f32 $0.0e+00;
	[dreg:$0x9] =	wrdreg s0;
	s0 =	simm.s32 $0x80;
	s12 =	simm.s32 $0x5  }
.LBB2_1:
0x1d: {  	s14 =	simm.s32 $0x0;
	s15 =	simm.s32 $0x200  }
.LBB2_2:
0x1e: {  	p0 =	sne.s32 s15, $0xFE00;
	[tilespmem:s14+$0x270] =	vst v0  }
0x1f: {  	[tilespmem:s14+$0x200] =	vst v0  }
0x20: {  	[tilespmem:s14+$0x210] =	vst v0  }
.Ltmp0:
0x21: {  	[tilespmem:s14+$0x220] =	vst v0;
	(pc) =	sbr.rel @p0 .LBB2_2-.Ltmp0, $4  }
0x22: {  	[tilespmem:s14+$0x230] =	vst v0  }
0x23: {  	[tilespmem:s14+$0x240] =	vst v0  }
0x24: {  	[tilespmem:s14+$0x250] =	vst v0  }
0x25: {  	[tilespmem:s14+$0x260] =	vst v0;
	s14 =	sshra.s32 s15, $0x2;
	s15 =	sadd.s32 $0x200, s15  }
0x26: {  	[tilespmem:s14+$0x270] =	vst v0  }
0x27: {  	[tilespmem:s14+$0x200] =	vst v0  }
0x28: {  	[tilespmem:s14+$0x210] =	vst v0  }
0x29: {  	[tilespmem:s14+$0x220] =	vst v0  }
0x2a: {  	[tilespmem:s14+$0x230] =	vst v0  }
0x2b: {  	[tilespmem:s14+$0x240] =	vst v0  }
0x2c: {  	[tilespmem:s14+$0x250] =	vst v0  }
0x2d: {  	[tilespmem:s14+$0x260] =	vst v0  }
0x2e: {  	[spmem:s5] =	stream.linear.scatter [tilespmem:s20], [sflag:$0x7], $0x4000, $0x38;
	[tilespmem:$0x1BE00] =	vst v63  }
0x2f: {  	_ =	swait.ge [sflag:s21], $0x4000  }
0x30: {  	[sflag:s21] =	ssyncset.done $0x0  }
0x31: {  	[sflag:s21] =	ssyncadd.s32 $0xFFFFC000  }
0x32: {  	[spmem:s6] =	stream.linear.scatter [tilespmem:s20], [sflag:$0x7], $0x4000, $0x38;
	[tilespmem:$0x1BE00] =	vst v63  }
0x33: {  	_ =	swait.ge [sflag:s21], $0x4000  }
0x34: {  	[sflag:s21] =	ssyncset.done $0x0  }
0x35: {  	[sflag:s21] =	ssyncadd.s32 $0xFFFFC000  }
0x36: {  	[spmem:s7] =	stream.linear.scatter [tilespmem:s20], [sflag:$0x7], $0x4000, $0x38;
	[tilespmem:$0x1BE00] =	vst v63  }
0x37: {  	_ =	swait.ge [sflag:s21], $0x4000  }
0x38: {  	[sflag:s21] =	ssyncset.done $0x0  }
0x39: {  	[sflag:s21] =	ssyncadd.s32 $0xFFFFC000  }
0x3a: {  	[spmem:s8] =	stream.linear.scatter [tilespmem:s20], [sflag:$0x7], $0x4000, $0x38;
	[tilespmem:$0x1BE00] =	vst v63  }
0x3b: {  	_ =	swait.ge [sflag:s21], $0x4000  }
0x3c: {  	[sflag:s21] =	ssyncset.done $0x0  }
0x3d: {  	[sflag:s21] =	ssyncadd.s32 $0xFFFFC000  }
0x3e: {  	[spmem:s10] =	stream.linear.scatter [tilespmem:s20], [sflag:$0x7], $0x3C00, $0x38;
	[tilespmem:$0x1BE00] =	vst v63  }
0x3f: {  	_ =	swait.ge [sflag:s21], $0x3C00  }
0x40: {  	[sflag:s21] =	ssyncset.done $0x0  }
0x41: {  	s14 =	simm.s32 $0x0;
	s15 =	rddreg [dreg:$0x3];
	[sflag:s21] =	ssyncadd.s32 $0xFFFFC400  }
0x42: {  	[tilespmem:s14], [sflag:$0x7] =	stream.linear.gather [hbm4b:s15+s14], $0x100, $0x38;
	[tilespmem:$0x1BE00] =	vst v63  }
0x43: {  	_ =	swait.ge [sflag:s21], $0x100  }
0x44: {  	[sflag:s21] =	ssyncset.done $0x0  }
0x45: {  	[sflag:s21] =	ssyncadd.s32 $0xFFFFFF00  }
0x46: {  	[tilespmem:s20], [sflag:$0x1] =	stream.indirect.gather [hbm4b:s4+s22], $0x80, s14, s22, $0xb8;
	[tilespmem:$0x1BE00] =	vst v63  }
0x47: {  	_ = 	snop  }
0x48: {  	[tilespmem:s23], [sflag:$0x3] =	stream.indirect.gather [hbm4b:s4+s22], $0x80, s22, s22, $0xb8;
	[tilespmem:$0x1BE00] =	vst v63  }
0x49: {  	s16 =	rddreg [dreg:$0x4]  }
0x4a: {  	[tilespmem:s24], [sflag:$0x6] =	stream.linear.gather [hbm4b:s16+s14], $0x100, $0x38;
	[tilespmem:$0x1BE00] =	vst v63  }
0x4b: {  	[bflag:$0x0] =	sbarrier.arrive $0xFFFF  }
0x4c: {  	_ =	swait.ge [sflag:s25], $0x2000  }
0x4d: {  	[sflag:s25] =	ssyncset.done $0x0  }
0x4e: {  	[sflag:s25] =	ssyncadd.s32 $0xFFFFE000  }
0x4f: {  	_ =	swait.ge [sflag:s26], $0x2000  }
0x50: {  	[sflag:s26] =	ssyncset.done $0x0  }
0x51: {  	[sflag:s26] =	ssyncadd.s32 $0xFFFFE000  }
0x52: {  	_ =	swait.ge [sflag:s28], $0x100  }
0x53: {  	[sflag:s28] =	ssyncset.done $0x0  }
0x54: {  	[sflag:s28] =	ssyncadd.s32 $0xFFFFFF00  }
0x55: {  	[tilespmem:s29], [sflag:$0x2] =	stream.indirect.gather [hbm4b:s4+s22], $0x80, s24, s22, $0xb8;
	[tilespmem:$0x1BE00] =	vst v63  }
0x56: {  	_ = 	snop  }
0x57: {  	[tilespmem:s31], [sflag:$0x4] =	stream.indirect.gather [hbm4b:s4+s22], $0x80, s30, s22, $0xb8;
	[tilespmem:$0x1BE00] =	vst v63  }
0x58: {  	_ = 	snop  }
0x59: {  	[spmem:s1] =	stream.indirect.scatter.add.f32 [tilespmem:s20], [sflag:$0x7], $0x80, s0, s0, $0xb8;
	[tilespmem:$0x1BE00] =	vst v63  }
0x5a: {  	_ =	swait.ge [sflag:s21], $0x4000  }
0x5b: {  	[sflag:s21] =	ssyncset.done $0x0  }
0x5c: {  	s16 =	sadd.s32 $0x0, s19;
	[sflag:s21] =	ssyncadd.s32 $0xFFFFC000  }
0x5d: {  	[tilespmem:s2], [sflag:$0x5] =	stream.linear.gather [hbm4b:s16+s2], $0x100, $0x38;
	[tilespmem:$0x1BE00] =	vst v63  }
0x5e: {  	_ =	swait.ge [sflag:s3], $0x2000  }
0x5f: {  	[sflag:s3] =	ssyncset.done $0x0  }
0x60: {  	[sflag:s3] =	ssyncadd.s32 $0xFFFFE000  }
0x61: {  	_ =	swait.ge [sflag:s11], $0x2000  }
0x62: {  	[sflag:s11] =	ssyncset.done $0x0  }
0x63: {  	[sflag:s11] =	ssyncadd.s32 $0xFFFFE000  }
0x64: {  	_ =	swait.ge [sflag:s12], $0x100  }
0x65: {  	[sflag:s12] =	ssyncset.done $0x0  }
0x66: {  	[sflag:s12] =	ssyncadd.s32 $0xFFFFFF00  }
0x67: {  	[tilespmem:s20], [sflag:$0x1] =	stream.indirect.gather [hbm4b:s4+s22], $0x80, s2, s22, $0xb8;
	[tilespmem:$0x1BE00] =	vst v63  }
0x68: {  	_ = 	snop  }
0x69: {  	[tilespmem:s23], [sflag:$0x3] =	stream.indirect.gather [hbm4b:s4+s22], $0x80, s22, s22, $0xb8;
	[tilespmem:$0x1BE00] =	vst v63  }
0x6a: {  	_ = 	snop  }
0x6b: {  	[spmem:s1] =	stream.indirect.scatter.add.f32 [tilespmem:s29], [sflag:$0x7], $0x80, s9, s0, $0xb8;
	[tilespmem:$0x1BE00] =	vst v63  }
0x6c: {  	_ =	swait.ge [sflag:s21], $0x4000  }
0x6d: {  	[sflag:s21] =	ssyncset.done $0x0  }
0x6e: {  	s15 =	sadd.s32 $0x0, s18;
	s14 =	simm.s32 $0x40;
	[sflag:s21] =	ssyncadd.s32 $0xFFFFC000  }
.LBB2_4:
0x6f: {  	[tilespmem:s24], [sflag:$0x6] =	stream.linear.gather [hbm4b:s15+s2], $0x100, $0x38;
	[tilespmem:$0x1BE00] =	vst v63  }
0x70: {  	s15 =	smov.u32 s14  }
0x71: {  	p0 =	sne.s32 s14, $0x980;
	s14 =	sadd.s32 $0x40, s14;
	_ =	swait.ge [sflag:s25], $0x2000  }
0x72: {  	[sflag:s25] =	ssyncset.done $0x0  }
0x73: {  	[sflag:s25] =	ssyncadd.s32 $0xFFFFE000  }
0x74: {  	_ =	swait.ge [sflag:s26], $0x2000  }
0x75: {  	[sflag:s26] =	ssyncset.done $0x0  }
0x76: {  	[sflag:s26] =	ssyncadd.s32 $0xFFFFE000  }
0x77: {  	_ =	swait.ge [sflag:s28], $0x100  }
0x78: {  	[sflag:s28] =	ssyncset.done $0x0  }
0x79: {  	[sflag:s28] =	ssyncadd.s32 $0xFFFFFF00  }
0x7a: {  	[tilespmem:s29], [sflag:$0x2] =	stream.indirect.gather [hbm4b:s4+s22], $0x80, s24, s22, $0xb8;
	[tilespmem:$0x1BE00] =	vst v63  }
0x7b: {  	_ = 	snop  }
0x7c: {  	[tilespmem:s31], [sflag:$0x4] =	stream.indirect.gather [hbm4b:s4+s22], $0x80, s30, s22, $0xb8;
	[tilespmem:$0x1BE00] =	vst v63  }
0x7d: {  	_ = 	snop  }
0x7e: {  	[spmem:s1] =	stream.indirect.scatter.add.f32 [tilespmem:s20], [sflag:$0x7], $0x80, s0, s0, $0xb8;
	[tilespmem:$0x1BE00] =	vst v63  }
0x7f: {  	_ =	swait.ge [sflag:s21], $0x4000  }
0x80: {  	[sflag:s21] =	ssyncset.done $0x0  }
0x81: {  	s16 =	sadd.s32 s15, s19;
	[sflag:s21] =	ssyncadd.s32 $0xFFFFC000  }
0x82: {  	[tilespmem:s2], [sflag:$0x5] =	stream.linear.gather [hbm4b:s16+s2], $0x100, $0x38;
	[tilespmem:$0x1BE00] =	vst v63  }
0x83: {  	_ =	swait.ge [sflag:s3], $0x2000  }
0x84: {  	[sflag:s3] =	ssyncset.done $0x0  }
0x85: {  	[sflag:s3] =	ssyncadd.s32 $0xFFFFE000  }
0x86: {  	_ =	swait.ge [sflag:s11], $0x2000  }
0x87: {  	[sflag:s11] =	ssyncset.done $0x0  }
0x88: {  	[sflag:s11] =	ssyncadd.s32 $0xFFFFE000  }
0x89: {  	_ =	swait.ge [sflag:s12], $0x100  }
0x8a: {  	[sflag:s12] =	ssyncset.done $0x0  }
0x8b: {  	[sflag:s12] =	ssyncadd.s32 $0xFFFFFF00  }
0x8c: {  	[tilespmem:s20], [sflag:$0x1] =	stream.indirect.gather [hbm4b:s4+s22], $0x80, s2, s22, $0xb8;
	[tilespmem:$0x1BE00] =	vst v63  }
0x8d: {  	_ = 	snop  }
0x8e: {  	[tilespmem:s23], [sflag:$0x3] =	stream.indirect.gather [hbm4b:s4+s22], $0x80, s22, s22, $0xb8;
	[tilespmem:$0x1BE00] =	vst v63  }
.Ltmp1:
0x8f: {  	(pc) =	sbr.rel @p0 .LBB2_4-.Ltmp1, $4  }
0x90: {  	[spmem:s1] =	stream.indirect.scatter.add.f32 [tilespmem:s29], [sflag:$0x7], $0x80, s9, s0, $0xb8;
	[tilespmem:$0x1BE00] =	vst v63  }
0x91: {  	_ =	swait.ge [sflag:s21], $0x4000  }
0x92: {  	[sflag:s21] =	ssyncset.done $0x0  }
0x93: {  	s15 =	sadd.s32 s15, s18;
	[sflag:s21] =	ssyncadd.s32 $0xFFFFC000  }
0x94: {  	[tilespmem:s24], [sflag:$0x6] =	stream.linear.gather [hbm4b:s15+s2], $0x100, $0x38;
	[tilespmem:$0x1BE00] =	vst v63  }
0x95: {  	_ =	swait.ge [sflag:s25], $0x2000  }
0x96: {  	[sflag:s25] =	ssyncset.done $0x0  }
0x97: {  	[sflag:s25] =	ssyncadd.s32 $0xFFFFE000  }
0x98: {  	_ =	swait.ge [sflag:s26], $0x2000  }
0x99: {  	[sflag:s26] =	ssyncset.done $0x0  }
0x9a: {  	[sflag:s26] =	ssyncadd.s32 $0xFFFFE000  }
0x9b: {  	_ =	swait.ge [sflag:s28], $0x100  }
0x9c: {  	[sflag:s28] =	ssyncset.done $0x0  }
0x9d: {  	[sflag:s28] =	ssyncadd.s32 $0xFFFFFF00  }
0x9e: {  	[tilespmem:s29], [sflag:$0x2] =	stream.indirect.gather [hbm4b:s4+s22], $0x80, s24, s22, $0xb8;
	[tilespmem:$0x1BE00] =	vst v63  }
0x9f: {  	_ = 	snop  }
0xa0: {  	[tilespmem:s31], [sflag:$0x4] =	stream.indirect.gather [hbm4b:s4+s22], $0x80, s30, s22, $0xb8;
	[tilespmem:$0x1BE00] =	vst v63  }
0xa1: {  	_ = 	snop  }
0xa2: {  	[spmem:s1] =	stream.indirect.scatter.add.f32 [tilespmem:s20], [sflag:$0x7], $0x80, s0, s0, $0xb8;
	[tilespmem:$0x1BE00] =	vst v63  }
0xa3: {  	_ =	swait.ge [sflag:s21], $0x4000  }
0xa4: {  	[sflag:s21] =	ssyncset.done $0x0  }
0xa5: {  	[sflag:s21] =	ssyncadd.s32 $0xFFFFC000  }
0xa6: {  	_ =	swait.ge [sflag:s3], $0x2000  }
0xa7: {  	[sflag:s3] =	ssyncset.done $0x0  }
0xa8: {  	[sflag:s3] =	ssyncadd.s32 $0xFFFFE000  }
0xa9: {  	_ =	swait.ge [sflag:s11], $0x2000  }
0xaa: {  	[sflag:s11] =	ssyncset.done $0x0  }
0xab: {  	[sflag:s11] =	ssyncadd.s32 $0xFFFFE000  }
0xac: {  	[spmem:s1] =	stream.indirect.scatter.add.f32 [tilespmem:s29], [sflag:$0x7], $0x80, s9, s0, $0xb8;
	[tilespmem:$0x1BE00] =	vst v63  }
0xad: {  	_ =	swait.ge [sflag:s21], $0x4000  }
0xae: {  	[sflag:s21] =	ssyncset.done $0x0  }
0xaf: {  	[sflag:s21] =	ssyncadd.s32 $0xFFFFC000  }
0xb0: {  	[bflag:$0x0] =	sbarrier.arrive $0xFFFF  }
0xb1: {  	[tilespmem:s20], [sflag:$0x7] =	stream.linear.gather [spmem:s5], $0x4000, $0x38;
	[tilespmem:$0x1BE00] =	vst v63  }
0xb2: {  	_ =	swait.ge [sflag:s21], $0x4000  }
0xb3: {  	[sflag:s21] =	ssyncset.done $0x0  }
0xb4: {  	s14 =	rddreg [dreg:$0x5];
	[sflag:s21] =	ssyncadd.s32 $0xFFFFC000  }
0xb5: {  	[hbm4b:s14+s2] =	stream.linear.scatter [tilespmem:s20], [sflag:$0x7], $0x4000, $0x38;
	[tilespmem:$0x1BE00] =	vst v63  }
0xb6: {  	_ =	swait.ge [sflag:s21], $0x4000  }
0xb7: {  	[sflag:s21] =	ssyncset.done $0x0  }
0xb8: {  	[sflag:s21] =	ssyncadd.s32 $0xFFFFC000  }
0xb9: {  	[tilespmem:s20], [sflag:$0x7] =	stream.linear.gather [spmem:s6], $0x4000, $0x38;
	[tilespmem:$0x1BE00] =	vst v63  }
0xba: {  	_ =	swait.ge [sflag:s21], $0x4000  }
0xbb: {  	[sflag:s21] =	ssyncset.done $0x0  }
0xbc: {  	s15 =	rddreg [dreg:$0x6];
	[sflag:s21] =	ssyncadd.s32 $0xFFFFC000  }
0xbd: {  	[hbm4b:s15+s2] =	stream.linear.scatter [tilespmem:s20], [sflag:$0x7], $0x4000, $0x38;
	[tilespmem:$0x1BE00] =	vst v63  }
0xbe: {  	_ =	swait.ge [sflag:s21], $0x4000  }
0xbf: {  	[sflag:s21] =	ssyncset.done $0x0  }
0xc0: {  	[sflag:s21] =	ssyncadd.s32 $0xFFFFC000  }
0xc1: {  	[tilespmem:s20], [sflag:$0x7] =	stream.linear.gather [spmem:s7], $0x4000, $0x38;
	[tilespmem:$0x1BE00] =	vst v63  }
0xc2: {  	_ =	swait.ge [sflag:s21], $0x4000  }
0xc3: {  	[sflag:s21] =	ssyncset.done $0x0  }
0xc4: {  	s16 =	rddreg [dreg:$0x7];
	[sflag:s21] =	ssyncadd.s32 $0xFFFFC000  }
0xc5: {  	[hbm4b:s16+s2] =	stream.linear.scatter [tilespmem:s20], [sflag:$0x7], $0x4000, $0x38;
	[tilespmem:$0x1BE00] =	vst v63  }
0xc6: {  	_ =	swait.ge [sflag:s21], $0x4000  }
0xc7: {  	[sflag:s21] =	ssyncset.done $0x0  }
0xc8: {  	[sflag:s21] =	ssyncadd.s32 $0xFFFFC000  }
0xc9: {  	[tilespmem:s20], [sflag:$0x7] =	stream.linear.gather [spmem:s8], $0x4000, $0x38;
	[tilespmem:$0x1BE00] =	vst v63  }
0xca: {  	_ =	swait.ge [sflag:s21], $0x4000  }
0xcb: {  	[sflag:s21] =	ssyncset.done $0x0  }
0xcc: {  	s15 =	rddreg [dreg:$0x8];
	[sflag:s21] =	ssyncadd.s32 $0xFFFFC000  }
0xcd: {  	[hbm4b:s15+s2] =	stream.linear.scatter [tilespmem:s20], [sflag:$0x7], $0x4000, $0x38;
	[tilespmem:$0x1BE00] =	vst v63  }
0xce: {  	_ =	swait.ge [sflag:s21], $0x4000  }
0xcf: {  	[sflag:s21] =	ssyncset.done $0x0  }
0xd0: {  	[sflag:s21] =	ssyncadd.s32 $0xFFFFC000  }
0xd1: {  	[tilespmem:s20], [sflag:$0x7] =	stream.linear.gather [spmem:s10], $0x3C00, $0x38;
	[tilespmem:$0x1BE00] =	vst v63  }
0xd2: {  	s13 =	sadd.s32 $0x1, s13;
	_ =	swait.ge [sflag:s21], $0x3C00  }
0xd3: {  	p0 =	sne.s32 s13, s17;
	[sflag:s21] =	ssyncset.done $0x0  }
.Ltmp2:
0xd4: {  	s16 =	rddreg [dreg:$0x9];
	[sflag:s21] =	ssyncadd.s32 $0xFFFFC400;
	(pc) =	sbr.rel @p0 .LBB2_1-.Ltmp2, $4  }
0xd5: {  	[hbm4b:s16+s2] =	stream.linear.scatter [tilespmem:s20], [sflag:$0x7], $0x3C00, $0x38;
	[tilespmem:$0x1BE00] =	vst v63  }
0xd6: {  	_ =	swait.ge [sflag:s21], $0x3C00  }
0xd7: {  	[sflag:s21] =	ssyncset.done $0x0  }
0xd8: {  	[sflag:s21] =	ssyncadd.s32 $0xFFFFC400  }
0xd9: {  	_ =	sfence.sel $0x180000  }
0xda: {  	[bflag:$0x0] =	sbarrier.arrive $0xFFFF  }
0xdb: {  	_ =	strace $0x90000047  }
0xdc: {  	s0 =	stileid.u32;
	[bflag:$0x2] =	sbarrier.arrive $0xFFFF  }
0xdd: {  	p0 =	sne.s32 s0, $0x0;
	s0 =	rddreg [dreg:$0x2]  }
0xde: {  	s0 =	sadd.s32 @!p0 $0x100000, s0  }
0xdf: {  	[sflag:s0] =	ssyncadd.tile.s32 @!p0 $0x1;
	_ =	shalt  }
.Lfunc_end2:
_tile_overlayer_lowered:
.L_overlay_start_2:
0xe0: {  	(tag) =	ssettag $0x2  }
0xe1: {  	s0 =	rddreg [dreg:$0x0];
	s2 =	stileid.u32  }
0xe2: {  	s1 =	rddreg [dreg:$0x1];
	p0 =	sne.s32 s2, $0x0  }
0xe3: {  	s3 =	rddreg [dreg:$0x2];
	[bflag:$0x3] =	sbarrier.arrive $0xFFFF;
	s2 =	simm.s32 @!p0 $0x1C07  }
0xe4: {  	[timem:s3], [sflag:s2] =	dma.local @!p0 [hbm:s0], s1  }
0xe5: {  	s0 =	simm.s32 @!p0 $0x7  }
0xe6: {  	_ =	swait.ge @!p0 [sflag:s0], s1  }
0xe7: {  	s1 =	ssub.s32 @!p0 $0x0, s1;
	[sflag:s0] =	ssyncset.done @!p0 $0x0  }
0xe8: {  	[sflag:s0] =	ssyncadd.s32 @!p0 s1  }
0xe9: {  	[bflag:$0x3] =	sbarrier.arrive $0xFFFF  }
0xea: {  	_ =	shalt  }

</sc_bundles>
